<compile_context>
chip_gen: v7x
topology: tpu7x:2x2x1
jax: 0.10.2.dev20260603
libtpu: 0.0.44.dev20260713+nightly
codegen_flags: <defaults>
</compile_context>

<pallas_src>
import functools

import jax
import jax.numpy as jnp
import numpy as np
from jax import lax
from jax.experimental import pallas as pl
from jax.experimental.pallas import tpu as pltpu
from jax.experimental.pallas import tpu_sc as plsc

N = 100000
K = 16
L = 16
NC = 2
NS = 16
NW = NC * NS
CG = 16
CN = CG * L
NSLOT = -(-N // CN)
TAIL_NB = N - CN
NFULL = NSLOT - (NSLOT // NW) * NW
CNT_MAX = NSLOT // NW + 1
NIDX = CN * K // 128

DT = np.float32(0.01)
EPS = np.float32(1e-14)
GROUND = np.float32(-2.0)
REBOUND = np.float32(0.1)
GRAV_Y = np.float32(-9.8)
LN10 = np.float32(2.302585092994046)


def _rsqrt(x):
    i = lax.bitcast_convert_type(x, jnp.int32)
    i = np.int32(0x5F3759DF) - lax.shift_right_logical(i, 1)
    y = lax.bitcast_convert_type(i, jnp.float32)
    for _ in range(3):
        y = y * (np.float32(1.5) - np.float32(0.5) * x * y * y)
    return y


_mesh = plsc.VectorSubcoreMesh(core_axis_name="c", subcore_axis_name="s")

_BUF = lambda shape, dt: [pltpu.VMEM(shape, dt) for _ in range(2)]

@functools.partial(
    pl.kernel,
    out_type=jax.ShapeDtypeStruct((N * 6,), jnp.float32),
    mesh=_mesh,
    compiler_params=pltpu.CompilerParams(needs_layout_passes=False),
    scratch_types=[
        _BUF((CN * K,), jnp.int32),
        _BUF((CN * K,), jnp.float32),
        _BUF((CN * K,), jnp.float32),
        _BUF((CN * K,), jnp.float32),
        _BUF((CN,), jnp.float32),
        _BUF((CN,), jnp.float32),
        _BUF((CN,), jnp.float32),
        _BUF((CN * 3,), jnp.float32),
        _BUF((CN * K,), jnp.float32),
        _BUF((CN * K,), jnp.float32),
        _BUF((CN,), jnp.float32),
        _BUF((CN * 6,), jnp.float32),
        [pltpu.SemaphoreType.DMA for _ in range(2)],
        [pltpu.SemaphoreType.DMA for _ in range(2)],
        [pltpu.SemaphoreType.DMA for _ in range(2)],
        [pltpu.SemaphoreType.DMA for _ in range(2)],
        pltpu.VMEM_SHARED((N,), jnp.float32),
        pltpu.VMEM_SHARED((N,), jnp.float32),
        pltpu.VMEM_SHARED((N,), jnp.float32),
        pltpu.VMEM(((N // NS) // 8 * 8,), jnp.float32),
    ],
)
def _sc_step(xs, ys, zs, velf, olf, gkf, gm, knnf, out,
             knn_v, rx_v, ry_v, rz_v, ox_v, oy_v, oz_v,
             vel_v, ol_v, gk_v, gm_v, out_v,
             gsem, ksem, lsem, osem, sx, sy, sz, bounce):
    cid = lax.axis_index("c")
    sid = lax.axis_index("s")
    wid = sid * NC + cid
    cnt = jnp.where(wid < NFULL, CNT_MAX, CNT_MAX - 1)

    ii = lax.iota(jnp.int32, L)

    SL = (N // NS) // 8 * 8
    soff = sid * SL
    soff = pl.multiple_of(soff, 8)
    for src_hbm, dst_sp in ((xs, sx), (ys, sy), (zs, sz)):
        pltpu.sync_copy(src_hbm.at[pl.ds(soff, SL)], bounce)
        pltpu.sync_copy(bounce, dst_sp.at[pl.ds(soff, SL)])

    @pl.when(sid == NS - 1)
    def _():
        rem = N - SL * NS
        for src_hbm, dst_sp in ((xs, sx), (ys, sy), (zs, sz)):
            pltpu.sync_copy(src_hbm.at[pl.ds(SL * NS, rem)],
                            bounce.at[pl.ds(0, rem)])
            pltpu.sync_copy(bounce.at[pl.ds(0, rem)],
                            dst_sp.at[pl.ds(SL * NS, rem)])

    plsc.subcore_barrier()

    def node_base(m):
        t = wid + m * NW
        nb = jnp.where(t == NSLOT - 1, TAIL_NB, t * CN)
        return pl.multiple_of(nb, 32)

    def lin_copies(nb, b):
        return [
            pltpu.make_async_copy(xs.at[pl.ds(nb, CN)], ox_v[b], lsem[b]),
            pltpu.make_async_copy(ys.at[pl.ds(nb, CN)], oy_v[b], lsem[b]),
            pltpu.make_async_copy(zs.at[pl.ds(nb, CN)], oz_v[b], lsem[b]),
            pltpu.make_async_copy(
                velf.at[pl.ds(nb * 3, CN * 3)], vel_v[b], lsem[b]),
            pltpu.make_async_copy(
                olf.at[pl.ds(nb * K, CN * K)], ol_v[b], lsem[b]),
            pltpu.make_async_copy(
                gkf.at[pl.ds(nb * K, CN * K)], gk_v[b], lsem[b]),
            pltpu.make_async_copy(gm.at[pl.ds(nb, CN)], gm_v[b], lsem[b]),
        ]

    def issue(m, b):
        nb = node_base(m)
        kcp = pltpu.make_async_copy(
            knnf.at[pl.ds(nb * K, CN * K)], knn_v[b], ksem[b])
        kcp.start()
        for cp in lin_copies(nb, b):
            cp.start()
        kcp.wait()

        pltpu.make_async_copy(sx.at[knn_v[b]], rx_v[b], gsem[b]).start()
        pltpu.make_async_copy(sy.at[knn_v[b]], ry_v[b], gsem[b]).start()
        pltpu.make_async_copy(sz.at[knn_v[b]], rz_v[b], gsem[b]).start()

    def finish(m, b):
        nb = node_base(m)

        for r_v in (rx_v[b], ry_v[b], rz_v[b]):
            pltpu.make_async_copy(sx.at[knn_v[b]], r_v, gsem[b]).wait()
        for cp in lin_copies(nb, b):
            cp.wait()

        @pl.when(m >= 2)
        def _():
            pltpu.make_async_copy(
                out_v[b], out.at[pl.ds(nb * 6, CN * 6)], osem[b]).wait()

        def group_body(g, u):
            r = g * L + ii
            ox = plsc.load_gather(ox_v[b], [r])
            oy = plsc.load_gather(oy_v[b], [r])
            oz = plsc.load_gather(oz_v[b], [r])
            r3 = r * 3
            vx = plsc.load_gather(vel_v[b], [r3])
            vy = plsc.load_gather(vel_v[b], [r3 + 1])
            vz = plsc.load_gather(vel_v[b], [r3 + 2])
            mlg = plsc.load_gather(gm_v[b], [r])

            ax = jnp.zeros((L,), jnp.float32)
            ay = jnp.zeros((L,), jnp.float32)
            az = jnp.zeros((L,), jnp.float32)
            rk = r * K
            for j in range(K):
                flat = rk + j
                nx = plsc.load_gather(rx_v[b], [flat])
                ny = plsc.load_gather(ry_v[b], [flat])
                nz = plsc.load_gather(rz_v[b], [flat])
                olj = plsc.load_gather(ol_v[b], [flat])
                kj = plsc.load_gather(gk_v[b], [flat])
                dx = nx - ox
                dy = ny - oy
                dz = nz - oz
                d2 = dx * dx + dy * dy + dz * dz + EPS
                rinv = _rsqrt(d2)
                dist = d2 * rinv
                st = dist - olj
                kl = jnp.exp(LN10 * kj)
                a = jnp.abs(st) + EPS
                sq = a * _rsqrt(a)
                fm = kl * jnp.sign(st) * sq
                coef = fm * rinv
                ax = ax + coef * dx
                ay = ay + coef * dy
                az = az + coef * dz

            invm = jnp.exp(-LN10 * mlg)
            vnx = vx + (ax * invm) * DT
            vny = vy + (ay * invm + GRAV_Y) * DT
            vnz = vz + (az * invm) * DT
            xnx = ox + vnx * DT
            xny = oy + vny * DT
            xnz = oz + vnz * DT
            below = xny < GROUND
            xny = jnp.where(below, GROUND, xny)
            vny = jnp.where(below, -vny * REBOUND, vny)

            r6 = r * 6
            plsc.store_scatter(out_v[b], [r6], xnx)
            plsc.store_scatter(out_v[b], [r6 + 1], xny)
            plsc.store_scatter(out_v[b], [r6 + 2], xnz)
            plsc.store_scatter(out_v[b], [r6 + 3], vnx)
            plsc.store_scatter(out_v[b], [r6 + 4], vny)
            plsc.store_scatter(out_v[b], [r6 + 5], vnz)
            return u

        lax.fori_loop(0, CG, group_body, 0)
        pltpu.make_async_copy(
            out_v[b], out.at[pl.ds(nb * 6, CN * 6)], osem[b]).start()

    issue(0, 0)

    def pair_body(m0, carry):
        for b in (0, 1):
            m = m0 * 2 + b

            @pl.when(m + 1 < cnt)
            def _():
                issue(m + 1, 1 - b)

            @pl.when(m < cnt)
            def _():
                finish(m, b)
        return carry

    lax.fori_loop(0, CNT_MAX // 2 + 1, pair_body, 0)

    for b in (0, 1):
        pltpu.make_async_copy(
            out_v[b], out.at[pl.ds(0, CN * 6)], osem[b]).wait()


def kernel(xyz, velocity, origin_len, global_k, global_m, knn_index):
    xs = xyz[:, 0]
    ys = xyz[:, 1]
    zs = xyz[:, 2]
    velf = velocity.reshape(N * 3)
    olf = origin_len.reshape(N * K)
    gkf = global_k.reshape(N * K)
    knnf = knn_index.astype(jnp.int32).reshape(N * K)
    outf = _sc_step(xs, ys, zs, velf, olf, gkf,
                    global_m.astype(jnp.float32), knnf)
    return outf.reshape(N, 6)

# --- scband reference (transcript-rebuilt; emitter-appended) ---
"""Pipeline reference for scband-spring-mass-14817637171608 (READ-ONLY COPY).

The authoritative reference and input builder live on the scoring server;
editing this copy changes nothing except your own understanding.
"""

import jax, jax.numpy as jnp
import numpy as np

N_POINTS = 100000
K_NEIGHBORS = 16
DT = 0.01
EPS = 1e-14
POWER = 0.5
GROUND = -2.0
REBOUND_K = -1.0


def setup_inputs(seed: int = 0) -> dict:
    key = jax.random.key(seed)
    k1, k2, k3, k4 = jax.random.split(key, 4)
    xyz = jax.random.normal(k1, (N_POINTS, 3), dtype=jnp.float32)
    velocity = jax.random.normal(k2, (N_POINTS, 3), dtype=jnp.float32) * 0.01
    knn_index = jax.random.randint(k3, (N_POINTS, K_NEIGHBORS), 0, N_POINTS)
    origin_len = jax.random.uniform(k4, (N_POINTS, K_NEIGHBORS), dtype=jnp.float32) + 0.1
    # learned parameters (stored in log10 space, as in the torch module)
    global_k = jnp.full((N_POINTS, K_NEIGHBORS), jnp.log10(jnp.float32(100.0)), dtype=jnp.float32)
    global_m = jnp.full((N_POINTS,), jnp.log10(jnp.float32(1.0)), dtype=jnp.float32)
    return {
        'xyz': xyz,
        'velocity': velocity,
        'origin_len': origin_len,
        'global_k': global_k,
        'global_m': global_m,
        'knn_index': knn_index,
    }


def reference(xyz, velocity, origin_len, global_k, global_m, knn_index):
    # One symplectic-Euler step of a knn spring-mass system.
    g = jnp.array([0.0, -9.8, 0.0], dtype=jnp.float32)
    # gather neighbor positions: [N, K, 3]
    neigh = jnp.take(xyz, knn_index, axis=0)
    diff = neigh - xyz[:, None, :]
    dist = jnp.sqrt(jnp.sum(diff * diff, axis=-1) + EPS)  # [N, K]
    dirn = diff / dist[..., None]
    stretch = dist - origin_len  # [N, K]
    k_lin = jnp.power(10.0, global_k)  # per-spring stiffness
    # nonlinear spring force: f = k * sign(s) * |s|^power (UNLINEAR_FORCE, POWER=0.5)
    fmag = k_lin * jnp.sign(stretch) * jnp.power(jnp.abs(stretch) + EPS, POWER)
    force = jnp.sum(fmag[..., None] * dirn, axis=1)  # [N, 3]
    mass = jnp.power(10.0, global_m)  # [N]
    accel = force / mass[:, None] + g[None, :]
    v_new = velocity + accel * DT
    x_new = xyz + v_new * DT
    # ground collision on y axis with rebound
    below = x_new[:, 1] < GROUND
    rebound = jnp.power(10.0, jnp.float32(REBOUND_K))
    x_new = x_new.at[:, 1].set(jnp.where(below, GROUND, x_new[:, 1]))
    v_new = v_new.at[:, 1].set(jnp.where(below, -v_new[:, 1] * rebound, v_new[:, 1]))
    # return packed state [N, 6]
    return jnp.concatenate([x_new, v_new], axis=-1)

if __name__ == "__main__":
    import jax
    _d = setup_inputs()
    print(jax.jit(kernel)(*tuple(_d.values())))

</pallas_src>

<mosaic_0001>
#map = affine_map<(d0, d1) -> (0)>
module attributes {stable_mosaic.version = 14 : i64} {
  func.func @_sc_step(%arg0: i32, %arg1: i32, %arg2: memref<100000xf32, #tpu.memory_space<hbm>>, %arg3: memref<100000xf32, #tpu.memory_space<hbm>>, %arg4: memref<100000xf32, #tpu.memory_space<hbm>>, %arg5: memref<300000xf32, #tpu.memory_space<hbm>>, %arg6: memref<1600000xf32, #tpu.memory_space<hbm>>, %arg7: memref<1600000xf32, #tpu.memory_space<hbm>>, %arg8: memref<100000xf32, #tpu.memory_space<hbm>>, %arg9: memref<1600000xi32, #tpu.memory_space<hbm>>, %arg10: memref<600000xf32, #tpu.memory_space<hbm>>, %arg11: memref<4096xi32, #tpu.memory_space<vmem>>, %arg12: memref<4096xi32, #tpu.memory_space<vmem>>, %arg13: memref<4096xf32, #tpu.memory_space<vmem>>, %arg14: memref<4096xf32, #tpu.memory_space<vmem>>, %arg15: memref<4096xf32, #tpu.memory_space<vmem>>, %arg16: memref<4096xf32, #tpu.memory_space<vmem>>, %arg17: memref<4096xf32, #tpu.memory_space<vmem>>, %arg18: memref<4096xf32, #tpu.memory_space<vmem>>, %arg19: memref<256xf32, #tpu.memory_space<vmem>>, %arg20: memref<256xf32, #tpu.memory_space<vmem>>, %arg21: memref<256xf32, #tpu.memory_space<vmem>>, %arg22: memref<256xf32, #tpu.memory_space<vmem>>, %arg23: memref<256xf32, #tpu.memory_space<vmem>>, %arg24: memref<256xf32, #tpu.memory_space<vmem>>, %arg25: memref<768xf32, #tpu.memory_space<vmem>>, %arg26: memref<768xf32, #tpu.memory_space<vmem>>, %arg27: memref<4096xf32, #tpu.memory_space<vmem>>, %arg28: memref<4096xf32, #tpu.memory_space<vmem>>, %arg29: memref<4096xf32, #tpu.memory_space<vmem>>, %arg30: memref<4096xf32, #tpu.memory_space<vmem>>, %arg31: memref<256xf32, #tpu.memory_space<vmem>>, %arg32: memref<256xf32, #tpu.memory_space<vmem>>, %arg33: memref<1536xf32, #tpu.memory_space<vmem>>, %arg34: memref<1536xf32, #tpu.memory_space<vmem>>, %arg35: memref<!tpu.dma_semaphore, #tpu.memory_space<semaphore_mem>>, %arg36: memref<!tpu.dma_semaphore, #tpu.memory_space<semaphore_mem>>, %arg37: memref<!tpu.dma_semaphore, #tpu.memory_space<semaphore_mem>>, %arg38: memref<!tpu.dma_semaphore, #tpu.memory_space<semaphore_mem>>, %arg39: memref<!tpu.dma_semaphore, #tpu.memory_space<semaphore_mem>>, %arg40: memref<!tpu.dma_semaphore, #tpu.memory_space<semaphore_mem>>, %arg41: memref<!tpu.dma_semaphore, #tpu.memory_space<semaphore_mem>>, %arg42: memref<!tpu.dma_semaphore, #tpu.memory_space<semaphore_mem>>, %arg43: memref<100000xf32, #tpu.memory_space<vmem_shared>>, %arg44: memref<100000xf32, #tpu.memory_space<vmem_shared>>, %arg45: memref<100000xf32, #tpu.memory_space<vmem_shared>>, %arg46: memref<6248xf32, #tpu.memory_space<vmem>>) attributes {dimension_semantics = [#tpu.dimension_semantics<core_parallel>, #tpu.dimension_semantics<subcore_parallel>], iteration_bounds = array<i64: 2, 16>, scalar_prefetch = 0 : i64, scratch_operands = 36 : i64, tpu.core_type = #tpu.core_type<sc_vector_subcore>, window_params = [{transform_indices = #map}, {transform_indices = #map}, {transform_indices = #map}, {transform_indices = #map}, {transform_indices = #map}, {transform_indices = #map}, {transform_indices = #map}, {transform_indices = #map}, {transform_indices = #map}]} {
    %mul3A = arith.constant 2 : i32
    %mul3A_0 = arith.muli %arg1, %mul3A : i32
    %add3A = arith.addi %mul3A_0, %arg0 : i32
    %lt3A = arith.constant 7 : i32
    %lt3A_1 = arith.cmpi slt, %add3A, %lt3A : i32
    %jit3A = arith.constant 13 : i32
    %jit3A_2 = arith.constant 12 : i32
    %select_n3A = arith.select %lt3A_1, %jit3A, %jit3A_2 : i32
    %iota3A = tpu.iota {dimensions = array<i32: 0>} : vector<16xi32>
    %mul3A_3 = arith.constant 6248 : i32
    %mul3A_4 = arith.muli %arg1, %mul3A_3 : i32
    %multiple_of3A = tpu.assume_multiple %mul3A_4, 8 : i32
    "tpu.region"() ({
      %run_scoped3A = tpu.sem_alloc : memref<!tpu.dma_semaphore, #tpu.memory_space<semaphore_mem>>
      %dma_start3A_59 = tpu.memref_slice %arg2[%multiple_of3A] : memref<100000xf32, #tpu.memory_space<hbm>> -> memref<6248xf32, #tpu.memory_space<hbm>>
      %dma_start3A_60 = tpu.memref_slice %arg2[%multiple_of3A] : memref<100000xf32, #tpu.memory_space<hbm>> -> memref<6248xf32, #tpu.memory_space<hbm>>
      tpu.enqueue_dma source(%dma_start3A_60 : memref<6248xf32, #tpu.memory_space<hbm>>) target(%arg46 : memref<6248xf32, #tpu.memory_space<vmem>>) target_semaphore(%run_scoped3A : memref<!tpu.dma_semaphore, #tpu.memory_space<semaphore_mem>>)
      %dma_wait3A_61 = tpu.memref_slice %arg2[%multiple_of3A] : memref<100000xf32, #tpu.memory_space<hbm>> -> memref<6248xf32, #tpu.memory_space<hbm>>
      %dma_wait3A_62 = tpu.memref_slice %arg2[%multiple_of3A] : memref<100000xf32, #tpu.memory_space<hbm>> -> memref<6248xf32, #tpu.memory_space<hbm>>
      tpu.wait_dma2 semaphore(%run_scoped3A : memref<!tpu.dma_semaphore, #tpu.memory_space<semaphore_mem>>) src(%dma_wait3A_62 : memref<6248xf32, #tpu.memory_space<hbm>>) dst(%arg46 : memref<6248xf32, #tpu.memory_space<vmem>>)
      tpu.yield
    }) : () -> ()
    "tpu.region"() ({
      %run_scoped3A = tpu.sem_alloc : memref<!tpu.dma_semaphore, #tpu.memory_space<semaphore_mem>>
      %dma_start3A_59 = tpu.memref_slice %arg43[%multiple_of3A] : memref<100000xf32, #tpu.memory_space<vmem_shared>> -> memref<6248xf32, #tpu.memory_space<vmem_shared>>
      %dma_start3A_60 = tpu.memref_slice %arg43[%multiple_of3A] : memref<100000xf32, #tpu.memory_space<vmem_shared>> -> memref<6248xf32, #tpu.memory_space<vmem_shared>>
      tpu.enqueue_dma source(%arg46 : memref<6248xf32, #tpu.memory_space<vmem>>) target(%dma_start3A_60 : memref<6248xf32, #tpu.memory_space<vmem_shared>>) target_semaphore(%run_scoped3A : memref<!tpu.dma_semaphore, #tpu.memory_space<semaphore_mem>>)
      %dma_wait3A_61 = tpu.memref_slice %arg43[%multiple_of3A] : memref<100000xf32, #tpu.memory_space<vmem_shared>> -> memref<6248xf32, #tpu.memory_space<vmem_shared>>
      %dma_wait3A_62 = tpu.memref_slice %arg43[%multiple_of3A] : memref<100000xf32, #tpu.memory_space<vmem_shared>> -> memref<6248xf32, #tpu.memory_space<vmem_shared>>
      tpu.wait_dma2 semaphore(%run_scoped3A : memref<!tpu.dma_semaphore, #tpu.memory_space<semaphore_mem>>) src(%arg46 : memref<6248xf32, #tpu.memory_space<vmem>>) dst(%dma_wait3A_62 : memref<6248xf32, #tpu.memory_space<vmem_shared>>)
      tpu.yield
    }) : () -> ()
    "tpu.region"() ({
      %run_scoped3A = tpu.sem_alloc : memref<!tpu.dma_semaphore, #tpu.memory_space<semaphore_mem>>
      %dma_start3A_59 = tpu.memref_slice %arg3[%multiple_of3A] : memref<100000xf32, #tpu.memory_space<hbm>> -> memref<6248xf32, #tpu.memory_space<hbm>>
      %dma_start3A_60 = tpu.memref_slice %arg3[%multiple_of3A] : memref<100000xf32, #tpu.memory_space<hbm>> -> memref<6248xf32, #tpu.memory_space<hbm>>
      tpu.enqueue_dma source(%dma_start3A_60 : memref<6248xf32, #tpu.memory_space<hbm>>) target(%arg46 : memref<6248xf32, #tpu.memory_space<vmem>>) target_semaphore(%run_scoped3A : memref<!tpu.dma_semaphore, #tpu.memory_space<semaphore_mem>>)
      %dma_wait3A_61 = tpu.memref_slice %arg3[%multiple_of3A] : memref<100000xf32, #tpu.memory_space<hbm>> -> memref<6248xf32, #tpu.memory_space<hbm>>
      %dma_wait3A_62 = tpu.memref_slice %arg3[%multiple_of3A] : memref<100000xf32, #tpu.memory_space<hbm>> -> memref<6248xf32, #tpu.memory_space<hbm>>
      tpu.wait_dma2 semaphore(%run_scoped3A : memref<!tpu.dma_semaphore, #tpu.memory_space<semaphore_mem>>) src(%dma_wait3A_62 : memref<6248xf32, #tpu.memory_space<hbm>>) dst(%arg46 : memref<6248xf32, #tpu.memory_space<vmem>>)
      tpu.yield
    }) : () -> ()
    "tpu.region"() ({
      %run_scoped3A = tpu.sem_alloc : memref<!tpu.dma_semaphore, #tpu.memory_space<semaphore_mem>>
      %dma_start3A_59 = tpu.memref_slice %arg44[%multiple_of3A] : memref<100000xf32, #tpu.memory_space<vmem_shared>> -> memref<6248xf32, #tpu.memory_space<vmem_shared>>
      %dma_start3A_60 = tpu.memref_slice %arg44[%multiple_of3A] : memref<100000xf32, #tpu.memory_space<vmem_shared>> -> memref<6248xf32, #tpu.memory_space<vmem_shared>>
      tpu.enqueue_dma source(%arg46 : memref<6248xf32, #tpu.memory_space<vmem>>) target(%dma_start3A_60 : memref<6248xf32, #tpu.memory_space<vmem_shared>>) target_semaphore(%run_scoped3A : memref<!tpu.dma_semaphore, #tpu.memory_space<semaphore_mem>>)
      %dma_wait3A_61 = tpu.memref_slice %arg44[%multiple_of3A] : memref<100000xf32, #tpu.memory_space<vmem_shared>> -> memref<6248xf32, #tpu.memory_space<vmem_shared>>
      %dma_wait3A_62 = tpu.memref_slice %arg44[%multiple_of3A] : memref<100000xf32, #tpu.memory_space<vmem_shared>> -> memref<6248xf32, #tpu.memory_space<vmem_shared>>
      tpu.wait_dma2 semaphore(%run_scoped3A : memref<!tpu.dma_semaphore, #tpu.memory_space<semaphore_mem>>) src(%arg46 : memref<6248xf32, #tpu.memory_space<vmem>>) dst(%dma_wait3A_62 : memref<6248xf32, #tpu.memory_space<vmem_shared>>)
      tpu.yield
    }) : () -> ()
    "tpu.region"() ({
      %run_scoped3A = tpu.sem_alloc : memref<!tpu.dma_semaphore, #tpu.memory_space<semaphore_mem>>
      %dma_start3A_59 = tpu.memref_slice %arg4[%multiple_of3A] : memref<100000xf32, #tpu.memory_space<hbm>> -> memref<6248xf32, #tpu.memory_space<hbm>>
      %dma_start3A_60 = tpu.memref_slice %arg4[%multiple_of3A] : memref<100000xf32, #tpu.memory_space<hbm>> -> memref<6248xf32, #tpu.memory_space<hbm>>
      tpu.enqueue_dma source(%dma_start3A_60 : memref<6248xf32, #tpu.memory_space<hbm>>) target(%arg46 : memref<6248xf32, #tpu.memory_space<vmem>>) target_semaphore(%run_scoped3A : memref<!tpu.dma_semaphore, #tpu.memory_space<semaphore_mem>>)
      %dma_wait3A_61 = tpu.memref_slice %arg4[%multiple_of3A] : memref<100000xf32, #tpu.memory_space<hbm>> -> memref<6248xf32, #tpu.memory_space<hbm>>
      %dma_wait3A_62 = tpu.memref_slice %arg4[%multiple_of3A] : memref<100000xf32, #tpu.memory_space<hbm>> -> memref<6248xf32, #tpu.memory_space<hbm>>
      tpu.wait_dma2 semaphore(%run_scoped3A : memref<!tpu.dma_semaphore, #tpu.memory_space<semaphore_mem>>) src(%dma_wait3A_62 : memref<6248xf32, #tpu.memory_space<hbm>>) dst(%arg46 : memref<6248xf32, #tpu.memory_space<vmem>>)
      tpu.yield
    }) : () -> ()
    "tpu.region"() ({
      %run_scoped3A = tpu.sem_alloc : memref<!tpu.dma_semaphore, #tpu.memory_space<semaphore_mem>>
      %dma_start3A_59 = tpu.memref_slice %arg45[%multiple_of3A] : memref<100000xf32, #tpu.memory_space<vmem_shared>> -> memref<6248xf32, #tpu.memory_space<vmem_shared>>
      %dma_start3A_60 = tpu.memref_slice %arg45[%multiple_of3A] : memref<100000xf32, #tpu.memory_space<vmem_shared>> -> memref<6248xf32, #tpu.memory_space<vmem_shared>>
      tpu.enqueue_dma source(%arg46 : memref<6248xf32, #tpu.memory_space<vmem>>) target(%dma_start3A_60 : memref<6248xf32, #tpu.memory_space<vmem_shared>>) target_semaphore(%run_scoped3A : memref<!tpu.dma_semaphore, #tpu.memory_space<semaphore_mem>>)
      %dma_wait3A_61 = tpu.memref_slice %arg45[%multiple_of3A] : memref<100000xf32, #tpu.memory_space<vmem_shared>> -> memref<6248xf32, #tpu.memory_space<vmem_shared>>
      %dma_wait3A_62 = tpu.memref_slice %arg45[%multiple_of3A] : memref<100000xf32, #tpu.memory_space<vmem_shared>> -> memref<6248xf32, #tpu.memory_space<vmem_shared>>
      tpu.wait_dma2 semaphore(%run_scoped3A : memref<!tpu.dma_semaphore, #tpu.memory_space<semaphore_mem>>) src(%arg46 : memref<6248xf32, #tpu.memory_space<vmem>>) dst(%dma_wait3A_62 : memref<6248xf32, #tpu.memory_space<vmem_shared>>)
      tpu.yield
    }) : () -> ()
    %eq3A = arith.constant 15 : i32
    %eq3A_5 = arith.cmpi eq, %arg1, %eq3A : i32
    %convert_element_type3A = arith.extui %eq3A_5 : i1 to i32
    %cond3A = arith.constant 0 : i32
    %cond3A_6 = arith.cmpi ne, %convert_element_type3A, %cond3A : i32
    scf.if %cond3A_6 {
      "tpu.region"() ({
        %run_scoped3A = tpu.sem_alloc : memref<!tpu.dma_semaphore, #tpu.memory_space<semaphore_mem>>
        %dma_start3A_59 = arith.constant 0 : i32
        %dma_start3A_60 = tpu.memref_slice %arg46[%dma_start3A_59] : memref<6248xf32, #tpu.memory_space<vmem>> -> memref<32xf32, #tpu.memory_space<vmem>>
        %dma_start3A_61 = arith.constant 99968 : i32
        %dma_start3A_62 = tpu.memref_slice %arg2[%dma_start3A_61] : memref<100000xf32, #tpu.memory_space<hbm>> -> memref<32xf32, #tpu.memory_space<hbm>>
        %dma_start3A_63 = arith.constant 0 : i32
        %dma_start3A_64 = tpu.memref_slice %arg46[%dma_start3A_63] : memref<6248xf32, #tpu.memory_space<vmem>> -> memref<32xf32, #tpu.memory_space<vmem>>
        %dma_start3A_65 = arith.constant 99968 : i32
        %dma_start3A_66 = tpu.memref_slice %arg2[%dma_start3A_65] : memref<100000xf32, #tpu.memory_space<hbm>> -> memref<32xf32, #tpu.memory_space<hbm>>
        tpu.enqueue_dma source(%dma_start3A_66 : memref<32xf32, #tpu.memory_space<hbm>>) target(%dma_start3A_64 : memref<32xf32, #tpu.memory_space<vmem>>) target_semaphore(%run_scoped3A : memref<!tpu.dma_semaphore, #tpu.memory_space<semaphore_mem>>)
        %dma_wait3A_67 = arith.constant 0 : i32
        %dma_wait3A_68 = tpu.memref_slice %arg46[%dma_wait3A_67] : memref<6248xf32, #tpu.memory_space<vmem>> -> memref<32xf32, #tpu.memory_space<vmem>>
        %dma_wait3A_69 = arith.constant 99968 : i32
        %dma_wait3A_70 = tpu.memref_slice %arg2[%dma_wait3A_69] : memref<100000xf32, #tpu.memory_space<hbm>> -> memref<32xf32, #tpu.memory_space<hbm>>
        %dma_wait3A_71 = arith.constant 0 : i32
        %dma_wait3A_72 = tpu.memref_slice %arg46[%dma_wait3A_71] : memref<6248xf32, #tpu.memory_space<vmem>> -> memref<32xf32, #tpu.memory_space<vmem>>
        %dma_wait3A_73 = arith.constant 99968 : i32
        %dma_wait3A_74 = tpu.memref_slice %arg2[%dma_wait3A_73] : memref<100000xf32, #tpu.memory_space<hbm>> -> memref<32xf32, #tpu.memory_space<hbm>>
        tpu.wait_dma2 semaphore(%run_scoped3A : memref<!tpu.dma_semaphore, #tpu.memory_space<semaphore_mem>>) src(%dma_wait3A_74 : memref<32xf32, #tpu.memory_space<hbm>>) dst(%dma_wait3A_72 : memref<32xf32, #tpu.memory_space<vmem>>)
        tpu.yield
      }) : () -> ()
      "tpu.region"() ({
        %run_scoped3A = tpu.sem_alloc : memref<!tpu.dma_semaphore, #tpu.memory_space<semaphore_mem>>
        %dma_start3A_59 = arith.constant 0 : i32
        %dma_start3A_60 = tpu.memref_slice %arg46[%dma_start3A_59] : memref<6248xf32, #tpu.memory_space<vmem>> -> memref<32xf32, #tpu.memory_space<vmem>>
        %dma_start3A_61 = arith.constant 99968 : i32
        %dma_start3A_62 = tpu.memref_slice %arg43[%dma_start3A_61] : memref<100000xf32, #tpu.memory_space<vmem_shared>> -> memref<32xf32, #tpu.memory_space<vmem_shared>>
        %dma_start3A_63 = arith.constant 99968 : i32
        %dma_start3A_64 = tpu.memref_slice %arg43[%dma_start3A_63] : memref<100000xf32, #tpu.memory_space<vmem_shared>> -> memref<32xf32, #tpu.memory_space<vmem_shared>>
        %dma_start3A_65 = arith.constant 0 : i32
        %dma_start3A_66 = tpu.memref_slice %arg46[%dma_start3A_65] : memref<6248xf32, #tpu.memory_space<vmem>> -> memref<32xf32, #tpu.memory_space<vmem>>
        tpu.enqueue_dma source(%dma_start3A_66 : memref<32xf32, #tpu.memory_space<vmem>>) target(%dma_start3A_64 : memref<32xf32, #tpu.memory_space<vmem_shared>>) target_semaphore(%run_scoped3A : memref<!tpu.dma_semaphore, #tpu.memory_space<semaphore_mem>>)
        %dma_wait3A_67 = arith.constant 0 : i32
        %dma_wait3A_68 = tpu.memref_slice %arg46[%dma_wait3A_67] : memref<6248xf32, #tpu.memory_space<vmem>> -> memref<32xf32, #tpu.memory_space<vmem>>
        %dma_wait3A_69 = arith.constant 99968 : i32
        %dma_wait3A_70 = tpu.memref_slice %arg43[%dma_wait3A_69] : memref<100000xf32, #tpu.memory_space<vmem_shared>> -> memref<32xf32, #tpu.memory_space<vmem_shared>>
        %dma_wait3A_71 = arith.constant 99968 : i32
        %dma_wait3A_72 = tpu.memref_slice %arg43[%dma_wait3A_71] : memref<100000xf32, #tpu.memory_space<vmem_shared>> -> memref<32xf32, #tpu.memory_space<vmem_shared>>
        %dma_wait3A_73 = arith.constant 0 : i32
        %dma_wait3A_74 = tpu.memref_slice %arg46[%dma_wait3A_73] : memref<6248xf32, #tpu.memory_space<vmem>> -> memref<32xf32, #tpu.memory_space<vmem>>
        tpu.wait_dma2 semaphore(%run_scoped3A : memref<!tpu.dma_semaphore, #tpu.memory_space<semaphore_mem>>) src(%dma_wait3A_74 : memref<32xf32, #tpu.memory_space<vmem>>) dst(%dma_wait3A_72 : memref<32xf32, #tpu.memory_space<vmem_shared>>)
        tpu.yield
      }) : () -> ()
      "tpu.region"() ({
        %run_scoped3A = tpu.sem_alloc : memref<!tpu.dma_semaphore, #tpu.memory_space<semaphore_mem>>
        %dma_start3A_59 = arith.constant 0 : i32
        %dma_start3A_60 = tpu.memref_slice %arg46[%dma_start3A_59] : memref<6248xf32, #tpu.memory_space<vmem>> -> memref<32xf32, #tpu.memory_space<vmem>>
        %dma_start3A_61 = arith.constant 99968 : i32
        %dma_start3A_62 = tpu.memref_slice %arg3[%dma_start3A_61] : memref<100000xf32, #tpu.memory_space<hbm>> -> memref<32xf32, #tpu.memory_space<hbm>>
        %dma_start3A_63 = arith.constant 0 : i32
        %dma_start3A_64 = tpu.memref_slice %arg46[%dma_start3A_63] : memref<6248xf32, #tpu.memory_space<vmem>> -> memref<32xf32, #tpu.memory_space<vmem>>
        %dma_start3A_65 = arith.constant 99968 : i32
        %dma_start3A_66 = tpu.memref_slice %arg3[%dma_start3A_65] : memref<100000xf32, #tpu.memory_space<hbm>> -> memref<32xf32, #tpu.memory_space<hbm>>
        tpu.enqueue_dma source(%dma_start3A_66 : memref<32xf32, #tpu.memory_space<hbm>>) target(%dma_start3A_64 : memref<32xf32, #tpu.memory_space<vmem>>) target_semaphore(%run_scoped3A : memref<!tpu.dma_semaphore, #tpu.memory_space<semaphore_mem>>)
        %dma_wait3A_67 = arith.constant 0 : i32
        %dma_wait3A_68 = tpu.memref_slice %arg46[%dma_wait3A_67] : memref<6248xf32, #tpu.memory_space<vmem>> -> memref<32xf32, #tpu.memory_space<vmem>>
        %dma_wait3A_69 = arith.constant 99968 : i32
        %dma_wait3A_70 = tpu.memref_slice %arg3[%dma_wait3A_69] : memref<100000xf32, #tpu.memory_space<hbm>> -> memref<32xf32, #tpu.memory_space<hbm>>
        %dma_wait3A_71 = arith.constant 0 : i32
        %dma_wait3A_72 = tpu.memref_slice %arg46[%dma_wait3A_71] : memref<6248xf32, #tpu.memory_space<vmem>> -> memref<32xf32, #tpu.memory_space<vmem>>
        %dma_wait3A_73 = arith.constant 99968 : i32
        %dma_wait3A_74 = tpu.memref_slice %arg3[%dma_wait3A_73] : memref<100000xf32, #tpu.memory_space<hbm>> -> memref<32xf32, #tpu.memory_space<hbm>>
        tpu.wait_dma2 semaphore(%run_scoped3A : memref<!tpu.dma_semaphore, #tpu.memory_space<semaphore_mem>>) src(%dma_wait3A_74 : memref<32xf32, #tpu.memory_space<hbm>>) dst(%dma_wait3A_72 : memref<32xf32, #tpu.memory_space<vmem>>)
        tpu.yield
      }) : () -> ()
      "tpu.region"() ({
        %run_scoped3A = tpu.sem_alloc : memref<!tpu.dma_semaphore, #tpu.memory_space<semaphore_mem>>
        %dma_start3A_59 = arith.constant 0 : i32
        %dma_start3A_60 = tpu.memref_slice %arg46[%dma_start3A_59] : memref<6248xf32, #tpu.memory_space<vmem>> -> memref<32xf32, #tpu.memory_space<vmem>>
        %dma_start3A_61 = arith.constant 99968 : i32
        %dma_start3A_62 = tpu.memref_slice %arg44[%dma_start3A_61] : memref<100000xf32, #tpu.memory_space<vmem_shared>> -> memref<32xf32, #tpu.memory_space<vmem_shared>>
        %dma_start3A_63 = arith.constant 99968 : i32
        %dma_start3A_64 = tpu.memref_slice %arg44[%dma_start3A_63] : memref<100000xf32, #tpu.memory_space<vmem_shared>> -> memref<32xf32, #tpu.memory_space<vmem_shared>>
        %dma_start3A_65 = arith.constant 0 : i32
        %dma_start3A_66 = tpu.memref_slice %arg46[%dma_start3A_65] : memref<6248xf32, #tpu.memory_space<vmem>> -> memref<32xf32, #tpu.memory_space<vmem>>
        tpu.enqueue_dma source(%dma_start3A_66 : memref<32xf32, #tpu.memory_space<vmem>>) target(%dma_start3A_64 : memref<32xf32, #tpu.memory_space<vmem_shared>>) target_semaphore(%run_scoped3A : memref<!tpu.dma_semaphore, #tpu.memory_space<semaphore_mem>>)
        %dma_wait3A_67 = arith.constant 0 : i32
        %dma_wait3A_68 = tpu.memref_slice %arg46[%dma_wait3A_67] : memref<6248xf32, #tpu.memory_space<vmem>> -> memref<32xf32, #tpu.memory_space<vmem>>
        %dma_wait3A_69 = arith.constant 99968 : i32
        %dma_wait3A_70 = tpu.memref_slice %arg44[%dma_wait3A_69] : memref<100000xf32, #tpu.memory_space<vmem_shared>> -> memref<32xf32, #tpu.memory_space<vmem_shared>>
        %dma_wait3A_71 = arith.constant 99968 : i32
        %dma_wait3A_72 = tpu.memref_slice %arg44[%dma_wait3A_71] : memref<100000xf32, #tpu.memory_space<vmem_shared>> -> memref<32xf32, #tpu.memory_space<vmem_shared>>
        %dma_wait3A_73 = arith.constant 0 : i32
        %dma_wait3A_74 = tpu.memref_slice %arg46[%dma_wait3A_73] : memref<6248xf32, #tpu.memory_space<vmem>> -> memref<32xf32, #tpu.memory_space<vmem>>
        tpu.wait_dma2 semaphore(%run_scoped3A : memref<!tpu.dma_semaphore, #tpu.memory_space<semaphore_mem>>) src(%dma_wait3A_74 : memref<32xf32, #tpu.memory_space<vmem>>) dst(%dma_wait3A_72 : memref<32xf32, #tpu.memory_space<vmem_shared>>)
        tpu.yield
      }) : () -> ()
      "tpu.region"() ({
        %run_scoped3A = tpu.sem_alloc : memref<!tpu.dma_semaphore, #tpu.memory_space<semaphore_mem>>
        %dma_start3A_59 = arith.constant 0 : i32
        %dma_start3A_60 = tpu.memref_slice %arg46[%dma_start3A_59] : memref<6248xf32, #tpu.memory_space<vmem>> -> memref<32xf32, #tpu.memory_space<vmem>>
        %dma_start3A_61 = arith.constant 99968 : i32
        %dma_start3A_62 = tpu.memref_slice %arg4[%dma_start3A_61] : memref<100000xf32, #tpu.memory_space<hbm>> -> memref<32xf32, #tpu.memory_space<hbm>>
        %dma_start3A_63 = arith.constant 0 : i32
        %dma_start3A_64 = tpu.memref_slice %arg46[%dma_start3A_63] : memref<6248xf32, #tpu.memory_space<vmem>> -> memref<32xf32, #tpu.memory_space<vmem>>
        %dma_start3A_65 = arith.constant 99968 : i32
        %dma_start3A_66 = tpu.memref_slice %arg4[%dma_start3A_65] : memref<100000xf32, #tpu.memory_space<hbm>> -> memref<32xf32, #tpu.memory_space<hbm>>
        tpu.enqueue_dma source(%dma_start3A_66 : memref<32xf32, #tpu.memory_space<hbm>>) target(%dma_start3A_64 : memref<32xf32, #tpu.memory_space<vmem>>) target_semaphore(%run_scoped3A : memref<!tpu.dma_semaphore, #tpu.memory_space<semaphore_mem>>)
        %dma_wait3A_67 = arith.constant 0 : i32
        %dma_wait3A_68 = tpu.memref_slice %arg46[%dma_wait3A_67] : memref<6248xf32, #tpu.memory_space<vmem>> -> memref<32xf32, #tpu.memory_space<vmem>>
        %dma_wait3A_69 = arith.constant 99968 : i32
        %dma_wait3A_70 = tpu.memref_slice %arg4[%dma_wait3A_69] : memref<100000xf32, #tpu.memory_space<hbm>> -> memref<32xf32, #tpu.memory_space<hbm>>
        %dma_wait3A_71 = arith.constant 0 : i32
        %dma_wait3A_72 = tpu.memref_slice %arg46[%dma_wait3A_71] : memref<6248xf32, #tpu.memory_space<vmem>> -> memref<32xf32, #tpu.memory_space<vmem>>
        %dma_wait3A_73 = arith.constant 99968 : i32
        %dma_wait3A_74 = tpu.memref_slice %arg4[%dma_wait3A_73] : memref<100000xf32, #tpu.memory_space<hbm>> -> memref<32xf32, #tpu.memory_space<hbm>>
        tpu.wait_dma2 semaphore(%run_scoped3A : memref<!tpu.dma_semaphore, #tpu.memory_space<semaphore_mem>>) src(%dma_wait3A_74 : memref<32xf32, #tpu.memory_space<hbm>>) dst(%dma_wait3A_72 : memref<32xf32, #tpu.memory_space<vmem>>)
        tpu.yield
      }) : () -> ()
      "tpu.region"() ({
        %run_scoped3A = tpu.sem_alloc : memref<!tpu.dma_semaphore, #tpu.memory_space<semaphore_mem>>
        %dma_start3A_59 = arith.constant 0 : i32
        %dma_start3A_60 = tpu.memref_slice %arg46[%dma_start3A_59] : memref<6248xf32, #tpu.memory_space<vmem>> -> memref<32xf32, #tpu.memory_space<vmem>>
        %dma_start3A_61 = arith.constant 99968 : i32
        %dma_start3A_62 = tpu.memref_slice %arg45[%dma_start3A_61] : memref<100000xf32, #tpu.memory_space<vmem_shared>> -> memref<32xf32, #tpu.memory_space<vmem_shared>>
        %dma_start3A_63 = arith.constant 99968 : i32
        %dma_start3A_64 = tpu.memref_slice %arg45[%dma_start3A_63] : memref<100000xf32, #tpu.memory_space<vmem_shared>> -> memref<32xf32, #tpu.memory_space<vmem_shared>>
        %dma_start3A_65 = arith.constant 0 : i32
        %dma_start3A_66 = tpu.memref_slice %arg46[%dma_start3A_65] : memref<6248xf32, #tpu.memory_space<vmem>> -> memref<32xf32, #tpu.memory_space<vmem>>
        tpu.enqueue_dma source(%dma_start3A_66 : memref<32xf32, #tpu.memory_space<vmem>>) target(%dma_start3A_64 : memref<32xf32, #tpu.memory_space<vmem_shared>>) target_semaphore(%run_scoped3A : memref<!tpu.dma_semaphore, #tpu.memory_space<semaphore_mem>>)
        %dma_wait3A_67 = arith.constant 0 : i32
        %dma_wait3A_68 = tpu.memref_slice %arg46[%dma_wait3A_67] : memref<6248xf32, #tpu.memory_space<vmem>> -> memref<32xf32, #tpu.memory_space<vmem>>
        %dma_wait3A_69 = arith.constant 99968 : i32
        %dma_wait3A_70 = tpu.memref_slice %arg45[%dma_wait3A_69] : memref<100000xf32, #tpu.memory_space<vmem_shared>> -> memref<32xf32, #tpu.memory_space<vmem_shared>>
        %dma_wait3A_71 = arith.constant 99968 : i32
        %dma_wait3A_72 = tpu.memref_slice %arg45[%dma_wait3A_71] : memref<100000xf32, #tpu.memory_space<vmem_shared>> -> memref<32xf32, #tpu.memory_space<vmem_shared>>
        %dma_wait3A_73 = arith.constant 0 : i32
        %dma_wait3A_74 = tpu.memref_slice %arg46[%dma_wait3A_73] : memref<6248xf32, #tpu.memory_space<vmem>> -> memref<32xf32, #tpu.memory_space<vmem>>
        tpu.wait_dma2 semaphore(%run_scoped3A : memref<!tpu.dma_semaphore, #tpu.memory_space<semaphore_mem>>) src(%dma_wait3A_74 : memref<32xf32, #tpu.memory_space<vmem>>) dst(%dma_wait3A_72 : memref<32xf32, #tpu.memory_space<vmem_shared>>)
        tpu.yield
      }) : () -> ()
    } else {
    }
    %barrier3A = arith.constant 0 : index
    tpu.barrier barrier_id(%barrier3A)
    %add3A_7 = arith.constant 0 : i32
    %add3A_8 = arith.addi %add3A, %add3A_7 : i32
    %eq3A_9 = arith.constant 390 : i32
    %eq3A_10 = arith.cmpi eq, %add3A_8, %eq3A_9 : i32
    %mul3A_11 = arith.constant 256 : i32
    %mul3A_12 = arith.muli %add3A_8, %mul3A_11 : i32
    %jit3A_13 = arith.constant 99744 : i32
    %select_n3A_14 = arith.select %eq3A_10, %jit3A_13, %mul3A_12 : i32
    %multiple_of3A_15 = tpu.assume_multiple %select_n3A_14, 32 : i32
    %mul3A_16 = arith.constant 16 : i32
    %mul3A_17 = arith.muli %multiple_of3A_15, %mul3A_16 : i32
    %dma_start3A = tpu.memref_slice %arg9[%mul3A_17] : memref<1600000xi32, #tpu.memory_space<hbm>> -> memref<4096xi32, #tpu.memory_space<hbm>>
    %dma_start3A_18 = tpu.memref_slice %arg9[%mul3A_17] : memref<1600000xi32, #tpu.memory_space<hbm>> -> memref<4096xi32, #tpu.memory_space<hbm>>
    tpu.enqueue_dma source(%dma_start3A_18 : memref<4096xi32, #tpu.memory_space<hbm>>) target(%arg11 : memref<4096xi32, #tpu.memory_space<vmem>>) target_semaphore(%arg37 : memref<!tpu.dma_semaphore, #tpu.memory_space<semaphore_mem>>)
    %mul3A_19 = arith.constant 3 : i32
    %mul3A_20 = arith.muli %multiple_of3A_15, %mul3A_19 : i32
    %mul3A_21 = arith.constant 16 : i32
    %mul3A_22 = arith.muli %multiple_of3A_15, %mul3A_21 : i32
    %mul3A_23 = arith.constant 16 : i32
    %mul3A_24 = arith.muli %multiple_of3A_15, %mul3A_23 : i32
    %dma_start3A_25 = tpu.memref_slice %arg2[%multiple_of3A_15] : memref<100000xf32, #tpu.memory_space<hbm>> -> memref<256xf32, #tpu.memory_space<hbm>>
    %dma_start3A_26 = tpu.memref_slice %arg2[%multiple_of3A_15] : memref<100000xf32, #tpu.memory_space<hbm>> -> memref<256xf32, #tpu.memory_space<hbm>>
    tpu.enqueue_dma source(%dma_start3A_26 : memref<256xf32, #tpu.memory_space<hbm>>) target(%arg19 : memref<256xf32, #tpu.memory_space<vmem>>) target_semaphore(%arg39 : memref<!tpu.dma_semaphore, #tpu.memory_space<semaphore_mem>>)
    %dma_start3A_27 = tpu.memref_slice %arg3[%multiple_of3A_15] : memref<100000xf32, #tpu.memory_space<hbm>> -> memref<256xf32, #tpu.memory_space<hbm>>
    %dma_start3A_28 = tpu.memref_slice %arg3[%multiple_of3A_15] : memref<100000xf32, #tpu.memory_space<hbm>> -> memref<256xf32, #tpu.memory_space<hbm>>
    tpu.enqueue_dma source(%dma_start3A_28 : memref<256xf32, #tpu.memory_space<hbm>>) target(%arg21 : memref<256xf32, #tpu.memory_space<vmem>>) target_semaphore(%arg39 : memref<!tpu.dma_semaphore, #tpu.memory_space<semaphore_mem>>)
    %dma_start3A_29 = tpu.memref_slice %arg4[%multiple_of3A_15] : memref<100000xf32, #tpu.memory_space<hbm>> -> memref<256xf32, #tpu.memory_space<hbm>>
    %dma_start3A_30 = tpu.memref_slice %arg4[%multiple_of3A_15] : memref<100000xf32, #tpu.memory_space<hbm>> -> memref<256xf32, #tpu.memory_space<hbm>>
    tpu.enqueue_dma source(%dma_start3A_30 : memref<256xf32, #tpu.memory_space<hbm>>) target(%arg23 : memref<256xf32, #tpu.memory_space<vmem>>) target_semaphore(%arg39 : memref<!tpu.dma_semaphore, #tpu.memory_space<semaphore_mem>>)
    %dma_start3A_31 = tpu.memref_slice %arg5[%mul3A_20] : memref<300000xf32, #tpu.memory_space<hbm>> -> memref<768xf32, #tpu.memory_space<hbm>>
    %dma_start3A_32 = tpu.memref_slice %arg5[%mul3A_20] : memref<300000xf32, #tpu.memory_space<hbm>> -> memref<768xf32, #tpu.memory_space<hbm>>
    tpu.enqueue_dma source(%dma_start3A_32 : memref<768xf32, #tpu.memory_space<hbm>>) target(%arg25 : memref<768xf32, #tpu.memory_space<vmem>>) target_semaphore(%arg39 : memref<!tpu.dma_semaphore, #tpu.memory_space<semaphore_mem>>)
    %dma_start3A_33 = tpu.memref_slice %arg6[%mul3A_22] : memref<1600000xf32, #tpu.memory_space<hbm>> -> memref<4096xf32, #tpu.memory_space<hbm>>
    %dma_start3A_34 = tpu.memref_slice %arg6[%mul3A_22] : memref<1600000xf32, #tpu.memory_space<hbm>> -> memref<4096xf32, #tpu.memory_space<hbm>>
    tpu.enqueue_dma source(%dma_start3A_34 : memref<4096xf32, #tpu.memory_space<hbm>>) target(%arg27 : memref<4096xf32, #tpu.memory_space<vmem>>) target_semaphore(%arg39 : memref<!tpu.dma_semaphore, #tpu.memory_space<semaphore_mem>>)
    %dma_start3A_35 = tpu.memref_slice %arg7[%mul3A_24] : memref<1600000xf32, #tpu.memory_space<hbm>> -> memref<4096xf32, #tpu.memory_space<hbm>>
    %dma_start3A_36 = tpu.memref_slice %arg7[%mul3A_24] : memref<1600000xf32, #tpu.memory_space<hbm>> -> memref<4096xf32, #tpu.memory_space<hbm>>
    tpu.enqueue_dma source(%dma_start3A_36 : memref<4096xf32, #tpu.memory_space<hbm>>) target(%arg29 : memref<4096xf32, #tpu.memory_space<vmem>>) target_semaphore(%arg39 : memref<!tpu.dma_semaphore, #tpu.memory_space<semaphore_mem>>)
    %dma_start3A_37 = tpu.memref_slice %arg8[%multiple_of3A_15] : memref<100000xf32, #tpu.memory_space<hbm>> -> memref<256xf32, #tpu.memory_space<hbm>>
    %dma_start3A_38 = tpu.memref_slice %arg8[%multiple_of3A_15] : memref<100000xf32, #tpu.memory_space<hbm>> -> memref<256xf32, #tpu.memory_space<hbm>>
    tpu.enqueue_dma source(%dma_start3A_38 : memref<256xf32, #tpu.memory_space<hbm>>) target(%arg31 : memref<256xf32, #tpu.memory_space<vmem>>) target_semaphore(%arg39 : memref<!tpu.dma_semaphore, #tpu.memory_space<semaphore_mem>>)
    %dma_wait3A = tpu.memref_slice %arg9[%mul3A_17] : memref<1600000xi32, #tpu.memory_space<hbm>> -> memref<4096xi32, #tpu.memory_space<hbm>>
    %dma_wait3A_39 = tpu.memref_slice %arg9[%mul3A_17] : memref<1600000xi32, #tpu.memory_space<hbm>> -> memref<4096xi32, #tpu.memory_space<hbm>>
    tpu.wait_dma2 semaphore(%arg37 : memref<!tpu.dma_semaphore, #tpu.memory_space<semaphore_mem>>) src(%dma_wait3A_39 : memref<4096xi32, #tpu.memory_space<hbm>>) dst(%arg11 : memref<4096xi32, #tpu.memory_space<vmem>>)
    %dma_start3A_40 = arith.constant 0 : i32
    %dma_start3A_41 = tpu.memref_slice %arg43[%dma_start3A_40] : memref<100000xf32, #tpu.memory_space<vmem_shared>> -> memref<100000xf32, #tpu.memory_space<vmem_shared>>
    tpu.enqueue_indirect_dma source(%dma_start3A_41 : memref<100000xf32, #tpu.memory_space<vmem_shared>>) target(%arg13 : memref<4096xf32, #tpu.memory_space<vmem>>) offsets(%arg11 : memref<4096xi32, #tpu.memory_space<vmem>>) semaphore(%arg35 : memref<!tpu.dma_semaphore, #tpu.memory_space<semaphore_mem>>)
    %dma_start3A_42 = arith.constant 0 : i32
    %dma_start3A_43 = tpu.memref_slice %arg44[%dma_start3A_42] : memref<100000xf32, #tpu.memory_space<vmem_shared>> -> memref<100000xf32, #tpu.memory_space<vmem_shared>>
    tpu.enqueue_indirect_dma source(%dma_start3A_43 : memref<100000xf32, #tpu.memory_space<vmem_shared>>) target(%arg15 : memref<4096xf32, #tpu.memory_space<vmem>>) offsets(%arg11 : memref<4096xi32, #tpu.memory_space<vmem>>) semaphore(%arg35 : memref<!tpu.dma_semaphore, #tpu.memory_space<semaphore_mem>>)
    %dma_start3A_44 = arith.constant 0 : i32
    %dma_start3A_45 = tpu.memref_slice %arg45[%dma_start3A_44] : memref<100000xf32, #tpu.memory_space<vmem_shared>> -> memref<100000xf32, #tpu.memory_space<vmem_shared>>
    tpu.enqueue_indirect_dma source(%dma_start3A_45 : memref<100000xf32, #tpu.memory_space<vmem_shared>>) target(%arg17 : memref<4096xf32, #tpu.memory_space<vmem>>) offsets(%arg11 : memref<4096xi32, #tpu.memory_space<vmem>>) semaphore(%arg35 : memref<!tpu.dma_semaphore, #tpu.memory_space<semaphore_mem>>)
    %scan3A = arith.constant 0 : i32
    %scan3A_46 = arith.constant 0 : i32
    %scan3A_47 = arith.constant 7 : i32
    %scan3A_48 = arith.addi %scan3A_46, %scan3A_47 : i32
    %scan3A_49 = arith.constant 1 : i32
    scf.for %scan3A_59 = %scan3A_46 to %scan3A_48 step %scan3A_49  : i32 {
      %mul3A_60 = arith.constant 2 : i32
      %mul3A_61 = arith.muli %scan3A_59, %mul3A_60 : i32
      %add3A_62 = arith.constant 0 : i32
      %add3A_63 = arith.addi %mul3A_61, %add3A_62 : i32
      %add3A_64 = arith.constant 1 : i32
      %add3A_65 = arith.addi %add3A_63, %add3A_64 : i32
      %lt3A_66 = arith.cmpi slt, %add3A_65, %select_n3A : i32
      %convert_element_type3A_67 = arith.extui %lt3A_66 : i1 to i32
      %cond3A_68 = arith.constant 0 : i32
      %cond3A_69 = arith.cmpi ne, %convert_element_type3A_67, %cond3A_68 : i32
      scf.if %cond3A_69 {
        %add3A_88 = arith.constant 1 : i32
        %add3A_89 = arith.addi %add3A_63, %add3A_88 : i32
        %mul3A_90 = arith.constant 32 : i32
        %mul3A_91 = arith.muli %add3A_89, %mul3A_90 : i32
        %add3A_92 = arith.addi %add3A, %mul3A_91 : i32
        %eq3A_93 = arith.constant 390 : i32
        %eq3A_94 = arith.cmpi eq, %add3A_92, %eq3A_93 : i32
        %mul3A_95 = arith.constant 256 : i32
        %mul3A_96 = arith.muli %add3A_92, %mul3A_95 : i32
        %jit3A_97 = arith.constant 99744 : i32
        %select_n3A_98 = arith.select %eq3A_94, %jit3A_97, %mul3A_96 : i32
        %multiple_of3A_99 = tpu.assume_multiple %select_n3A_98, 32 : i32
        %mul3A_100 = arith.constant 16 : i32
        %mul3A_101 = arith.muli %multiple_of3A_99, %mul3A_100 : i32
        %dma_start3A_102 = tpu.memref_slice %arg9[%mul3A_101] : memref<1600000xi32, #tpu.memory_space<hbm>> -> memref<4096xi32, #tpu.memory_space<hbm>>
        %dma_start3A_103 = tpu.memref_slice %arg9[%mul3A_101] : memref<1600000xi32, #tpu.memory_space<hbm>> -> memref<4096xi32, #tpu.memory_space<hbm>>
        tpu.enqueue_dma source(%dma_start3A_103 : memref<4096xi32, #tpu.memory_space<hbm>>) target(%arg12 : memref<4096xi32, #tpu.memory_space<vmem>>) target_semaphore(%arg38 : memref<!tpu.dma_semaphore, #tpu.memory_space<semaphore_mem>>)
        %mul3A_104 = arith.constant 3 : i32
        %mul3A_105 = arith.muli %multiple_of3A_99, %mul3A_104 : i32
        %mul3A_106 = arith.constant 16 : i32
        %mul3A_107 = arith.muli %multiple_of3A_99, %mul3A_106 : i32
        %mul3A_108 = arith.constant 16 : i32
        %mul3A_109 = arith.muli %multiple_of3A_99, %mul3A_108 : i32
        %dma_start3A_110 = tpu.memref_slice %arg2[%multiple_of3A_99] : memref<100000xf32, #tpu.memory_space<hbm>> -> memref<256xf32, #tpu.memory_space<hbm>>
        %dma_start3A_111 = tpu.memref_slice %arg2[%multiple_of3A_99] : memref<100000xf32, #tpu.memory_space<hbm>> -> memref<256xf32, #tpu.memory_space<hbm>>
        tpu.enqueue_dma source(%dma_start3A_111 : memref<256xf32, #tpu.memory_space<hbm>>) target(%arg20 : memref<256xf32, #tpu.memory_space<vmem>>) target_semaphore(%arg40 : memref<!tpu.dma_semaphore, #tpu.memory_space<semaphore_mem>>)
        %dma_start3A_112 = tpu.memref_slice %arg3[%multiple_of3A_99] : memref<100000xf32, #tpu.memory_space<hbm>> -> memref<256xf32, #tpu.memory_space<hbm>>
        %dma_start3A_113 = tpu.memref_slice %arg3[%multiple_of3A_99] : memref<100000xf32, #tpu.memory_space<hbm>> -> memref<256xf32, #tpu.memory_space<hbm>>
        tpu.enqueue_dma source(%dma_start3A_113 : memref<256xf32, #tpu.memory_space<hbm>>) target(%arg22 : memref<256xf32, #tpu.memory_space<vmem>>) target_semaphore(%arg40 : memref<!tpu.dma_semaphore, #tpu.memory_space<semaphore_mem>>)
        %dma_start3A_114 = tpu.memref_slice %arg4[%multiple_of3A_99] : memref<100000xf32, #tpu.memory_space<hbm>> -> memref<256xf32, #tpu.memory_space<hbm>>
        %dma_start3A_115 = tpu.memref_slice %arg4[%multiple_of3A_99] : memref<100000xf32, #tpu.memory_space<hbm>> -> memref<256xf32, #tpu.memory_space<hbm>>
        tpu.enqueue_dma source(%dma_start3A_115 : memref<256xf32, #tpu.memory_space<hbm>>) target(%arg24 : memref<256xf32, #tpu.memory_space<vmem>>) target_semaphore(%arg40 : memref<!tpu.dma_semaphore, #tpu.memory_space<semaphore_mem>>)
        %dma_start3A_116 = tpu.memref_slice %arg5[%mul3A_105] : memref<300000xf32, #tpu.memory_space<hbm>> -> memref<768xf32, #tpu.memory_space<hbm>>
        %dma_start3A_117 = tpu.memref_slice %arg5[%mul3A_105] : memref<300000xf32, #tpu.memory_space<hbm>> -> memref<768xf32, #tpu.memory_space<hbm>>
        tpu.enqueue_dma source(%dma_start3A_117 : memref<768xf32, #tpu.memory_space<hbm>>) target(%arg26 : memref<768xf32, #tpu.memory_space<vmem>>) target_semaphore(%arg40 : memref<!tpu.dma_semaphore, #tpu.memory_space<semaphore_mem>>)
        %dma_start3A_118 = tpu.memref_slice %arg6[%mul3A_107] : memref<1600000xf32, #tpu.memory_space<hbm>> -> memref<4096xf32, #tpu.memory_space<hbm>>
        %dma_start3A_119 = tpu.memref_slice %arg6[%mul3A_107] : memref<1600000xf32, #tpu.memory_space<hbm>> -> memref<4096xf32, #tpu.memory_space<hbm>>
        tpu.enqueue_dma source(%dma_start3A_119 : memref<4096xf32, #tpu.memory_space<hbm>>) target(%arg28 : memref<4096xf32, #tpu.memory_space<vmem>>) target_semaphore(%arg40 : memref<!tpu.dma_semaphore, #tpu.memory_space<semaphore_mem>>)
        %dma_start3A_120 = tpu.memref_slice %arg7[%mul3A_109] : memref<1600000xf32, #tpu.memory_space<hbm>> -> memref<4096xf32, #tpu.memory_space<hbm>>
        %dma_start3A_121 = tpu.memref_slice %arg7[%mul3A_109] : memref<1600000xf32, #tpu.memory_space<hbm>> -> memref<4096xf32, #tpu.memory_space<hbm>>
        tpu.enqueue_dma source(%dma_start3A_121 : memref<4096xf32, #tpu.memory_space<hbm>>) target(%arg30 : memref<4096xf32, #tpu.memory_space<vmem>>) target_semaphore(%arg40 : memref<!tpu.dma_semaphore, #tpu.memory_space<semaphore_mem>>)
        %dma_start3A_122 = tpu.memref_slice %arg8[%multiple_of3A_99] : memref<100000xf32, #tpu.memory_space<hbm>> -> memref<256xf32, #tpu.memory_space<hbm>>
        %dma_start3A_123 = tpu.memref_slice %arg8[%multiple_of3A_99] : memref<100000xf32, #tpu.memory_space<hbm>> -> memref<256xf32, #tpu.memory_space<hbm>>
        tpu.enqueue_dma source(%dma_start3A_123 : memref<256xf32, #tpu.memory_space<hbm>>) target(%arg32 : memref<256xf32, #tpu.memory_space<vmem>>) target_semaphore(%arg40 : memref<!tpu.dma_semaphore, #tpu.memory_space<semaphore_mem>>)
        %dma_wait3A_124 = tpu.memref_slice %arg9[%mul3A_101] : memref<1600000xi32, #tpu.memory_space<hbm>> -> memref<4096xi32, #tpu.memory_space<hbm>>
        %dma_wait3A_125 = tpu.memref_slice %arg9[%mul3A_101] : memref<1600000xi32, #tpu.memory_space<hbm>> -> memref<4096xi32, #tpu.memory_space<hbm>>
        tpu.wait_dma2 semaphore(%arg38 : memref<!tpu.dma_semaphore, #tpu.memory_space<semaphore_mem>>) src(%dma_wait3A_125 : memref<4096xi32, #tpu.memory_space<hbm>>) dst(%arg12 : memref<4096xi32, #tpu.memory_space<vmem>>)
        %dma_start3A_126 = arith.constant 0 : i32
        %dma_start3A_127 = tpu.memref_slice %arg43[%dma_start3A_126] : memref<100000xf32, #tpu.memory_space<vmem_shared>> -> memref<100000xf32, #tpu.memory_space<vmem_shared>>
        tpu.enqueue_indirect_dma source(%dma_start3A_127 : memref<100000xf32, #tpu.memory_space<vmem_shared>>) target(%arg14 : memref<4096xf32, #tpu.memory_space<vmem>>) offsets(%arg12 : memref<4096xi32, #tpu.memory_space<vmem>>) semaphore(%arg36 : memref<!tpu.dma_semaphore, #tpu.memory_space<semaphore_mem>>)
        %dma_start3A_128 = arith.constant 0 : i32
        %dma_start3A_129 = tpu.memref_slice %arg44[%dma_start3A_128] : memref<100000xf32, #tpu.memory_space<vmem_shared>> -> memref<100000xf32, #tpu.memory_space<vmem_shared>>
        tpu.enqueue_indirect_dma source(%dma_start3A_129 : memref<100000xf32, #tpu.memory_space<vmem_shared>>) target(%arg16 : memref<4096xf32, #tpu.memory_space<vmem>>) offsets(%arg12 : memref<4096xi32, #tpu.memory_space<vmem>>) semaphore(%arg36 : memref<!tpu.dma_semaphore, #tpu.memory_space<semaphore_mem>>)
        %dma_start3A_130 = arith.constant 0 : i32
        %dma_start3A_131 = tpu.memref_slice %arg45[%dma_start3A_130] : memref<100000xf32, #tpu.memory_space<vmem_shared>> -> memref<100000xf32, #tpu.memory_space<vmem_shared>>
        tpu.enqueue_indirect_dma source(%dma_start3A_131 : memref<100000xf32, #tpu.memory_space<vmem_shared>>) target(%arg18 : memref<4096xf32, #tpu.memory_space<vmem>>) offsets(%arg12 : memref<4096xi32, #tpu.memory_space<vmem>>) semaphore(%arg36 : memref<!tpu.dma_semaphore, #tpu.memory_space<semaphore_mem>>)
      } else {
      }
      %lt3A_70 = arith.cmpi slt, %add3A_63, %select_n3A : i32
      %convert_element_type3A_71 = arith.extui %lt3A_70 : i1 to i32
      %cond3A_72 = arith.constant 0 : i32
      %cond3A_73 = arith.cmpi ne, %convert_element_type3A_71, %cond3A_72 : i32
      scf.if %cond3A_73 {
        %mul3A_88 = arith.constant 32 : i32
        %mul3A_89 = arith.muli %add3A_63, %mul3A_88 : i32
        %add3A_90 = arith.addi %add3A, %mul3A_89 : i32
        %eq3A_91 = arith.constant 390 : i32
        %eq3A_92 = arith.cmpi eq, %add3A_90, %eq3A_91 : i32
        %mul3A_93 = arith.constant 256 : i32
        %mul3A_94 = arith.muli %add3A_90, %mul3A_93 : i32
        %jit3A_95 = arith.constant 99744 : i32
        %select_n3A_96 = arith.select %eq3A_92, %jit3A_95, %mul3A_94 : i32
        %multiple_of3A_97 = tpu.assume_multiple %select_n3A_96, 32 : i32
        %dma_wait3A_98 = arith.constant 0 : i32
        %dma_wait3A_99 = tpu.memref_slice %arg43[%dma_wait3A_98] : memref<100000xf32, #tpu.memory_space<vmem_shared>> -> memref<100000xf32, #tpu.memory_space<vmem_shared>>
        tpu.wait_indirect_dma semaphore(%arg35 : memref<!tpu.dma_semaphore, #tpu.memory_space<semaphore_mem>>) src(%dma_wait3A_99 : memref<100000xf32, #tpu.memory_space<vmem_shared>>) dst(%arg13 : memref<4096xf32, #tpu.memory_space<vmem>>)
        %dma_wait3A_100 = arith.constant 0 : i32
        %dma_wait3A_101 = tpu.memref_slice %arg43[%dma_wait3A_100] : memref<100000xf32, #tpu.memory_space<vmem_shared>> -> memref<100000xf32, #tpu.memory_space<vmem_shared>>
        tpu.wait_indirect_dma semaphore(%arg35 : memref<!tpu.dma_semaphore, #tpu.memory_space<semaphore_mem>>) src(%dma_wait3A_101 : memref<100000xf32, #tpu.memory_space<vmem_shared>>) dst(%arg15 : memref<4096xf32, #tpu.memory_space<vmem>>)
        %dma_wait3A_102 = arith.constant 0 : i32
        %dma_wait3A_103 = tpu.memref_slice %arg43[%dma_wait3A_102] : memref<100000xf32, #tpu.memory_space<vmem_shared>> -> memref<100000xf32, #tpu.memory_space<vmem_shared>>
        tpu.wait_indirect_dma semaphore(%arg35 : memref<!tpu.dma_semaphore, #tpu.memory_space<semaphore_mem>>) src(%dma_wait3A_103 : memref<100000xf32, #tpu.memory_space<vmem_shared>>) dst(%arg17 : memref<4096xf32, #tpu.memory_space<vmem>>)
        %mul3A_104 = arith.constant 3 : i32
        %mul3A_105 = arith.muli %multiple_of3A_97, %mul3A_104 : i32
        %mul3A_106 = arith.constant 16 : i32
        %mul3A_107 = arith.muli %multiple_of3A_97, %mul3A_106 : i32
        %mul3A_108 = arith.constant 16 : i32
        %mul3A_109 = arith.muli %multiple_of3A_97, %mul3A_108 : i32
        %dma_wait3A_110 = tpu.memref_slice %arg2[%multiple_of3A_97] : memref<100000xf32, #tpu.memory_space<hbm>> -> memref<256xf32, #tpu.memory_space<hbm>>
        %dma_wait3A_111 = tpu.memref_slice %arg2[%multiple_of3A_97] : memref<100000xf32, #tpu.memory_space<hbm>> -> memref<256xf32, #tpu.memory_space<hbm>>
        tpu.wait_dma2 semaphore(%arg39 : memref<!tpu.dma_semaphore, #tpu.memory_space<semaphore_mem>>) src(%dma_wait3A_111 : memref<256xf32, #tpu.memory_space<hbm>>) dst(%arg19 : memref<256xf32, #tpu.memory_space<vmem>>)
        %dma_wait3A_112 = tpu.memref_slice %arg3[%multiple_of3A_97] : memref<100000xf32, #tpu.memory_space<hbm>> -> memref<256xf32, #tpu.memory_space<hbm>>
        %dma_wait3A_113 = tpu.memref_slice %arg3[%multiple_of3A_97] : memref<100000xf32, #tpu.memory_space<hbm>> -> memref<256xf32, #tpu.memory_space<hbm>>
        tpu.wait_dma2 semaphore(%arg39 : memref<!tpu.dma_semaphore, #tpu.memory_space<semaphore_mem>>) src(%dma_wait3A_113 : memref<256xf32, #tpu.memory_space<hbm>>) dst(%arg21 : memref<256xf32, #tpu.memory_space<vmem>>)
        %dma_wait3A_114 = tpu.memref_slice %arg4[%multiple_of3A_97] : memref<100000xf32, #tpu.memory_space<hbm>> -> memref<256xf32, #tpu.memory_space<hbm>>
        %dma_wait3A_115 = tpu.memref_slice %arg4[%multiple_of3A_97] : memref<100000xf32, #tpu.memory_space<hbm>> -> memref<256xf32, #tpu.memory_space<hbm>>
        tpu.wait_dma2 semaphore(%arg39 : memref<!tpu.dma_semaphore, #tpu.memory_space<semaphore_mem>>) src(%dma_wait3A_115 : memref<256xf32, #tpu.memory_space<hbm>>) dst(%arg23 : memref<256xf32, #tpu.memory_space<vmem>>)
        %dma_wait3A_116 = tpu.memref_slice %arg5[%mul3A_105] : memref<300000xf32, #tpu.memory_space<hbm>> -> memref<768xf32, #tpu.memory_space<hbm>>
        %dma_wait3A_117 = tpu.memref_slice %arg5[%mul3A_105] : memref<300000xf32, #tpu.memory_space<hbm>> -> memref<768xf32, #tpu.memory_space<hbm>>
        tpu.wait_dma2 semaphore(%arg39 : memref<!tpu.dma_semaphore, #tpu.memory_space<semaphore_mem>>) src(%dma_wait3A_117 : memref<768xf32, #tpu.memory_space<hbm>>) dst(%arg25 : memref<768xf32, #tpu.memory_space<vmem>>)
        %dma_wait3A_118 = tpu.memref_slice %arg6[%mul3A_107] : memref<1600000xf32, #tpu.memory_space<hbm>> -> memref<4096xf32, #tpu.memory_space<hbm>>
        %dma_wait3A_119 = tpu.memref_slice %arg6[%mul3A_107] : memref<1600000xf32, #tpu.memory_space<hbm>> -> memref<4096xf32, #tpu.memory_space<hbm>>
        tpu.wait_dma2 semaphore(%arg39 : memref<!tpu.dma_semaphore, #tpu.memory_space<semaphore_mem>>) src(%dma_wait3A_119 : memref<4096xf32, #tpu.memory_space<hbm>>) dst(%arg27 : memref<4096xf32, #tpu.memory_space<vmem>>)
        %dma_wait3A_120 = tpu.memref_slice %arg7[%mul3A_109] : memref<1600000xf32, #tpu.memory_space<hbm>> -> memref<4096xf32, #tpu.memory_space<hbm>>
        %dma_wait3A_121 = tpu.memref_slice %arg7[%mul3A_109] : memref<1600000xf32, #tpu.memory_space<hbm>> -> memref<4096xf32, #tpu.memory_space<hbm>>
        tpu.wait_dma2 semaphore(%arg39 : memref<!tpu.dma_semaphore, #tpu.memory_space<semaphore_mem>>) src(%dma_wait3A_121 : memref<4096xf32, #tpu.memory_space<hbm>>) dst(%arg29 : memref<4096xf32, #tpu.memory_space<vmem>>)
        %dma_wait3A_122 = tpu.memref_slice %arg8[%multiple_of3A_97] : memref<100000xf32, #tpu.memory_space<hbm>> -> memref<256xf32, #tpu.memory_space<hbm>>
        %dma_wait3A_123 = tpu.memref_slice %arg8[%multiple_of3A_97] : memref<100000xf32, #tpu.memory_space<hbm>> -> memref<256xf32, #tpu.memory_space<hbm>>
        tpu.wait_dma2 semaphore(%arg39 : memref<!tpu.dma_semaphore, #tpu.memory_space<semaphore_mem>>) src(%dma_wait3A_123 : memref<256xf32, #tpu.memory_space<hbm>>) dst(%arg31 : memref<256xf32, #tpu.memory_space<vmem>>)
        %ge3A = arith.constant 2 : i32
        %ge3A_124 = arith.cmpi sge, %add3A_63, %ge3A : i32
        %convert_element_type3A_125 = arith.extui %ge3A_124 : i1 to i32
        %cond3A_126 = arith.constant 0 : i32
        %cond3A_127 = arith.cmpi ne, %convert_element_type3A_125, %cond3A_126 : i32
        scf.if %cond3A_127 {
          %mul3A_138 = arith.constant 6 : i32
          %mul3A_139 = arith.muli %multiple_of3A_97, %mul3A_138 : i32
          %dma_wait3A_140 = tpu.memref_slice %arg10[%mul3A_139] : memref<600000xf32, #tpu.memory_space<hbm>> -> memref<1536xf32, #tpu.memory_space<hbm>>
          %dma_wait3A_141 = tpu.memref_slice %arg10[%mul3A_139] : memref<600000xf32, #tpu.memory_space<hbm>> -> memref<1536xf32, #tpu.memory_space<hbm>>
          tpu.wait_dma2 semaphore(%arg41 : memref<!tpu.dma_semaphore, #tpu.memory_space<semaphore_mem>>) src(%arg33 : memref<1536xf32, #tpu.memory_space<vmem>>) dst(%dma_wait3A_141 : memref<1536xf32, #tpu.memory_space<hbm>>)
        } else {
        }
        %scan3A_128 = arith.constant 0 : i32
        %scan3A_129 = arith.constant 0 : i32
        %scan3A_130 = arith.constant 16 : i32
        %scan3A_131 = arith.addi %scan3A_129, %scan3A_130 : i32
        %scan3A_132 = arith.constant 1 : i32
        scf.for %scan3A_138 = %scan3A_129 to %scan3A_131 step %scan3A_132  : i32 {
          %mul3A_139 = arith.constant 16 : i32
          %mul3A_140 = arith.muli %scan3A_138, %mul3A_139 : i32
          %add3A_141 = vector.broadcast %mul3A_140 : i32 to vector<16xi32>
          %add3A_142 = arith.addi %add3A_141, %iota3A : vector<16xi32>
          %gather3A = tpu.vector_load_idx %arg19[%add3A_142] : memref<256xf32, #tpu.memory_space<vmem>>[vector<16xi32>], vector<16xf32>,
          %gather3A_143 = tpu.vector_load_idx %arg21[%add3A_142] : memref<256xf32, #tpu.memory_space<vmem>>[vector<16xi32>], vector<16xf32>,
          %gather3A_144 = tpu.vector_load_idx %arg23[%add3A_142] : memref<256xf32, #tpu.memory_space<vmem>>[vector<16xi32>], vector<16xf32>,
          %mul3A_145 = arith.constant 3 : i32
          %mul3A_146 = vector.broadcast %mul3A_145 : i32 to vector<16xi32>
          %mul3A_147 = arith.muli %add3A_142, %mul3A_146 : vector<16xi32>
          %gather3A_148 = tpu.vector_load_idx %arg25[%mul3A_147] : memref<768xf32, #tpu.memory_space<vmem>>[vector<16xi32>], vector<16xf32>,
          %add3A_149 = arith.constant 1 : i32
          %add3A_150 = vector.broadcast %add3A_149 : i32 to vector<16xi32>
          %add3A_151 = arith.addi %mul3A_147, %add3A_150 : vector<16xi32>
          %gather3A_152 = tpu.vector_load_idx %arg25[%add3A_151] : memref<768xf32, #tpu.memory_space<vmem>>[vector<16xi32>], vector<16xf32>,
          %add3A_153 = arith.constant 2 : i32
          %add3A_154 = vector.broadcast %add3A_153 : i32 to vector<16xi32>
          %add3A_155 = arith.addi %mul3A_147, %add3A_154 : vector<16xi32>
          %gather3A_156 = tpu.vector_load_idx %arg25[%add3A_155] : memref<768xf32, #tpu.memory_space<vmem>>[vector<16xi32>], vector<16xf32>,
          %gather3A_157 = tpu.vector_load_idx %arg31[%add3A_142] : memref<256xf32, #tpu.memory_space<vmem>>[vector<16xi32>], vector<16xf32>,
          %broadcast_in_dim3A = arith.constant 0.000000e+00 : f32
          %broadcast_in_dim3A_158 = vector.broadcast %broadcast_in_dim3A : f32 to vector<16xf32>
          %broadcast_in_dim3A_159 = arith.constant 0.000000e+00 : f32
          %broadcast_in_dim3A_160 = vector.broadcast %broadcast_in_dim3A_159 : f32 to vector<16xf32>
          %broadcast_in_dim3A_161 = arith.constant 0.000000e+00 : f32
          %broadcast_in_dim3A_162 = vector.broadcast %broadcast_in_dim3A_161 : f32 to vector<16xf32>
          %mul3A_163 = arith.constant 16 : i32
          %mul3A_164 = vector.broadcast %mul3A_163 : i32 to vector<16xi32>
          %mul3A_165 = arith.muli %add3A_142, %mul3A_164 : vector<16xi32>
          %add3A_166 = arith.constant 0 : i32
          %add3A_167 = vector.broadcast %add3A_166 : i32 to vector<16xi32>
          %add3A_168 = arith.addi %mul3A_165, %add3A_167 : vector<16xi32>
          %gather3A_169 = tpu.vector_load_idx %arg13[%add3A_168] : memref<4096xf32, #tpu.memory_space<vmem>>[vector<16xi32>], vector<16xf32>,
          %gather3A_170 = tpu.vector_load_idx %arg15[%add3A_168] : memref<4096xf32, #tpu.memory_space<vmem>>[vector<16xi32>], vector<16xf32>,
          %gather3A_171 = tpu.vector_load_idx %arg17[%add3A_168] : memref<4096xf32, #tpu.memory_space<vmem>>[vector<16xi32>], vector<16xf32>,
          %gather3A_172 = tpu.vector_load_idx %arg27[%add3A_168] : memref<4096xf32, #tpu.memory_space<vmem>>[vector<16xi32>], vector<16xf32>,
          %gather3A_173 = tpu.vector_load_idx %arg29[%add3A_168] : memref<4096xf32, #tpu.memory_space<vmem>>[vector<16xi32>], vector<16xf32>,
          %sub3A = arith.subf %gather3A_169, %gather3A : vector<16xf32>
          %sub3A_174 = arith.subf %gather3A_170, %gather3A_143 : vector<16xf32>
          %sub3A_175 = arith.subf %gather3A_171, %gather3A_144 : vector<16xf32>
          %mul3A_176 = arith.mulf %sub3A, %sub3A : vector<16xf32>
          %mul3A_177 = arith.mulf %sub3A_174, %sub3A_174 : vector<16xf32>
          %add3A_178 = arith.addf %mul3A_176, %mul3A_177 : vector<16xf32>
          %mul3A_179 = arith.mulf %sub3A_175, %sub3A_175 : vector<16xf32>
          %add3A_180 = arith.addf %add3A_178, %mul3A_179 : vector<16xf32>
          %add3A_181 = arith.constant 9.99999982E-15 : f32
          %add3A_182 = vector.broadcast %add3A_181 : f32 to vector<16xf32>
          %add3A_183 = arith.addf %add3A_180, %add3A_182 : vector<16xf32>
          %bitcast_convert_type3A = tpu.bitcast %add3A_183 : vector<16xf32> -> vector<16xi32>
          %shift_right_logical3A = arith.constant 1 : i32
          %shift_right_logical3A_184 = vector.broadcast %shift_right_logical3A : i32 to vector<16xi32>
          %shift_right_logical3A_185 = arith.shrui %bitcast_convert_type3A, %shift_right_logical3A_184 : vector<16xi32>
          %sub3A_186 = arith.constant 1597463007 : i32
          %sub3A_187 = vector.broadcast %sub3A_186 : i32 to vector<16xi32>
          %sub3A_188 = arith.subi %sub3A_187, %shift_right_logical3A_185 : vector<16xi32>
          %bitcast_convert_type3A_189 = tpu.bitcast %sub3A_188 : vector<16xi32> -> vector<16xf32>
          %mul3A_190 = arith.constant 5.000000e-01 : f32
          %mul3A_191 = vector.broadcast %mul3A_190 : f32 to vector<16xf32>
          %mul3A_192 = arith.mulf %mul3A_191, %add3A_183 : vector<16xf32>
          %mul3A_193 = arith.mulf %mul3A_192, %bitcast_convert_type3A_189 : vector<16xf32>
          %mul3A_194 = arith.mulf %mul3A_193, %bitcast_convert_type3A_189 : vector<16xf32>
          %sub3A_195 = arith.constant 1.500000e+00 : f32
          %sub3A_196 = vector.broadcast %sub3A_195 : f32 to vector<16xf32>
          %sub3A_197 = arith.subf %sub3A_196, %mul3A_194 : vector<16xf32>
          %mul3A_198 = arith.mulf %bitcast_convert_type3A_189, %sub3A_197 : vector<16xf32>
          %mul3A_199 = arith.constant 5.000000e-01 : f32
          %mul3A_200 = vector.broadcast %mul3A_199 : f32 to vector<16xf32>
          %mul3A_201 = arith.mulf %mul3A_200, %add3A_183 : vector<16xf32>
          %mul3A_202 = arith.mulf %mul3A_201, %mul3A_198 : vector<16xf32>
          %mul3A_203 = arith.mulf %mul3A_202, %mul3A_198 : vector<16xf32>
          %sub3A_204 = arith.constant 1.500000e+00 : f32
          %sub3A_205 = vector.broadcast %sub3A_204 : f32 to vector<16xf32>
          %sub3A_206 = arith.subf %sub3A_205, %mul3A_203 : vector<16xf32>
          %mul3A_207 = arith.mulf %mul3A_198, %sub3A_206 : vector<16xf32>
          %mul3A_208 = arith.constant 5.000000e-01 : f32
          %mul3A_209 = vector.broadcast %mul3A_208 : f32 to vector<16xf32>
          %mul3A_210 = arith.mulf %mul3A_209, %add3A_183 : vector<16xf32>
          %mul3A_211 = arith.mulf %mul3A_210, %mul3A_207 : vector<16xf32>
          %mul3A_212 = arith.mulf %mul3A_211, %mul3A_207 : vector<16xf32>
          %sub3A_213 = arith.constant 1.500000e+00 : f32
          %sub3A_214 = vector.broadcast %sub3A_213 : f32 to vector<16xf32>
          %sub3A_215 = arith.subf %sub3A_214, %mul3A_212 : vector<16xf32>
          %mul3A_216 = arith.mulf %mul3A_207, %sub3A_215 : vector<16xf32>
          %mul3A_217 = arith.mulf %add3A_183, %mul3A_216 : vector<16xf32>
          %sub3A_218 = arith.subf %mul3A_217, %gather3A_172 : vector<16xf32>
          %mul3A_219 = arith.constant 2.30258512 : f32
          %mul3A_220 = vector.broadcast %mul3A_219 : f32 to vector<16xf32>
          %mul3A_221 = arith.mulf %mul3A_220, %gather3A_173 : vector<16xf32>
          %exp3A = math.exp %mul3A_221 : vector<16xf32>
          %abs3A = math.absf %sub3A_218 : vector<16xf32>
          %add3A_222 = arith.constant 9.99999982E-15 : f32
          %add3A_223 = vector.broadcast %add3A_222 : f32 to vector<16xf32>
          %add3A_224 = arith.addf %abs3A, %add3A_223 : vector<16xf32>
          %bitcast_convert_type3A_225 = tpu.bitcast %add3A_224 : vector<16xf32> -> vector<16xi32>
          %shift_right_logical3A_226 = arith.constant 1 : i32
          %shift_right_logical3A_227 = vector.broadcast %shift_right_logical3A_226 : i32 to vector<16xi32>
          %shift_right_logical3A_228 = arith.shrui %bitcast_convert_type3A_225, %shift_right_logical3A_227 : vector<16xi32>
          %sub3A_229 = arith.constant 1597463007 : i32
          %sub3A_230 = vector.broadcast %sub3A_229 : i32 to vector<16xi32>
          %sub3A_231 = arith.subi %sub3A_230, %shift_right_logical3A_228 : vector<16xi32>
          %bitcast_convert_type3A_232 = tpu.bitcast %sub3A_231 : vector<16xi32> -> vector<16xf32>
          %mul3A_233 = arith.constant 5.000000e-01 : f32
          %mul3A_234 = vector.broadcast %mul3A_233 : f32 to vector<16xf32>
          %mul3A_235 = arith.mulf %mul3A_234, %add3A_224 : vector<16xf32>
          %mul3A_236 = arith.mulf %mul3A_235, %bitcast_convert_type3A_232 : vector<16xf32>
          %mul3A_237 = arith.mulf %mul3A_236, %bitcast_convert_type3A_232 : vector<16xf32>
          %sub3A_238 = arith.constant 1.500000e+00 : f32
          %sub3A_239 = vector.broadcast %sub3A_238 : f32 to vector<16xf32>
          %sub3A_240 = arith.subf %sub3A_239, %mul3A_237 : vector<16xf32>
          %mul3A_241 = arith.mulf %bitcast_convert_type3A_232, %sub3A_240 : vector<16xf32>
          %mul3A_242 = arith.constant 5.000000e-01 : f32
          %mul3A_243 = vector.broadcast %mul3A_242 : f32 to vector<16xf32>
          %mul3A_244 = arith.mulf %mul3A_243, %add3A_224 : vector<16xf32>
          %mul3A_245 = arith.mulf %mul3A_244, %mul3A_241 : vector<16xf32>
          %mul3A_246 = arith.mulf %mul3A_245, %mul3A_241 : vector<16xf32>
          %sub3A_247 = arith.constant 1.500000e+00 : f32
          %sub3A_248 = vector.broadcast %sub3A_247 : f32 to vector<16xf32>
          %sub3A_249 = arith.subf %sub3A_248, %mul3A_246 : vector<16xf32>
          %mul3A_250 = arith.mulf %mul3A_241, %sub3A_249 : vector<16xf32>
          %mul3A_251 = arith.constant 5.000000e-01 : f32
          %mul3A_252 = vector.broadcast %mul3A_251 : f32 to vector<16xf32>
          %mul3A_253 = arith.mulf %mul3A_252, %add3A_224 : vector<16xf32>
          %mul3A_254 = arith.mulf %mul3A_253, %mul3A_250 : vector<16xf32>
          %mul3A_255 = arith.mulf %mul3A_254, %mul3A_250 : vector<16xf32>
          %sub3A_256 = arith.constant 1.500000e+00 : f32
          %sub3A_257 = vector.broadcast %sub3A_256 : f32 to vector<16xf32>
          %sub3A_258 = arith.subf %sub3A_257, %mul3A_255 : vector<16xf32>
          %mul3A_259 = arith.mulf %mul3A_250, %sub3A_258 : vector<16xf32>
          %mul3A_260 = arith.mulf %add3A_224, %mul3A_259 : vector<16xf32>
          %sign3A = tpu.bitcast %sub3A_218 : vector<16xf32> -> vector<16xi32>
          %sign3A_261 = arith.constant -2147483648 : i32
          %sign3A_262 = vector.broadcast %sign3A_261 : i32 to vector<16xi32>
          %sign3A_263 = arith.andi %sign3A, %sign3A_262 : vector<16xi32>
          %sign3A_264 = arith.constant 1065353216 : i32
          %sign3A_265 = vector.broadcast %sign3A_264 : i32 to vector<16xi32>
          %sign3A_266 = arith.ori %sign3A_265, %sign3A_263 : vector<16xi32>
          %sign3A_267 = tpu.bitcast %sign3A_266 : vector<16xi32> -> vector<16xf32>
          %sign3A_268 = math.absf %sub3A_218 : vector<16xf32>
          %sign3A_269 = arith.constant 0.000000e+00 : f32
          %sign3A_270 = vector.broadcast %sign3A_269 : f32 to vector<16xf32>
          %sign3A_271 = arith.cmpf ogt, %sign3A_268, %sign3A_270 : vector<16xf32>
          %sign3A_272 = arith.select %sign3A_271, %sign3A_267, %sub3A_218 : vector<16xi1>, vector<16xf32>
          %mul3A_273 = arith.mulf %exp3A, %sign3A_272 : vector<16xf32>
          %mul3A_274 = arith.mulf %mul3A_273, %mul3A_260 : vector<16xf32>
          %mul3A_275 = arith.mulf %mul3A_274, %mul3A_216 : vector<16xf32>
          %mul3A_276 = arith.mulf %mul3A_275, %sub3A : vector<16xf32>
          %add3A_277 = arith.addf %broadcast_in_dim3A_158, %mul3A_276 : vector<16xf32>
          %mul3A_278 = arith.mulf %mul3A_275, %sub3A_174 : vector<16xf32>
          %add3A_279 = arith.addf %broadcast_in_dim3A_160, %mul3A_278 : vector<16xf32>
          %mul3A_280 = arith.mulf %mul3A_275, %sub3A_175 : vector<16xf32>
          %add3A_281 = arith.addf %broadcast_in_dim3A_162, %mul3A_280 : vector<16xf32>
          %add3A_282 = arith.constant 1 : i32
          %add3A_283 = vector.broadcast %add3A_282 : i32 to vector<16xi32>
          %add3A_284 = arith.addi %mul3A_165, %add3A_283 : vector<16xi32>
          %gather3A_285 = tpu.vector_load_idx %arg13[%add3A_284] : memref<4096xf32, #tpu.memory_space<vmem>>[vector<16xi32>], vector<16xf32>,
          %gather3A_286 = tpu.vector_load_idx %arg15[%add3A_284] : memref<4096xf32, #tpu.memory_space<vmem>>[vector<16xi32>], vector<16xf32>,
          %gather3A_287 = tpu.vector_load_idx %arg17[%add3A_284] : memref<4096xf32, #tpu.memory_space<vmem>>[vector<16xi32>], vector<16xf32>,
          %gather3A_288 = tpu.vector_load_idx %arg27[%add3A_284] : memref<4096xf32, #tpu.memory_space<vmem>>[vector<16xi32>], vector<16xf32>,
          %gather3A_289 = tpu.vector_load_idx %arg29[%add3A_284] : memref<4096xf32, #tpu.memory_space<vmem>>[vector<16xi32>], vector<16xf32>,
          %sub3A_290 = arith.subf %gather3A_285, %gather3A : vector<16xf32>
          %sub3A_291 = arith.subf %gather3A_286, %gather3A_143 : vector<16xf32>
          %sub3A_292 = arith.subf %gather3A_287, %gather3A_144 : vector<16xf32>
          %mul3A_293 = arith.mulf %sub3A_290, %sub3A_290 : vector<16xf32>
          %mul3A_294 = arith.mulf %sub3A_291, %sub3A_291 : vector<16xf32>
          %add3A_295 = arith.addf %mul3A_293, %mul3A_294 : vector<16xf32>
          %mul3A_296 = arith.mulf %sub3A_292, %sub3A_292 : vector<16xf32>
          %add3A_297 = arith.addf %add3A_295, %mul3A_296 : vector<16xf32>
          %add3A_298 = arith.constant 9.99999982E-15 : f32
          %add3A_299 = vector.broadcast %add3A_298 : f32 to vector<16xf32>
          %add3A_300 = arith.addf %add3A_297, %add3A_299 : vector<16xf32>
          %bitcast_convert_type3A_301 = tpu.bitcast %add3A_300 : vector<16xf32> -> vector<16xi32>
          %shift_right_logical3A_302 = arith.constant 1 : i32
          %shift_right_logical3A_303 = vector.broadcast %shift_right_logical3A_302 : i32 to vector<16xi32>
          %shift_right_logical3A_304 = arith.shrui %bitcast_convert_type3A_301, %shift_right_logical3A_303 : vector<16xi32>
          %sub3A_305 = arith.constant 1597463007 : i32
          %sub3A_306 = vector.broadcast %sub3A_305 : i32 to vector<16xi32>
          %sub3A_307 = arith.subi %sub3A_306, %shift_right_logical3A_304 : vector<16xi32>
          %bitcast_convert_type3A_308 = tpu.bitcast %sub3A_307 : vector<16xi32> -> vector<16xf32>
          %mul3A_309 = arith.constant 5.000000e-01 : f32
          %mul3A_310 = vector.broadcast %mul3A_309 : f32 to vector<16xf32>
          %mul3A_311 = arith.mulf %mul3A_310, %add3A_300 : vector<16xf32>
          %mul3A_312 = arith.mulf %mul3A_311, %bitcast_convert_type3A_308 : vector<16xf32>
          %mul3A_313 = arith.mulf %mul3A_312, %bitcast_convert_type3A_308 : vector<16xf32>
          %sub3A_314 = arith.constant 1.500000e+00 : f32
          %sub3A_315 = vector.broadcast %sub3A_314 : f32 to vector<16xf32>
          %sub3A_316 = arith.subf %sub3A_315, %mul3A_313 : vector<16xf32>
          %mul3A_317 = arith.mulf %bitcast_convert_type3A_308, %sub3A_316 : vector<16xf32>
          %mul3A_318 = arith.constant 5.000000e-01 : f32
          %mul3A_319 = vector.broadcast %mul3A_318 : f32 to vector<16xf32>
          %mul3A_320 = arith.mulf %mul3A_319, %add3A_300 : vector<16xf32>
          %mul3A_321 = arith.mulf %mul3A_320, %mul3A_317 : vector<16xf32>
          %mul3A_322 = arith.mulf %mul3A_321, %mul3A_317 : vector<16xf32>
          %sub3A_323 = arith.constant 1.500000e+00 : f32
          %sub3A_324 = vector.broadcast %sub3A_323 : f32 to vector<16xf32>
          %sub3A_325 = arith.subf %sub3A_324, %mul3A_322 : vector<16xf32>
          %mul3A_326 = arith.mulf %mul3A_317, %sub3A_325 : vector<16xf32>
          %mul3A_327 = arith.constant 5.000000e-01 : f32
          %mul3A_328 = vector.broadcast %mul3A_327 : f32 to vector<16xf32>
          %mul3A_329 = arith.mulf %mul3A_328, %add3A_300 : vector<16xf32>
          %mul3A_330 = arith.mulf %mul3A_329, %mul3A_326 : vector<16xf32>
          %mul3A_331 = arith.mulf %mul3A_330, %mul3A_326 : vector<16xf32>
          %sub3A_332 = arith.constant 1.500000e+00 : f32
          %sub3A_333 = vector.broadcast %sub3A_332 : f32 to vector<16xf32>
          %sub3A_334 = arith.subf %sub3A_333, %mul3A_331 : vector<16xf32>
          %mul3A_335 = arith.mulf %mul3A_326, %sub3A_334 : vector<16xf32>
          %mul3A_336 = arith.mulf %add3A_300, %mul3A_335 : vector<16xf32>
          %sub3A_337 = arith.subf %mul3A_336, %gather3A_288 : vector<16xf32>
          %mul3A_338 = arith.constant 2.30258512 : f32
          %mul3A_339 = vector.broadcast %mul3A_338 : f32 to vector<16xf32>
          %mul3A_340 = arith.mulf %mul3A_339, %gather3A_289 : vector<16xf32>
          %exp3A_341 = math.exp %mul3A_340 : vector<16xf32>
          %abs3A_342 = math.absf %sub3A_337 : vector<16xf32>
          %add3A_343 = arith.constant 9.99999982E-15 : f32
          %add3A_344 = vector.broadcast %add3A_343 : f32 to vector<16xf32>
          %add3A_345 = arith.addf %abs3A_342, %add3A_344 : vector<16xf32>
          %bitcast_convert_type3A_346 = tpu.bitcast %add3A_345 : vector<16xf32> -> vector<16xi32>
          %shift_right_logical3A_347 = arith.constant 1 : i32
          %shift_right_logical3A_348 = vector.broadcast %shift_right_logical3A_347 : i32 to vector<16xi32>
          %shift_right_logical3A_349 = arith.shrui %bitcast_convert_type3A_346, %shift_right_logical3A_348 : vector<16xi32>
          %sub3A_350 = arith.constant 1597463007 : i32
          %sub3A_351 = vector.broadcast %sub3A_350 : i32 to vector<16xi32>
          %sub3A_352 = arith.subi %sub3A_351, %shift_right_logical3A_349 : vector<16xi32>
          %bitcast_convert_type3A_353 = tpu.bitcast %sub3A_352 : vector<16xi32> -> vector<16xf32>
          %mul3A_354 = arith.constant 5.000000e-01 : f32
          %mul3A_355 = vector.broadcast %mul3A_354 : f32 to vector<16xf32>
          %mul3A_356 = arith.mulf %mul3A_355, %add3A_345 : vector<16xf32>
          %mul3A_357 = arith.mulf %mul3A_356, %bitcast_convert_type3A_353 : vector<16xf32>
          %mul3A_358 = arith.mulf %mul3A_357, %bitcast_convert_type3A_353 : vector<16xf32>
          %sub3A_359 = arith.constant 1.500000e+00 : f32
          %sub3A_360 = vector.broadcast %sub3A_359 : f32 to vector<16xf32>
          %sub3A_361 = arith.subf %sub3A_360, %mul3A_358 : vector<16xf32>
          %mul3A_362 = arith.mulf %bitcast_convert_type3A_353, %sub3A_361 : vector<16xf32>
          %mul3A_363 = arith.constant 5.000000e-01 : f32
          %mul3A_364 = vector.broadcast %mul3A_363 : f32 to vector<16xf32>
          %mul3A_365 = arith.mulf %mul3A_364, %add3A_345 : vector<16xf32>
          %mul3A_366 = arith.mulf %mul3A_365, %mul3A_362 : vector<16xf32>
          %mul3A_367 = arith.mulf %mul3A_366, %mul3A_362 : vector<16xf32>
          %sub3A_368 = arith.constant 1.500000e+00 : f32
          %sub3A_369 = vector.broadcast %sub3A_368 : f32 to vector<16xf32>
          %sub3A_370 = arith.subf %sub3A_369, %mul3A_367 : vector<16xf32>
          %mul3A_371 = arith.mulf %mul3A_362, %sub3A_370 : vector<16xf32>
          %mul3A_372 = arith.constant 5.000000e-01 : f32
          %mul3A_373 = vector.broadcast %mul3A_372 : f32 to vector<16xf32>
          %mul3A_374 = arith.mulf %mul3A_373, %add3A_345 : vector<16xf32>
          %mul3A_375 = arith.mulf %mul3A_374, %mul3A_371 : vector<16xf32>
          %mul3A_376 = arith.mulf %mul3A_375, %mul3A_371 : vector<16xf32>
          %sub3A_377 = arith.constant 1.500000e+00 : f32
          %sub3A_378 = vector.broadcast %sub3A_377 : f32 to vector<16xf32>
          %sub3A_379 = arith.subf %sub3A_378, %mul3A_376 : vector<16xf32>
          %mul3A_380 = arith.mulf %mul3A_371, %sub3A_379 : vector<16xf32>
          %mul3A_381 = arith.mulf %add3A_345, %mul3A_380 : vector<16xf32>
          %sign3A_382 = tpu.bitcast %sub3A_337 : vector<16xf32> -> vector<16xi32>
          %sign3A_383 = arith.constant -2147483648 : i32
          %sign3A_384 = vector.broadcast %sign3A_383 : i32 to vector<16xi32>
          %sign3A_385 = arith.andi %sign3A_382, %sign3A_384 : vector<16xi32>
          %sign3A_386 = arith.constant 1065353216 : i32
          %sign3A_387 = vector.broadcast %sign3A_386 : i32 to vector<16xi32>
          %sign3A_388 = arith.ori %sign3A_387, %sign3A_385 : vector<16xi32>
          %sign3A_389 = tpu.bitcast %sign3A_388 : vector<16xi32> -> vector<16xf32>
          %sign3A_390 = math.absf %sub3A_337 : vector<16xf32>
          %sign3A_391 = arith.constant 0.000000e+00 : f32
          %sign3A_392 = vector.broadcast %sign3A_391 : f32 to vector<16xf32>
          %sign3A_393 = arith.cmpf ogt, %sign3A_390, %sign3A_392 : vector<16xf32>
          %sign3A_394 = arith.select %sign3A_393, %sign3A_389, %sub3A_337 : vector<16xi1>, vector<16xf32>
          %mul3A_395 = arith.mulf %exp3A_341, %sign3A_394 : vector<16xf32>
          %mul3A_396 = arith.mulf %mul3A_395, %mul3A_381 : vector<16xf32>
          %mul3A_397 = arith.mulf %mul3A_396, %mul3A_335 : vector<16xf32>
          %mul3A_398 = arith.mulf %mul3A_397, %sub3A_290 : vector<16xf32>
          %add3A_399 = arith.addf %add3A_277, %mul3A_398 : vector<16xf32>
          %mul3A_400 = arith.mulf %mul3A_397, %sub3A_291 : vector<16xf32>
          %add3A_401 = arith.addf %add3A_279, %mul3A_400 : vector<16xf32>
          %mul3A_402 = arith.mulf %mul3A_397, %sub3A_292 : vector<16xf32>
          %add3A_403 = arith.addf %add3A_281, %mul3A_402 : vector<16xf32>
          %add3A_404 = arith.constant 2 : i32
          %add3A_405 = vector.broadcast %add3A_404 : i32 to vector<16xi32>
          %add3A_406 = arith.addi %mul3A_165, %add3A_405 : vector<16xi32>
          %gather3A_407 = tpu.vector_load_idx %arg13[%add3A_406] : memref<4096xf32, #tpu.memory_space<vmem>>[vector<16xi32>], vector<16xf32>,
          %gather3A_408 = tpu.vector_load_idx %arg15[%add3A_406] : memref<4096xf32, #tpu.memory_space<vmem>>[vector<16xi32>], vector<16xf32>,
          %gather3A_409 = tpu.vector_load_idx %arg17[%add3A_406] : memref<4096xf32, #tpu.memory_space<vmem>>[vector<16xi32>], vector<16xf32>,
          %gather3A_410 = tpu.vector_load_idx %arg27[%add3A_406] : memref<4096xf32, #tpu.memory_space<vmem>>[vector<16xi32>], vector<16xf32>,
          %gather3A_411 = tpu.vector_load_idx %arg29[%add3A_406] : memref<4096xf32, #tpu.memory_space<vmem>>[vector<16xi32>], vector<16xf32>,
          %sub3A_412 = arith.subf %gather3A_407, %gather3A : vector<16xf32>
          %sub3A_413 = arith.subf %gather3A_408, %gather3A_143 : vector<16xf32>
          %sub3A_414 = arith.subf %gather3A_409, %gather3A_144 : vector<16xf32>
          %mul3A_415 = arith.mulf %sub3A_412, %sub3A_412 : vector<16xf32>
          %mul3A_416 = arith.mulf %sub3A_413, %sub3A_413 : vector<16xf32>
          %add3A_417 = arith.addf %mul3A_415, %mul3A_416 : vector<16xf32>
          %mul3A_418 = arith.mulf %sub3A_414, %sub3A_414 : vector<16xf32>
          %add3A_419 = arith.addf %add3A_417, %mul3A_418 : vector<16xf32>
          %add3A_420 = arith.constant 9.99999982E-15 : f32
          %add3A_421 = vector.broadcast %add3A_420 : f32 to vector<16xf32>
          %add3A_422 = arith.addf %add3A_419, %add3A_421 : vector<16xf32>
          %bitcast_convert_type3A_423 = tpu.bitcast %add3A_422 : vector<16xf32> -> vector<16xi32>
          %shift_right_logical3A_424 = arith.constant 1 : i32
          %shift_right_logical3A_425 = vector.broadcast %shift_right_logical3A_424 : i32 to vector<16xi32>
          %shift_right_logical3A_426 = arith.shrui %bitcast_convert_type3A_423, %shift_right_logical3A_425 : vector<16xi32>
          %sub3A_427 = arith.constant 1597463007 : i32
          %sub3A_428 = vector.broadcast %sub3A_427 : i32 to vector<16xi32>
          %sub3A_429 = arith.subi %sub3A_428, %shift_right_logical3A_426 : vector<16xi32>
          %bitcast_convert_type3A_430 = tpu.bitcast %sub3A_429 : vector<16xi32> -> vector<16xf32>
          %mul3A_431 = arith.constant 5.000000e-01 : f32
          %mul3A_432 = vector.broadcast %mul3A_431 : f32 to vector<16xf32>
          %mul3A_433 = arith.mulf %mul3A_432, %add3A_422 : vector<16xf32>
          %mul3A_434 = arith.mulf %mul3A_433, %bitcast_convert_type3A_430 : vector<16xf32>
          %mul3A_435 = arith.mulf %mul3A_434, %bitcast_convert_type3A_430 : vector<16xf32>
          %sub3A_436 = arith.constant 1.500000e+00 : f32
          %sub3A_437 = vector.broadcast %sub3A_436 : f32 to vector<16xf32>
          %sub3A_438 = arith.subf %sub3A_437, %mul3A_435 : vector<16xf32>
          %mul3A_439 = arith.mulf %bitcast_convert_type3A_430, %sub3A_438 : vector<16xf32>
          %mul3A_440 = arith.constant 5.000000e-01 : f32
          %mul3A_441 = vector.broadcast %mul3A_440 : f32 to vector<16xf32>
          %mul3A_442 = arith.mulf %mul3A_441, %add3A_422 : vector<16xf32>
          %mul3A_443 = arith.mulf %mul3A_442, %mul3A_439 : vector<16xf32>
          %mul3A_444 = arith.mulf %mul3A_443, %mul3A_439 : vector<16xf32>
          %sub3A_445 = arith.constant 1.500000e+00 : f32
          %sub3A_446 = vector.broadcast %sub3A_445 : f32 to vector<16xf32>
          %sub3A_447 = arith.subf %sub3A_446, %mul3A_444 : vector<16xf32>
          %mul3A_448 = arith.mulf %mul3A_439, %sub3A_447 : vector<16xf32>
          %mul3A_449 = arith.constant 5.000000e-01 : f32
          %mul3A_450 = vector.broadcast %mul3A_449 : f32 to vector<16xf32>
          %mul3A_451 = arith.mulf %mul3A_450, %add3A_422 : vector<16xf32>
          %mul3A_452 = arith.mulf %mul3A_451, %mul3A_448 : vector<16xf32>
          %mul3A_453 = arith.mulf %mul3A_452, %mul3A_448 : vector<16xf32>
          %sub3A_454 = arith.constant 1.500000e+00 : f32
          %sub3A_455 = vector.broadcast %sub3A_454 : f32 to vector<16xf32>
          %sub3A_456 = arith.subf %sub3A_455, %mul3A_453 : vector<16xf32>
          %mul3A_457 = arith.mulf %mul3A_448, %sub3A_456 : vector<16xf32>
          %mul3A_458 = arith.mulf %add3A_422, %mul3A_457 : vector<16xf32>
          %sub3A_459 = arith.subf %mul3A_458, %gather3A_410 : vector<16xf32>
          %mul3A_460 = arith.constant 2.30258512 : f32
          %mul3A_461 = vector.broadcast %mul3A_460 : f32 to vector<16xf32>
          %mul3A_462 = arith.mulf %mul3A_461, %gather3A_411 : vector<16xf32>
          %exp3A_463 = math.exp %mul3A_462 : vector<16xf32>
          %abs3A_464 = math.absf %sub3A_459 : vector<16xf32>
          %add3A_465 = arith.constant 9.99999982E-15 : f32
          %add3A_466 = vector.broadcast %add3A_465 : f32 to vector<16xf32>
          %add3A_467 = arith.addf %abs3A_464, %add3A_466 : vector<16xf32>
          %bitcast_convert_type3A_468 = tpu.bitcast %add3A_467 : vector<16xf32> -> vector<16xi32>
          %shift_right_logical3A_469 = arith.constant 1 : i32
          %shift_right_logical3A_470 = vector.broadcast %shift_right_logical3A_469 : i32 to vector<16xi32>
          %shift_right_logical3A_471 = arith.shrui %bitcast_convert_type3A_468, %shift_right_logical3A_470 : vector<16xi32>
          %sub3A_472 = arith.constant 1597463007 : i32
          %sub3A_473 = vector.broadcast %sub3A_472 : i32 to vector<16xi32>
          %sub3A_474 = arith.subi %sub3A_473, %shift_right_logical3A_471 : vector<16xi32>
          %bitcast_convert_type3A_475 = tpu.bitcast %sub3A_474 : vector<16xi32> -> vector<16xf32>
          %mul3A_476 = arith.constant 5.000000e-01 : f32
          %mul3A_477 = vector.broadcast %mul3A_476 : f32 to vector<16xf32>
          %mul3A_478 = arith.mulf %mul3A_477, %add3A_467 : vector<16xf32>
          %mul3A_479 = arith.mulf %mul3A_478, %bitcast_convert_type3A_475 : vector<16xf32>
          %mul3A_480 = arith.mulf %mul3A_479, %bitcast_convert_type3A_475 : vector<16xf32>
          %sub3A_481 = arith.constant 1.500000e+00 : f32
          %sub3A_482 = vector.broadcast %sub3A_481 : f32 to vector<16xf32>
          %sub3A_483 = arith.subf %sub3A_482, %mul3A_480 : vector<16xf32>
          %mul3A_484 = arith.mulf %bitcast_convert_type3A_475, %sub3A_483 : vector<16xf32>
          %mul3A_485 = arith.constant 5.000000e-01 : f32
          %mul3A_486 = vector.broadcast %mul3A_485 : f32 to vector<16xf32>
          %mul3A_487 = arith.mulf %mul3A_486, %add3A_467 : vector<16xf32>
          %mul3A_488 = arith.mulf %mul3A_487, %mul3A_484 : vector<16xf32>
          %mul3A_489 = arith.mulf %mul3A_488, %mul3A_484 : vector<16xf32>
          %sub3A_490 = arith.constant 1.500000e+00 : f32
          %sub3A_491 = vector.broadcast %sub3A_490 : f32 to vector<16xf32>
          %sub3A_492 = arith.subf %sub3A_491, %mul3A_489 : vector<16xf32>
          %mul3A_493 = arith.mulf %mul3A_484, %sub3A_492 : vector<16xf32>
          %mul3A_494 = arith.constant 5.000000e-01 : f32
          %mul3A_495 = vector.broadcast %mul3A_494 : f32 to vector<16xf32>
          %mul3A_496 = arith.mulf %mul3A_495, %add3A_467 : vector<16xf32>
          %mul3A_497 = arith.mulf %mul3A_496, %mul3A_493 : vector<16xf32>
          %mul3A_498 = arith.mulf %mul3A_497, %mul3A_493 : vector<16xf32>
          %sub3A_499 = arith.constant 1.500000e+00 : f32
          %sub3A_500 = vector.broadcast %sub3A_499 : f32 to vector<16xf32>
          %sub3A_501 = arith.subf %sub3A_500, %mul3A_498 : vector<16xf32>
          %mul3A_502 = arith.mulf %mul3A_493, %sub3A_501 : vector<16xf32>
          %mul3A_503 = arith.mulf %add3A_467, %mul3A_502 : vector<16xf32>
          %sign3A_504 = tpu.bitcast %sub3A_459 : vector<16xf32> -> vector<16xi32>
          %sign3A_505 = arith.constant -2147483648 : i32
          %sign3A_506 = vector.broadcast %sign3A_505 : i32 to vector<16xi32>
          %sign3A_507 = arith.andi %sign3A_504, %sign3A_506 : vector<16xi32>
          %sign3A_508 = arith.constant 1065353216 : i32
          %sign3A_509 = vector.broadcast %sign3A_508 : i32 to vector<16xi32>
          %sign3A_510 = arith.ori %sign3A_509, %sign3A_507 : vector<16xi32>
          %sign3A_511 = tpu.bitcast %sign3A_510 : vector<16xi32> -> vector<16xf32>
          %sign3A_512 = math.absf %sub3A_459 : vector<16xf32>
          %sign3A_513 = arith.constant 0.000000e+00 : f32
          %sign3A_514 = vector.broadcast %sign3A_513 : f32 to vector<16xf32>
          %sign3A_515 = arith.cmpf ogt, %sign3A_512, %sign3A_514 : vector<16xf32>
          %sign3A_516 = arith.select %sign3A_515, %sign3A_511, %sub3A_459 : vector<16xi1>, vector<16xf32>
          %mul3A_517 = arith.mulf %exp3A_463, %sign3A_516 : vector<16xf32>
          %mul3A_518 = arith.mulf %mul3A_517, %mul3A_503 : vector<16xf32>
          %mul3A_519 = arith.mulf %mul3A_518, %mul3A_457 : vector<16xf32>
          %mul3A_520 = arith.mulf %mul3A_519, %sub3A_412 : vector<16xf32>
          %add3A_521 = arith.addf %add3A_399, %mul3A_520 : vector<16xf32>
          %mul3A_522 = arith.mulf %mul3A_519, %sub3A_413 : vector<16xf32>
          %add3A_523 = arith.addf %add3A_401, %mul3A_522 : vector<16xf32>
          %mul3A_524 = arith.mulf %mul3A_519, %sub3A_414 : vector<16xf32>
          %add3A_525 = arith.addf %add3A_403, %mul3A_524 : vector<16xf32>
          %add3A_526 = arith.constant 3 : i32
          %add3A_527 = vector.broadcast %add3A_526 : i32 to vector<16xi32>
          %add3A_528 = arith.addi %mul3A_165, %add3A_527 : vector<16xi32>
          %gather3A_529 = tpu.vector_load_idx %arg13[%add3A_528] : memref<4096xf32, #tpu.memory_space<vmem>>[vector<16xi32>], vector<16xf32>,
          %gather3A_530 = tpu.vector_load_idx %arg15[%add3A_528] : memref<4096xf32, #tpu.memory_space<vmem>>[vector<16xi32>], vector<16xf32>,
          %gather3A_531 = tpu.vector_load_idx %arg17[%add3A_528] : memref<4096xf32, #tpu.memory_space<vmem>>[vector<16xi32>], vector<16xf32>,
          %gather3A_532 = tpu.vector_load_idx %arg27[%add3A_528] : memref<4096xf32, #tpu.memory_space<vmem>>[vector<16xi32>], vector<16xf32>,
          %gather3A_533 = tpu.vector_load_idx %arg29[%add3A_528] : memref<4096xf32, #tpu.memory_space<vmem>>[vector<16xi32>], vector<16xf32>,
          %sub3A_534 = arith.subf %gather3A_529, %gather3A : vector<16xf32>
          %sub3A_535 = arith.subf %gather3A_530, %gather3A_143 : vector<16xf32>
          %sub3A_536 = arith.subf %gather3A_531, %gather3A_144 : vector<16xf32>
          %mul3A_537 = arith.mulf %sub3A_534, %sub3A_534 : vector<16xf32>
          %mul3A_538 = arith.mulf %sub3A_535, %sub3A_535 : vector<16xf32>
          %add3A_539 = arith.addf %mul3A_537, %mul3A_538 : vector<16xf32>
          %mul3A_540 = arith.mulf %sub3A_536, %sub3A_536 : vector<16xf32>
          %add3A_541 = arith.addf %add3A_539, %mul3A_540 : vector<16xf32>
          %add3A_542 = arith.constant 9.99999982E-15 : f32
          %add3A_543 = vector.broadcast %add3A_542 : f32 to vector<16xf32>
          %add3A_544 = arith.addf %add3A_541, %add3A_543 : vector<16xf32>
          %bitcast_convert_type3A_545 = tpu.bitcast %add3A_544 : vector<16xf32> -> vector<16xi32>
          %shift_right_logical3A_546 = arith.constant 1 : i32
          %shift_right_logical3A_547 = vector.broadcast %shift_right_logical3A_546 : i32 to vector<16xi32>
          %shift_right_logical3A_548 = arith.shrui %bitcast_convert_type3A_545, %shift_right_logical3A_547 : vector<16xi32>
          %sub3A_549 = arith.constant 1597463007 : i32
          %sub3A_550 = vector.broadcast %sub3A_549 : i32 to vector<16xi32>
          %sub3A_551 = arith.subi %sub3A_550, %shift_right_logical3A_548 : vector<16xi32>
          %bitcast_convert_type3A_552 = tpu.bitcast %sub3A_551 : vector<16xi32> -> vector<16xf32>
          %mul3A_553 = arith.constant 5.000000e-01 : f32
          %mul3A_554 = vector.broadcast %mul3A_553 : f32 to vector<16xf32>
          %mul3A_555 = arith.mulf %mul3A_554, %add3A_544 : vector<16xf32>
          %mul3A_556 = arith.mulf %mul3A_555, %bitcast_convert_type3A_552 : vector<16xf32>
          %mul3A_557 = arith.mulf %mul3A_556, %bitcast_convert_type3A_552 : vector<16xf32>
          %sub3A_558 = arith.constant 1.500000e+00 : f32
          %sub3A_559 = vector.broadcast %sub3A_558 : f32 to vector<16xf32>
          %sub3A_560 = arith.subf %sub3A_559, %mul3A_557 : vector<16xf32>
          %mul3A_561 = arith.mulf %bitcast_convert_type3A_552, %sub3A_560 : vector<16xf32>
          %mul3A_562 = arith.constant 5.000000e-01 : f32
          %mul3A_563 = vector.broadcast %mul3A_562 : f32 to vector<16xf32>
          %mul3A_564 = arith.mulf %mul3A_563, %add3A_544 : vector<16xf32>
          %mul3A_565 = arith.mulf %mul3A_564, %mul3A_561 : vector<16xf32>
          %mul3A_566 = arith.mulf %mul3A_565, %mul3A_561 : vector<16xf32>
          %sub3A_567 = arith.constant 1.500000e+00 : f32
          %sub3A_568 = vector.broadcast %sub3A_567 : f32 to vector<16xf32>
          %sub3A_569 = arith.subf %sub3A_568, %mul3A_566 : vector<16xf32>
          %mul3A_570 = arith.mulf %mul3A_561, %sub3A_569 : vector<16xf32>
          %mul3A_571 = arith.constant 5.000000e-01 : f32
          %mul3A_572 = vector.broadcast %mul3A_571 : f32 to vector<16xf32>
          %mul3A_573 = arith.mulf %mul3A_572, %add3A_544 : vector<16xf32>
          %mul3A_574 = arith.mulf %mul3A_573, %mul3A_570 : vector<16xf32>
          %mul3A_575 = arith.mulf %mul3A_574, %mul3A_570 : vector<16xf32>
          %sub3A_576 = arith.constant 1.500000e+00 : f32
          %sub3A_577 = vector.broadcast %sub3A_576 : f32 to vector<16xf32>
          %sub3A_578 = arith.subf %sub3A_577, %mul3A_575 : vector<16xf32>
          %mul3A_579 = arith.mulf %mul3A_570, %sub3A_578 : vector<16xf32>
          %mul3A_580 = arith.mulf %add3A_544, %mul3A_579 : vector<16xf32>
          %sub3A_581 = arith.subf %mul3A_580, %gather3A_532 : vector<16xf32>
          %mul3A_582 = arith.constant 2.30258512 : f32
          %mul3A_583 = vector.broadcast %mul3A_582 : f32 to vector<16xf32>
          %mul3A_584 = arith.mulf %mul3A_583, %gather3A_533 : vector<16xf32>
          %exp3A_585 = math.exp %mul3A_584 : vector<16xf32>
          %abs3A_586 = math.absf %sub3A_581 : vector<16xf32>
          %add3A_587 = arith.constant 9.99999982E-15 : f32
          %add3A_588 = vector.broadcast %add3A_587 : f32 to vector<16xf32>
          %add3A_589 = arith.addf %abs3A_586, %add3A_588 : vector<16xf32>
          %bitcast_convert_type3A_590 = tpu.bitcast %add3A_589 : vector<16xf32> -> vector<16xi32>
          %shift_right_logical3A_591 = arith.constant 1 : i32
          %shift_right_logical3A_592 = vector.broadcast %shift_right_logical3A_591 : i32 to vector<16xi32>
          %shift_right_logical3A_593 = arith.shrui %bitcast_convert_type3A_590, %shift_right_logical3A_592 : vector<16xi32>
          %sub3A_594 = arith.constant 1597463007 : i32
          %sub3A_595 = vector.broadcast %sub3A_594 : i32 to vector<16xi32>
          %sub3A_596 = arith.subi %sub3A_595, %shift_right_logical3A_593 : vector<16xi32>
          %bitcast_convert_type3A_597 = tpu.bitcast %sub3A_596 : vector<16xi32> -> vector<16xf32>
          %mul3A_598 = arith.constant 5.000000e-01 : f32
          %mul3A_599 = vector.broadcast %mul3A_598 : f32 to vector<16xf32>
          %mul3A_600 = arith.mulf %mul3A_599, %add3A_589 : vector<16xf32>
          %mul3A_601 = arith.mulf %mul3A_600, %bitcast_convert_type3A_597 : vector<16xf32>
          %mul3A_602 = arith.mulf %mul3A_601, %bitcast_convert_type3A_597 : vector<16xf32>
          %sub3A_603 = arith.constant 1.500000e+00 : f32
          %sub3A_604 = vector.broadcast %sub3A_603 : f32 to vector<16xf32>
          %sub3A_605 = arith.subf %sub3A_604, %mul3A_602 : vector<16xf32>
          %mul3A_606 = arith.mulf %bitcast_convert_type3A_597, %sub3A_605 : vector<16xf32>
          %mul3A_607 = arith.constant 5.000000e-01 : f32
          %mul3A_608 = vector.broadcast %mul3A_607 : f32 to vector<16xf32>
          %mul3A_609 = arith.mulf %mul3A_608, %add3A_589 : vector<16xf32>
          %mul3A_610 = arith.mulf %mul3A_609, %mul3A_606 : vector<16xf32>
          %mul3A_611 = arith.mulf %mul3A_610, %mul3A_606 : vector<16xf32>
          %sub3A_612 = arith.constant 1.500000e+00 : f32
          %sub3A_613 = vector.broadcast %sub3A_612 : f32 to vector<16xf32>
          %sub3A_614 = arith.subf %sub3A_613, %mul3A_611 : vector<16xf32>
          %mul3A_615 = arith.mulf %mul3A_606, %sub3A_614 : vector<16xf32>
          %mul3A_616 = arith.constant 5.000000e-01 : f32
          %mul3A_617 = vector.broadcast %mul3A_616 : f32 to vector<16xf32>
          %mul3A_618 = arith.mulf %mul3A_617, %add3A_589 : vector<16xf32>
          %mul3A_619 = arith.mulf %mul3A_618, %mul3A_615 : vector<16xf32>
          %mul3A_620 = arith.mulf %mul3A_619, %mul3A_615 : vector<16xf32>
          %sub3A_621 = arith.constant 1.500000e+00 : f32
          %sub3A_622 = vector.broadcast %sub3A_621 : f32 to vector<16xf32>
          %sub3A_623 = arith.subf %sub3A_622, %mul3A_620 : vector<16xf32>
          %mul3A_624 = arith.mulf %mul3A_615, %sub3A_623 : vector<16xf32>
          %mul3A_625 = arith.mulf %add3A_589, %mul3A_624 : vector<16xf32>
          %sign3A_626 = tpu.bitcast %sub3A_581 : vector<16xf32> -> vector<16xi32>
          %sign3A_627 = arith.constant -2147483648 : i32
          %sign3A_628 = vector.broadcast %sign3A_627 : i32 to vector<16xi32>
          %sign3A_629 = arith.andi %sign3A_626, %sign3A_628 : vector<16xi32>
          %sign3A_630 = arith.constant 1065353216 : i32
          %sign3A_631 = vector.broadcast %sign3A_630 : i32 to vector<16xi32>
          %sign3A_632 = arith.ori %sign3A_631, %sign3A_629 : vector<16xi32>
          %sign3A_633 = tpu.bitcast %sign3A_632 : vector<16xi32> -> vector<16xf32>
          %sign3A_634 = math.absf %sub3A_581 : vector<16xf32>
          %sign3A_635 = arith.constant 0.000000e+00 : f32
          %sign3A_636 = vector.broadcast %sign3A_635 : f32 to vector<16xf32>
          %sign3A_637 = arith.cmpf ogt, %sign3A_634, %sign3A_636 : vector<16xf32>
          %sign3A_638 = arith.select %sign3A_637, %sign3A_633, %sub3A_581 : vector<16xi1>, vector<16xf32>
          %mul3A_639 = arith.mulf %exp3A_585, %sign3A_638 : vector<16xf32>
          %mul3A_640 = arith.mulf %mul3A_639, %mul3A_625 : vector<16xf32>
          %mul3A_641 = arith.mulf %mul3A_640, %mul3A_579 : vector<16xf32>
          %mul3A_642 = arith.mulf %mul3A_641, %sub3A_534 : vector<16xf32>
          %add3A_643 = arith.addf %add3A_521, %mul3A_642 : vector<16xf32>
          %mul3A_644 = arith.mulf %mul3A_641, %sub3A_535 : vector<16xf32>
          %add3A_645 = arith.addf %add3A_523, %mul3A_644 : vector<16xf32>
          %mul3A_646 = arith.mulf %mul3A_641, %sub3A_536 : vector<16xf32>
          %add3A_647 = arith.addf %add3A_525, %mul3A_646 : vector<16xf32>
          %add3A_648 = arith.constant 4 : i32
          %add3A_649 = vector.broadcast %add3A_648 : i32 to vector<16xi32>
          %add3A_650 = arith.addi %mul3A_165, %add3A_649 : vector<16xi32>
          %gather3A_651 = tpu.vector_load_idx %arg13[%add3A_650] : memref<4096xf32, #tpu.memory_space<vmem>>[vector<16xi32>], vector<16xf32>,
          %gather3A_652 = tpu.vector_load_idx %arg15[%add3A_650] : memref<4096xf32, #tpu.memory_space<vmem>>[vector<16xi32>], vector<16xf32>,
          %gather3A_653 = tpu.vector_load_idx %arg17[%add3A_650] : memref<4096xf32, #tpu.memory_space<vmem>>[vector<16xi32>], vector<16xf32>,
          %gather3A_654 = tpu.vector_load_idx %arg27[%add3A_650] : memref<4096xf32, #tpu.memory_space<vmem>>[vector<16xi32>], vector<16xf32>,
          %gather3A_655 = tpu.vector_load_idx %arg29[%add3A_650] : memref<4096xf32, #tpu.memory_space<vmem>>[vector<16xi32>], vector<16xf32>,
          %sub3A_656 = arith.subf %gather3A_651, %gather3A : vector<16xf32>
          %sub3A_657 = arith.subf %gather3A_652, %gather3A_143 : vector<16xf32>
          %sub3A_658 = arith.subf %gather3A_653, %gather3A_144 : vector<16xf32>
          %mul3A_659 = arith.mulf %sub3A_656, %sub3A_656 : vector<16xf32>
          %mul3A_660 = arith.mulf %sub3A_657, %sub3A_657 : vector<16xf32>
          %add3A_661 = arith.addf %mul3A_659, %mul3A_660 : vector<16xf32>
          %mul3A_662 = arith.mulf %sub3A_658, %sub3A_658 : vector<16xf32>
          %add3A_663 = arith.addf %add3A_661, %mul3A_662 : vector<16xf32>
          %add3A_664 = arith.constant 9.99999982E-15 : f32
          %add3A_665 = vector.broadcast %add3A_664 : f32 to vector<16xf32>
          %add3A_666 = arith.addf %add3A_663, %add3A_665 : vector<16xf32>
          %bitcast_convert_type3A_667 = tpu.bitcast %add3A_666 : vector<16xf32> -> vector<16xi32>
          %shift_right_logical3A_668 = arith.constant 1 : i32
          %shift_right_logical3A_669 = vector.broadcast %shift_right_logical3A_668 : i32 to vector<16xi32>
          %shift_right_logical3A_670 = arith.shrui %bitcast_convert_type3A_667, %shift_right_logical3A_669 : vector<16xi32>
          %sub3A_671 = arith.constant 1597463007 : i32
          %sub3A_672 = vector.broadcast %sub3A_671 : i32 to vector<16xi32>
          %sub3A_673 = arith.subi %sub3A_672, %shift_right_logical3A_670 : vector<16xi32>
          %bitcast_convert_type3A_674 = tpu.bitcast %sub3A_673 : vector<16xi32> -> vector<16xf32>
          %mul3A_675 = arith.constant 5.000000e-01 : f32
          %mul3A_676 = vector.broadcast %mul3A_675 : f32 to vector<16xf32>
          %mul3A_677 = arith.mulf %mul3A_676, %add3A_666 : vector<16xf32>
          %mul3A_678 = arith.mulf %mul3A_677, %bitcast_convert_type3A_674 : vector<16xf32>
          %mul3A_679 = arith.mulf %mul3A_678, %bitcast_convert_type3A_674 : vector<16xf32>
          %sub3A_680 = arith.constant 1.500000e+00 : f32
          %sub3A_681 = vector.broadcast %sub3A_680 : f32 to vector<16xf32>
          %sub3A_682 = arith.subf %sub3A_681, %mul3A_679 : vector<16xf32>
          %mul3A_683 = arith.mulf %bitcast_convert_type3A_674, %sub3A_682 : vector<16xf32>
          %mul3A_684 = arith.constant 5.000000e-01 : f32
          %mul3A_685 = vector.broadcast %mul3A_684 : f32 to vector<16xf32>
          %mul3A_686 = arith.mulf %mul3A_685, %add3A_666 : vector<16xf32>
          %mul3A_687 = arith.mulf %mul3A_686, %mul3A_683 : vector<16xf32>
          %mul3A_688 = arith.mulf %mul3A_687, %mul3A_683 : vector<16xf32>
          %sub3A_689 = arith.constant 1.500000e+00 : f32
          %sub3A_690 = vector.broadcast %sub3A_689 : f32 to vector<16xf32>
          %sub3A_691 = arith.subf %sub3A_690, %mul3A_688 : vector<16xf32>
          %mul3A_692 = arith.mulf %mul3A_683, %sub3A_691 : vector<16xf32>
          %mul3A_693 = arith.constant 5.000000e-01 : f32
          %mul3A_694 = vector.broadcast %mul3A_693 : f32 to vector<16xf32>
          %mul3A_695 = arith.mulf %mul3A_694, %add3A_666 : vector<16xf32>
          %mul3A_696 = arith.mulf %mul3A_695, %mul3A_692 : vector<16xf32>
          %mul3A_697 = arith.mulf %mul3A_696, %mul3A_692 : vector<16xf32>
          %sub3A_698 = arith.constant 1.500000e+00 : f32
          %sub3A_699 = vector.broadcast %sub3A_698 : f32 to vector<16xf32>
          %sub3A_700 = arith.subf %sub3A_699, %mul3A_697 : vector<16xf32>
          %mul3A_701 = arith.mulf %mul3A_692, %sub3A_700 : vector<16xf32>
          %mul3A_702 = arith.mulf %add3A_666, %mul3A_701 : vector<16xf32>
          %sub3A_703 = arith.subf %mul3A_702, %gather3A_654 : vector<16xf32>
          %mul3A_704 = arith.constant 2.30258512 : f32
          %mul3A_705 = vector.broadcast %mul3A_704 : f32 to vector<16xf32>
          %mul3A_706 = arith.mulf %mul3A_705, %gather3A_655 : vector<16xf32>
          %exp3A_707 = math.exp %mul3A_706 : vector<16xf32>
          %abs3A_708 = math.absf %sub3A_703 : vector<16xf32>
          %add3A_709 = arith.constant 9.99999982E-15 : f32
          %add3A_710 = vector.broadcast %add3A_709 : f32 to vector<16xf32>
          %add3A_711 = arith.addf %abs3A_708, %add3A_710 : vector<16xf32>
          %bitcast_convert_type3A_712 = tpu.bitcast %add3A_711 : vector<16xf32> -> vector<16xi32>
          %shift_right_logical3A_713 = arith.constant 1 : i32
          %shift_right_logical3A_714 = vector.broadcast %shift_right_logical3A_713 : i32 to vector<16xi32>
          %shift_right_logical3A_715 = arith.shrui %bitcast_convert_type3A_712, %shift_right_logical3A_714 : vector<16xi32>
          %sub3A_716 = arith.constant 1597463007 : i32
          %sub3A_717 = vector.broadcast %sub3A_716 : i32 to vector<16xi32>
          %sub3A_718 = arith.subi %sub3A_717, %shift_right_logical3A_715 : vector<16xi32>
          %bitcast_convert_type3A_719 = tpu.bitcast %sub3A_718 : vector<16xi32> -> vector<16xf32>
          %mul3A_720 = arith.constant 5.000000e-01 : f32
          %mul3A_721 = vector.broadcast %mul3A_720 : f32 to vector<16xf32>
          %mul3A_722 = arith.mulf %mul3A_721, %add3A_711 : vector<16xf32>
          %mul3A_723 = arith.mulf %mul3A_722, %bitcast_convert_type3A_719 : vector<16xf32>
          %mul3A_724 = arith.mulf %mul3A_723, %bitcast_convert_type3A_719 : vector<16xf32>
          %sub3A_725 = arith.constant 1.500000e+00 : f32
          %sub3A_726 = vector.broadcast %sub3A_725 : f32 to vector<16xf32>
          %sub3A_727 = arith.subf %sub3A_726, %mul3A_724 : vector<16xf32>
          %mul3A_728 = arith.mulf %bitcast_convert_type3A_719, %sub3A_727 : vector<16xf32>
          %mul3A_729 = arith.constant 5.000000e-01 : f32
          %mul3A_730 = vector.broadcast %mul3A_729 : f32 to vector<16xf32>
          %mul3A_731 = arith.mulf %mul3A_730, %add3A_711 : vector<16xf32>
          %mul3A_732 = arith.mulf %mul3A_731, %mul3A_728 : vector<16xf32>
          %mul3A_733 = arith.mulf %mul3A_732, %mul3A_728 : vector<16xf32>
          %sub3A_734 = arith.constant 1.500000e+00 : f32
          %sub3A_735 = vector.broadcast %sub3A_734 : f32 to vector<16xf32>
          %sub3A_736 = arith.subf %sub3A_735, %mul3A_733 : vector<16xf32>
          %mul3A_737 = arith.mulf %mul3A_728, %sub3A_736 : vector<16xf32>
          %mul3A_738 = arith.constant 5.000000e-01 : f32
          %mul3A_739 = vector.broadcast %mul3A_738 : f32 to vector<16xf32>
          %mul3A_740 = arith.mulf %mul3A_739, %add3A_711 : vector<16xf32>
          %mul3A_741 = arith.mulf %mul3A_740, %mul3A_737 : vector<16xf32>
          %mul3A_742 = arith.mulf %mul3A_741, %mul3A_737 : vector<16xf32>
          %sub3A_743 = arith.constant 1.500000e+00 : f32
          %sub3A_744 = vector.broadcast %sub3A_743 : f32 to vector<16xf32>
          %sub3A_745 = arith.subf %sub3A_744, %mul3A_742 : vector<16xf32>
          %mul3A_746 = arith.mulf %mul3A_737, %sub3A_745 : vector<16xf32>
          %mul3A_747 = arith.mulf %add3A_711, %mul3A_746 : vector<16xf32>
          %sign3A_748 = tpu.bitcast %sub3A_703 : vector<16xf32> -> vector<16xi32>
          %sign3A_749 = arith.constant -2147483648 : i32
          %sign3A_750 = vector.broadcast %sign3A_749 : i32 to vector<16xi32>
          %sign3A_751 = arith.andi %sign3A_748, %sign3A_750 : vector<16xi32>
          %sign3A_752 = arith.constant 1065353216 : i32
          %sign3A_753 = vector.broadcast %sign3A_752 : i32 to vector<16xi32>
          %sign3A_754 = arith.ori %sign3A_753, %sign3A_751 : vector<16xi32>
          %sign3A_755 = tpu.bitcast %sign3A_754 : vector<16xi32> -> vector<16xf32>
          %sign3A_756 = math.absf %sub3A_703 : vector<16xf32>
          %sign3A_757 = arith.constant 0.000000e+00 : f32
          %sign3A_758 = vector.broadcast %sign3A_757 : f32 to vector<16xf32>
          %sign3A_759 = arith.cmpf ogt, %sign3A_756, %sign3A_758 : vector<16xf32>
          %sign3A_760 = arith.select %sign3A_759, %sign3A_755, %sub3A_703 : vector<16xi1>, vector<16xf32>
          %mul3A_761 = arith.mulf %exp3A_707, %sign3A_760 : vector<16xf32>
          %mul3A_762 = arith.mulf %mul3A_761, %mul3A_747 : vector<16xf32>
          %mul3A_763 = arith.mulf %mul3A_762, %mul3A_701 : vector<16xf32>
          %mul3A_764 = arith.mulf %mul3A_763, %sub3A_656 : vector<16xf32>
          %add3A_765 = arith.addf %add3A_643, %mul3A_764 : vector<16xf32>
          %mul3A_766 = arith.mulf %mul3A_763, %sub3A_657 : vector<16xf32>
          %add3A_767 = arith.addf %add3A_645, %mul3A_766 : vector<16xf32>
          %mul3A_768 = arith.mulf %mul3A_763, %sub3A_658 : vector<16xf32>
          %add3A_769 = arith.addf %add3A_647, %mul3A_768 : vector<16xf32>
          %add3A_770 = arith.constant 5 : i32
          %add3A_771 = vector.broadcast %add3A_770 : i32 to vector<16xi32>
          %add3A_772 = arith.addi %mul3A_165, %add3A_771 : vector<16xi32>
          %gather3A_773 = tpu.vector_load_idx %arg13[%add3A_772] : memref<4096xf32, #tpu.memory_space<vmem>>[vector<16xi32>], vector<16xf32>,
          %gather3A_774 = tpu.vector_load_idx %arg15[%add3A_772] : memref<4096xf32, #tpu.memory_space<vmem>>[vector<16xi32>], vector<16xf32>,
          %gather3A_775 = tpu.vector_load_idx %arg17[%add3A_772] : memref<4096xf32, #tpu.memory_space<vmem>>[vector<16xi32>], vector<16xf32>,
          %gather3A_776 = tpu.vector_load_idx %arg27[%add3A_772] : memref<4096xf32, #tpu.memory_space<vmem>>[vector<16xi32>], vector<16xf32>,
          %gather3A_777 = tpu.vector_load_idx %arg29[%add3A_772] : memref<4096xf32, #tpu.memory_space<vmem>>[vector<16xi32>], vector<16xf32>,
          %sub3A_778 = arith.subf %gather3A_773, %gather3A : vector<16xf32>
          %sub3A_779 = arith.subf %gather3A_774, %gather3A_143 : vector<16xf32>
          %sub3A_780 = arith.subf %gather3A_775, %gather3A_144 : vector<16xf32>
          %mul3A_781 = arith.mulf %sub3A_778, %sub3A_778 : vector<16xf32>
          %mul3A_782 = arith.mulf %sub3A_779, %sub3A_779 : vector<16xf32>
          %add3A_783 = arith.addf %mul3A_781, %mul3A_782 : vector<16xf32>
          %mul3A_784 = arith.mulf %sub3A_780, %sub3A_780 : vector<16xf32>
          %add3A_785 = arith.addf %add3A_783, %mul3A_784 : vector<16xf32>
          %add3A_786 = arith.constant 9.99999982E-15 : f32
          %add3A_787 = vector.broadcast %add3A_786 : f32 to vector<16xf32>
          %add3A_788 = arith.addf %add3A_785, %add3A_787 : vector<16xf32>
          %bitcast_convert_type3A_789 = tpu.bitcast %add3A_788 : vector<16xf32> -> vector<16xi32>
          %shift_right_logical3A_790 = arith.constant 1 : i32
          %shift_right_logical3A_791 = vector.broadcast %shift_right_logical3A_790 : i32 to vector<16xi32>
          %shift_right_logical3A_792 = arith.shrui %bitcast_convert_type3A_789, %shift_right_logical3A_791 : vector<16xi32>
          %sub3A_793 = arith.constant 1597463007 : i32
          %sub3A_794 = vector.broadcast %sub3A_793 : i32 to vector<16xi32>
          %sub3A_795 = arith.subi %sub3A_794, %shift_right_logical3A_792 : vector<16xi32>
          %bitcast_convert_type3A_796 = tpu.bitcast %sub3A_795 : vector<16xi32> -> vector<16xf32>
          %mul3A_797 = arith.constant 5.000000e-01 : f32
          %mul3A_798 = vector.broadcast %mul3A_797 : f32 to vector<16xf32>
          %mul3A_799 = arith.mulf %mul3A_798, %add3A_788 : vector<16xf32>
          %mul3A_800 = arith.mulf %mul3A_799, %bitcast_convert_type3A_796 : vector<16xf32>
          %mul3A_801 = arith.mulf %mul3A_800, %bitcast_convert_type3A_796 : vector<16xf32>
          %sub3A_802 = arith.constant 1.500000e+00 : f32
          %sub3A_803 = vector.broadcast %sub3A_802 : f32 to vector<16xf32>
          %sub3A_804 = arith.subf %sub3A_803, %mul3A_801 : vector<16xf32>
          %mul3A_805 = arith.mulf %bitcast_convert_type3A_796, %sub3A_804 : vector<16xf32>
          %mul3A_806 = arith.constant 5.000000e-01 : f32
          %mul3A_807 = vector.broadcast %mul3A_806 : f32 to vector<16xf32>
          %mul3A_808 = arith.mulf %mul3A_807, %add3A_788 : vector<16xf32>
          %mul3A_809 = arith.mulf %mul3A_808, %mul3A_805 : vector<16xf32>
          %mul3A_810 = arith.mulf %mul3A_809, %mul3A_805 : vector<16xf32>
          %sub3A_811 = arith.constant 1.500000e+00 : f32
          %sub3A_812 = vector.broadcast %sub3A_811 : f32 to vector<16xf32>
          %sub3A_813 = arith.subf %sub3A_812, %mul3A_810 : vector<16xf32>
          %mul3A_814 = arith.mulf %mul3A_805, %sub3A_813 : vector<16xf32>
          %mul3A_815 = arith.constant 5.000000e-01 : f32
          %mul3A_816 = vector.broadcast %mul3A_815 : f32 to vector<16xf32>
          %mul3A_817 = arith.mulf %mul3A_816, %add3A_788 : vector<16xf32>
          %mul3A_818 = arith.mulf %mul3A_817, %mul3A_814 : vector<16xf32>
          %mul3A_819 = arith.mulf %mul3A_818, %mul3A_814 : vector<16xf32>
          %sub3A_820 = arith.constant 1.500000e+00 : f32
          %sub3A_821 = vector.broadcast %sub3A_820 : f32 to vector<16xf32>
          %sub3A_822 = arith.subf %sub3A_821, %mul3A_819 : vector<16xf32>
          %mul3A_823 = arith.mulf %mul3A_814, %sub3A_822 : vector<16xf32>
          %mul3A_824 = arith.mulf %add3A_788, %mul3A_823 : vector<16xf32>
          %sub3A_825 = arith.subf %mul3A_824, %gather3A_776 : vector<16xf32>
          %mul3A_826 = arith.constant 2.30258512 : f32
          %mul3A_827 = vector.broadcast %mul3A_826 : f32 to vector<16xf32>
          %mul3A_828 = arith.mulf %mul3A_827, %gather3A_777 : vector<16xf32>
          %exp3A_829 = math.exp %mul3A_828 : vector<16xf32>
          %abs3A_830 = math.absf %sub3A_825 : vector<16xf32>
          %add3A_831 = arith.constant 9.99999982E-15 : f32
          %add3A_832 = vector.broadcast %add3A_831 : f32 to vector<16xf32>
          %add3A_833 = arith.addf %abs3A_830, %add3A_832 : vector<16xf32>
          %bitcast_convert_type3A_834 = tpu.bitcast %add3A_833 : vector<16xf32> -> vector<16xi32>
          %shift_right_logical3A_835 = arith.constant 1 : i32
          %shift_right_logical3A_836 = vector.broadcast %shift_right_logical3A_835 : i32 to vector<16xi32>
          %shift_right_logical3A_837 = arith.shrui %bitcast_convert_type3A_834, %shift_right_logical3A_836 : vector<16xi32>
          %sub3A_838 = arith.constant 1597463007 : i32
          %sub3A_839 = vector.broadcast %sub3A_838 : i32 to vector<16xi32>
          %sub3A_840 = arith.subi %sub3A_839, %shift_right_logical3A_837 : vector<16xi32>
          %bitcast_convert_type3A_841 = tpu.bitcast %sub3A_840 : vector<16xi32> -> vector<16xf32>
          %mul3A_842 = arith.constant 5.000000e-01 : f32
          %mul3A_843 = vector.broadcast %mul3A_842 : f32 to vector<16xf32>
          %mul3A_844 = arith.mulf %mul3A_843, %add3A_833 : vector<16xf32>
          %mul3A_845 = arith.mulf %mul3A_844, %bitcast_convert_type3A_841 : vector<16xf32>
          %mul3A_846 = arith.mulf %mul3A_845, %bitcast_convert_type3A_841 : vector<16xf32>
          %sub3A_847 = arith.constant 1.500000e+00 : f32
          %sub3A_848 = vector.broadcast %sub3A_847 : f32 to vector<16xf32>
          %sub3A_849 = arith.subf %sub3A_848, %mul3A_846 : vector<16xf32>
          %mul3A_850 = arith.mulf %bitcast_convert_type3A_841, %sub3A_849 : vector<16xf32>
          %mul3A_851 = arith.constant 5.000000e-01 : f32
          %mul3A_852 = vector.broadcast %mul3A_851 : f32 to vector<16xf32>
          %mul3A_853 = arith.mulf %mul3A_852, %add3A_833 : vector<16xf32>
          %mul3A_854 = arith.mulf %mul3A_853, %mul3A_850 : vector<16xf32>
          %mul3A_855 = arith.mulf %mul3A_854, %mul3A_850 : vector<16xf32>
          %sub3A_856 = arith.constant 1.500000e+00 : f32
          %sub3A_857 = vector.broadcast %sub3A_856 : f32 to vector<16xf32>
          %sub3A_858 = arith.subf %sub3A_857, %mul3A_855 : vector<16xf32>
          %mul3A_859 = arith.mulf %mul3A_850, %sub3A_858 : vector<16xf32>
          %mul3A_860 = arith.constant 5.000000e-01 : f32
          %mul3A_861 = vector.broadcast %mul3A_860 : f32 to vector<16xf32>
          %mul3A_862 = arith.mulf %mul3A_861, %add3A_833 : vector<16xf32>
          %mul3A_863 = arith.mulf %mul3A_862, %mul3A_859 : vector<16xf32>
          %mul3A_864 = arith.mulf %mul3A_863, %mul3A_859 : vector<16xf32>
          %sub3A_865 = arith.constant 1.500000e+00 : f32
          %sub3A_866 = vector.broadcast %sub3A_865 : f32 to vector<16xf32>
          %sub3A_867 = arith.subf %sub3A_866, %mul3A_864 : vector<16xf32>
          %mul3A_868 = arith.mulf %mul3A_859, %sub3A_867 : vector<16xf32>
          %mul3A_869 = arith.mulf %add3A_833, %mul3A_868 : vector<16xf32>
          %sign3A_870 = tpu.bitcast %sub3A_825 : vector<16xf32> -> vector<16xi32>
          %sign3A_871 = arith.constant -2147483648 : i32
          %sign3A_872 = vector.broadcast %sign3A_871 : i32 to vector<16xi32>
          %sign3A_873 = arith.andi %sign3A_870, %sign3A_872 : vector<16xi32>
          %sign3A_874 = arith.constant 1065353216 : i32
          %sign3A_875 = vector.broadcast %sign3A_874 : i32 to vector<16xi32>
          %sign3A_876 = arith.ori %sign3A_875, %sign3A_873 : vector<16xi32>
          %sign3A_877 = tpu.bitcast %sign3A_876 : vector<16xi32> -> vector<16xf32>
          %sign3A_878 = math.absf %sub3A_825 : vector<16xf32>
          %sign3A_879 = arith.constant 0.000000e+00 : f32
          %sign3A_880 = vector.broadcast %sign3A_879 : f32 to vector<16xf32>
          %sign3A_881 = arith.cmpf ogt, %sign3A_878, %sign3A_880 : vector<16xf32>
          %sign3A_882 = arith.select %sign3A_881, %sign3A_877, %sub3A_825 : vector<16xi1>, vector<16xf32>
          %mul3A_883 = arith.mulf %exp3A_829, %sign3A_882 : vector<16xf32>
          %mul3A_884 = arith.mulf %mul3A_883, %mul3A_869 : vector<16xf32>
          %mul3A_885 = arith.mulf %mul3A_884, %mul3A_823 : vector<16xf32>
          %mul3A_886 = arith.mulf %mul3A_885, %sub3A_778 : vector<16xf32>
          %add3A_887 = arith.addf %add3A_765, %mul3A_886 : vector<16xf32>
          %mul3A_888 = arith.mulf %mul3A_885, %sub3A_779 : vector<16xf32>
          %add3A_889 = arith.addf %add3A_767, %mul3A_888 : vector<16xf32>
          %mul3A_890 = arith.mulf %mul3A_885, %sub3A_780 : vector<16xf32>
          %add3A_891 = arith.addf %add3A_769, %mul3A_890 : vector<16xf32>
          %add3A_892 = arith.constant 6 : i32
          %add3A_893 = vector.broadcast %add3A_892 : i32 to vector<16xi32>
          %add3A_894 = arith.addi %mul3A_165, %add3A_893 : vector<16xi32>
          %gather3A_895 = tpu.vector_load_idx %arg13[%add3A_894] : memref<4096xf32, #tpu.memory_space<vmem>>[vector<16xi32>], vector<16xf32>,
          %gather3A_896 = tpu.vector_load_idx %arg15[%add3A_894] : memref<4096xf32, #tpu.memory_space<vmem>>[vector<16xi32>], vector<16xf32>,
          %gather3A_897 = tpu.vector_load_idx %arg17[%add3A_894] : memref<4096xf32, #tpu.memory_space<vmem>>[vector<16xi32>], vector<16xf32>,
          %gather3A_898 = tpu.vector_load_idx %arg27[%add3A_894] : memref<4096xf32, #tpu.memory_space<vmem>>[vector<16xi32>], vector<16xf32>,
          %gather3A_899 = tpu.vector_load_idx %arg29[%add3A_894] : memref<4096xf32, #tpu.memory_space<vmem>>[vector<16xi32>], vector<16xf32>,
          %sub3A_900 = arith.subf %gather3A_895, %gather3A : vector<16xf32>
          %sub3A_901 = arith.subf %gather3A_896, %gather3A_143 : vector<16xf32>
          %sub3A_902 = arith.subf %gather3A_897, %gather3A_144 : vector<16xf32>
          %mul3A_903 = arith.mulf %sub3A_900, %sub3A_900 : vector<16xf32>
          %mul3A_904 = arith.mulf %sub3A_901, %sub3A_901 : vector<16xf32>
          %add3A_905 = arith.addf %mul3A_903, %mul3A_904 : vector<16xf32>
          %mul3A_906 = arith.mulf %sub3A_902, %sub3A_902 : vector<16xf32>
          %add3A_907 = arith.addf %add3A_905, %mul3A_906 : vector<16xf32>
          %add3A_908 = arith.constant 9.99999982E-15 : f32
          %add3A_909 = vector.broadcast %add3A_908 : f32 to vector<16xf32>
          %add3A_910 = arith.addf %add3A_907, %add3A_909 : vector<16xf32>
          %bitcast_convert_type3A_911 = tpu.bitcast %add3A_910 : vector<16xf32> -> vector<16xi32>
          %shift_right_logical3A_912 = arith.constant 1 : i32
          %shift_right_logical3A_913 = vector.broadcast %shift_right_logical3A_912 : i32 to vector<16xi32>
          %shift_right_logical3A_914 = arith.shrui %bitcast_convert_type3A_911, %shift_right_logical3A_913 : vector<16xi32>
          %sub3A_915 = arith.constant 1597463007 : i32
          %sub3A_916 = vector.broadcast %sub3A_915 : i32 to vector<16xi32>
          %sub3A_917 = arith.subi %sub3A_916, %shift_right_logical3A_914 : vector<16xi32>
          %bitcast_convert_type3A_918 = tpu.bitcast %sub3A_917 : vector<16xi32> -> vector<16xf32>
          %mul3A_919 = arith.constant 5.000000e-01 : f32
          %mul3A_920 = vector.broadcast %mul3A_919 : f32 to vector<16xf32>
          %mul3A_921 = arith.mulf %mul3A_920, %add3A_910 : vector<16xf32>
          %mul3A_922 = arith.mulf %mul3A_921, %bitcast_convert_type3A_918 : vector<16xf32>
          %mul3A_923 = arith.mulf %mul3A_922, %bitcast_convert_type3A_918 : vector<16xf32>
          %sub3A_924 = arith.constant 1.500000e+00 : f32
          %sub3A_925 = vector.broadcast %sub3A_924 : f32 to vector<16xf32>
          %sub3A_926 = arith.subf %sub3A_925, %mul3A_923 : vector<16xf32>
          %mul3A_927 = arith.mulf %bitcast_convert_type3A_918, %sub3A_926 : vector<16xf32>
          %mul3A_928 = arith.constant 5.000000e-01 : f32
          %mul3A_929 = vector.broadcast %mul3A_928 : f32 to vector<16xf32>
          %mul3A_930 = arith.mulf %mul3A_929, %add3A_910 : vector<16xf32>
          %mul3A_931 = arith.mulf %mul3A_930, %mul3A_927 : vector<16xf32>
          %mul3A_932 = arith.mulf %mul3A_931, %mul3A_927 : vector<16xf32>
          %sub3A_933 = arith.constant 1.500000e+00 : f32
          %sub3A_934 = vector.broadcast %sub3A_933 : f32 to vector<16xf32>
          %sub3A_935 = arith.subf %sub3A_934, %mul3A_932 : vector<16xf32>
          %mul3A_936 = arith.mulf %mul3A_927, %sub3A_935 : vector<16xf32>
          %mul3A_937 = arith.constant 5.000000e-01 : f32
          %mul3A_938 = vector.broadcast %mul3A_937 : f32 to vector<16xf32>
          %mul3A_939 = arith.mulf %mul3A_938, %add3A_910 : vector<16xf32>
          %mul3A_940 = arith.mulf %mul3A_939, %mul3A_936 : vector<16xf32>
          %mul3A_941 = arith.mulf %mul3A_940, %mul3A_936 : vector<16xf32>
          %sub3A_942 = arith.constant 1.500000e+00 : f32
          %sub3A_943 = vector.broadcast %sub3A_942 : f32 to vector<16xf32>
          %sub3A_944 = arith.subf %sub3A_943, %mul3A_941 : vector<16xf32>
          %mul3A_945 = arith.mulf %mul3A_936, %sub3A_944 : vector<16xf32>
          %mul3A_946 = arith.mulf %add3A_910, %mul3A_945 : vector<16xf32>
          %sub3A_947 = arith.subf %mul3A_946, %gather3A_898 : vector<16xf32>
          %mul3A_948 = arith.constant 2.30258512 : f32
          %mul3A_949 = vector.broadcast %mul3A_948 : f32 to vector<16xf32>
          %mul3A_950 = arith.mulf %mul3A_949, %gather3A_899 : vector<16xf32>
          %exp3A_951 = math.exp %mul3A_950 : vector<16xf32>
          %abs3A_952 = math.absf %sub3A_947 : vector<16xf32>
          %add3A_953 = arith.constant 9.99999982E-15 : f32
          %add3A_954 = vector.broadcast %add3A_953 : f32 to vector<16xf32>
          %add3A_955 = arith.addf %abs3A_952, %add3A_954 : vector<16xf32>
          %bitcast_convert_type3A_956 = tpu.bitcast %add3A_955 : vector<16xf32> -> vector<16xi32>
          %shift_right_logical3A_957 = arith.constant 1 : i32
          %shift_right_logical3A_958 = vector.broadcast %shift_right_logical3A_957 : i32 to vector<16xi32>
          %shift_right_logical3A_959 = arith.shrui %bitcast_convert_type3A_956, %shift_right_logical3A_958 : vector<16xi32>
          %sub3A_960 = arith.constant 1597463007 : i32
          %sub3A_961 = vector.broadcast %sub3A_960 : i32 to vector<16xi32>
          %sub3A_962 = arith.subi %sub3A_961, %shift_right_logical3A_959 : vector<16xi32>
          %bitcast_convert_type3A_963 = tpu.bitcast %sub3A_962 : vector<16xi32> -> vector<16xf32>
          %mul3A_964 = arith.constant 5.000000e-01 : f32
          %mul3A_965 = vector.broadcast %mul3A_964 : f32 to vector<16xf32>
          %mul3A_966 = arith.mulf %mul3A_965, %add3A_955 : vector<16xf32>
          %mul3A_967 = arith.mulf %mul3A_966, %bitcast_convert_type3A_963 : vector<16xf32>
          %mul3A_968 = arith.mulf %mul3A_967, %bitcast_convert_type3A_963 : vector<16xf32>
          %sub3A_969 = arith.constant 1.500000e+00 : f32
          %sub3A_970 = vector.broadcast %sub3A_969 : f32 to vector<16xf32>
          %sub3A_971 = arith.subf %sub3A_970, %mul3A_968 : vector<16xf32>
          %mul3A_972 = arith.mulf %bitcast_convert_type3A_963, %sub3A_971 : vector<16xf32>
          %mul3A_973 = arith.constant 5.000000e-01 : f32
          %mul3A_974 = vector.broadcast %mul3A_973 : f32 to vector<16xf32>
          %mul3A_975 = arith.mulf %mul3A_974, %add3A_955 : vector<16xf32>
          %mul3A_976 = arith.mulf %mul3A_975, %mul3A_972 : vector<16xf32>
          %mul3A_977 = arith.mulf %mul3A_976, %mul3A_972 : vector<16xf32>
          %sub3A_978 = arith.constant 1.500000e+00 : f32
          %sub3A_979 = vector.broadcast %sub3A_978 : f32 to vector<16xf32>
          %sub3A_980 = arith.subf %sub3A_979, %mul3A_977 : vector<16xf32>
          %mul3A_981 = arith.mulf %mul3A_972, %sub3A_980 : vector<16xf32>
          %mul3A_982 = arith.constant 5.000000e-01 : f32
          %mul3A_983 = vector.broadcast %mul3A_982 : f32 to vector<16xf32>
          %mul3A_984 = arith.mulf %mul3A_983, %add3A_955 : vector<16xf32>
          %mul3A_985 = arith.mulf %mul3A_984, %mul3A_981 : vector<16xf32>
          %mul3A_986 = arith.mulf %mul3A_985, %mul3A_981 : vector<16xf32>
          %sub3A_987 = arith.constant 1.500000e+00 : f32
          %sub3A_988 = vector.broadcast %sub3A_987 : f32 to vector<16xf32>
          %sub3A_989 = arith.subf %sub3A_988, %mul3A_986 : vector<16xf32>
          %mul3A_990 = arith.mulf %mul3A_981, %sub3A_989 : vector<16xf32>
          %mul3A_991 = arith.mulf %add3A_955, %mul3A_990 : vector<16xf32>
          %sign3A_992 = tpu.bitcast %sub3A_947 : vector<16xf32> -> vector<16xi32>
          %sign3A_993 = arith.constant -2147483648 : i32
          %sign3A_994 = vector.broadcast %sign3A_993 : i32 to vector<16xi32>
          %sign3A_995 = arith.andi %sign3A_992, %sign3A_994 : vector<16xi32>
          %sign3A_996 = arith.constant 1065353216 : i32
          %sign3A_997 = vector.broadcast %sign3A_996 : i32 to vector<16xi32>
          %sign3A_998 = arith.ori %sign3A_997, %sign3A_995 : vector<16xi32>
          %sign3A_999 = tpu.bitcast %sign3A_998 : vector<16xi32> -> vector<16xf32>
          %sign3A_1000 = math.absf %sub3A_947 : vector<16xf32>
          %sign3A_1001 = arith.constant 0.000000e+00 : f32
          %sign3A_1002 = vector.broadcast %sign3A_1001 : f32 to vector<16xf32>
          %sign3A_1003 = arith.cmpf ogt, %sign3A_1000, %sign3A_1002 : vector<16xf32>
          %sign3A_1004 = arith.select %sign3A_1003, %sign3A_999, %sub3A_947 : vector<16xi1>, vector<16xf32>
          %mul3A_1005 = arith.mulf %exp3A_951, %sign3A_1004 : vector<16xf32>
          %mul3A_1006 = arith.mulf %mul3A_1005, %mul3A_991 : vector<16xf32>
          %mul3A_1007 = arith.mulf %mul3A_1006, %mul3A_945 : vector<16xf32>
          %mul3A_1008 = arith.mulf %mul3A_1007, %sub3A_900 : vector<16xf32>
          %add3A_1009 = arith.addf %add3A_887, %mul3A_1008 : vector<16xf32>
          %mul3A_1010 = arith.mulf %mul3A_1007, %sub3A_901 : vector<16xf32>
          %add3A_1011 = arith.addf %add3A_889, %mul3A_1010 : vector<16xf32>
          %mul3A_1012 = arith.mulf %mul3A_1007, %sub3A_902 : vector<16xf32>
          %add3A_1013 = arith.addf %add3A_891, %mul3A_1012 : vector<16xf32>
          %add3A_1014 = arith.constant 7 : i32
          %add3A_1015 = vector.broadcast %add3A_1014 : i32 to vector<16xi32>
          %add3A_1016 = arith.addi %mul3A_165, %add3A_1015 : vector<16xi32>
          %gather3A_1017 = tpu.vector_load_idx %arg13[%add3A_1016] : memref<4096xf32, #tpu.memory_space<vmem>>[vector<16xi32>], vector<16xf32>,
          %gather3A_1018 = tpu.vector_load_idx %arg15[%add3A_1016] : memref<4096xf32, #tpu.memory_space<vmem>>[vector<16xi32>], vector<16xf32>,
          %gather3A_1019 = tpu.vector_load_idx %arg17[%add3A_1016] : memref<4096xf32, #tpu.memory_space<vmem>>[vector<16xi32>], vector<16xf32>,
          %gather3A_1020 = tpu.vector_load_idx %arg27[%add3A_1016] : memref<4096xf32, #tpu.memory_space<vmem>>[vector<16xi32>], vector<16xf32>,
          %gather3A_1021 = tpu.vector_load_idx %arg29[%add3A_1016] : memref<4096xf32, #tpu.memory_space<vmem>>[vector<16xi32>], vector<16xf32>,
          %sub3A_1022 = arith.subf %gather3A_1017, %gather3A : vector<16xf32>
          %sub3A_1023 = arith.subf %gather3A_1018, %gather3A_143 : vector<16xf32>
          %sub3A_1024 = arith.subf %gather3A_1019, %gather3A_144 : vector<16xf32>
          %mul3A_1025 = arith.mulf %sub3A_1022, %sub3A_1022 : vector<16xf32>
          %mul3A_1026 = arith.mulf %sub3A_1023, %sub3A_1023 : vector<16xf32>
          %add3A_1027 = arith.addf %mul3A_1025, %mul3A_1026 : vector<16xf32>
          %mul3A_1028 = arith.mulf %sub3A_1024, %sub3A_1024 : vector<16xf32>
          %add3A_1029 = arith.addf %add3A_1027, %mul3A_1028 : vector<16xf32>
          %add3A_1030 = arith.constant 9.99999982E-15 : f32
          %add3A_1031 = vector.broadcast %add3A_1030 : f32 to vector<16xf32>
          %add3A_1032 = arith.addf %add3A_1029, %add3A_1031 : vector<16xf32>
          %bitcast_convert_type3A_1033 = tpu.bitcast %add3A_1032 : vector<16xf32> -> vector<16xi32>
          %shift_right_logical3A_1034 = arith.constant 1 : i32
          %shift_right_logical3A_1035 = vector.broadcast %shift_right_logical3A_1034 : i32 to vector<16xi32>
          %shift_right_logical3A_1036 = arith.shrui %bitcast_convert_type3A_1033, %shift_right_logical3A_1035 : vector<16xi32>
          %sub3A_1037 = arith.constant 1597463007 : i32
          %sub3A_1038 = vector.broadcast %sub3A_1037 : i32 to vector<16xi32>
          %sub3A_1039 = arith.subi %sub3A_1038, %shift_right_logical3A_1036 : vector<16xi32>
          %bitcast_convert_type3A_1040 = tpu.bitcast %sub3A_1039 : vector<16xi32> -> vector<16xf32>
          %mul3A_1041 = arith.constant 5.000000e-01 : f32
          %mul3A_1042 = vector.broadcast %mul3A_1041 : f32 to vector<16xf32>
          %mul3A_1043 = arith.mulf %mul3A_1042, %add3A_1032 : vector<16xf32>
          %mul3A_1044 = arith.mulf %mul3A_1043, %bitcast_convert_type3A_1040 : vector<16xf32>
          %mul3A_1045 = arith.mulf %mul3A_1044, %bitcast_convert_type3A_1040 : vector<16xf32>
          %sub3A_1046 = arith.constant 1.500000e+00 : f32
          %sub3A_1047 = vector.broadcast %sub3A_1046 : f32 to vector<16xf32>
          %sub3A_1048 = arith.subf %sub3A_1047, %mul3A_1045 : vector<16xf32>
          %mul3A_1049 = arith.mulf %bitcast_convert_type3A_1040, %sub3A_1048 : vector<16xf32>
          %mul3A_1050 = arith.constant 5.000000e-01 : f32
          %mul3A_1051 = vector.broadcast %mul3A_1050 : f32 to vector<16xf32>
          %mul3A_1052 = arith.mulf %mul3A_1051, %add3A_1032 : vector<16xf32>
          %mul3A_1053 = arith.mulf %mul3A_1052, %mul3A_1049 : vector<16xf32>
          %mul3A_1054 = arith.mulf %mul3A_1053, %mul3A_1049 : vector<16xf32>
          %sub3A_1055 = arith.constant 1.500000e+00 : f32
          %sub3A_1056 = vector.broadcast %sub3A_1055 : f32 to vector<16xf32>
          %sub3A_1057 = arith.subf %sub3A_1056, %mul3A_1054 : vector<16xf32>
          %mul3A_1058 = arith.mulf %mul3A_1049, %sub3A_1057 : vector<16xf32>
          %mul3A_1059 = arith.constant 5.000000e-01 : f32
          %mul3A_1060 = vector.broadcast %mul3A_1059 : f32 to vector<16xf32>
          %mul3A_1061 = arith.mulf %mul3A_1060, %add3A_1032 : vector<16xf32>
          %mul3A_1062 = arith.mulf %mul3A_1061, %mul3A_1058 : vector<16xf32>
          %mul3A_1063 = arith.mulf %mul3A_1062, %mul3A_1058 : vector<16xf32>
          %sub3A_1064 = arith.constant 1.500000e+00 : f32
          %sub3A_1065 = vector.broadcast %sub3A_1064 : f32 to vector<16xf32>
          %sub3A_1066 = arith.subf %sub3A_1065, %mul3A_1063 : vector<16xf32>
          %mul3A_1067 = arith.mulf %mul3A_1058, %sub3A_1066 : vector<16xf32>
          %mul3A_1068 = arith.mulf %add3A_1032, %mul3A_1067 : vector<16xf32>
          %sub3A_1069 = arith.subf %mul3A_1068, %gather3A_1020 : vector<16xf32>
          %mul3A_1070 = arith.constant 2.30258512 : f32
          %mul3A_1071 = vector.broadcast %mul3A_1070 : f32 to vector<16xf32>
          %mul3A_1072 = arith.mulf %mul3A_1071, %gather3A_1021 : vector<16xf32>
          %exp3A_1073 = math.exp %mul3A_1072 : vector<16xf32>
          %abs3A_1074 = math.absf %sub3A_1069 : vector<16xf32>
          %add3A_1075 = arith.constant 9.99999982E-15 : f32
          %add3A_1076 = vector.broadcast %add3A_1075 : f32 to vector<16xf32>
          %add3A_1077 = arith.addf %abs3A_1074, %add3A_1076 : vector<16xf32>
          %bitcast_convert_type3A_1078 = tpu.bitcast %add3A_1077 : vector<16xf32> -> vector<16xi32>
          %shift_right_logical3A_1079 = arith.constant 1 : i32
          %shift_right_logical3A_1080 = vector.broadcast %shift_right_logical3A_1079 : i32 to vector<16xi32>
          %shift_right_logical3A_1081 = arith.shrui %bitcast_convert_type3A_1078, %shift_right_logical3A_1080 : vector<16xi32>
          %sub3A_1082 = arith.constant 1597463007 : i32
          %sub3A_1083 = vector.broadcast %sub3A_1082 : i32 to vector<16xi32>
          %sub3A_1084 = arith.subi %sub3A_1083, %shift_right_logical3A_1081 : vector<16xi32>
          %bitcast_convert_type3A_1085 = tpu.bitcast %sub3A_1084 : vector<16xi32> -> vector<16xf32>
          %mul3A_1086 = arith.constant 5.000000e-01 : f32
          %mul3A_1087 = vector.broadcast %mul3A_1086 : f32 to vector<16xf32>
          %mul3A_1088 = arith.mulf %mul3A_1087, %add3A_1077 : vector<16xf32>
          %mul3A_1089 = arith.mulf %mul3A_1088, %bitcast_convert_type3A_1085 : vector<16xf32>
          %mul3A_1090 = arith.mulf %mul3A_1089, %bitcast_convert_type3A_1085 : vector<16xf32>
          %sub3A_1091 = arith.constant 1.500000e+00 : f32
          %sub3A_1092 = vector.broadcast %sub3A_1091 : f32 to vector<16xf32>
          %sub3A_1093 = arith.subf %sub3A_1092, %mul3A_1090 : vector<16xf32>
          %mul3A_1094 = arith.mulf %bitcast_convert_type3A_1085, %sub3A_1093 : vector<16xf32>
          %mul3A_1095 = arith.constant 5.000000e-01 : f32
          %mul3A_1096 = vector.broadcast %mul3A_1095 : f32 to vector<16xf32>
          %mul3A_1097 = arith.mulf %mul3A_1096, %add3A_1077 : vector<16xf32>
          %mul3A_1098 = arith.mulf %mul3A_1097, %mul3A_1094 : vector<16xf32>
          %mul3A_1099 = arith.mulf %mul3A_1098, %mul3A_1094 : vector<16xf32>
          %sub3A_1100 = arith.constant 1.500000e+00 : f32
          %sub3A_1101 = vector.broadcast %sub3A_1100 : f32 to vector<16xf32>
          %sub3A_1102 = arith.subf %sub3A_1101, %mul3A_1099 : vector<16xf32>
          %mul3A_1103 = arith.mulf %mul3A_1094, %sub3A_1102 : vector<16xf32>
          %mul3A_1104 = arith.constant 5.000000e-01 : f32
          %mul3A_1105 = vector.broadcast %mul3A_1104 : f32 to vector<16xf32>
          %mul3A_1106 = arith.mulf %mul3A_1105, %add3A_1077 : vector<16xf32>
          %mul3A_1107 = arith.mulf %mul3A_1106, %mul3A_1103 : vector<16xf32>
          %mul3A_1108 = arith.mulf %mul3A_1107, %mul3A_1103 : vector<16xf32>
          %sub3A_1109 = arith.constant 1.500000e+00 : f32
          %sub3A_1110 = vector.broadcast %sub3A_1109 : f32 to vector<16xf32>
          %sub3A_1111 = arith.subf %sub3A_1110, %mul3A_1108 : vector<16xf32>
          %mul3A_1112 = arith.mulf %mul3A_1103, %sub3A_1111 : vector<16xf32>
          %mul3A_1113 = arith.mulf %add3A_1077, %mul3A_1112 : vector<16xf32>
          %sign3A_1114 = tpu.bitcast %sub3A_1069 : vector<16xf32> -> vector<16xi32>
          %sign3A_1115 = arith.constant -2147483648 : i32
          %sign3A_1116 = vector.broadcast %sign3A_1115 : i32 to vector<16xi32>
          %sign3A_1117 = arith.andi %sign3A_1114, %sign3A_1116 : vector<16xi32>
          %sign3A_1118 = arith.constant 1065353216 : i32
          %sign3A_1119 = vector.broadcast %sign3A_1118 : i32 to vector<16xi32>
          %sign3A_1120 = arith.ori %sign3A_1119, %sign3A_1117 : vector<16xi32>
          %sign3A_1121 = tpu.bitcast %sign3A_1120 : vector<16xi32> -> vector<16xf32>
          %sign3A_1122 = math.absf %sub3A_1069 : vector<16xf32>
          %sign3A_1123 = arith.constant 0.000000e+00 : f32
          %sign3A_1124 = vector.broadcast %sign3A_1123 : f32 to vector<16xf32>
          %sign3A_1125 = arith.cmpf ogt, %sign3A_1122, %sign3A_1124 : vector<16xf32>
          %sign3A_1126 = arith.select %sign3A_1125, %sign3A_1121, %sub3A_1069 : vector<16xi1>, vector<16xf32>
          %mul3A_1127 = arith.mulf %exp3A_1073, %sign3A_1126 : vector<16xf32>
          %mul3A_1128 = arith.mulf %mul3A_1127, %mul3A_1113 : vector<16xf32>
          %mul3A_1129 = arith.mulf %mul3A_1128, %mul3A_1067 : vector<16xf32>
          %mul3A_1130 = arith.mulf %mul3A_1129, %sub3A_1022 : vector<16xf32>
          %add3A_1131 = arith.addf %add3A_1009, %mul3A_1130 : vector<16xf32>
          %mul3A_1132 = arith.mulf %mul3A_1129, %sub3A_1023 : vector<16xf32>
          %add3A_1133 = arith.addf %add3A_1011, %mul3A_1132 : vector<16xf32>
          %mul3A_1134 = arith.mulf %mul3A_1129, %sub3A_1024 : vector<16xf32>
          %add3A_1135 = arith.addf %add3A_1013, %mul3A_1134 : vector<16xf32>
          %add3A_1136 = arith.constant 8 : i32
          %add3A_1137 = vector.broadcast %add3A_1136 : i32 to vector<16xi32>
          %add3A_1138 = arith.addi %mul3A_165, %add3A_1137 : vector<16xi32>
          %gather3A_1139 = tpu.vector_load_idx %arg13[%add3A_1138] : memref<4096xf32, #tpu.memory_space<vmem>>[vector<16xi32>], vector<16xf32>,
          %gather3A_1140 = tpu.vector_load_idx %arg15[%add3A_1138] : memref<4096xf32, #tpu.memory_space<vmem>>[vector<16xi32>], vector<16xf32>,
          %gather3A_1141 = tpu.vector_load_idx %arg17[%add3A_1138] : memref<4096xf32, #tpu.memory_space<vmem>>[vector<16xi32>], vector<16xf32>,
          %gather3A_1142 = tpu.vector_load_idx %arg27[%add3A_1138] : memref<4096xf32, #tpu.memory_space<vmem>>[vector<16xi32>], vector<16xf32>,
          %gather3A_1143 = tpu.vector_load_idx %arg29[%add3A_1138] : memref<4096xf32, #tpu.memory_space<vmem>>[vector<16xi32>], vector<16xf32>,
          %sub3A_1144 = arith.subf %gather3A_1139, %gather3A : vector<16xf32>
          %sub3A_1145 = arith.subf %gather3A_1140, %gather3A_143 : vector<16xf32>
          %sub3A_1146 = arith.subf %gather3A_1141, %gather3A_144 : vector<16xf32>
          %mul3A_1147 = arith.mulf %sub3A_1144, %sub3A_1144 : vector<16xf32>
          %mul3A_1148 = arith.mulf %sub3A_1145, %sub3A_1145 : vector<16xf32>
          %add3A_1149 = arith.addf %mul3A_1147, %mul3A_1148 : vector<16xf32>
          %mul3A_1150 = arith.mulf %sub3A_1146, %sub3A_1146 : vector<16xf32>
          %add3A_1151 = arith.addf %add3A_1149, %mul3A_1150 : vector<16xf32>
          %add3A_1152 = arith.constant 9.99999982E-15 : f32
          %add3A_1153 = vector.broadcast %add3A_1152 : f32 to vector<16xf32>
          %add3A_1154 = arith.addf %add3A_1151, %add3A_1153 : vector<16xf32>
          %bitcast_convert_type3A_1155 = tpu.bitcast %add3A_1154 : vector<16xf32> -> vector<16xi32>
          %shift_right_logical3A_1156 = arith.constant 1 : i32
          %shift_right_logical3A_1157 = vector.broadcast %shift_right_logical3A_1156 : i32 to vector<16xi32>
          %shift_right_logical3A_1158 = arith.shrui %bitcast_convert_type3A_1155, %shift_right_logical3A_1157 : vector<16xi32>
          %sub3A_1159 = arith.constant 1597463007 : i32
          %sub3A_1160 = vector.broadcast %sub3A_1159 : i32 to vector<16xi32>
          %sub3A_1161 = arith.subi %sub3A_1160, %shift_right_logical3A_1158 : vector<16xi32>
          %bitcast_convert_type3A_1162 = tpu.bitcast %sub3A_1161 : vector<16xi32> -> vector<16xf32>
          %mul3A_1163 = arith.constant 5.000000e-01 : f32
          %mul3A_1164 = vector.broadcast %mul3A_1163 : f32 to vector<16xf32>
          %mul3A_1165 = arith.mulf %mul3A_1164, %add3A_1154 : vector<16xf32>
          %mul3A_1166 = arith.mulf %mul3A_1165, %bitcast_convert_type3A_1162 : vector<16xf32>
          %mul3A_1167 = arith.mulf %mul3A_1166, %bitcast_convert_type3A_1162 : vector<16xf32>
          %sub3A_1168 = arith.constant 1.500000e+00 : f32
          %sub3A_1169 = vector.broadcast %sub3A_1168 : f32 to vector<16xf32>
          %sub3A_1170 = arith.subf %sub3A_1169, %mul3A_1167 : vector<16xf32>
          %mul3A_1171 = arith.mulf %bitcast_convert_type3A_1162, %sub3A_1170 : vector<16xf32>
          %mul3A_1172 = arith.constant 5.000000e-01 : f32
          %mul3A_1173 = vector.broadcast %mul3A_1172 : f32 to vector<16xf32>
          %mul3A_1174 = arith.mulf %mul3A_1173, %add3A_1154 : vector<16xf32>
          %mul3A_1175 = arith.mulf %mul3A_1174, %mul3A_1171 : vector<16xf32>
          %mul3A_1176 = arith.mulf %mul3A_1175, %mul3A_1171 : vector<16xf32>
          %sub3A_1177 = arith.constant 1.500000e+00 : f32
          %sub3A_1178 = vector.broadcast %sub3A_1177 : f32 to vector<16xf32>
          %sub3A_1179 = arith.subf %sub3A_1178, %mul3A_1176 : vector<16xf32>
          %mul3A_1180 = arith.mulf %mul3A_1171, %sub3A_1179 : vector<16xf32>
          %mul3A_1181 = arith.constant 5.000000e-01 : f32
          %mul3A_1182 = vector.broadcast %mul3A_1181 : f32 to vector<16xf32>
          %mul3A_1183 = arith.mulf %mul3A_1182, %add3A_1154 : vector<16xf32>
          %mul3A_1184 = arith.mulf %mul3A_1183, %mul3A_1180 : vector<16xf32>
          %mul3A_1185 = arith.mulf %mul3A_1184, %mul3A_1180 : vector<16xf32>
          %sub3A_1186 = arith.constant 1.500000e+00 : f32
          %sub3A_1187 = vector.broadcast %sub3A_1186 : f32 to vector<16xf32>
          %sub3A_1188 = arith.subf %sub3A_1187, %mul3A_1185 : vector<16xf32>
          %mul3A_1189 = arith.mulf %mul3A_1180, %sub3A_1188 : vector<16xf32>
          %mul3A_1190 = arith.mulf %add3A_1154, %mul3A_1189 : vector<16xf32>
          %sub3A_1191 = arith.subf %mul3A_1190, %gather3A_1142 : vector<16xf32>
          %mul3A_1192 = arith.constant 2.30258512 : f32
          %mul3A_1193 = vector.broadcast %mul3A_1192 : f32 to vector<16xf32>
          %mul3A_1194 = arith.mulf %mul3A_1193, %gather3A_1143 : vector<16xf32>
          %exp3A_1195 = math.exp %mul3A_1194 : vector<16xf32>
          %abs3A_1196 = math.absf %sub3A_1191 : vector<16xf32>
          %add3A_1197 = arith.constant 9.99999982E-15 : f32
          %add3A_1198 = vector.broadcast %add3A_1197 : f32 to vector<16xf32>
          %add3A_1199 = arith.addf %abs3A_1196, %add3A_1198 : vector<16xf32>
          %bitcast_convert_type3A_1200 = tpu.bitcast %add3A_1199 : vector<16xf32> -> vector<16xi32>
          %shift_right_logical3A_1201 = arith.constant 1 : i32
          %shift_right_logical3A_1202 = vector.broadcast %shift_right_logical3A_1201 : i32 to vector<16xi32>
          %shift_right_logical3A_1203 = arith.shrui %bitcast_convert_type3A_1200, %shift_right_logical3A_1202 : vector<16xi32>
          %sub3A_1204 = arith.constant 1597463007 : i32
          %sub3A_1205 = vector.broadcast %sub3A_1204 : i32 to vector<16xi32>
          %sub3A_1206 = arith.subi %sub3A_1205, %shift_right_logical3A_1203 : vector<16xi32>
          %bitcast_convert_type3A_1207 = tpu.bitcast %sub3A_1206 : vector<16xi32> -> vector<16xf32>
          %mul3A_1208 = arith.constant 5.000000e-01 : f32
          %mul3A_1209 = vector.broadcast %mul3A_1208 : f32 to vector<16xf32>
          %mul3A_1210 = arith.mulf %mul3A_1209, %add3A_1199 : vector<16xf32>
          %mul3A_1211 = arith.mulf %mul3A_1210, %bitcast_convert_type3A_1207 : vector<16xf32>
          %mul3A_1212 = arith.mulf %mul3A_1211, %bitcast_convert_type3A_1207 : vector<16xf32>
          %sub3A_1213 = arith.constant 1.500000e+00 : f32
          %sub3A_1214 = vector.broadcast %sub3A_1213 : f32 to vector<16xf32>
          %sub3A_1215 = arith.subf %sub3A_1214, %mul3A_1212 : vector<16xf32>
          %mul3A_1216 = arith.mulf %bitcast_convert_type3A_1207, %sub3A_1215 : vector<16xf32>
          %mul3A_1217 = arith.constant 5.000000e-01 : f32
          %mul3A_1218 = vector.broadcast %mul3A_1217 : f32 to vector<16xf32>
          %mul3A_1219 = arith.mulf %mul3A_1218, %add3A_1199 : vector<16xf32>
          %mul3A_1220 = arith.mulf %mul3A_1219, %mul3A_1216 : vector<16xf32>
          %mul3A_1221 = arith.mulf %mul3A_1220, %mul3A_1216 : vector<16xf32>
          %sub3A_1222 = arith.constant 1.500000e+00 : f32
          %sub3A_1223 = vector.broadcast %sub3A_1222 : f32 to vector<16xf32>
          %sub3A_1224 = arith.subf %sub3A_1223, %mul3A_1221 : vector<16xf32>
          %mul3A_1225 = arith.mulf %mul3A_1216, %sub3A_1224 : vector<16xf32>
          %mul3A_1226 = arith.constant 5.000000e-01 : f32
          %mul3A_1227 = vector.broadcast %mul3A_1226 : f32 to vector<16xf32>
          %mul3A_1228 = arith.mulf %mul3A_1227, %add3A_1199 : vector<16xf32>
          %mul3A_1229 = arith.mulf %mul3A_1228, %mul3A_1225 : vector<16xf32>
          %mul3A_1230 = arith.mulf %mul3A_1229, %mul3A_1225 : vector<16xf32>
          %sub3A_1231 = arith.constant 1.500000e+00 : f32
          %sub3A_1232 = vector.broadcast %sub3A_1231 : f32 to vector<16xf32>
          %sub3A_1233 = arith.subf %sub3A_1232, %mul3A_1230 : vector<16xf32>
          %mul3A_1234 = arith.mulf %mul3A_1225, %sub3A_1233 : vector<16xf32>
          %mul3A_1235 = arith.mulf %add3A_1199, %mul3A_1234 : vector<16xf32>
          %sign3A_1236 = tpu.bitcast %sub3A_1191 : vector<16xf32> -> vector<16xi32>
          %sign3A_1237 = arith.constant -2147483648 : i32
          %sign3A_1238 = vector.broadcast %sign3A_1237 : i32 to vector<16xi32>
          %sign3A_1239 = arith.andi %sign3A_1236, %sign3A_1238 : vector<16xi32>
          %sign3A_1240 = arith.constant 1065353216 : i32
          %sign3A_1241 = vector.broadcast %sign3A_1240 : i32 to vector<16xi32>
          %sign3A_1242 = arith.ori %sign3A_1241, %sign3A_1239 : vector<16xi32>
          %sign3A_1243 = tpu.bitcast %sign3A_1242 : vector<16xi32> -> vector<16xf32>
          %sign3A_1244 = math.absf %sub3A_1191 : vector<16xf32>
          %sign3A_1245 = arith.constant 0.000000e+00 : f32
          %sign3A_1246 = vector.broadcast %sign3A_1245 : f32 to vector<16xf32>
          %sign3A_1247 = arith.cmpf ogt, %sign3A_1244, %sign3A_1246 : vector<16xf32>
          %sign3A_1248 = arith.select %sign3A_1247, %sign3A_1243, %sub3A_1191 : vector<16xi1>, vector<16xf32>
          %mul3A_1249 = arith.mulf %exp3A_1195, %sign3A_1248 : vector<16xf32>
          %mul3A_1250 = arith.mulf %mul3A_1249, %mul3A_1235 : vector<16xf32>
          %mul3A_1251 = arith.mulf %mul3A_1250, %mul3A_1189 : vector<16xf32>
          %mul3A_1252 = arith.mulf %mul3A_1251, %sub3A_1144 : vector<16xf32>
          %add3A_1253 = arith.addf %add3A_1131, %mul3A_1252 : vector<16xf32>
          %mul3A_1254 = arith.mulf %mul3A_1251, %sub3A_1145 : vector<16xf32>
          %add3A_1255 = arith.addf %add3A_1133, %mul3A_1254 : vector<16xf32>
          %mul3A_1256 = arith.mulf %mul3A_1251, %sub3A_1146 : vector<16xf32>
          %add3A_1257 = arith.addf %add3A_1135, %mul3A_1256 : vector<16xf32>
          %add3A_1258 = arith.constant 9 : i32
          %add3A_1259 = vector.broadcast %add3A_1258 : i32 to vector<16xi32>
          %add3A_1260 = arith.addi %mul3A_165, %add3A_1259 : vector<16xi32>
          %gather3A_1261 = tpu.vector_load_idx %arg13[%add3A_1260] : memref<4096xf32, #tpu.memory_space<vmem>>[vector<16xi32>], vector<16xf32>,
          %gather3A_1262 = tpu.vector_load_idx %arg15[%add3A_1260] : memref<4096xf32, #tpu.memory_space<vmem>>[vector<16xi32>], vector<16xf32>,
          %gather3A_1263 = tpu.vector_load_idx %arg17[%add3A_1260] : memref<4096xf32, #tpu.memory_space<vmem>>[vector<16xi32>], vector<16xf32>,
          %gather3A_1264 = tpu.vector_load_idx %arg27[%add3A_1260] : memref<4096xf32, #tpu.memory_space<vmem>>[vector<16xi32>], vector<16xf32>,
          %gather3A_1265 = tpu.vector_load_idx %arg29[%add3A_1260] : memref<4096xf32, #tpu.memory_space<vmem>>[vector<16xi32>], vector<16xf32>,
          %sub3A_1266 = arith.subf %gather3A_1261, %gather3A : vector<16xf32>
          %sub3A_1267 = arith.subf %gather3A_1262, %gather3A_143 : vector<16xf32>
          %sub3A_1268 = arith.subf %gather3A_1263, %gather3A_144 : vector<16xf32>
          %mul3A_1269 = arith.mulf %sub3A_1266, %sub3A_1266 : vector<16xf32>
          %mul3A_1270 = arith.mulf %sub3A_1267, %sub3A_1267 : vector<16xf32>
          %add3A_1271 = arith.addf %mul3A_1269, %mul3A_1270 : vector<16xf32>
          %mul3A_1272 = arith.mulf %sub3A_1268, %sub3A_1268 : vector<16xf32>
          %add3A_1273 = arith.addf %add3A_1271, %mul3A_1272 : vector<16xf32>
          %add3A_1274 = arith.constant 9.99999982E-15 : f32
          %add3A_1275 = vector.broadcast %add3A_1274 : f32 to vector<16xf32>
          %add3A_1276 = arith.addf %add3A_1273, %add3A_1275 : vector<16xf32>
          %bitcast_convert_type3A_1277 = tpu.bitcast %add3A_1276 : vector<16xf32> -> vector<16xi32>
          %shift_right_logical3A_1278 = arith.constant 1 : i32
          %shift_right_logical3A_1279 = vector.broadcast %shift_right_logical3A_1278 : i32 to vector<16xi32>
          %shift_right_logical3A_1280 = arith.shrui %bitcast_convert_type3A_1277, %shift_right_logical3A_1279 : vector<16xi32>
          %sub3A_1281 = arith.constant 1597463007 : i32
          %sub3A_1282 = vector.broadcast %sub3A_1281 : i32 to vector<16xi32>
          %sub3A_1283 = arith.subi %sub3A_1282, %shift_right_logical3A_1280 : vector<16xi32>
          %bitcast_convert_type3A_1284 = tpu.bitcast %sub3A_1283 : vector<16xi32> -> vector<16xf32>
          %mul3A_1285 = arith.constant 5.000000e-01 : f32
          %mul3A_1286 = vector.broadcast %mul3A_1285 : f32 to vector<16xf32>
          %mul3A_1287 = arith.mulf %mul3A_1286, %add3A_1276 : vector<16xf32>
          %mul3A_1288 = arith.mulf %mul3A_1287, %bitcast_convert_type3A_1284 : vector<16xf32>
          %mul3A_1289 = arith.mulf %mul3A_1288, %bitcast_convert_type3A_1284 : vector<16xf32>
          %sub3A_1290 = arith.constant 1.500000e+00 : f32
          %sub3A_1291 = vector.broadcast %sub3A_1290 : f32 to vector<16xf32>
          %sub3A_1292 = arith.subf %sub3A_1291, %mul3A_1289 : vector<16xf32>
          %mul3A_1293 = arith.mulf %bitcast_convert_type3A_1284, %sub3A_1292 : vector<16xf32>
          %mul3A_1294 = arith.constant 5.000000e-01 : f32
          %mul3A_1295 = vector.broadcast %mul3A_1294 : f32 to vector<16xf32>
          %mul3A_1296 = arith.mulf %mul3A_1295, %add3A_1276 : vector<16xf32>
          %mul3A_1297 = arith.mulf %mul3A_1296, %mul3A_1293 : vector<16xf32>
          %mul3A_1298 = arith.mulf %mul3A_1297, %mul3A_1293 : vector<16xf32>
          %sub3A_1299 = arith.constant 1.500000e+00 : f32
          %sub3A_1300 = vector.broadcast %sub3A_1299 : f32 to vector<16xf32>
          %sub3A_1301 = arith.subf %sub3A_1300, %mul3A_1298 : vector<16xf32>
          %mul3A_1302 = arith.mulf %mul3A_1293, %sub3A_1301 : vector<16xf32>
          %mul3A_1303 = arith.constant 5.000000e-01 : f32
          %mul3A_1304 = vector.broadcast %mul3A_1303 : f32 to vector<16xf32>
          %mul3A_1305 = arith.mulf %mul3A_1304, %add3A_1276 : vector<16xf32>
          %mul3A_1306 = arith.mulf %mul3A_1305, %mul3A_1302 : vector<16xf32>
          %mul3A_1307 = arith.mulf %mul3A_1306, %mul3A_1302 : vector<16xf32>
          %sub3A_1308 = arith.constant 1.500000e+00 : f32
          %sub3A_1309 = vector.broadcast %sub3A_1308 : f32 to vector<16xf32>
          %sub3A_1310 = arith.subf %sub3A_1309, %mul3A_1307 : vector<16xf32>
          %mul3A_1311 = arith.mulf %mul3A_1302, %sub3A_1310 : vector<16xf32>
          %mul3A_1312 = arith.mulf %add3A_1276, %mul3A_1311 : vector<16xf32>
          %sub3A_1313 = arith.subf %mul3A_1312, %gather3A_1264 : vector<16xf32>
          %mul3A_1314 = arith.constant 2.30258512 : f32
          %mul3A_1315 = vector.broadcast %mul3A_1314 : f32 to vector<16xf32>
          %mul3A_1316 = arith.mulf %mul3A_1315, %gather3A_1265 : vector<16xf32>
          %exp3A_1317 = math.exp %mul3A_1316 : vector<16xf32>
          %abs3A_1318 = math.absf %sub3A_1313 : vector<16xf32>
          %add3A_1319 = arith.constant 9.99999982E-15 : f32
          %add3A_1320 = vector.broadcast %add3A_1319 : f32 to vector<16xf32>
          %add3A_1321 = arith.addf %abs3A_1318, %add3A_1320 : vector<16xf32>
          %bitcast_convert_type3A_1322 = tpu.bitcast %add3A_1321 : vector<16xf32> -> vector<16xi32>
          %shift_right_logical3A_1323 = arith.constant 1 : i32
          %shift_right_logical3A_1324 = vector.broadcast %shift_right_logical3A_1323 : i32 to vector<16xi32>
          %shift_right_logical3A_1325 = arith.shrui %bitcast_convert_type3A_1322, %shift_right_logical3A_1324 : vector<16xi32>
          %sub3A_1326 = arith.constant 1597463007 : i32
          %sub3A_1327 = vector.broadcast %sub3A_1326 : i32 to vector<16xi32>
          %sub3A_1328 = arith.subi %sub3A_1327, %shift_right_logical3A_1325 : vector<16xi32>
          %bitcast_convert_type3A_1329 = tpu.bitcast %sub3A_1328 : vector<16xi32> -> vector<16xf32>
          %mul3A_1330 = arith.constant 5.000000e-01 : f32
          %mul3A_1331 = vector.broadcast %mul3A_1330 : f32 to vector<16xf32>
          %mul3A_1332 = arith.mulf %mul3A_1331, %add3A_1321 : vector<16xf32>
          %mul3A_1333 = arith.mulf %mul3A_1332, %bitcast_convert_type3A_1329 : vector<16xf32>
          %mul3A_1334 = arith.mulf %mul3A_1333, %bitcast_convert_type3A_1329 : vector<16xf32>
          %sub3A_1335 = arith.constant 1.500000e+00 : f32
          %sub3A_1336 = vector.broadcast %sub3A_1335 : f32 to vector<16xf32>
          %sub3A_1337 = arith.subf %sub3A_1336, %mul3A_1334 : vector<16xf32>
          %mul3A_1338 = arith.mulf %bitcast_convert_type3A_1329, %sub3A_1337 : vector<16xf32>
          %mul3A_1339 = arith.constant 5.000000e-01 : f32
          %mul3A_1340 = vector.broadcast %mul3A_1339 : f32 to vector<16xf32>
          %mul3A_1341 = arith.mulf %mul3A_1340, %add3A_1321 : vector<16xf32>
          %mul3A_1342 = arith.mulf %mul3A_1341, %mul3A_1338 : vector<16xf32>
          %mul3A_1343 = arith.mulf %mul3A_1342, %mul3A_1338 : vector<16xf32>
          %sub3A_1344 = arith.constant 1.500000e+00 : f32
          %sub3A_1345 = vector.broadcast %sub3A_1344 : f32 to vector<16xf32>
          %sub3A_1346 = arith.subf %sub3A_1345, %mul3A_1343 : vector<16xf32>
          %mul3A_1347 = arith.mulf %mul3A_1338, %sub3A_1346 : vector<16xf32>
          %mul3A_1348 = arith.constant 5.000000e-01 : f32
          %mul3A_1349 = vector.broadcast %mul3A_1348 : f32 to vector<16xf32>
          %mul3A_1350 = arith.mulf %mul3A_1349, %add3A_1321 : vector<16xf32>
          %mul3A_1351 = arith.mulf %mul3A_1350, %mul3A_1347 : vector<16xf32>
          %mul3A_1352 = arith.mulf %mul3A_1351, %mul3A_1347 : vector<16xf32>
          %sub3A_1353 = arith.constant 1.500000e+00 : f32
          %sub3A_1354 = vector.broadcast %sub3A_1353 : f32 to vector<16xf32>
          %sub3A_1355 = arith.subf %sub3A_1354, %mul3A_1352 : vector<16xf32>
          %mul3A_1356 = arith.mulf %mul3A_1347, %sub3A_1355 : vector<16xf32>
          %mul3A_1357 = arith.mulf %add3A_1321, %mul3A_1356 : vector<16xf32>
          %sign3A_1358 = tpu.bitcast %sub3A_1313 : vector<16xf32> -> vector<16xi32>
          %sign3A_1359 = arith.constant -2147483648 : i32
          %sign3A_1360 = vector.broadcast %sign3A_1359 : i32 to vector<16xi32>
          %sign3A_1361 = arith.andi %sign3A_1358, %sign3A_1360 : vector<16xi32>
          %sign3A_1362 = arith.constant 1065353216 : i32
          %sign3A_1363 = vector.broadcast %sign3A_1362 : i32 to vector<16xi32>
          %sign3A_1364 = arith.ori %sign3A_1363, %sign3A_1361 : vector<16xi32>
          %sign3A_1365 = tpu.bitcast %sign3A_1364 : vector<16xi32> -> vector<16xf32>
          %sign3A_1366 = math.absf %sub3A_1313 : vector<16xf32>
          %sign3A_1367 = arith.constant 0.000000e+00 : f32
          %sign3A_1368 = vector.broadcast %sign3A_1367 : f32 to vector<16xf32>
          %sign3A_1369 = arith.cmpf ogt, %sign3A_1366, %sign3A_1368 : vector<16xf32>
          %sign3A_1370 = arith.select %sign3A_1369, %sign3A_1365, %sub3A_1313 : vector<16xi1>, vector<16xf32>
          %mul3A_1371 = arith.mulf %exp3A_1317, %sign3A_1370 : vector<16xf32>
          %mul3A_1372 = arith.mulf %mul3A_1371, %mul3A_1357 : vector<16xf32>
          %mul3A_1373 = arith.mulf %mul3A_1372, %mul3A_1311 : vector<16xf32>
          %mul3A_1374 = arith.mulf %mul3A_1373, %sub3A_1266 : vector<16xf32>
          %add3A_1375 = arith.addf %add3A_1253, %mul3A_1374 : vector<16xf32>
          %mul3A_1376 = arith.mulf %mul3A_1373, %sub3A_1267 : vector<16xf32>
          %add3A_1377 = arith.addf %add3A_1255, %mul3A_1376 : vector<16xf32>
          %mul3A_1378 = arith.mulf %mul3A_1373, %sub3A_1268 : vector<16xf32>
          %add3A_1379 = arith.addf %add3A_1257, %mul3A_1378 : vector<16xf32>
          %add3A_1380 = arith.constant 10 : i32
          %add3A_1381 = vector.broadcast %add3A_1380 : i32 to vector<16xi32>
          %add3A_1382 = arith.addi %mul3A_165, %add3A_1381 : vector<16xi32>
          %gather3A_1383 = tpu.vector_load_idx %arg13[%add3A_1382] : memref<4096xf32, #tpu.memory_space<vmem>>[vector<16xi32>], vector<16xf32>,
          %gather3A_1384 = tpu.vector_load_idx %arg15[%add3A_1382] : memref<4096xf32, #tpu.memory_space<vmem>>[vector<16xi32>], vector<16xf32>,
          %gather3A_1385 = tpu.vector_load_idx %arg17[%add3A_1382] : memref<4096xf32, #tpu.memory_space<vmem>>[vector<16xi32>], vector<16xf32>,
          %gather3A_1386 = tpu.vector_load_idx %arg27[%add3A_1382] : memref<4096xf32, #tpu.memory_space<vmem>>[vector<16xi32>], vector<16xf32>,
          %gather3A_1387 = tpu.vector_load_idx %arg29[%add3A_1382] : memref<4096xf32, #tpu.memory_space<vmem>>[vector<16xi32>], vector<16xf32>,
          %sub3A_1388 = arith.subf %gather3A_1383, %gather3A : vector<16xf32>
          %sub3A_1389 = arith.subf %gather3A_1384, %gather3A_143 : vector<16xf32>
          %sub3A_1390 = arith.subf %gather3A_1385, %gather3A_144 : vector<16xf32>
          %mul3A_1391 = arith.mulf %sub3A_1388, %sub3A_1388 : vector<16xf32>
          %mul3A_1392 = arith.mulf %sub3A_1389, %sub3A_1389 : vector<16xf32>
          %add3A_1393 = arith.addf %mul3A_1391, %mul3A_1392 : vector<16xf32>
          %mul3A_1394 = arith.mulf %sub3A_1390, %sub3A_1390 : vector<16xf32>
          %add3A_1395 = arith.addf %add3A_1393, %mul3A_1394 : vector<16xf32>
          %add3A_1396 = arith.constant 9.99999982E-15 : f32
          %add3A_1397 = vector.broadcast %add3A_1396 : f32 to vector<16xf32>
          %add3A_1398 = arith.addf %add3A_1395, %add3A_1397 : vector<16xf32>
          %bitcast_convert_type3A_1399 = tpu.bitcast %add3A_1398 : vector<16xf32> -> vector<16xi32>
          %shift_right_logical3A_1400 = arith.constant 1 : i32
          %shift_right_logical3A_1401 = vector.broadcast %shift_right_logical3A_1400 : i32 to vector<16xi32>
          %shift_right_logical3A_1402 = arith.shrui %bitcast_convert_type3A_1399, %shift_right_logical3A_1401 : vector<16xi32>
          %sub3A_1403 = arith.constant 1597463007 : i32
          %sub3A_1404 = vector.broadcast %sub3A_1403 : i32 to vector<16xi32>
          %sub3A_1405 = arith.subi %sub3A_1404, %shift_right_logical3A_1402 : vector<16xi32>
          %bitcast_convert_type3A_1406 = tpu.bitcast %sub3A_1405 : vector<16xi32> -> vector<16xf32>
          %mul3A_1407 = arith.constant 5.000000e-01 : f32
          %mul3A_1408 = vector.broadcast %mul3A_1407 : f32 to vector<16xf32>
          %mul3A_1409 = arith.mulf %mul3A_1408, %add3A_1398 : vector<16xf32>
          %mul3A_1410 = arith.mulf %mul3A_1409, %bitcast_convert_type3A_1406 : vector<16xf32>
          %mul3A_1411 = arith.mulf %mul3A_1410, %bitcast_convert_type3A_1406 : vector<16xf32>
          %sub3A_1412 = arith.constant 1.500000e+00 : f32
          %sub3A_1413 = vector.broadcast %sub3A_1412 : f32 to vector<16xf32>
          %sub3A_1414 = arith.subf %sub3A_1413, %mul3A_1411 : vector<16xf32>
          %mul3A_1415 = arith.mulf %bitcast_convert_type3A_1406, %sub3A_1414 : vector<16xf32>
          %mul3A_1416 = arith.constant 5.000000e-01 : f32
          %mul3A_1417 = vector.broadcast %mul3A_1416 : f32 to vector<16xf32>
          %mul3A_1418 = arith.mulf %mul3A_1417, %add3A_1398 : vector<16xf32>
          %mul3A_1419 = arith.mulf %mul3A_1418, %mul3A_1415 : vector<16xf32>
          %mul3A_1420 = arith.mulf %mul3A_1419, %mul3A_1415 : vector<16xf32>
          %sub3A_1421 = arith.constant 1.500000e+00 : f32
          %sub3A_1422 = vector.broadcast %sub3A_1421 : f32 to vector<16xf32>
          %sub3A_1423 = arith.subf %sub3A_1422, %mul3A_1420 : vector<16xf32>
          %mul3A_1424 = arith.mulf %mul3A_1415, %sub3A_1423 : vector<16xf32>
          %mul3A_1425 = arith.constant 5.000000e-01 : f32
          %mul3A_1426 = vector.broadcast %mul3A_1425 : f32 to vector<16xf32>
          %mul3A_1427 = arith.mulf %mul3A_1426, %add3A_1398 : vector<16xf32>
          %mul3A_1428 = arith.mulf %mul3A_1427, %mul3A_1424 : vector<16xf32>
          %mul3A_1429 = arith.mulf %mul3A_1428, %mul3A_1424 : vector<16xf32>
          %sub3A_1430 = arith.constant 1.500000e+00 : f32
          %sub3A_1431 = vector.broadcast %sub3A_1430 : f32 to vector<16xf32>
          %sub3A_1432 = arith.subf %sub3A_1431, %mul3A_1429 : vector<16xf32>
          %mul3A_1433 = arith.mulf %mul3A_1424, %sub3A_1432 : vector<16xf32>
          %mul3A_1434 = arith.mulf %add3A_1398, %mul3A_1433 : vector<16xf32>
          %sub3A_1435 = arith.subf %mul3A_1434, %gather3A_1386 : vector<16xf32>
          %mul3A_1436 = arith.constant 2.30258512 : f32
          %mul3A_1437 = vector.broadcast %mul3A_1436 : f32 to vector<16xf32>
          %mul3A_1438 = arith.mulf %mul3A_1437, %gather3A_1387 : vector<16xf32>
          %exp3A_1439 = math.exp %mul3A_1438 : vector<16xf32>
          %abs3A_1440 = math.absf %sub3A_1435 : vector<16xf32>
          %add3A_1441 = arith.constant 9.99999982E-15 : f32
          %add3A_1442 = vector.broadcast %add3A_1441 : f32 to vector<16xf32>
          %add3A_1443 = arith.addf %abs3A_1440, %add3A_1442 : vector<16xf32>
          %bitcast_convert_type3A_1444 = tpu.bitcast %add3A_1443 : vector<16xf32> -> vector<16xi32>
          %shift_right_logical3A_1445 = arith.constant 1 : i32
          %shift_right_logical3A_1446 = vector.broadcast %shift_right_logical3A_1445 : i32 to vector<16xi32>
          %shift_right_logical3A_1447 = arith.shrui %bitcast_convert_type3A_1444, %shift_right_logical3A_1446 : vector<16xi32>
          %sub3A_1448 = arith.constant 1597463007 : i32
          %sub3A_1449 = vector.broadcast %sub3A_1448 : i32 to vector<16xi32>
          %sub3A_1450 = arith.subi %sub3A_1449, %shift_right_logical3A_1447 : vector<16xi32>
          %bitcast_convert_type3A_1451 = tpu.bitcast %sub3A_1450 : vector<16xi32> -> vector<16xf32>
          %mul3A_1452 = arith.constant 5.000000e-01 : f32
          %mul3A_1453 = vector.broadcast %mul3A_1452 : f32 to vector<16xf32>
          %mul3A_1454 = arith.mulf %mul3A_1453, %add3A_1443 : vector<16xf32>
          %mul3A_1455 = arith.mulf %mul3A_1454, %bitcast_convert_type3A_1451 : vector<16xf32>
          %mul3A_1456 = arith.mulf %mul3A_1455, %bitcast_convert_type3A_1451 : vector<16xf32>
          %sub3A_1457 = arith.constant 1.500000e+00 : f32
          %sub3A_1458 = vector.broadcast %sub3A_1457 : f32 to vector<16xf32>
          %sub3A_1459 = arith.subf %sub3A_1458, %mul3A_1456 : vector<16xf32>
          %mul3A_1460 = arith.mulf %bitcast_convert_type3A_1451, %sub3A_1459 : vector<16xf32>
          %mul3A_1461 = arith.constant 5.000000e-01 : f32
          %mul3A_1462 = vector.broadcast %mul3A_1461 : f32 to vector<16xf32>
          %mul3A_1463 = arith.mulf %mul3A_1462, %add3A_1443 : vector<16xf32>
          %mul3A_1464 = arith.mulf %mul3A_1463, %mul3A_1460 : vector<16xf32>
          %mul3A_1465 = arith.mulf %mul3A_1464, %mul3A_1460 : vector<16xf32>
          %sub3A_1466 = arith.constant 1.500000e+00 : f32
          %sub3A_1467 = vector.broadcast %sub3A_1466 : f32 to vector<16xf32>
          %sub3A_1468 = arith.subf %sub3A_1467, %mul3A_1465 : vector<16xf32>
          %mul3A_1469 = arith.mulf %mul3A_1460, %sub3A_1468 : vector<16xf32>
          %mul3A_1470 = arith.constant 5.000000e-01 : f32
          %mul3A_1471 = vector.broadcast %mul3A_1470 : f32 to vector<16xf32>
          %mul3A_1472 = arith.mulf %mul3A_1471, %add3A_1443 : vector<16xf32>
          %mul3A_1473 = arith.mulf %mul3A_1472, %mul3A_1469 : vector<16xf32>
          %mul3A_1474 = arith.mulf %mul3A_1473, %mul3A_1469 : vector<16xf32>
          %sub3A_1475 = arith.constant 1.500000e+00 : f32
          %sub3A_1476 = vector.broadcast %sub3A_1475 : f32 to vector<16xf32>
          %sub3A_1477 = arith.subf %sub3A_1476, %mul3A_1474 : vector<16xf32>
          %mul3A_1478 = arith.mulf %mul3A_1469, %sub3A_1477 : vector<16xf32>
          %mul3A_1479 = arith.mulf %add3A_1443, %mul3A_1478 : vector<16xf32>
          %sign3A_1480 = tpu.bitcast %sub3A_1435 : vector<16xf32> -> vector<16xi32>
          %sign3A_1481 = arith.constant -2147483648 : i32
          %sign3A_1482 = vector.broadcast %sign3A_1481 : i32 to vector<16xi32>
          %sign3A_1483 = arith.andi %sign3A_1480, %sign3A_1482 : vector<16xi32>
          %sign3A_1484 = arith.constant 1065353216 : i32
          %sign3A_1485 = vector.broadcast %sign3A_1484 : i32 to vector<16xi32>
          %sign3A_1486 = arith.ori %sign3A_1485, %sign3A_1483 : vector<16xi32>
          %sign3A_1487 = tpu.bitcast %sign3A_1486 : vector<16xi32> -> vector<16xf32>
          %sign3A_1488 = math.absf %sub3A_1435 : vector<16xf32>
          %sign3A_1489 = arith.constant 0.000000e+00 : f32
          %sign3A_1490 = vector.broadcast %sign3A_1489 : f32 to vector<16xf32>
          %sign3A_1491 = arith.cmpf ogt, %sign3A_1488, %sign3A_1490 : vector<16xf32>
          %sign3A_1492 = arith.select %sign3A_1491, %sign3A_1487, %sub3A_1435 : vector<16xi1>, vector<16xf32>
          %mul3A_1493 = arith.mulf %exp3A_1439, %sign3A_1492 : vector<16xf32>
          %mul3A_1494 = arith.mulf %mul3A_1493, %mul3A_1479 : vector<16xf32>
          %mul3A_1495 = arith.mulf %mul3A_1494, %mul3A_1433 : vector<16xf32>
          %mul3A_1496 = arith.mulf %mul3A_1495, %sub3A_1388 : vector<16xf32>
          %add3A_1497 = arith.addf %add3A_1375, %mul3A_1496 : vector<16xf32>
          %mul3A_1498 = arith.mulf %mul3A_1495, %sub3A_1389 : vector<16xf32>
          %add3A_1499 = arith.addf %add3A_1377, %mul3A_1498 : vector<16xf32>
          %mul3A_1500 = arith.mulf %mul3A_1495, %sub3A_1390 : vector<16xf32>
          %add3A_1501 = arith.addf %add3A_1379, %mul3A_1500 : vector<16xf32>
          %add3A_1502 = arith.constant 11 : i32
          %add3A_1503 = vector.broadcast %add3A_1502 : i32 to vector<16xi32>
          %add3A_1504 = arith.addi %mul3A_165, %add3A_1503 : vector<16xi32>
          %gather3A_1505 = tpu.vector_load_idx %arg13[%add3A_1504] : memref<4096xf32, #tpu.memory_space<vmem>>[vector<16xi32>], vector<16xf32>,
          %gather3A_1506 = tpu.vector_load_idx %arg15[%add3A_1504] : memref<4096xf32, #tpu.memory_space<vmem>>[vector<16xi32>], vector<16xf32>,
          %gather3A_1507 = tpu.vector_load_idx %arg17[%add3A_1504] : memref<4096xf32, #tpu.memory_space<vmem>>[vector<16xi32>], vector<16xf32>,
          %gather3A_1508 = tpu.vector_load_idx %arg27[%add3A_1504] : memref<4096xf32, #tpu.memory_space<vmem>>[vector<16xi32>], vector<16xf32>,
          %gather3A_1509 = tpu.vector_load_idx %arg29[%add3A_1504] : memref<4096xf32, #tpu.memory_space<vmem>>[vector<16xi32>], vector<16xf32>,
          %sub3A_1510 = arith.subf %gather3A_1505, %gather3A : vector<16xf32>
          %sub3A_1511 = arith.subf %gather3A_1506, %gather3A_143 : vector<16xf32>
          %sub3A_1512 = arith.subf %gather3A_1507, %gather3A_144 : vector<16xf32>
          %mul3A_1513 = arith.mulf %sub3A_1510, %sub3A_1510 : vector<16xf32>
          %mul3A_1514 = arith.mulf %sub3A_1511, %sub3A_1511 : vector<16xf32>
          %add3A_1515 = arith.addf %mul3A_1513, %mul3A_1514 : vector<16xf32>
          %mul3A_1516 = arith.mulf %sub3A_1512, %sub3A_1512 : vector<16xf32>
          %add3A_1517 = arith.addf %add3A_1515, %mul3A_1516 : vector<16xf32>
          %add3A_1518 = arith.constant 9.99999982E-15 : f32
          %add3A_1519 = vector.broadcast %add3A_1518 : f32 to vector<16xf32>
          %add3A_1520 = arith.addf %add3A_1517, %add3A_1519 : vector<16xf32>
          %bitcast_convert_type3A_1521 = tpu.bitcast %add3A_1520 : vector<16xf32> -> vector<16xi32>
          %shift_right_logical3A_1522 = arith.constant 1 : i32
          %shift_right_logical3A_1523 = vector.broadcast %shift_right_logical3A_1522 : i32 to vector<16xi32>
          %shift_right_logical3A_1524 = arith.shrui %bitcast_convert_type3A_1521, %shift_right_logical3A_1523 : vector<16xi32>
          %sub3A_1525 = arith.constant 1597463007 : i32
          %sub3A_1526 = vector.broadcast %sub3A_1525 : i32 to vector<16xi32>
          %sub3A_1527 = arith.subi %sub3A_1526, %shift_right_logical3A_1524 : vector<16xi32>
          %bitcast_convert_type3A_1528 = tpu.bitcast %sub3A_1527 : vector<16xi32> -> vector<16xf32>
          %mul3A_1529 = arith.constant 5.000000e-01 : f32
          %mul3A_1530 = vector.broadcast %mul3A_1529 : f32 to vector<16xf32>
          %mul3A_1531 = arith.mulf %mul3A_1530, %add3A_1520 : vector<16xf32>
          %mul3A_1532 = arith.mulf %mul3A_1531, %bitcast_convert_type3A_1528 : vector<16xf32>
          %mul3A_1533 = arith.mulf %mul3A_1532, %bitcast_convert_type3A_1528 : vector<16xf32>
          %sub3A_1534 = arith.constant 1.500000e+00 : f32
          %sub3A_1535 = vector.broadcast %sub3A_1534 : f32 to vector<16xf32>
          %sub3A_1536 = arith.subf %sub3A_1535, %mul3A_1533 : vector<16xf32>
          %mul3A_1537 = arith.mulf %bitcast_convert_type3A_1528, %sub3A_1536 : vector<16xf32>
          %mul3A_1538 = arith.constant 5.000000e-01 : f32
          %mul3A_1539 = vector.broadcast %mul3A_1538 : f32 to vector<16xf32>
          %mul3A_1540 = arith.mulf %mul3A_1539, %add3A_1520 : vector<16xf32>
          %mul3A_1541 = arith.mulf %mul3A_1540, %mul3A_1537 : vector<16xf32>
          %mul3A_1542 = arith.mulf %mul3A_1541, %mul3A_1537 : vector<16xf32>
          %sub3A_1543 = arith.constant 1.500000e+00 : f32
          %sub3A_1544 = vector.broadcast %sub3A_1543 : f32 to vector<16xf32>
          %sub3A_1545 = arith.subf %sub3A_1544, %mul3A_1542 : vector<16xf32>
          %mul3A_1546 = arith.mulf %mul3A_1537, %sub3A_1545 : vector<16xf32>
          %mul3A_1547 = arith.constant 5.000000e-01 : f32
          %mul3A_1548 = vector.broadcast %mul3A_1547 : f32 to vector<16xf32>
          %mul3A_1549 = arith.mulf %mul3A_1548, %add3A_1520 : vector<16xf32>
          %mul3A_1550 = arith.mulf %mul3A_1549, %mul3A_1546 : vector<16xf32>
          %mul3A_1551 = arith.mulf %mul3A_1550, %mul3A_1546 : vector<16xf32>
          %sub3A_1552 = arith.constant 1.500000e+00 : f32
          %sub3A_1553 = vector.broadcast %sub3A_1552 : f32 to vector<16xf32>
          %sub3A_1554 = arith.subf %sub3A_1553, %mul3A_1551 : vector<16xf32>
          %mul3A_1555 = arith.mulf %mul3A_1546, %sub3A_1554 : vector<16xf32>
          %mul3A_1556 = arith.mulf %add3A_1520, %mul3A_1555 : vector<16xf32>
          %sub3A_1557 = arith.subf %mul3A_1556, %gather3A_1508 : vector<16xf32>
          %mul3A_1558 = arith.constant 2.30258512 : f32
          %mul3A_1559 = vector.broadcast %mul3A_1558 : f32 to vector<16xf32>
          %mul3A_1560 = arith.mulf %mul3A_1559, %gather3A_1509 : vector<16xf32>
          %exp3A_1561 = math.exp %mul3A_1560 : vector<16xf32>
          %abs3A_1562 = math.absf %sub3A_1557 : vector<16xf32>
          %add3A_1563 = arith.constant 9.99999982E-15 : f32
          %add3A_1564 = vector.broadcast %add3A_1563 : f32 to vector<16xf32>
          %add3A_1565 = arith.addf %abs3A_1562, %add3A_1564 : vector<16xf32>
          %bitcast_convert_type3A_1566 = tpu.bitcast %add3A_1565 : vector<16xf32> -> vector<16xi32>
          %shift_right_logical3A_1567 = arith.constant 1 : i32
          %shift_right_logical3A_1568 = vector.broadcast %shift_right_logical3A_1567 : i32 to vector<16xi32>
          %shift_right_logical3A_1569 = arith.shrui %bitcast_convert_type3A_1566, %shift_right_logical3A_1568 : vector<16xi32>
          %sub3A_1570 = arith.constant 1597463007 : i32
          %sub3A_1571 = vector.broadcast %sub3A_1570 : i32 to vector<16xi32>
          %sub3A_1572 = arith.subi %sub3A_1571, %shift_right_logical3A_1569 : vector<16xi32>
          %bitcast_convert_type3A_1573 = tpu.bitcast %sub3A_1572 : vector<16xi32> -> vector<16xf32>
          %mul3A_1574 = arith.constant 5.000000e-01 : f32
          %mul3A_1575 = vector.broadcast %mul3A_1574 : f32 to vector<16xf32>
          %mul3A_1576 = arith.mulf %mul3A_1575, %add3A_1565 : vector<16xf32>
          %mul3A_1577 = arith.mulf %mul3A_1576, %bitcast_convert_type3A_1573 : vector<16xf32>
          %mul3A_1578 = arith.mulf %mul3A_1577, %bitcast_convert_type3A_1573 : vector<16xf32>
          %sub3A_1579 = arith.constant 1.500000e+00 : f32
          %sub3A_1580 = vector.broadcast %sub3A_1579 : f32 to vector<16xf32>
          %sub3A_1581 = arith.subf %sub3A_1580, %mul3A_1578 : vector<16xf32>
          %mul3A_1582 = arith.mulf %bitcast_convert_type3A_1573, %sub3A_1581 : vector<16xf32>
          %mul3A_1583 = arith.constant 5.000000e-01 : f32
          %mul3A_1584 = vector.broadcast %mul3A_1583 : f32 to vector<16xf32>
          %mul3A_1585 = arith.mulf %mul3A_1584, %add3A_1565 : vector<16xf32>
          %mul3A_1586 = arith.mulf %mul3A_1585, %mul3A_1582 : vector<16xf32>
          %mul3A_1587 = arith.mulf %mul3A_1586, %mul3A_1582 : vector<16xf32>
          %sub3A_1588 = arith.constant 1.500000e+00 : f32
          %sub3A_1589 = vector.broadcast %sub3A_1588 : f32 to vector<16xf32>
          %sub3A_1590 = arith.subf %sub3A_1589, %mul3A_1587 : vector<16xf32>
          %mul3A_1591 = arith.mulf %mul3A_1582, %sub3A_1590 : vector<16xf32>
          %mul3A_1592 = arith.constant 5.000000e-01 : f32
          %mul3A_1593 = vector.broadcast %mul3A_1592 : f32 to vector<16xf32>
          %mul3A_1594 = arith.mulf %mul3A_1593, %add3A_1565 : vector<16xf32>
          %mul3A_1595 = arith.mulf %mul3A_1594, %mul3A_1591 : vector<16xf32>
          %mul3A_1596 = arith.mulf %mul3A_1595, %mul3A_1591 : vector<16xf32>
          %sub3A_1597 = arith.constant 1.500000e+00 : f32
          %sub3A_1598 = vector.broadcast %sub3A_1597 : f32 to vector<16xf32>
          %sub3A_1599 = arith.subf %sub3A_1598, %mul3A_1596 : vector<16xf32>
          %mul3A_1600 = arith.mulf %mul3A_1591, %sub3A_1599 : vector<16xf32>
          %mul3A_1601 = arith.mulf %add3A_1565, %mul3A_1600 : vector<16xf32>
          %sign3A_1602 = tpu.bitcast %sub3A_1557 : vector<16xf32> -> vector<16xi32>
          %sign3A_1603 = arith.constant -2147483648 : i32
          %sign3A_1604 = vector.broadcast %sign3A_1603 : i32 to vector<16xi32>
          %sign3A_1605 = arith.andi %sign3A_1602, %sign3A_1604 : vector<16xi32>
          %sign3A_1606 = arith.constant 1065353216 : i32
          %sign3A_1607 = vector.broadcast %sign3A_1606 : i32 to vector<16xi32>
          %sign3A_1608 = arith.ori %sign3A_1607, %sign3A_1605 : vector<16xi32>
          %sign3A_1609 = tpu.bitcast %sign3A_1608 : vector<16xi32> -> vector<16xf32>
          %sign3A_1610 = math.absf %sub3A_1557 : vector<16xf32>
          %sign3A_1611 = arith.constant 0.000000e+00 : f32
          %sign3A_1612 = vector.broadcast %sign3A_1611 : f32 to vector<16xf32>
          %sign3A_1613 = arith.cmpf ogt, %sign3A_1610, %sign3A_1612 : vector<16xf32>
          %sign3A_1614 = arith.select %sign3A_1613, %sign3A_1609, %sub3A_1557 : vector<16xi1>, vector<16xf32>
          %mul3A_1615 = arith.mulf %exp3A_1561, %sign3A_1614 : vector<16xf32>
          %mul3A_1616 = arith.mulf %mul3A_1615, %mul3A_1601 : vector<16xf32>
          %mul3A_1617 = arith.mulf %mul3A_1616, %mul3A_1555 : vector<16xf32>
          %mul3A_1618 = arith.mulf %mul3A_1617, %sub3A_1510 : vector<16xf32>
          %add3A_1619 = arith.addf %add3A_1497, %mul3A_1618 : vector<16xf32>
          %mul3A_1620 = arith.mulf %mul3A_1617, %sub3A_1511 : vector<16xf32>
          %add3A_1621 = arith.addf %add3A_1499, %mul3A_1620 : vector<16xf32>
          %mul3A_1622 = arith.mulf %mul3A_1617, %sub3A_1512 : vector<16xf32>
          %add3A_1623 = arith.addf %add3A_1501, %mul3A_1622 : vector<16xf32>
          %add3A_1624 = arith.constant 12 : i32
          %add3A_1625 = vector.broadcast %add3A_1624 : i32 to vector<16xi32>
          %add3A_1626 = arith.addi %mul3A_165, %add3A_1625 : vector<16xi32>
          %gather3A_1627 = tpu.vector_load_idx %arg13[%add3A_1626] : memref<4096xf32, #tpu.memory_space<vmem>>[vector<16xi32>], vector<16xf32>,
          %gather3A_1628 = tpu.vector_load_idx %arg15[%add3A_1626] : memref<4096xf32, #tpu.memory_space<vmem>>[vector<16xi32>], vector<16xf32>,
          %gather3A_1629 = tpu.vector_load_idx %arg17[%add3A_1626] : memref<4096xf32, #tpu.memory_space<vmem>>[vector<16xi32>], vector<16xf32>,
          %gather3A_1630 = tpu.vector_load_idx %arg27[%add3A_1626] : memref<4096xf32, #tpu.memory_space<vmem>>[vector<16xi32>], vector<16xf32>,
          %gather3A_1631 = tpu.vector_load_idx %arg29[%add3A_1626] : memref<4096xf32, #tpu.memory_space<vmem>>[vector<16xi32>], vector<16xf32>,
          %sub3A_1632 = arith.subf %gather3A_1627, %gather3A : vector<16xf32>
          %sub3A_1633 = arith.subf %gather3A_1628, %gather3A_143 : vector<16xf32>
          %sub3A_1634 = arith.subf %gather3A_1629, %gather3A_144 : vector<16xf32>
          %mul3A_1635 = arith.mulf %sub3A_1632, %sub3A_1632 : vector<16xf32>
          %mul3A_1636 = arith.mulf %sub3A_1633, %sub3A_1633 : vector<16xf32>
          %add3A_1637 = arith.addf %mul3A_1635, %mul3A_1636 : vector<16xf32>
          %mul3A_1638 = arith.mulf %sub3A_1634, %sub3A_1634 : vector<16xf32>
          %add3A_1639 = arith.addf %add3A_1637, %mul3A_1638 : vector<16xf32>
          %add3A_1640 = arith.constant 9.99999982E-15 : f32
          %add3A_1641 = vector.broadcast %add3A_1640 : f32 to vector<16xf32>
          %add3A_1642 = arith.addf %add3A_1639, %add3A_1641 : vector<16xf32>
          %bitcast_convert_type3A_1643 = tpu.bitcast %add3A_1642 : vector<16xf32> -> vector<16xi32>
          %shift_right_logical3A_1644 = arith.constant 1 : i32
          %shift_right_logical3A_1645 = vector.broadcast %shift_right_logical3A_1644 : i32 to vector<16xi32>
          %shift_right_logical3A_1646 = arith.shrui %bitcast_convert_type3A_1643, %shift_right_logical3A_1645 : vector<16xi32>
          %sub3A_1647 = arith.constant 1597463007 : i32
          %sub3A_1648 = vector.broadcast %sub3A_1647 : i32 to vector<16xi32>
          %sub3A_1649 = arith.subi %sub3A_1648, %shift_right_logical3A_1646 : vector<16xi32>
          %bitcast_convert_type3A_1650 = tpu.bitcast %sub3A_1649 : vector<16xi32> -> vector<16xf32>
          %mul3A_1651 = arith.constant 5.000000e-01 : f32
          %mul3A_1652 = vector.broadcast %mul3A_1651 : f32 to vector<16xf32>
          %mul3A_1653 = arith.mulf %mul3A_1652, %add3A_1642 : vector<16xf32>
          %mul3A_1654 = arith.mulf %mul3A_1653, %bitcast_convert_type3A_1650 : vector<16xf32>
          %mul3A_1655 = arith.mulf %mul3A_1654, %bitcast_convert_type3A_1650 : vector<16xf32>
          %sub3A_1656 = arith.constant 1.500000e+00 : f32
          %sub3A_1657 = vector.broadcast %sub3A_1656 : f32 to vector<16xf32>
          %sub3A_1658 = arith.subf %sub3A_1657, %mul3A_1655 : vector<16xf32>
          %mul3A_1659 = arith.mulf %bitcast_convert_type3A_1650, %sub3A_1658 : vector<16xf32>
          %mul3A_1660 = arith.constant 5.000000e-01 : f32
          %mul3A_1661 = vector.broadcast %mul3A_1660 : f32 to vector<16xf32>
          %mul3A_1662 = arith.mulf %mul3A_1661, %add3A_1642 : vector<16xf32>
          %mul3A_1663 = arith.mulf %mul3A_1662, %mul3A_1659 : vector<16xf32>
          %mul3A_1664 = arith.mulf %mul3A_1663, %mul3A_1659 : vector<16xf32>
          %sub3A_1665 = arith.constant 1.500000e+00 : f32
          %sub3A_1666 = vector.broadcast %sub3A_1665 : f32 to vector<16xf32>
          %sub3A_1667 = arith.subf %sub3A_1666, %mul3A_1664 : vector<16xf32>
          %mul3A_1668 = arith.mulf %mul3A_1659, %sub3A_1667 : vector<16xf32>
          %mul3A_1669 = arith.constant 5.000000e-01 : f32
          %mul3A_1670 = vector.broadcast %mul3A_1669 : f32 to vector<16xf32>
          %mul3A_1671 = arith.mulf %mul3A_1670, %add3A_1642 : vector<16xf32>
          %mul3A_1672 = arith.mulf %mul3A_1671, %mul3A_1668 : vector<16xf32>
          %mul3A_1673 = arith.mulf %mul3A_1672, %mul3A_1668 : vector<16xf32>
          %sub3A_1674 = arith.constant 1.500000e+00 : f32
          %sub3A_1675 = vector.broadcast %sub3A_1674 : f32 to vector<16xf32>
          %sub3A_1676 = arith.subf %sub3A_1675, %mul3A_1673 : vector<16xf32>
          %mul3A_1677 = arith.mulf %mul3A_1668, %sub3A_1676 : vector<16xf32>
          %mul3A_1678 = arith.mulf %add3A_1642, %mul3A_1677 : vector<16xf32>
          %sub3A_1679 = arith.subf %mul3A_1678, %gather3A_1630 : vector<16xf32>
          %mul3A_1680 = arith.constant 2.30258512 : f32
          %mul3A_1681 = vector.broadcast %mul3A_1680 : f32 to vector<16xf32>
          %mul3A_1682 = arith.mulf %mul3A_1681, %gather3A_1631 : vector<16xf32>
          %exp3A_1683 = math.exp %mul3A_1682 : vector<16xf32>
          %abs3A_1684 = math.absf %sub3A_1679 : vector<16xf32>
          %add3A_1685 = arith.constant 9.99999982E-15 : f32
          %add3A_1686 = vector.broadcast %add3A_1685 : f32 to vector<16xf32>
          %add3A_1687 = arith.addf %abs3A_1684, %add3A_1686 : vector<16xf32>
          %bitcast_convert_type3A_1688 = tpu.bitcast %add3A_1687 : vector<16xf32> -> vector<16xi32>
          %shift_right_logical3A_1689 = arith.constant 1 : i32
          %shift_right_logical3A_1690 = vector.broadcast %shift_right_logical3A_1689 : i32 to vector<16xi32>
          %shift_right_logical3A_1691 = arith.shrui %bitcast_convert_type3A_1688, %shift_right_logical3A_1690 : vector<16xi32>
          %sub3A_1692 = arith.constant 1597463007 : i32
          %sub3A_1693 = vector.broadcast %sub3A_1692 : i32 to vector<16xi32>
          %sub3A_1694 = arith.subi %sub3A_1693, %shift_right_logical3A_1691 : vector<16xi32>
          %bitcast_convert_type3A_1695 = tpu.bitcast %sub3A_1694 : vector<16xi32> -> vector<16xf32>
          %mul3A_1696 = arith.constant 5.000000e-01 : f32
          %mul3A_1697 = vector.broadcast %mul3A_1696 : f32 to vector<16xf32>
          %mul3A_1698 = arith.mulf %mul3A_1697, %add3A_1687 : vector<16xf32>
          %mul3A_1699 = arith.mulf %mul3A_1698, %bitcast_convert_type3A_1695 : vector<16xf32>
          %mul3A_1700 = arith.mulf %mul3A_1699, %bitcast_convert_type3A_1695 : vector<16xf32>
          %sub3A_1701 = arith.constant 1.500000e+00 : f32
          %sub3A_1702 = vector.broadcast %sub3A_1701 : f32 to vector<16xf32>
          %sub3A_1703 = arith.subf %sub3A_1702, %mul3A_1700 : vector<16xf32>
          %mul3A_1704 = arith.mulf %bitcast_convert_type3A_1695, %sub3A_1703 : vector<16xf32>
          %mul3A_1705 = arith.constant 5.000000e-01 : f32
          %mul3A_1706 = vector.broadcast %mul3A_1705 : f32 to vector<16xf32>
          %mul3A_1707 = arith.mulf %mul3A_1706, %add3A_1687 : vector<16xf32>
          %mul3A_1708 = arith.mulf %mul3A_1707, %mul3A_1704 : vector<16xf32>
          %mul3A_1709 = arith.mulf %mul3A_1708, %mul3A_1704 : vector<16xf32>
          %sub3A_1710 = arith.constant 1.500000e+00 : f32
          %sub3A_1711 = vector.broadcast %sub3A_1710 : f32 to vector<16xf32>
          %sub3A_1712 = arith.subf %sub3A_1711, %mul3A_1709 : vector<16xf32>
          %mul3A_1713 = arith.mulf %mul3A_1704, %sub3A_1712 : vector<16xf32>
          %mul3A_1714 = arith.constant 5.000000e-01 : f32
          %mul3A_1715 = vector.broadcast %mul3A_1714 : f32 to vector<16xf32>
          %mul3A_1716 = arith.mulf %mul3A_1715, %add3A_1687 : vector<16xf32>
          %mul3A_1717 = arith.mulf %mul3A_1716, %mul3A_1713 : vector<16xf32>
          %mul3A_1718 = arith.mulf %mul3A_1717, %mul3A_1713 : vector<16xf32>
          %sub3A_1719 = arith.constant 1.500000e+00 : f32
          %sub3A_1720 = vector.broadcast %sub3A_1719 : f32 to vector<16xf32>
          %sub3A_1721 = arith.subf %sub3A_1720, %mul3A_1718 : vector<16xf32>
          %mul3A_1722 = arith.mulf %mul3A_1713, %sub3A_1721 : vector<16xf32>
          %mul3A_1723 = arith.mulf %add3A_1687, %mul3A_1722 : vector<16xf32>
          %sign3A_1724 = tpu.bitcast %sub3A_1679 : vector<16xf32> -> vector<16xi32>
          %sign3A_1725 = arith.constant -2147483648 : i32
          %sign3A_1726 = vector.broadcast %sign3A_1725 : i32 to vector<16xi32>
          %sign3A_1727 = arith.andi %sign3A_1724, %sign3A_1726 : vector<16xi32>
          %sign3A_1728 = arith.constant 1065353216 : i32
          %sign3A_1729 = vector.broadcast %sign3A_1728 : i32 to vector<16xi32>
          %sign3A_1730 = arith.ori %sign3A_1729, %sign3A_1727 : vector<16xi32>
          %sign3A_1731 = tpu.bitcast %sign3A_1730 : vector<16xi32> -> vector<16xf32>
          %sign3A_1732 = math.absf %sub3A_1679 : vector<16xf32>
          %sign3A_1733 = arith.constant 0.000000e+00 : f32
          %sign3A_1734 = vector.broadcast %sign3A_1733 : f32 to vector<16xf32>
          %sign3A_1735 = arith.cmpf ogt, %sign3A_1732, %sign3A_1734 : vector<16xf32>
          %sign3A_1736 = arith.select %sign3A_1735, %sign3A_1731, %sub3A_1679 : vector<16xi1>, vector<16xf32>
          %mul3A_1737 = arith.mulf %exp3A_1683, %sign3A_1736 : vector<16xf32>
          %mul3A_1738 = arith.mulf %mul3A_1737, %mul3A_1723 : vector<16xf32>
          %mul3A_1739 = arith.mulf %mul3A_1738, %mul3A_1677 : vector<16xf32>
          %mul3A_1740 = arith.mulf %mul3A_1739, %sub3A_1632 : vector<16xf32>
          %add3A_1741 = arith.addf %add3A_1619, %mul3A_1740 : vector<16xf32>
          %mul3A_1742 = arith.mulf %mul3A_1739, %sub3A_1633 : vector<16xf32>
          %add3A_1743 = arith.addf %add3A_1621, %mul3A_1742 : vector<16xf32>
          %mul3A_1744 = arith.mulf %mul3A_1739, %sub3A_1634 : vector<16xf32>
          %add3A_1745 = arith.addf %add3A_1623, %mul3A_1744 : vector<16xf32>
          %add3A_1746 = arith.constant 13 : i32
          %add3A_1747 = vector.broadcast %add3A_1746 : i32 to vector<16xi32>
          %add3A_1748 = arith.addi %mul3A_165, %add3A_1747 : vector<16xi32>
          %gather3A_1749 = tpu.vector_load_idx %arg13[%add3A_1748] : memref<4096xf32, #tpu.memory_space<vmem>>[vector<16xi32>], vector<16xf32>,
          %gather3A_1750 = tpu.vector_load_idx %arg15[%add3A_1748] : memref<4096xf32, #tpu.memory_space<vmem>>[vector<16xi32>], vector<16xf32>,
          %gather3A_1751 = tpu.vector_load_idx %arg17[%add3A_1748] : memref<4096xf32, #tpu.memory_space<vmem>>[vector<16xi32>], vector<16xf32>,
          %gather3A_1752 = tpu.vector_load_idx %arg27[%add3A_1748] : memref<4096xf32, #tpu.memory_space<vmem>>[vector<16xi32>], vector<16xf32>,
          %gather3A_1753 = tpu.vector_load_idx %arg29[%add3A_1748] : memref<4096xf32, #tpu.memory_space<vmem>>[vector<16xi32>], vector<16xf32>,
          %sub3A_1754 = arith.subf %gather3A_1749, %gather3A : vector<16xf32>
          %sub3A_1755 = arith.subf %gather3A_1750, %gather3A_143 : vector<16xf32>
          %sub3A_1756 = arith.subf %gather3A_1751, %gather3A_144 : vector<16xf32>
          %mul3A_1757 = arith.mulf %sub3A_1754, %sub3A_1754 : vector<16xf32>
          %mul3A_1758 = arith.mulf %sub3A_1755, %sub3A_1755 : vector<16xf32>
          %add3A_1759 = arith.addf %mul3A_1757, %mul3A_1758 : vector<16xf32>
          %mul3A_1760 = arith.mulf %sub3A_1756, %sub3A_1756 : vector<16xf32>
          %add3A_1761 = arith.addf %add3A_1759, %mul3A_1760 : vector<16xf32>
          %add3A_1762 = arith.constant 9.99999982E-15 : f32
          %add3A_1763 = vector.broadcast %add3A_1762 : f32 to vector<16xf32>
          %add3A_1764 = arith.addf %add3A_1761, %add3A_1763 : vector<16xf32>
          %bitcast_convert_type3A_1765 = tpu.bitcast %add3A_1764 : vector<16xf32> -> vector<16xi32>
          %shift_right_logical3A_1766 = arith.constant 1 : i32
          %shift_right_logical3A_1767 = vector.broadcast %shift_right_logical3A_1766 : i32 to vector<16xi32>
          %shift_right_logical3A_1768 = arith.shrui %bitcast_convert_type3A_1765, %shift_right_logical3A_1767 : vector<16xi32>
          %sub3A_1769 = arith.constant 1597463007 : i32
          %sub3A_1770 = vector.broadcast %sub3A_1769 : i32 to vector<16xi32>
          %sub3A_1771 = arith.subi %sub3A_1770, %shift_right_logical3A_1768 : vector<16xi32>
          %bitcast_convert_type3A_1772 = tpu.bitcast %sub3A_1771 : vector<16xi32> -> vector<16xf32>
          %mul3A_1773 = arith.constant 5.000000e-01 : f32
          %mul3A_1774 = vector.broadcast %mul3A_1773 : f32 to vector<16xf32>
          %mul3A_1775 = arith.mulf %mul3A_1774, %add3A_1764 : vector<16xf32>
          %mul3A_1776 = arith.mulf %mul3A_1775, %bitcast_convert_type3A_1772 : vector<16xf32>
          %mul3A_1777 = arith.mulf %mul3A_1776, %bitcast_convert_type3A_1772 : vector<16xf32>
          %sub3A_1778 = arith.constant 1.500000e+00 : f32
          %sub3A_1779 = vector.broadcast %sub3A_1778 : f32 to vector<16xf32>
          %sub3A_1780 = arith.subf %sub3A_1779, %mul3A_1777 : vector<16xf32>
          %mul3A_1781 = arith.mulf %bitcast_convert_type3A_1772, %sub3A_1780 : vector<16xf32>
          %mul3A_1782 = arith.constant 5.000000e-01 : f32
          %mul3A_1783 = vector.broadcast %mul3A_1782 : f32 to vector<16xf32>
          %mul3A_1784 = arith.mulf %mul3A_1783, %add3A_1764 : vector<16xf32>
          %mul3A_1785 = arith.mulf %mul3A_1784, %mul3A_1781 : vector<16xf32>
          %mul3A_1786 = arith.mulf %mul3A_1785, %mul3A_1781 : vector<16xf32>
          %sub3A_1787 = arith.constant 1.500000e+00 : f32
          %sub3A_1788 = vector.broadcast %sub3A_1787 : f32 to vector<16xf32>
          %sub3A_1789 = arith.subf %sub3A_1788, %mul3A_1786 : vector<16xf32>
          %mul3A_1790 = arith.mulf %mul3A_1781, %sub3A_1789 : vector<16xf32>
          %mul3A_1791 = arith.constant 5.000000e-01 : f32
          %mul3A_1792 = vector.broadcast %mul3A_1791 : f32 to vector<16xf32>
          %mul3A_1793 = arith.mulf %mul3A_1792, %add3A_1764 : vector<16xf32>
          %mul3A_1794 = arith.mulf %mul3A_1793, %mul3A_1790 : vector<16xf32>
          %mul3A_1795 = arith.mulf %mul3A_1794, %mul3A_1790 : vector<16xf32>
          %sub3A_1796 = arith.constant 1.500000e+00 : f32
          %sub3A_1797 = vector.broadcast %sub3A_1796 : f32 to vector<16xf32>
          %sub3A_1798 = arith.subf %sub3A_1797, %mul3A_1795 : vector<16xf32>
          %mul3A_1799 = arith.mulf %mul3A_1790, %sub3A_1798 : vector<16xf32>
          %mul3A_1800 = arith.mulf %add3A_1764, %mul3A_1799 : vector<16xf32>
          %sub3A_1801 = arith.subf %mul3A_1800, %gather3A_1752 : vector<16xf32>
          %mul3A_1802 = arith.constant 2.30258512 : f32
          %mul3A_1803 = vector.broadcast %mul3A_1802 : f32 to vector<16xf32>
          %mul3A_1804 = arith.mulf %mul3A_1803, %gather3A_1753 : vector<16xf32>
          %exp3A_1805 = math.exp %mul3A_1804 : vector<16xf32>
          %abs3A_1806 = math.absf %sub3A_1801 : vector<16xf32>
          %add3A_1807 = arith.constant 9.99999982E-15 : f32
          %add3A_1808 = vector.broadcast %add3A_1807 : f32 to vector<16xf32>
          %add3A_1809 = arith.addf %abs3A_1806, %add3A_1808 : vector<16xf32>
          %bitcast_convert_type3A_1810 = tpu.bitcast %add3A_1809 : vector<16xf32> -> vector<16xi32>
          %shift_right_logical3A_1811 = arith.constant 1 : i32
          %shift_right_logical3A_1812 = vector.broadcast %shift_right_logical3A_1811 : i32 to vector<16xi32>
          %shift_right_logical3A_1813 = arith.shrui %bitcast_convert_type3A_1810, %shift_right_logical3A_1812 : vector<16xi32>
          %sub3A_1814 = arith.constant 1597463007 : i32
          %sub3A_1815 = vector.broadcast %sub3A_1814 : i32 to vector<16xi32>
          %sub3A_1816 = arith.subi %sub3A_1815, %shift_right_logical3A_1813 : vector<16xi32>
          %bitcast_convert_type3A_1817 = tpu.bitcast %sub3A_1816 : vector<16xi32> -> vector<16xf32>
          %mul3A_1818 = arith.constant 5.000000e-01 : f32
          %mul3A_1819 = vector.broadcast %mul3A_1818 : f32 to vector<16xf32>
          %mul3A_1820 = arith.mulf %mul3A_1819, %add3A_1809 : vector<16xf32>
          %mul3A_1821 = arith.mulf %mul3A_1820, %bitcast_convert_type3A_1817 : vector<16xf32>
          %mul3A_1822 = arith.mulf %mul3A_1821, %bitcast_convert_type3A_1817 : vector<16xf32>
          %sub3A_1823 = arith.constant 1.500000e+00 : f32
          %sub3A_1824 = vector.broadcast %sub3A_1823 : f32 to vector<16xf32>
          %sub3A_1825 = arith.subf %sub3A_1824, %mul3A_1822 : vector<16xf32>
          %mul3A_1826 = arith.mulf %bitcast_convert_type3A_1817, %sub3A_1825 : vector<16xf32>
          %mul3A_1827 = arith.constant 5.000000e-01 : f32
          %mul3A_1828 = vector.broadcast %mul3A_1827 : f32 to vector<16xf32>
          %mul3A_1829 = arith.mulf %mul3A_1828, %add3A_1809 : vector<16xf32>
          %mul3A_1830 = arith.mulf %mul3A_1829, %mul3A_1826 : vector<16xf32>
          %mul3A_1831 = arith.mulf %mul3A_1830, %mul3A_1826 : vector<16xf32>
          %sub3A_1832 = arith.constant 1.500000e+00 : f32
          %sub3A_1833 = vector.broadcast %sub3A_1832 : f32 to vector<16xf32>
          %sub3A_1834 = arith.subf %sub3A_1833, %mul3A_1831 : vector<16xf32>
          %mul3A_1835 = arith.mulf %mul3A_1826, %sub3A_1834 : vector<16xf32>
          %mul3A_1836 = arith.constant 5.000000e-01 : f32
          %mul3A_1837 = vector.broadcast %mul3A_1836 : f32 to vector<16xf32>
          %mul3A_1838 = arith.mulf %mul3A_1837, %add3A_1809 : vector<16xf32>
          %mul3A_1839 = arith.mulf %mul3A_1838, %mul3A_1835 : vector<16xf32>
          %mul3A_1840 = arith.mulf %mul3A_1839, %mul3A_1835 : vector<16xf32>
          %sub3A_1841 = arith.constant 1.500000e+00 : f32
          %sub3A_1842 = vector.broadcast %sub3A_1841 : f32 to vector<16xf32>
          %sub3A_1843 = arith.subf %sub3A_1842, %mul3A_1840 : vector<16xf32>
          %mul3A_1844 = arith.mulf %mul3A_1835, %sub3A_1843 : vector<16xf32>
          %mul3A_1845 = arith.mulf %add3A_1809, %mul3A_1844 : vector<16xf32>
          %sign3A_1846 = tpu.bitcast %sub3A_1801 : vector<16xf32> -> vector<16xi32>
          %sign3A_1847 = arith.constant -2147483648 : i32
          %sign3A_1848 = vector.broadcast %sign3A_1847 : i32 to vector<16xi32>
          %sign3A_1849 = arith.andi %sign3A_1846, %sign3A_1848 : vector<16xi32>
          %sign3A_1850 = arith.constant 1065353216 : i32
          %sign3A_1851 = vector.broadcast %sign3A_1850 : i32 to vector<16xi32>
          %sign3A_1852 = arith.ori %sign3A_1851, %sign3A_1849 : vector<16xi32>
          %sign3A_1853 = tpu.bitcast %sign3A_1852 : vector<16xi32> -> vector<16xf32>
          %sign3A_1854 = math.absf %sub3A_1801 : vector<16xf32>
          %sign3A_1855 = arith.constant 0.000000e+00 : f32
          %sign3A_1856 = vector.broadcast %sign3A_1855 : f32 to vector<16xf32>
          %sign3A_1857 = arith.cmpf ogt, %sign3A_1854, %sign3A_1856 : vector<16xf32>
          %sign3A_1858 = arith.select %sign3A_1857, %sign3A_1853, %sub3A_1801 : vector<16xi1>, vector<16xf32>
          %mul3A_1859 = arith.mulf %exp3A_1805, %sign3A_1858 : vector<16xf32>
          %mul3A_1860 = arith.mulf %mul3A_1859, %mul3A_1845 : vector<16xf32>
          %mul3A_1861 = arith.mulf %mul3A_1860, %mul3A_1799 : vector<16xf32>
          %mul3A_1862 = arith.mulf %mul3A_1861, %sub3A_1754 : vector<16xf32>
          %add3A_1863 = arith.addf %add3A_1741, %mul3A_1862 : vector<16xf32>
          %mul3A_1864 = arith.mulf %mul3A_1861, %sub3A_1755 : vector<16xf32>
          %add3A_1865 = arith.addf %add3A_1743, %mul3A_1864 : vector<16xf32>
          %mul3A_1866 = arith.mulf %mul3A_1861, %sub3A_1756 : vector<16xf32>
          %add3A_1867 = arith.addf %add3A_1745, %mul3A_1866 : vector<16xf32>
          %add3A_1868 = arith.constant 14 : i32
          %add3A_1869 = vector.broadcast %add3A_1868 : i32 to vector<16xi32>
          %add3A_1870 = arith.addi %mul3A_165, %add3A_1869 : vector<16xi32>
          %gather3A_1871 = tpu.vector_load_idx %arg13[%add3A_1870] : memref<4096xf32, #tpu.memory_space<vmem>>[vector<16xi32>], vector<16xf32>,
          %gather3A_1872 = tpu.vector_load_idx %arg15[%add3A_1870] : memref<4096xf32, #tpu.memory_space<vmem>>[vector<16xi32>], vector<16xf32>,
          %gather3A_1873 = tpu.vector_load_idx %arg17[%add3A_1870] : memref<4096xf32, #tpu.memory_space<vmem>>[vector<16xi32>], vector<16xf32>,
          %gather3A_1874 = tpu.vector_load_idx %arg27[%add3A_1870] : memref<4096xf32, #tpu.memory_space<vmem>>[vector<16xi32>], vector<16xf32>,
          %gather3A_1875 = tpu.vector_load_idx %arg29[%add3A_1870] : memref<4096xf32, #tpu.memory_space<vmem>>[vector<16xi32>], vector<16xf32>,
          %sub3A_1876 = arith.subf %gather3A_1871, %gather3A : vector<16xf32>
          %sub3A_1877 = arith.subf %gather3A_1872, %gather3A_143 : vector<16xf32>
          %sub3A_1878 = arith.subf %gather3A_1873, %gather3A_144 : vector<16xf32>
          %mul3A_1879 = arith.mulf %sub3A_1876, %sub3A_1876 : vector<16xf32>
          %mul3A_1880 = arith.mulf %sub3A_1877, %sub3A_1877 : vector<16xf32>
          %add3A_1881 = arith.addf %mul3A_1879, %mul3A_1880 : vector<16xf32>
          %mul3A_1882 = arith.mulf %sub3A_1878, %sub3A_1878 : vector<16xf32>
          %add3A_1883 = arith.addf %add3A_1881, %mul3A_1882 : vector<16xf32>
          %add3A_1884 = arith.constant 9.99999982E-15 : f32
          %add3A_1885 = vector.broadcast %add3A_1884 : f32 to vector<16xf32>
          %add3A_1886 = arith.addf %add3A_1883, %add3A_1885 : vector<16xf32>
          %bitcast_convert_type3A_1887 = tpu.bitcast %add3A_1886 : vector<16xf32> -> vector<16xi32>
          %shift_right_logical3A_1888 = arith.constant 1 : i32
          %shift_right_logical3A_1889 = vector.broadcast %shift_right_logical3A_1888 : i32 to vector<16xi32>
          %shift_right_logical3A_1890 = arith.shrui %bitcast_convert_type3A_1887, %shift_right_logical3A_1889 : vector<16xi32>
          %sub3A_1891 = arith.constant 1597463007 : i32
          %sub3A_1892 = vector.broadcast %sub3A_1891 : i32 to vector<16xi32>
          %sub3A_1893 = arith.subi %sub3A_1892, %shift_right_logical3A_1890 : vector<16xi32>
          %bitcast_convert_type3A_1894 = tpu.bitcast %sub3A_1893 : vector<16xi32> -> vector<16xf32>
          %mul3A_1895 = arith.constant 5.000000e-01 : f32
          %mul3A_1896 = vector.broadcast %mul3A_1895 : f32 to vector<16xf32>
          %mul3A_1897 = arith.mulf %mul3A_1896, %add3A_1886 : vector<16xf32>
          %mul3A_1898 = arith.mulf %mul3A_1897, %bitcast_convert_type3A_1894 : vector<16xf32>
          %mul3A_1899 = arith.mulf %mul3A_1898, %bitcast_convert_type3A_1894 : vector<16xf32>
          %sub3A_1900 = arith.constant 1.500000e+00 : f32
          %sub3A_1901 = vector.broadcast %sub3A_1900 : f32 to vector<16xf32>
          %sub3A_1902 = arith.subf %sub3A_1901, %mul3A_1899 : vector<16xf32>
          %mul3A_1903 = arith.mulf %bitcast_convert_type3A_1894, %sub3A_1902 : vector<16xf32>
          %mul3A_1904 = arith.constant 5.000000e-01 : f32
          %mul3A_1905 = vector.broadcast %mul3A_1904 : f32 to vector<16xf32>
          %mul3A_1906 = arith.mulf %mul3A_1905, %add3A_1886 : vector<16xf32>
          %mul3A_1907 = arith.mulf %mul3A_1906, %mul3A_1903 : vector<16xf32>
          %mul3A_1908 = arith.mulf %mul3A_1907, %mul3A_1903 : vector<16xf32>
          %sub3A_1909 = arith.constant 1.500000e+00 : f32
          %sub3A_1910 = vector.broadcast %sub3A_1909 : f32 to vector<16xf32>
          %sub3A_1911 = arith.subf %sub3A_1910, %mul3A_1908 : vector<16xf32>
          %mul3A_1912 = arith.mulf %mul3A_1903, %sub3A_1911 : vector<16xf32>
          %mul3A_1913 = arith.constant 5.000000e-01 : f32
          %mul3A_1914 = vector.broadcast %mul3A_1913 : f32 to vector<16xf32>
          %mul3A_1915 = arith.mulf %mul3A_1914, %add3A_1886 : vector<16xf32>
          %mul3A_1916 = arith.mulf %mul3A_1915, %mul3A_1912 : vector<16xf32>
          %mul3A_1917 = arith.mulf %mul3A_1916, %mul3A_1912 : vector<16xf32>
          %sub3A_1918 = arith.constant 1.500000e+00 : f32
          %sub3A_1919 = vector.broadcast %sub3A_1918 : f32 to vector<16xf32>
          %sub3A_1920 = arith.subf %sub3A_1919, %mul3A_1917 : vector<16xf32>
          %mul3A_1921 = arith.mulf %mul3A_1912, %sub3A_1920 : vector<16xf32>
          %mul3A_1922 = arith.mulf %add3A_1886, %mul3A_1921 : vector<16xf32>
          %sub3A_1923 = arith.subf %mul3A_1922, %gather3A_1874 : vector<16xf32>
          %mul3A_1924 = arith.constant 2.30258512 : f32
          %mul3A_1925 = vector.broadcast %mul3A_1924 : f32 to vector<16xf32>
          %mul3A_1926 = arith.mulf %mul3A_1925, %gather3A_1875 : vector<16xf32>
          %exp3A_1927 = math.exp %mul3A_1926 : vector<16xf32>
          %abs3A_1928 = math.absf %sub3A_1923 : vector<16xf32>
          %add3A_1929 = arith.constant 9.99999982E-15 : f32
          %add3A_1930 = vector.broadcast %add3A_1929 : f32 to vector<16xf32>
          %add3A_1931 = arith.addf %abs3A_1928, %add3A_1930 : vector<16xf32>
          %bitcast_convert_type3A_1932 = tpu.bitcast %add3A_1931 : vector<16xf32> -> vector<16xi32>
          %shift_right_logical3A_1933 = arith.constant 1 : i32
          %shift_right_logical3A_1934 = vector.broadcast %shift_right_logical3A_1933 : i32 to vector<16xi32>
          %shift_right_logical3A_1935 = arith.shrui %bitcast_convert_type3A_1932, %shift_right_logical3A_1934 : vector<16xi32>
          %sub3A_1936 = arith.constant 1597463007 : i32
          %sub3A_1937 = vector.broadcast %sub3A_1936 : i32 to vector<16xi32>
          %sub3A_1938 = arith.subi %sub3A_1937, %shift_right_logical3A_1935 : vector<16xi32>
          %bitcast_convert_type3A_1939 = tpu.bitcast %sub3A_1938 : vector<16xi32> -> vector<16xf32>
          %mul3A_1940 = arith.constant 5.000000e-01 : f32
          %mul3A_1941 = vector.broadcast %mul3A_1940 : f32 to vector<16xf32>
          %mul3A_1942 = arith.mulf %mul3A_1941, %add3A_1931 : vector<16xf32>
          %mul3A_1943 = arith.mulf %mul3A_1942, %bitcast_convert_type3A_1939 : vector<16xf32>
          %mul3A_1944 = arith.mulf %mul3A_1943, %bitcast_convert_type3A_1939 : vector<16xf32>
          %sub3A_1945 = arith.constant 1.500000e+00 : f32
          %sub3A_1946 = vector.broadcast %sub3A_1945 : f32 to vector<16xf32>
          %sub3A_1947 = arith.subf %sub3A_1946, %mul3A_1944 : vector<16xf32>
          %mul3A_1948 = arith.mulf %bitcast_convert_type3A_1939, %sub3A_1947 : vector<16xf32>
          %mul3A_1949 = arith.constant 5.000000e-01 : f32
          %mul3A_1950 = vector.broadcast %mul3A_1949 : f32 to vector<16xf32>
          %mul3A_1951 = arith.mulf %mul3A_1950, %add3A_1931 : vector<16xf32>
          %mul3A_1952 = arith.mulf %mul3A_1951, %mul3A_1948 : vector<16xf32>
          %mul3A_1953 = arith.mulf %mul3A_1952, %mul3A_1948 : vector<16xf32>
          %sub3A_1954 = arith.constant 1.500000e+00 : f32
          %sub3A_1955 = vector.broadcast %sub3A_1954 : f32 to vector<16xf32>
          %sub3A_1956 = arith.subf %sub3A_1955, %mul3A_1953 : vector<16xf32>
          %mul3A_1957 = arith.mulf %mul3A_1948, %sub3A_1956 : vector<16xf32>
          %mul3A_1958 = arith.constant 5.000000e-01 : f32
          %mul3A_1959 = vector.broadcast %mul3A_1958 : f32 to vector<16xf32>
          %mul3A_1960 = arith.mulf %mul3A_1959, %add3A_1931 : vector<16xf32>
          %mul3A_1961 = arith.mulf %mul3A_1960, %mul3A_1957 : vector<16xf32>
          %mul3A_1962 = arith.mulf %mul3A_1961, %mul3A_1957 : vector<16xf32>
          %sub3A_1963 = arith.constant 1.500000e+00 : f32
          %sub3A_1964 = vector.broadcast %sub3A_1963 : f32 to vector<16xf32>
          %sub3A_1965 = arith.subf %sub3A_1964, %mul3A_1962 : vector<16xf32>
          %mul3A_1966 = arith.mulf %mul3A_1957, %sub3A_1965 : vector<16xf32>
          %mul3A_1967 = arith.mulf %add3A_1931, %mul3A_1966 : vector<16xf32>
          %sign3A_1968 = tpu.bitcast %sub3A_1923 : vector<16xf32> -> vector<16xi32>
          %sign3A_1969 = arith.constant -2147483648 : i32
          %sign3A_1970 = vector.broadcast %sign3A_1969 : i32 to vector<16xi32>
          %sign3A_1971 = arith.andi %sign3A_1968, %sign3A_1970 : vector<16xi32>
          %sign3A_1972 = arith.constant 1065353216 : i32
          %sign3A_1973 = vector.broadcast %sign3A_1972 : i32 to vector<16xi32>
          %sign3A_1974 = arith.ori %sign3A_1973, %sign3A_1971 : vector<16xi32>
          %sign3A_1975 = tpu.bitcast %sign3A_1974 : vector<16xi32> -> vector<16xf32>
          %sign3A_1976 = math.absf %sub3A_1923 : vector<16xf32>
          %sign3A_1977 = arith.constant 0.000000e+00 : f32
          %sign3A_1978 = vector.broadcast %sign3A_1977 : f32 to vector<16xf32>
          %sign3A_1979 = arith.cmpf ogt, %sign3A_1976, %sign3A_1978 : vector<16xf32>
          %sign3A_1980 = arith.select %sign3A_1979, %sign3A_1975, %sub3A_1923 : vector<16xi1>, vector<16xf32>
          %mul3A_1981 = arith.mulf %exp3A_1927, %sign3A_1980 : vector<16xf32>
          %mul3A_1982 = arith.mulf %mul3A_1981, %mul3A_1967 : vector<16xf32>
          %mul3A_1983 = arith.mulf %mul3A_1982, %mul3A_1921 : vector<16xf32>
          %mul3A_1984 = arith.mulf %mul3A_1983, %sub3A_1876 : vector<16xf32>
          %add3A_1985 = arith.addf %add3A_1863, %mul3A_1984 : vector<16xf32>
          %mul3A_1986 = arith.mulf %mul3A_1983, %sub3A_1877 : vector<16xf32>
          %add3A_1987 = arith.addf %add3A_1865, %mul3A_1986 : vector<16xf32>
          %mul3A_1988 = arith.mulf %mul3A_1983, %sub3A_1878 : vector<16xf32>
          %add3A_1989 = arith.addf %add3A_1867, %mul3A_1988 : vector<16xf32>
          %add3A_1990 = arith.constant 15 : i32
          %add3A_1991 = vector.broadcast %add3A_1990 : i32 to vector<16xi32>
          %add3A_1992 = arith.addi %mul3A_165, %add3A_1991 : vector<16xi32>
          %gather3A_1993 = tpu.vector_load_idx %arg13[%add3A_1992] : memref<4096xf32, #tpu.memory_space<vmem>>[vector<16xi32>], vector<16xf32>,
          %gather3A_1994 = tpu.vector_load_idx %arg15[%add3A_1992] : memref<4096xf32, #tpu.memory_space<vmem>>[vector<16xi32>], vector<16xf32>,
          %gather3A_1995 = tpu.vector_load_idx %arg17[%add3A_1992] : memref<4096xf32, #tpu.memory_space<vmem>>[vector<16xi32>], vector<16xf32>,
          %gather3A_1996 = tpu.vector_load_idx %arg27[%add3A_1992] : memref<4096xf32, #tpu.memory_space<vmem>>[vector<16xi32>], vector<16xf32>,
          %gather3A_1997 = tpu.vector_load_idx %arg29[%add3A_1992] : memref<4096xf32, #tpu.memory_space<vmem>>[vector<16xi32>], vector<16xf32>,
          %sub3A_1998 = arith.subf %gather3A_1993, %gather3A : vector<16xf32>
          %sub3A_1999 = arith.subf %gather3A_1994, %gather3A_143 : vector<16xf32>
          %sub3A_2000 = arith.subf %gather3A_1995, %gather3A_144 : vector<16xf32>
          %mul3A_2001 = arith.mulf %sub3A_1998, %sub3A_1998 : vector<16xf32>
          %mul3A_2002 = arith.mulf %sub3A_1999, %sub3A_1999 : vector<16xf32>
          %add3A_2003 = arith.addf %mul3A_2001, %mul3A_2002 : vector<16xf32>
          %mul3A_2004 = arith.mulf %sub3A_2000, %sub3A_2000 : vector<16xf32>
          %add3A_2005 = arith.addf %add3A_2003, %mul3A_2004 : vector<16xf32>
          %add3A_2006 = arith.constant 9.99999982E-15 : f32
          %add3A_2007 = vector.broadcast %add3A_2006 : f32 to vector<16xf32>
          %add3A_2008 = arith.addf %add3A_2005, %add3A_2007 : vector<16xf32>
          %bitcast_convert_type3A_2009 = tpu.bitcast %add3A_2008 : vector<16xf32> -> vector<16xi32>
          %shift_right_logical3A_2010 = arith.constant 1 : i32
          %shift_right_logical3A_2011 = vector.broadcast %shift_right_logical3A_2010 : i32 to vector<16xi32>
          %shift_right_logical3A_2012 = arith.shrui %bitcast_convert_type3A_2009, %shift_right_logical3A_2011 : vector<16xi32>
          %sub3A_2013 = arith.constant 1597463007 : i32
          %sub3A_2014 = vector.broadcast %sub3A_2013 : i32 to vector<16xi32>
          %sub3A_2015 = arith.subi %sub3A_2014, %shift_right_logical3A_2012 : vector<16xi32>
          %bitcast_convert_type3A_2016 = tpu.bitcast %sub3A_2015 : vector<16xi32> -> vector<16xf32>
          %mul3A_2017 = arith.constant 5.000000e-01 : f32
          %mul3A_2018 = vector.broadcast %mul3A_2017 : f32 to vector<16xf32>
          %mul3A_2019 = arith.mulf %mul3A_2018, %add3A_2008 : vector<16xf32>
          %mul3A_2020 = arith.mulf %mul3A_2019, %bitcast_convert_type3A_2016 : vector<16xf32>
          %mul3A_2021 = arith.mulf %mul3A_2020, %bitcast_convert_type3A_2016 : vector<16xf32>
          %sub3A_2022 = arith.constant 1.500000e+00 : f32
          %sub3A_2023 = vector.broadcast %sub3A_2022 : f32 to vector<16xf32>
          %sub3A_2024 = arith.subf %sub3A_2023, %mul3A_2021 : vector<16xf32>
          %mul3A_2025 = arith.mulf %bitcast_convert_type3A_2016, %sub3A_2024 : vector<16xf32>
          %mul3A_2026 = arith.constant 5.000000e-01 : f32
          %mul3A_2027 = vector.broadcast %mul3A_2026 : f32 to vector<16xf32>
          %mul3A_2028 = arith.mulf %mul3A_2027, %add3A_2008 : vector<16xf32>
          %mul3A_2029 = arith.mulf %mul3A_2028, %mul3A_2025 : vector<16xf32>
          %mul3A_2030 = arith.mulf %mul3A_2029, %mul3A_2025 : vector<16xf32>
          %sub3A_2031 = arith.constant 1.500000e+00 : f32
          %sub3A_2032 = vector.broadcast %sub3A_2031 : f32 to vector<16xf32>
          %sub3A_2033 = arith.subf %sub3A_2032, %mul3A_2030 : vector<16xf32>
          %mul3A_2034 = arith.mulf %mul3A_2025, %sub3A_2033 : vector<16xf32>
          %mul3A_2035 = arith.constant 5.000000e-01 : f32
          %mul3A_2036 = vector.broadcast %mul3A_2035 : f32 to vector<16xf32>
          %mul3A_2037 = arith.mulf %mul3A_2036, %add3A_2008 : vector<16xf32>
          %mul3A_2038 = arith.mulf %mul3A_2037, %mul3A_2034 : vector<16xf32>
          %mul3A_2039 = arith.mulf %mul3A_2038, %mul3A_2034 : vector<16xf32>
          %sub3A_2040 = arith.constant 1.500000e+00 : f32
          %sub3A_2041 = vector.broadcast %sub3A_2040 : f32 to vector<16xf32>
          %sub3A_2042 = arith.subf %sub3A_2041, %mul3A_2039 : vector<16xf32>
          %mul3A_2043 = arith.mulf %mul3A_2034, %sub3A_2042 : vector<16xf32>
          %mul3A_2044 = arith.mulf %add3A_2008, %mul3A_2043 : vector<16xf32>
          %sub3A_2045 = arith.subf %mul3A_2044, %gather3A_1996 : vector<16xf32>
          %mul3A_2046 = arith.constant 2.30258512 : f32
          %mul3A_2047 = vector.broadcast %mul3A_2046 : f32 to vector<16xf32>
          %mul3A_2048 = arith.mulf %mul3A_2047, %gather3A_1997 : vector<16xf32>
          %exp3A_2049 = math.exp %mul3A_2048 : vector<16xf32>
          %abs3A_2050 = math.absf %sub3A_2045 : vector<16xf32>
          %add3A_2051 = arith.constant 9.99999982E-15 : f32
          %add3A_2052 = vector.broadcast %add3A_2051 : f32 to vector<16xf32>
          %add3A_2053 = arith.addf %abs3A_2050, %add3A_2052 : vector<16xf32>
          %bitcast_convert_type3A_2054 = tpu.bitcast %add3A_2053 : vector<16xf32> -> vector<16xi32>
          %shift_right_logical3A_2055 = arith.constant 1 : i32
          %shift_right_logical3A_2056 = vector.broadcast %shift_right_logical3A_2055 : i32 to vector<16xi32>
          %shift_right_logical3A_2057 = arith.shrui %bitcast_convert_type3A_2054, %shift_right_logical3A_2056 : vector<16xi32>
          %sub3A_2058 = arith.constant 1597463007 : i32
          %sub3A_2059 = vector.broadcast %sub3A_2058 : i32 to vector<16xi32>
          %sub3A_2060 = arith.subi %sub3A_2059, %shift_right_logical3A_2057 : vector<16xi32>
          %bitcast_convert_type3A_2061 = tpu.bitcast %sub3A_2060 : vector<16xi32> -> vector<16xf32>
          %mul3A_2062 = arith.constant 5.000000e-01 : f32
          %mul3A_2063 = vector.broadcast %mul3A_2062 : f32 to vector<16xf32>
          %mul3A_2064 = arith.mulf %mul3A_2063, %add3A_2053 : vector<16xf32>
          %mul3A_2065 = arith.mulf %mul3A_2064, %bitcast_convert_type3A_2061 : vector<16xf32>
          %mul3A_2066 = arith.mulf %mul3A_2065, %bitcast_convert_type3A_2061 : vector<16xf32>
          %sub3A_2067 = arith.constant 1.500000e+00 : f32
          %sub3A_2068 = vector.broadcast %sub3A_2067 : f32 to vector<16xf32>
          %sub3A_2069 = arith.subf %sub3A_2068, %mul3A_2066 : vector<16xf32>
          %mul3A_2070 = arith.mulf %bitcast_convert_type3A_2061, %sub3A_2069 : vector<16xf32>
          %mul3A_2071 = arith.constant 5.000000e-01 : f32
          %mul3A_2072 = vector.broadcast %mul3A_2071 : f32 to vector<16xf32>
          %mul3A_2073 = arith.mulf %mul3A_2072, %add3A_2053 : vector<16xf32>
          %mul3A_2074 = arith.mulf %mul3A_2073, %mul3A_2070 : vector<16xf32>
          %mul3A_2075 = arith.mulf %mul3A_2074, %mul3A_2070 : vector<16xf32>
          %sub3A_2076 = arith.constant 1.500000e+00 : f32
          %sub3A_2077 = vector.broadcast %sub3A_2076 : f32 to vector<16xf32>
          %sub3A_2078 = arith.subf %sub3A_2077, %mul3A_2075 : vector<16xf32>
          %mul3A_2079 = arith.mulf %mul3A_2070, %sub3A_2078 : vector<16xf32>
          %mul3A_2080 = arith.constant 5.000000e-01 : f32
          %mul3A_2081 = vector.broadcast %mul3A_2080 : f32 to vector<16xf32>
          %mul3A_2082 = arith.mulf %mul3A_2081, %add3A_2053 : vector<16xf32>
          %mul3A_2083 = arith.mulf %mul3A_2082, %mul3A_2079 : vector<16xf32>
          %mul3A_2084 = arith.mulf %mul3A_2083, %mul3A_2079 : vector<16xf32>
          %sub3A_2085 = arith.constant 1.500000e+00 : f32
          %sub3A_2086 = vector.broadcast %sub3A_2085 : f32 to vector<16xf32>
          %sub3A_2087 = arith.subf %sub3A_2086, %mul3A_2084 : vector<16xf32>
          %mul3A_2088 = arith.mulf %mul3A_2079, %sub3A_2087 : vector<16xf32>
          %mul3A_2089 = arith.mulf %add3A_2053, %mul3A_2088 : vector<16xf32>
          %sign3A_2090 = tpu.bitcast %sub3A_2045 : vector<16xf32> -> vector<16xi32>
          %sign3A_2091 = arith.constant -2147483648 : i32
          %sign3A_2092 = vector.broadcast %sign3A_2091 : i32 to vector<16xi32>
          %sign3A_2093 = arith.andi %sign3A_2090, %sign3A_2092 : vector<16xi32>
          %sign3A_2094 = arith.constant 1065353216 : i32
          %sign3A_2095 = vector.broadcast %sign3A_2094 : i32 to vector<16xi32>
          %sign3A_2096 = arith.ori %sign3A_2095, %sign3A_2093 : vector<16xi32>
          %sign3A_2097 = tpu.bitcast %sign3A_2096 : vector<16xi32> -> vector<16xf32>
          %sign3A_2098 = math.absf %sub3A_2045 : vector<16xf32>
          %sign3A_2099 = arith.constant 0.000000e+00 : f32
          %sign3A_2100 = vector.broadcast %sign3A_2099 : f32 to vector<16xf32>
          %sign3A_2101 = arith.cmpf ogt, %sign3A_2098, %sign3A_2100 : vector<16xf32>
          %sign3A_2102 = arith.select %sign3A_2101, %sign3A_2097, %sub3A_2045 : vector<16xi1>, vector<16xf32>
          %mul3A_2103 = arith.mulf %exp3A_2049, %sign3A_2102 : vector<16xf32>
          %mul3A_2104 = arith.mulf %mul3A_2103, %mul3A_2089 : vector<16xf32>
          %mul3A_2105 = arith.mulf %mul3A_2104, %mul3A_2043 : vector<16xf32>
          %mul3A_2106 = arith.mulf %mul3A_2105, %sub3A_1998 : vector<16xf32>
          %add3A_2107 = arith.addf %add3A_1985, %mul3A_2106 : vector<16xf32>
          %mul3A_2108 = arith.mulf %mul3A_2105, %sub3A_1999 : vector<16xf32>
          %add3A_2109 = arith.addf %add3A_1987, %mul3A_2108 : vector<16xf32>
          %mul3A_2110 = arith.mulf %mul3A_2105, %sub3A_2000 : vector<16xf32>
          %add3A_2111 = arith.addf %add3A_1989, %mul3A_2110 : vector<16xf32>
          %mul3A_2112 = arith.constant -2.30258512 : f32
          %mul3A_2113 = vector.broadcast %mul3A_2112 : f32 to vector<16xf32>
          %mul3A_2114 = arith.mulf %mul3A_2113, %gather3A_157 : vector<16xf32>
          %exp3A_2115 = math.exp %mul3A_2114 : vector<16xf32>
          %mul3A_2116 = arith.mulf %add3A_2107, %exp3A_2115 : vector<16xf32>
          %mul3A_2117 = arith.constant 0.00999999977 : f32
          %mul3A_2118 = vector.broadcast %mul3A_2117 : f32 to vector<16xf32>
          %mul3A_2119 = arith.mulf %mul3A_2116, %mul3A_2118 : vector<16xf32>
          %add3A_2120 = arith.addf %gather3A_148, %mul3A_2119 : vector<16xf32>
          %mul3A_2121 = arith.mulf %add3A_2109, %exp3A_2115 : vector<16xf32>
          %add3A_2122 = arith.constant -9.800000e+00 : f32
          %add3A_2123 = vector.broadcast %add3A_2122 : f32 to vector<16xf32>
          %add3A_2124 = arith.addf %mul3A_2121, %add3A_2123 : vector<16xf32>
          %mul3A_2125 = arith.constant 0.00999999977 : f32
          %mul3A_2126 = vector.broadcast %mul3A_2125 : f32 to vector<16xf32>
          %mul3A_2127 = arith.mulf %add3A_2124, %mul3A_2126 : vector<16xf32>
          %add3A_2128 = arith.addf %gather3A_152, %mul3A_2127 : vector<16xf32>
          %mul3A_2129 = arith.mulf %add3A_2111, %exp3A_2115 : vector<16xf32>
          %mul3A_2130 = arith.constant 0.00999999977 : f32
          %mul3A_2131 = vector.broadcast %mul3A_2130 : f32 to vector<16xf32>
          %mul3A_2132 = arith.mulf %mul3A_2129, %mul3A_2131 : vector<16xf32>
          %add3A_2133 = arith.addf %gather3A_156, %mul3A_2132 : vector<16xf32>
          %mul3A_2134 = arith.constant 0.00999999977 : f32
          %mul3A_2135 = vector.broadcast %mul3A_2134 : f32 to vector<16xf32>
          %mul3A_2136 = arith.mulf %add3A_2120, %mul3A_2135 : vector<16xf32>
          %add3A_2137 = arith.addf %gather3A, %mul3A_2136 : vector<16xf32>
          %mul3A_2138 = arith.constant 0.00999999977 : f32
          %mul3A_2139 = vector.broadcast %mul3A_2138 : f32 to vector<16xf32>
          %mul3A_2140 = arith.mulf %add3A_2128, %mul3A_2139 : vector<16xf32>
          %add3A_2141 = arith.addf %gather3A_143, %mul3A_2140 : vector<16xf32>
          %mul3A_2142 = arith.constant 0.00999999977 : f32
          %mul3A_2143 = vector.broadcast %mul3A_2142 : f32 to vector<16xf32>
          %mul3A_2144 = arith.mulf %add3A_2133, %mul3A_2143 : vector<16xf32>
          %add3A_2145 = arith.addf %gather3A_144, %mul3A_2144 : vector<16xf32>
          %lt3A_2146 = arith.constant -2.000000e+00 : f32
          %lt3A_2147 = vector.broadcast %lt3A_2146 : f32 to vector<16xf32>
          %lt3A_2148 = arith.cmpf olt, %add3A_2141, %lt3A_2147 : vector<16xf32>
          %jit3A_2149 = arith.constant -2.000000e+00 : f32
          %broadcast_in_dim3A_2150 = vector.broadcast %jit3A_2149 : f32 to vector<16xf32>
          %select_n3A_2151 = arith.select %lt3A_2148, %broadcast_in_dim3A_2150, %add3A_2141 : vector<16xi1>, vector<16xf32>
          %neg3A = arith.constant 0.000000e+00 : f32
          %neg3A_2152 = vector.broadcast %neg3A : f32 to vector<16xf32>
          %neg3A_2153 = arith.subf %neg3A_2152, %add3A_2128 : vector<16xf32>
          %mul3A_2154 = arith.constant 1.000000e-01 : f32
          %mul3A_2155 = vector.broadcast %mul3A_2154 : f32 to vector<16xf32>
          %mul3A_2156 = arith.mulf %neg3A_2153, %mul3A_2155 : vector<16xf32>
          %select_n3A_2157 = arith.select %lt3A_2148, %mul3A_2156, %add3A_2128 : vector<16xi1>, vector<16xf32>
          %mul3A_2158 = arith.constant 6 : i32
          %mul3A_2159 = vector.broadcast %mul3A_2158 : i32 to vector<16xi32>
          %mul3A_2160 = arith.muli %add3A_142, %mul3A_2159 : vector<16xi32>
          tpu.vector_store_idx %arg33[%mul3A_2160], %add3A_2137 : memref<1536xf32, #tpu.memory_space<vmem>>[vector<16xi32>], vector<16xf32>,
          %add3A_2161 = arith.constant 1 : i32
          %add3A_2162 = vector.broadcast %add3A_2161 : i32 to vector<16xi32>
          %add3A_2163 = arith.addi %mul3A_2160, %add3A_2162 : vector<16xi32>
          tpu.vector_store_idx %arg33[%add3A_2163], %select_n3A_2151 : memref<1536xf32, #tpu.memory_space<vmem>>[vector<16xi32>], vector<16xf32>,
          %add3A_2164 = arith.constant 2 : i32
          %add3A_2165 = vector.broadcast %add3A_2164 : i32 to vector<16xi32>
          %add3A_2166 = arith.addi %mul3A_2160, %add3A_2165 : vector<16xi32>
          tpu.vector_store_idx %arg33[%add3A_2166], %add3A_2145 : memref<1536xf32, #tpu.memory_space<vmem>>[vector<16xi32>], vector<16xf32>,
          %add3A_2167 = arith.constant 3 : i32
          %add3A_2168 = vector.broadcast %add3A_2167 : i32 to vector<16xi32>
          %add3A_2169 = arith.addi %mul3A_2160, %add3A_2168 : vector<16xi32>
          tpu.vector_store_idx %arg33[%add3A_2169], %add3A_2120 : memref<1536xf32, #tpu.memory_space<vmem>>[vector<16xi32>], vector<16xf32>,
          %add3A_2170 = arith.constant 4 : i32
          %add3A_2171 = vector.broadcast %add3A_2170 : i32 to vector<16xi32>
          %add3A_2172 = arith.addi %mul3A_2160, %add3A_2171 : vector<16xi32>
          tpu.vector_store_idx %arg33[%add3A_2172], %select_n3A_2157 : memref<1536xf32, #tpu.memory_space<vmem>>[vector<16xi32>], vector<16xf32>,
          %add3A_2173 = arith.constant 5 : i32
          %add3A_2174 = vector.broadcast %add3A_2173 : i32 to vector<16xi32>
          %add3A_2175 = arith.addi %mul3A_2160, %add3A_2174 : vector<16xi32>
          tpu.vector_store_idx %arg33[%add3A_2175], %add3A_2133 : memref<1536xf32, #tpu.memory_space<vmem>>[vector<16xi32>], vector<16xf32>,
        }
        %scan3A_133 = arith.constant 16 : i32
        %mul3A_134 = arith.constant 6 : i32
        %mul3A_135 = arith.muli %multiple_of3A_97, %mul3A_134 : i32
        %dma_start3A_136 = tpu.memref_slice %arg10[%mul3A_135] : memref<600000xf32, #tpu.memory_space<hbm>> -> memref<1536xf32, #tpu.memory_space<hbm>>
        %dma_start3A_137 = tpu.memref_slice %arg10[%mul3A_135] : memref<600000xf32, #tpu.memory_space<hbm>> -> memref<1536xf32, #tpu.memory_space<hbm>>
        tpu.enqueue_dma source(%arg33 : memref<1536xf32, #tpu.memory_space<vmem>>) target(%dma_start3A_137 : memref<1536xf32, #tpu.memory_space<hbm>>) target_semaphore(%arg41 : memref<!tpu.dma_semaphore, #tpu.memory_space<semaphore_mem>>)
      } else {
      }
      %mul3A_74 = arith.constant 2 : i32
      %mul3A_75 = arith.muli %scan3A_59, %mul3A_74 : i32
      %add3A_76 = arith.constant 1 : i32
      %add3A_77 = arith.addi %mul3A_75, %add3A_76 : i32
      %add3A_78 = arith.constant 1 : i32
      %add3A_79 = arith.addi %add3A_77, %add3A_78 : i32
      %lt3A_80 = arith.cmpi slt, %add3A_79, %select_n3A : i32
      %convert_element_type3A_81 = arith.extui %lt3A_80 : i1 to i32
      %cond3A_82 = arith.constant 0 : i32
      %cond3A_83 = arith.cmpi ne, %convert_element_type3A_81, %cond3A_82 : i32
      scf.if %cond3A_83 {
        %add3A_88 = arith.constant 1 : i32
        %add3A_89 = arith.addi %add3A_77, %add3A_88 : i32
        %mul3A_90 = arith.constant 32 : i32
        %mul3A_91 = arith.muli %add3A_89, %mul3A_90 : i32
        %add3A_92 = arith.addi %add3A, %mul3A_91 : i32
        %eq3A_93 = arith.constant 390 : i32
        %eq3A_94 = arith.cmpi eq, %add3A_92, %eq3A_93 : i32
        %mul3A_95 = arith.constant 256 : i32
        %mul3A_96 = arith.muli %add3A_92, %mul3A_95 : i32
        %jit3A_97 = arith.constant 99744 : i32
        %select_n3A_98 = arith.select %eq3A_94, %jit3A_97, %mul3A_96 : i32
        %multiple_of3A_99 = tpu.assume_multiple %select_n3A_98, 32 : i32
        %mul3A_100 = arith.constant 16 : i32
        %mul3A_101 = arith.muli %multiple_of3A_99, %mul3A_100 : i32
        %dma_start3A_102 = tpu.memref_slice %arg9[%mul3A_101] : memref<1600000xi32, #tpu.memory_space<hbm>> -> memref<4096xi32, #tpu.memory_space<hbm>>
        %dma_start3A_103 = tpu.memref_slice %arg9[%mul3A_101] : memref<1600000xi32, #tpu.memory_space<hbm>> -> memref<4096xi32, #tpu.memory_space<hbm>>
        tpu.enqueue_dma source(%dma_start3A_103 : memref<4096xi32, #tpu.memory_space<hbm>>) target(%arg11 : memref<4096xi32, #tpu.memory_space<vmem>>) target_semaphore(%arg37 : memref<!tpu.dma_semaphore, #tpu.memory_space<semaphore_mem>>)
        %mul3A_104 = arith.constant 3 : i32
        %mul3A_105 = arith.muli %multiple_of3A_99, %mul3A_104 : i32
        %mul3A_106 = arith.constant 16 : i32
        %mul3A_107 = arith.muli %multiple_of3A_99, %mul3A_106 : i32
        %mul3A_108 = arith.constant 16 : i32
        %mul3A_109 = arith.muli %multiple_of3A_99, %mul3A_108 : i32
        %dma_start3A_110 = tpu.memref_slice %arg2[%multiple_of3A_99] : memref<100000xf32, #tpu.memory_space<hbm>> -> memref<256xf32, #tpu.memory_space<hbm>>
        %dma_start3A_111 = tpu.memref_slice %arg2[%multiple_of3A_99] : memref<100000xf32, #tpu.memory_space<hbm>> -> memref<256xf32, #tpu.memory_space<hbm>>
        tpu.enqueue_dma source(%dma_start3A_111 : memref<256xf32, #tpu.memory_space<hbm>>) target(%arg19 : memref<256xf32, #tpu.memory_space<vmem>>) target_semaphore(%arg39 : memref<!tpu.dma_semaphore, #tpu.memory_space<semaphore_mem>>)
        %dma_start3A_112 = tpu.memref_slice %arg3[%multiple_of3A_99] : memref<100000xf32, #tpu.memory_space<hbm>> -> memref<256xf32, #tpu.memory_space<hbm>>
        %dma_start3A_113 = tpu.memref_slice %arg3[%multiple_of3A_99] : memref<100000xf32, #tpu.memory_space<hbm>> -> memref<256xf32, #tpu.memory_space<hbm>>
        tpu.enqueue_dma source(%dma_start3A_113 : memref<256xf32, #tpu.memory_space<hbm>>) target(%arg21 : memref<256xf32, #tpu.memory_space<vmem>>) target_semaphore(%arg39 : memref<!tpu.dma_semaphore, #tpu.memory_space<semaphore_mem>>)
        %dma_start3A_114 = tpu.memref_slice %arg4[%multiple_of3A_99] : memref<100000xf32, #tpu.memory_space<hbm>> -> memref<256xf32, #tpu.memory_space<hbm>>
        %dma_start3A_115 = tpu.memref_slice %arg4[%multiple_of3A_99] : memref<100000xf32, #tpu.memory_space<hbm>> -> memref<256xf32, #tpu.memory_space<hbm>>
        tpu.enqueue_dma source(%dma_start3A_115 : memref<256xf32, #tpu.memory_space<hbm>>) target(%arg23 : memref<256xf32, #tpu.memory_space<vmem>>) target_semaphore(%arg39 : memref<!tpu.dma_semaphore, #tpu.memory_space<semaphore_mem>>)
        %dma_start3A_116 = tpu.memref_slice %arg5[%mul3A_105] : memref<300000xf32, #tpu.memory_space<hbm>> -> memref<768xf32, #tpu.memory_space<hbm>>
        %dma_start3A_117 = tpu.memref_slice %arg5[%mul3A_105] : memref<300000xf32, #tpu.memory_space<hbm>> -> memref<768xf32, #tpu.memory_space<hbm>>
        tpu.enqueue_dma source(%dma_start3A_117 : memref<768xf32, #tpu.memory_space<hbm>>) target(%arg25 : memref<768xf32, #tpu.memory_space<vmem>>) target_semaphore(%arg39 : memref<!tpu.dma_semaphore, #tpu.memory_space<semaphore_mem>>)
        %dma_start3A_118 = tpu.memref_slice %arg6[%mul3A_107] : memref<1600000xf32, #tpu.memory_space<hbm>> -> memref<4096xf32, #tpu.memory_space<hbm>>
        %dma_start3A_119 = tpu.memref_slice %arg6[%mul3A_107] : memref<1600000xf32, #tpu.memory_space<hbm>> -> memref<4096xf32, #tpu.memory_space<hbm>>
        tpu.enqueue_dma source(%dma_start3A_119 : memref<4096xf32, #tpu.memory_space<hbm>>) target(%arg27 : memref<4096xf32, #tpu.memory_space<vmem>>) target_semaphore(%arg39 : memref<!tpu.dma_semaphore, #tpu.memory_space<semaphore_mem>>)
        %dma_start3A_120 = tpu.memref_slice %arg7[%mul3A_109] : memref<1600000xf32, #tpu.memory_space<hbm>> -> memref<4096xf32, #tpu.memory_space<hbm>>
        %dma_start3A_121 = tpu.memref_slice %arg7[%mul3A_109] : memref<1600000xf32, #tpu.memory_space<hbm>> -> memref<4096xf32, #tpu.memory_space<hbm>>
        tpu.enqueue_dma source(%dma_start3A_121 : memref<4096xf32, #tpu.memory_space<hbm>>) target(%arg29 : memref<4096xf32, #tpu.memory_space<vmem>>) target_semaphore(%arg39 : memref<!tpu.dma_semaphore, #tpu.memory_space<semaphore_mem>>)
        %dma_start3A_122 = tpu.memref_slice %arg8[%multiple_of3A_99] : memref<100000xf32, #tpu.memory_space<hbm>> -> memref<256xf32, #tpu.memory_space<hbm>>
        %dma_start3A_123 = tpu.memref_slice %arg8[%multiple_of3A_99] : memref<100000xf32, #tpu.memory_space<hbm>> -> memref<256xf32, #tpu.memory_space<hbm>>
        tpu.enqueue_dma source(%dma_start3A_123 : memref<256xf32, #tpu.memory_space<hbm>>) target(%arg31 : memref<256xf32, #tpu.memory_space<vmem>>) target_semaphore(%arg39 : memref<!tpu.dma_semaphore, #tpu.memory_space<semaphore_mem>>)
        %dma_wait3A_124 = tpu.memref_slice %arg9[%mul3A_101] : memref<1600000xi32, #tpu.memory_space<hbm>> -> memref<4096xi32, #tpu.memory_space<hbm>>
        %dma_wait3A_125 = tpu.memref_slice %arg9[%mul3A_101] : memref<1600000xi32, #tpu.memory_space<hbm>> -> memref<4096xi32, #tpu.memory_space<hbm>>
        tpu.wait_dma2 semaphore(%arg37 : memref<!tpu.dma_semaphore, #tpu.memory_space<semaphore_mem>>) src(%dma_wait3A_125 : memref<4096xi32, #tpu.memory_space<hbm>>) dst(%arg11 : memref<4096xi32, #tpu.memory_space<vmem>>)
        %dma_start3A_126 = arith.constant 0 : i32
        %dma_start3A_127 = tpu.memref_slice %arg43[%dma_start3A_126] : memref<100000xf32, #tpu.memory_space<vmem_shared>> -> memref<100000xf32, #tpu.memory_space<vmem_shared>>
        tpu.enqueue_indirect_dma source(%dma_start3A_127 : memref<100000xf32, #tpu.memory_space<vmem_shared>>) target(%arg13 : memref<4096xf32, #tpu.memory_space<vmem>>) offsets(%arg11 : memref<4096xi32, #tpu.memory_space<vmem>>) semaphore(%arg35 : memref<!tpu.dma_semaphore, #tpu.memory_space<semaphore_mem>>)
        %dma_start3A_128 = arith.constant 0 : i32
        %dma_start3A_129 = tpu.memref_slice %arg44[%dma_start3A_128] : memref<100000xf32, #tpu.memory_space<vmem_shared>> -> memref<100000xf32, #tpu.memory_space<vmem_shared>>
        tpu.enqueue_indirect_dma source(%dma_start3A_129 : memref<100000xf32, #tpu.memory_space<vmem_shared>>) target(%arg15 : memref<4096xf32, #tpu.memory_space<vmem>>) offsets(%arg11 : memref<4096xi32, #tpu.memory_space<vmem>>) semaphore(%arg35 : memref<!tpu.dma_semaphore, #tpu.memory_space<semaphore_mem>>)
        %dma_start3A_130 = arith.constant 0 : i32
        %dma_start3A_131 = tpu.memref_slice %arg45[%dma_start3A_130] : memref<100000xf32, #tpu.memory_space<vmem_shared>> -> memref<100000xf32, #tpu.memory_space<vmem_shared>>
        tpu.enqueue_indirect_dma source(%dma_start3A_131 : memref<100000xf32, #tpu.memory_space<vmem_shared>>) target(%arg17 : memref<4096xf32, #tpu.memory_space<vmem>>) offsets(%arg11 : memref<4096xi32, #tpu.memory_space<vmem>>) semaphore(%arg35 : memref<!tpu.dma_semaphore, #tpu.memory_space<semaphore_mem>>)
      } else {
      }
      %lt3A_84 = arith.cmpi slt, %add3A_77, %select_n3A : i32
      %convert_element_type3A_85 = arith.extui %lt3A_84 : i1 to i32
      %cond3A_86 = arith.constant 0 : i32
      %cond3A_87 = arith.cmpi ne, %convert_element_type3A_85, %cond3A_86 : i32
      scf.if %cond3A_87 {
        %mul3A_88 = arith.constant 32 : i32
        %mul3A_89 = arith.muli %add3A_77, %mul3A_88 : i32
        %add3A_90 = arith.addi %add3A, %mul3A_89 : i32
        %eq3A_91 = arith.constant 390 : i32
        %eq3A_92 = arith.cmpi eq, %add3A_90, %eq3A_91 : i32
        %mul3A_93 = arith.constant 256 : i32
        %mul3A_94 = arith.muli %add3A_90, %mul3A_93 : i32
        %jit3A_95 = arith.constant 99744 : i32
        %select_n3A_96 = arith.select %eq3A_92, %jit3A_95, %mul3A_94 : i32
        %multiple_of3A_97 = tpu.assume_multiple %select_n3A_96, 32 : i32
        %dma_wait3A_98 = arith.constant 0 : i32
        %dma_wait3A_99 = tpu.memref_slice %arg43[%dma_wait3A_98] : memref<100000xf32, #tpu.memory_space<vmem_shared>> -> memref<100000xf32, #tpu.memory_space<vmem_shared>>
        tpu.wait_indirect_dma semaphore(%arg36 : memref<!tpu.dma_semaphore, #tpu.memory_space<semaphore_mem>>) src(%dma_wait3A_99 : memref<100000xf32, #tpu.memory_space<vmem_shared>>) dst(%arg14 : memref<4096xf32, #tpu.memory_space<vmem>>)
        %dma_wait3A_100 = arith.constant 0 : i32
        %dma_wait3A_101 = tpu.memref_slice %arg43[%dma_wait3A_100] : memref<100000xf32, #tpu.memory_space<vmem_shared>> -> memref<100000xf32, #tpu.memory_space<vmem_shared>>
        tpu.wait_indirect_dma semaphore(%arg36 : memref<!tpu.dma_semaphore, #tpu.memory_space<semaphore_mem>>) src(%dma_wait3A_101 : memref<100000xf32, #tpu.memory_space<vmem_shared>>) dst(%arg16 : memref<4096xf32, #tpu.memory_space<vmem>>)
        %dma_wait3A_102 = arith.constant 0 : i32
        %dma_wait3A_103 = tpu.memref_slice %arg43[%dma_wait3A_102] : memref<100000xf32, #tpu.memory_space<vmem_shared>> -> memref<100000xf32, #tpu.memory_space<vmem_shared>>
        tpu.wait_indirect_dma semaphore(%arg36 : memref<!tpu.dma_semaphore, #tpu.memory_space<semaphore_mem>>) src(%dma_wait3A_103 : memref<100000xf32, #tpu.memory_space<vmem_shared>>) dst(%arg18 : memref<4096xf32, #tpu.memory_space<vmem>>)
        %mul3A_104 = arith.constant 3 : i32
        %mul3A_105 = arith.muli %multiple_of3A_97, %mul3A_104 : i32
        %mul3A_106 = arith.constant 16 : i32
        %mul3A_107 = arith.muli %multiple_of3A_97, %mul3A_106 : i32
        %mul3A_108 = arith.constant 16 : i32
        %mul3A_109 = arith.muli %multiple_of3A_97, %mul3A_108 : i32
        %dma_wait3A_110 = tpu.memref_slice %arg2[%multiple_of3A_97] : memref<100000xf32, #tpu.memory_space<hbm>> -> memref<256xf32, #tpu.memory_space<hbm>>
        %dma_wait3A_111 = tpu.memref_slice %arg2[%multiple_of3A_97] : memref<100000xf32, #tpu.memory_space<hbm>> -> memref<256xf32, #tpu.memory_space<hbm>>
        tpu.wait_dma2 semaphore(%arg40 : memref<!tpu.dma_semaphore, #tpu.memory_space<semaphore_mem>>) src(%dma_wait3A_111 : memref<256xf32, #tpu.memory_space<hbm>>) dst(%arg20 : memref<256xf32, #tpu.memory_space<vmem>>)
        %dma_wait3A_112 = tpu.memref_slice %arg3[%multiple_of3A_97] : memref<100000xf32, #tpu.memory_space<hbm>> -> memref<256xf32, #tpu.memory_space<hbm>>
        %dma_wait3A_113 = tpu.memref_slice %arg3[%multiple_of3A_97] : memref<100000xf32, #tpu.memory_space<hbm>> -> memref<256xf32, #tpu.memory_space<hbm>>
        tpu.wait_dma2 semaphore(%arg40 : memref<!tpu.dma_semaphore, #tpu.memory_space<semaphore_mem>>) src(%dma_wait3A_113 : memref<256xf32, #tpu.memory_space<hbm>>) dst(%arg22 : memref<256xf32, #tpu.memory_space<vmem>>)
        %dma_wait3A_114 = tpu.memref_slice %arg4[%multiple_of3A_97] : memref<100000xf32, #tpu.memory_space<hbm>> -> memref<256xf32, #tpu.memory_space<hbm>>
        %dma_wait3A_115 = tpu.memref_slice %arg4[%multiple_of3A_97] : memref<100000xf32, #tpu.memory_space<hbm>> -> memref<256xf32, #tpu.memory_space<hbm>>
        tpu.wait_dma2 semaphore(%arg40 : memref<!tpu.dma_semaphore, #tpu.memory_space<semaphore_mem>>) src(%dma_wait3A_115 : memref<256xf32, #tpu.memory_space<hbm>>) dst(%arg24 : memref<256xf32, #tpu.memory_space<vmem>>)
        %dma_wait3A_116 = tpu.memref_slice %arg5[%mul3A_105] : memref<300000xf32, #tpu.memory_space<hbm>> -> memref<768xf32, #tpu.memory_space<hbm>>
        %dma_wait3A_117 = tpu.memref_slice %arg5[%mul3A_105] : memref<300000xf32, #tpu.memory_space<hbm>> -> memref<768xf32, #tpu.memory_space<hbm>>
        tpu.wait_dma2 semaphore(%arg40 : memref<!tpu.dma_semaphore, #tpu.memory_space<semaphore_mem>>) src(%dma_wait3A_117 : memref<768xf32, #tpu.memory_space<hbm>>) dst(%arg26 : memref<768xf32, #tpu.memory_space<vmem>>)
        %dma_wait3A_118 = tpu.memref_slice %arg6[%mul3A_107] : memref<1600000xf32, #tpu.memory_space<hbm>> -> memref<4096xf32, #tpu.memory_space<hbm>>
        %dma_wait3A_119 = tpu.memref_slice %arg6[%mul3A_107] : memref<1600000xf32, #tpu.memory_space<hbm>> -> memref<4096xf32, #tpu.memory_space<hbm>>
        tpu.wait_dma2 semaphore(%arg40 : memref<!tpu.dma_semaphore, #tpu.memory_space<semaphore_mem>>) src(%dma_wait3A_119 : memref<4096xf32, #tpu.memory_space<hbm>>) dst(%arg28 : memref<4096xf32, #tpu.memory_space<vmem>>)
        %dma_wait3A_120 = tpu.memref_slice %arg7[%mul3A_109] : memref<1600000xf32, #tpu.memory_space<hbm>> -> memref<4096xf32, #tpu.memory_space<hbm>>
        %dma_wait3A_121 = tpu.memref_slice %arg7[%mul3A_109] : memref<1600000xf32, #tpu.memory_space<hbm>> -> memref<4096xf32, #tpu.memory_space<hbm>>
        tpu.wait_dma2 semaphore(%arg40 : memref<!tpu.dma_semaphore, #tpu.memory_space<semaphore_mem>>) src(%dma_wait3A_121 : memref<4096xf32, #tpu.memory_space<hbm>>) dst(%arg30 : memref<4096xf32, #tpu.memory_space<vmem>>)
        %dma_wait3A_122 = tpu.memref_slice %arg8[%multiple_of3A_97] : memref<100000xf32, #tpu.memory_space<hbm>> -> memref<256xf32, #tpu.memory_space<hbm>>
        %dma_wait3A_123 = tpu.memref_slice %arg8[%multiple_of3A_97] : memref<100000xf32, #tpu.memory_space<hbm>> -> memref<256xf32, #tpu.memory_space<hbm>>
        tpu.wait_dma2 semaphore(%arg40 : memref<!tpu.dma_semaphore, #tpu.memory_space<semaphore_mem>>) src(%dma_wait3A_123 : memref<256xf32, #tpu.memory_space<hbm>>) dst(%arg32 : memref<256xf32, #tpu.memory_space<vmem>>)
        %ge3A = arith.constant 2 : i32
        %ge3A_124 = arith.cmpi sge, %add3A_77, %ge3A : i32
        %convert_element_type3A_125 = arith.extui %ge3A_124 : i1 to i32
        %cond3A_126 = arith.constant 0 : i32
        %cond3A_127 = arith.cmpi ne, %convert_element_type3A_125, %cond3A_126 : i32
        scf.if %cond3A_127 {
          %mul3A_138 = arith.constant 6 : i32
          %mul3A_139 = arith.muli %multiple_of3A_97, %mul3A_138 : i32
          %dma_wait3A_140 = tpu.memref_slice %arg10[%mul3A_139] : memref<600000xf32, #tpu.memory_space<hbm>> -> memref<1536xf32, #tpu.memory_space<hbm>>
          %dma_wait3A_141 = tpu.memref_slice %arg10[%mul3A_139] : memref<600000xf32, #tpu.memory_space<hbm>> -> memref<1536xf32, #tpu.memory_space<hbm>>
          tpu.wait_dma2 semaphore(%arg42 : memref<!tpu.dma_semaphore, #tpu.memory_space<semaphore_mem>>) src(%arg34 : memref<1536xf32, #tpu.memory_space<vmem>>) dst(%dma_wait3A_141 : memref<1536xf32, #tpu.memory_space<hbm>>)
        } else {
        }
        %scan3A_128 = arith.constant 0 : i32
        %scan3A_129 = arith.constant 0 : i32
        %scan3A_130 = arith.constant 16 : i32
        %scan3A_131 = arith.addi %scan3A_129, %scan3A_130 : i32
        %scan3A_132 = arith.constant 1 : i32
        scf.for %scan3A_138 = %scan3A_129 to %scan3A_131 step %scan3A_132  : i32 {
          %mul3A_139 = arith.constant 16 : i32
          %mul3A_140 = arith.muli %scan3A_138, %mul3A_139 : i32
          %add3A_141 = vector.broadcast %mul3A_140 : i32 to vector<16xi32>
          %add3A_142 = arith.addi %add3A_141, %iota3A : vector<16xi32>
          %gather3A = tpu.vector_load_idx %arg20[%add3A_142] : memref<256xf32, #tpu.memory_space<vmem>>[vector<16xi32>], vector<16xf32>,
          %gather3A_143 = tpu.vector_load_idx %arg22[%add3A_142] : memref<256xf32, #tpu.memory_space<vmem>>[vector<16xi32>], vector<16xf32>,
          %gather3A_144 = tpu.vector_load_idx %arg24[%add3A_142] : memref<256xf32, #tpu.memory_space<vmem>>[vector<16xi32>], vector<16xf32>,
          %mul3A_145 = arith.constant 3 : i32
          %mul3A_146 = vector.broadcast %mul3A_145 : i32 to vector<16xi32>
          %mul3A_147 = arith.muli %add3A_142, %mul3A_146 : vector<16xi32>
          %gather3A_148 = tpu.vector_load_idx %arg26[%mul3A_147] : memref<768xf32, #tpu.memory_space<vmem>>[vector<16xi32>], vector<16xf32>,
          %add3A_149 = arith.constant 1 : i32
          %add3A_150 = vector.broadcast %add3A_149 : i32 to vector<16xi32>
          %add3A_151 = arith.addi %mul3A_147, %add3A_150 : vector<16xi32>
          %gather3A_152 = tpu.vector_load_idx %arg26[%add3A_151] : memref<768xf32, #tpu.memory_space<vmem>>[vector<16xi32>], vector<16xf32>,
          %add3A_153 = arith.constant 2 : i32
          %add3A_154 = vector.broadcast %add3A_153 : i32 to vector<16xi32>
          %add3A_155 = arith.addi %mul3A_147, %add3A_154 : vector<16xi32>
          %gather3A_156 = tpu.vector_load_idx %arg26[%add3A_155] : memref<768xf32, #tpu.memory_space<vmem>>[vector<16xi32>], vector<16xf32>,
          %gather3A_157 = tpu.vector_load_idx %arg32[%add3A_142] : memref<256xf32, #tpu.memory_space<vmem>>[vector<16xi32>], vector<16xf32>,
          %broadcast_in_dim3A = arith.constant 0.000000e+00 : f32
          %broadcast_in_dim3A_158 = vector.broadcast %broadcast_in_dim3A : f32 to vector<16xf32>
          %broadcast_in_dim3A_159 = arith.constant 0.000000e+00 : f32
          %broadcast_in_dim3A_160 = vector.broadcast %broadcast_in_dim3A_159 : f32 to vector<16xf32>
          %broadcast_in_dim3A_161 = arith.constant 0.000000e+00 : f32
          %broadcast_in_dim3A_162 = vector.broadcast %broadcast_in_dim3A_161 : f32 to vector<16xf32>
          %mul3A_163 = arith.constant 16 : i32
          %mul3A_164 = vector.broadcast %mul3A_163 : i32 to vector<16xi32>
          %mul3A_165 = arith.muli %add3A_142, %mul3A_164 : vector<16xi32>
          %add3A_166 = arith.constant 0 : i32
          %add3A_167 = vector.broadcast %add3A_166 : i32 to vector<16xi32>
          %add3A_168 = arith.addi %mul3A_165, %add3A_167 : vector<16xi32>
          %gather3A_169 = tpu.vector_load_idx %arg14[%add3A_168] : memref<4096xf32, #tpu.memory_space<vmem>>[vector<16xi32>], vector<16xf32>,
          %gather3A_170 = tpu.vector_load_idx %arg16[%add3A_168] : memref<4096xf32, #tpu.memory_space<vmem>>[vector<16xi32>], vector<16xf32>,
          %gather3A_171 = tpu.vector_load_idx %arg18[%add3A_168] : memref<4096xf32, #tpu.memory_space<vmem>>[vector<16xi32>], vector<16xf32>,
          %gather3A_172 = tpu.vector_load_idx %arg28[%add3A_168] : memref<4096xf32, #tpu.memory_space<vmem>>[vector<16xi32>], vector<16xf32>,
          %gather3A_173 = tpu.vector_load_idx %arg30[%add3A_168] : memref<4096xf32, #tpu.memory_space<vmem>>[vector<16xi32>], vector<16xf32>,
          %sub3A = arith.subf %gather3A_169, %gather3A : vector<16xf32>
          %sub3A_174 = arith.subf %gather3A_170, %gather3A_143 : vector<16xf32>
          %sub3A_175 = arith.subf %gather3A_171, %gather3A_144 : vector<16xf32>
          %mul3A_176 = arith.mulf %sub3A, %sub3A : vector<16xf32>
          %mul3A_177 = arith.mulf %sub3A_174, %sub3A_174 : vector<16xf32>
          %add3A_178 = arith.addf %mul3A_176, %mul3A_177 : vector<16xf32>
          %mul3A_179 = arith.mulf %sub3A_175, %sub3A_175 : vector<16xf32>
          %add3A_180 = arith.addf %add3A_178, %mul3A_179 : vector<16xf32>
          %add3A_181 = arith.constant 9.99999982E-15 : f32
          %add3A_182 = vector.broadcast %add3A_181 : f32 to vector<16xf32>
          %add3A_183 = arith.addf %add3A_180, %add3A_182 : vector<16xf32>
          %bitcast_convert_type3A = tpu.bitcast %add3A_183 : vector<16xf32> -> vector<16xi32>
          %shift_right_logical3A = arith.constant 1 : i32
          %shift_right_logical3A_184 = vector.broadcast %shift_right_logical3A : i32 to vector<16xi32>
          %shift_right_logical3A_185 = arith.shrui %bitcast_convert_type3A, %shift_right_logical3A_184 : vector<16xi32>
          %sub3A_186 = arith.constant 1597463007 : i32
          %sub3A_187 = vector.broadcast %sub3A_186 : i32 to vector<16xi32>
          %sub3A_188 = arith.subi %sub3A_187, %shift_right_logical3A_185 : vector<16xi32>
          %bitcast_convert_type3A_189 = tpu.bitcast %sub3A_188 : vector<16xi32> -> vector<16xf32>
          %mul3A_190 = arith.constant 5.000000e-01 : f32
          %mul3A_191 = vector.broadcast %mul3A_190 : f32 to vector<16xf32>
          %mul3A_192 = arith.mulf %mul3A_191, %add3A_183 : vector<16xf32>
          %mul3A_193 = arith.mulf %mul3A_192, %bitcast_convert_type3A_189 : vector<16xf32>
          %mul3A_194 = arith.mulf %mul3A_193, %bitcast_convert_type3A_189 : vector<16xf32>
          %sub3A_195 = arith.constant 1.500000e+00 : f32
          %sub3A_196 = vector.broadcast %sub3A_195 : f32 to vector<16xf32>
          %sub3A_197 = arith.subf %sub3A_196, %mul3A_194 : vector<16xf32>
          %mul3A_198 = arith.mulf %bitcast_convert_type3A_189, %sub3A_197 : vector<16xf32>
          %mul3A_199 = arith.constant 5.000000e-01 : f32
          %mul3A_200 = vector.broadcast %mul3A_199 : f32 to vector<16xf32>
          %mul3A_201 = arith.mulf %mul3A_200, %add3A_183 : vector<16xf32>
          %mul3A_202 = arith.mulf %mul3A_201, %mul3A_198 : vector<16xf32>
          %mul3A_203 = arith.mulf %mul3A_202, %mul3A_198 : vector<16xf32>
          %sub3A_204 = arith.constant 1.500000e+00 : f32
          %sub3A_205 = vector.broadcast %sub3A_204 : f32 to vector<16xf32>
          %sub3A_206 = arith.subf %sub3A_205, %mul3A_203 : vector<16xf32>
          %mul3A_207 = arith.mulf %mul3A_198, %sub3A_206 : vector<16xf32>
          %mul3A_208 = arith.constant 5.000000e-01 : f32
          %mul3A_209 = vector.broadcast %mul3A_208 : f32 to vector<16xf32>
          %mul3A_210 = arith.mulf %mul3A_209, %add3A_183 : vector<16xf32>
          %mul3A_211 = arith.mulf %mul3A_210, %mul3A_207 : vector<16xf32>
          %mul3A_212 = arith.mulf %mul3A_211, %mul3A_207 : vector<16xf32>
          %sub3A_213 = arith.constant 1.500000e+00 : f32
          %sub3A_214 = vector.broadcast %sub3A_213 : f32 to vector<16xf32>
          %sub3A_215 = arith.subf %sub3A_214, %mul3A_212 : vector<16xf32>
          %mul3A_216 = arith.mulf %mul3A_207, %sub3A_215 : vector<16xf32>
          %mul3A_217 = arith.mulf %add3A_183, %mul3A_216 : vector<16xf32>
          %sub3A_218 = arith.subf %mul3A_217, %gather3A_172 : vector<16xf32>
          %mul3A_219 = arith.constant 2.30258512 : f32
          %mul3A_220 = vector.broadcast %mul3A_219 : f32 to vector<16xf32>
          %mul3A_221 = arith.mulf %mul3A_220, %gather3A_173 : vector<16xf32>
          %exp3A = math.exp %mul3A_221 : vector<16xf32>
          %abs3A = math.absf %sub3A_218 : vector<16xf32>
          %add3A_222 = arith.constant 9.99999982E-15 : f32
          %add3A_223 = vector.broadcast %add3A_222 : f32 to vector<16xf32>
          %add3A_224 = arith.addf %abs3A, %add3A_223 : vector<16xf32>
          %bitcast_convert_type3A_225 = tpu.bitcast %add3A_224 : vector<16xf32> -> vector<16xi32>
          %shift_right_logical3A_226 = arith.constant 1 : i32
          %shift_right_logical3A_227 = vector.broadcast %shift_right_logical3A_226 : i32 to vector<16xi32>
          %shift_right_logical3A_228 = arith.shrui %bitcast_convert_type3A_225, %shift_right_logical3A_227 : vector<16xi32>
          %sub3A_229 = arith.constant 1597463007 : i32
          %sub3A_230 = vector.broadcast %sub3A_229 : i32 to vector<16xi32>
          %sub3A_231 = arith.subi %sub3A_230, %shift_right_logical3A_228 : vector<16xi32>
          %bitcast_convert_type3A_232 = tpu.bitcast %sub3A_231 : vector<16xi32> -> vector<16xf32>
          %mul3A_233 = arith.constant 5.000000e-01 : f32
          %mul3A_234 = vector.broadcast %mul3A_233 : f32 to vector<16xf32>
          %mul3A_235 = arith.mulf %mul3A_234, %add3A_224 : vector<16xf32>
          %mul3A_236 = arith.mulf %mul3A_235, %bitcast_convert_type3A_232 : vector<16xf32>
          %mul3A_237 = arith.mulf %mul3A_236, %bitcast_convert_type3A_232 : vector<16xf32>
          %sub3A_238 = arith.constant 1.500000e+00 : f32
          %sub3A_239 = vector.broadcast %sub3A_238 : f32 to vector<16xf32>
          %sub3A_240 = arith.subf %sub3A_239, %mul3A_237 : vector<16xf32>
          %mul3A_241 = arith.mulf %bitcast_convert_type3A_232, %sub3A_240 : vector<16xf32>
          %mul3A_242 = arith.constant 5.000000e-01 : f32
          %mul3A_243 = vector.broadcast %mul3A_242 : f32 to vector<16xf32>
          %mul3A_244 = arith.mulf %mul3A_243, %add3A_224 : vector<16xf32>
          %mul3A_245 = arith.mulf %mul3A_244, %mul3A_241 : vector<16xf32>
          %mul3A_246 = arith.mulf %mul3A_245, %mul3A_241 : vector<16xf32>
          %sub3A_247 = arith.constant 1.500000e+00 : f32
          %sub3A_248 = vector.broadcast %sub3A_247 : f32 to vector<16xf32>
          %sub3A_249 = arith.subf %sub3A_248, %mul3A_246 : vector<16xf32>
          %mul3A_250 = arith.mulf %mul3A_241, %sub3A_249 : vector<16xf32>
          %mul3A_251 = arith.constant 5.000000e-01 : f32
          %mul3A_252 = vector.broadcast %mul3A_251 : f32 to vector<16xf32>
          %mul3A_253 = arith.mulf %mul3A_252, %add3A_224 : vector<16xf32>
          %mul3A_254 = arith.mulf %mul3A_253, %mul3A_250 : vector<16xf32>
          %mul3A_255 = arith.mulf %mul3A_254, %mul3A_250 : vector<16xf32>
          %sub3A_256 = arith.constant 1.500000e+00 : f32
          %sub3A_257 = vector.broadcast %sub3A_256 : f32 to vector<16xf32>
          %sub3A_258 = arith.subf %sub3A_257, %mul3A_255 : vector<16xf32>
          %mul3A_259 = arith.mulf %mul3A_250, %sub3A_258 : vector<16xf32>
          %mul3A_260 = arith.mulf %add3A_224, %mul3A_259 : vector<16xf32>
          %sign3A = tpu.bitcast %sub3A_218 : vector<16xf32> -> vector<16xi32>
          %sign3A_261 = arith.constant -2147483648 : i32
          %sign3A_262 = vector.broadcast %sign3A_261 : i32 to vector<16xi32>
          %sign3A_263 = arith.andi %sign3A, %sign3A_262 : vector<16xi32>
          %sign3A_264 = arith.constant 1065353216 : i32
          %sign3A_265 = vector.broadcast %sign3A_264 : i32 to vector<16xi32>
          %sign3A_266 = arith.ori %sign3A_265, %sign3A_263 : vector<16xi32>
          %sign3A_267 = tpu.bitcast %sign3A_266 : vector<16xi32> -> vector<16xf32>
          %sign3A_268 = math.absf %sub3A_218 : vector<16xf32>
          %sign3A_269 = arith.constant 0.000000e+00 : f32
          %sign3A_270 = vector.broadcast %sign3A_269 : f32 to vector<16xf32>
          %sign3A_271 = arith.cmpf ogt, %sign3A_268, %sign3A_270 : vector<16xf32>
          %sign3A_272 = arith.select %sign3A_271, %sign3A_267, %sub3A_218 : vector<16xi1>, vector<16xf32>
          %mul3A_273 = arith.mulf %exp3A, %sign3A_272 : vector<16xf32>
          %mul3A_274 = arith.mulf %mul3A_273, %mul3A_260 : vector<16xf32>
          %mul3A_275 = arith.mulf %mul3A_274, %mul3A_216 : vector<16xf32>
          %mul3A_276 = arith.mulf %mul3A_275, %sub3A : vector<16xf32>
          %add3A_277 = arith.addf %broadcast_in_dim3A_158, %mul3A_276 : vector<16xf32>
          %mul3A_278 = arith.mulf %mul3A_275, %sub3A_174 : vector<16xf32>
          %add3A_279 = arith.addf %broadcast_in_dim3A_160, %mul3A_278 : vector<16xf32>
          %mul3A_280 = arith.mulf %mul3A_275, %sub3A_175 : vector<16xf32>
          %add3A_281 = arith.addf %broadcast_in_dim3A_162, %mul3A_280 : vector<16xf32>
          %add3A_282 = arith.constant 1 : i32
          %add3A_283 = vector.broadcast %add3A_282 : i32 to vector<16xi32>
          %add3A_284 = arith.addi %mul3A_165, %add3A_283 : vector<16xi32>
          %gather3A_285 = tpu.vector_load_idx %arg14[%add3A_284] : memref<4096xf32, #tpu.memory_space<vmem>>[vector<16xi32>], vector<16xf32>,
          %gather3A_286 = tpu.vector_load_idx %arg16[%add3A_284] : memref<4096xf32, #tpu.memory_space<vmem>>[vector<16xi32>], vector<16xf32>,
          %gather3A_287 = tpu.vector_load_idx %arg18[%add3A_284] : memref<4096xf32, #tpu.memory_space<vmem>>[vector<16xi32>], vector<16xf32>,
          %gather3A_288 = tpu.vector_load_idx %arg28[%add3A_284] : memref<4096xf32, #tpu.memory_space<vmem>>[vector<16xi32>], vector<16xf32>,
          %gather3A_289 = tpu.vector_load_idx %arg30[%add3A_284] : memref<4096xf32, #tpu.memory_space<vmem>>[vector<16xi32>], vector<16xf32>,
          %sub3A_290 = arith.subf %gather3A_285, %gather3A : vector<16xf32>
          %sub3A_291 = arith.subf %gather3A_286, %gather3A_143 : vector<16xf32>
          %sub3A_292 = arith.subf %gather3A_287, %gather3A_144 : vector<16xf32>
          %mul3A_293 = arith.mulf %sub3A_290, %sub3A_290 : vector<16xf32>
          %mul3A_294 = arith.mulf %sub3A_291, %sub3A_291 : vector<16xf32>
          %add3A_295 = arith.addf %mul3A_293, %mul3A_294 : vector<16xf32>
          %mul3A_296 = arith.mulf %sub3A_292, %sub3A_292 : vector<16xf32>
          %add3A_297 = arith.addf %add3A_295, %mul3A_296 : vector<16xf32>
          %add3A_298 = arith.constant 9.99999982E-15 : f32
          %add3A_299 = vector.broadcast %add3A_298 : f32 to vector<16xf32>
          %add3A_300 = arith.addf %add3A_297, %add3A_299 : vector<16xf32>
          %bitcast_convert_type3A_301 = tpu.bitcast %add3A_300 : vector<16xf32> -> vector<16xi32>
          %shift_right_logical3A_302 = arith.constant 1 : i32
          %shift_right_logical3A_303 = vector.broadcast %shift_right_logical3A_302 : i32 to vector<16xi32>
          %shift_right_logical3A_304 = arith.shrui %bitcast_convert_type3A_301, %shift_right_logical3A_303 : vector<16xi32>
          %sub3A_305 = arith.constant 1597463007 : i32
          %sub3A_306 = vector.broadcast %sub3A_305 : i32 to vector<16xi32>
          %sub3A_307 = arith.subi %sub3A_306, %shift_right_logical3A_304 : vector<16xi32>
          %bitcast_convert_type3A_308 = tpu.bitcast %sub3A_307 : vector<16xi32> -> vector<16xf32>
          %mul3A_309 = arith.constant 5.000000e-01 : f32
          %mul3A_310 = vector.broadcast %mul3A_309 : f32 to vector<16xf32>
          %mul3A_311 = arith.mulf %mul3A_310, %add3A_300 : vector<16xf32>
          %mul3A_312 = arith.mulf %mul3A_311, %bitcast_convert_type3A_308 : vector<16xf32>
          %mul3A_313 = arith.mulf %mul3A_312, %bitcast_convert_type3A_308 : vector<16xf32>
          %sub3A_314 = arith.constant 1.500000e+00 : f32
          %sub3A_315 = vector.broadcast %sub3A_314 : f32 to vector<16xf32>
          %sub3A_316 = arith.subf %sub3A_315, %mul3A_313 : vector<16xf32>
          %mul3A_317 = arith.mulf %bitcast_convert_type3A_308, %sub3A_316 : vector<16xf32>
          %mul3A_318 = arith.constant 5.000000e-01 : f32
          %mul3A_319 = vector.broadcast %mul3A_318 : f32 to vector<16xf32>
          %mul3A_320 = arith.mulf %mul3A_319, %add3A_300 : vector<16xf32>
          %mul3A_321 = arith.mulf %mul3A_320, %mul3A_317 : vector<16xf32>
          %mul3A_322 = arith.mulf %mul3A_321, %mul3A_317 : vector<16xf32>
          %sub3A_323 = arith.constant 1.500000e+00 : f32
          %sub3A_324 = vector.broadcast %sub3A_323 : f32 to vector<16xf32>
          %sub3A_325 = arith.subf %sub3A_324, %mul3A_322 : vector<16xf32>
          %mul3A_326 = arith.mulf %mul3A_317, %sub3A_325 : vector<16xf32>
          %mul3A_327 = arith.constant 5.000000e-01 : f32
          %mul3A_328 = vector.broadcast %mul3A_327 : f32 to vector<16xf32>
          %mul3A_329 = arith.mulf %mul3A_328, %add3A_300 : vector<16xf32>
          %mul3A_330 = arith.mulf %mul3A_329, %mul3A_326 : vector<16xf32>
          %mul3A_331 = arith.mulf %mul3A_330, %mul3A_326 : vector<16xf32>
          %sub3A_332 = arith.constant 1.500000e+00 : f32
          %sub3A_333 = vector.broadcast %sub3A_332 : f32 to vector<16xf32>
          %sub3A_334 = arith.subf %sub3A_333, %mul3A_331 : vector<16xf32>
          %mul3A_335 = arith.mulf %mul3A_326, %sub3A_334 : vector<16xf32>
          %mul3A_336 = arith.mulf %add3A_300, %mul3A_335 : vector<16xf32>
          %sub3A_337 = arith.subf %mul3A_336, %gather3A_288 : vector<16xf32>
          %mul3A_338 = arith.constant 2.30258512 : f32
          %mul3A_339 = vector.broadcast %mul3A_338 : f32 to vector<16xf32>
          %mul3A_340 = arith.mulf %mul3A_339, %gather3A_289 : vector<16xf32>
          %exp3A_341 = math.exp %mul3A_340 : vector<16xf32>
          %abs3A_342 = math.absf %sub3A_337 : vector<16xf32>
          %add3A_343 = arith.constant 9.99999982E-15 : f32
          %add3A_344 = vector.broadcast %add3A_343 : f32 to vector<16xf32>
          %add3A_345 = arith.addf %abs3A_342, %add3A_344 : vector<16xf32>
          %bitcast_convert_type3A_346 = tpu.bitcast %add3A_345 : vector<16xf32> -> vector<16xi32>
          %shift_right_logical3A_347 = arith.constant 1 : i32
          %shift_right_logical3A_348 = vector.broadcast %shift_right_logical3A_347 : i32 to vector<16xi32>
          %shift_right_logical3A_349 = arith.shrui %bitcast_convert_type3A_346, %shift_right_logical3A_348 : vector<16xi32>
          %sub3A_350 = arith.constant 1597463007 : i32
          %sub3A_351 = vector.broadcast %sub3A_350 : i32 to vector<16xi32>
          %sub3A_352 = arith.subi %sub3A_351, %shift_right_logical3A_349 : vector<16xi32>
          %bitcast_convert_type3A_353 = tpu.bitcast %sub3A_352 : vector<16xi32> -> vector<16xf32>
          %mul3A_354 = arith.constant 5.000000e-01 : f32
          %mul3A_355 = vector.broadcast %mul3A_354 : f32 to vector<16xf32>
          %mul3A_356 = arith.mulf %mul3A_355, %add3A_345 : vector<16xf32>
          %mul3A_357 = arith.mulf %mul3A_356, %bitcast_convert_type3A_353 : vector<16xf32>
          %mul3A_358 = arith.mulf %mul3A_357, %bitcast_convert_type3A_353 : vector<16xf32>
          %sub3A_359 = arith.constant 1.500000e+00 : f32
          %sub3A_360 = vector.broadcast %sub3A_359 : f32 to vector<16xf32>
          %sub3A_361 = arith.subf %sub3A_360, %mul3A_358 : vector<16xf32>
          %mul3A_362 = arith.mulf %bitcast_convert_type3A_353, %sub3A_361 : vector<16xf32>
          %mul3A_363 = arith.constant 5.000000e-01 : f32
          %mul3A_364 = vector.broadcast %mul3A_363 : f32 to vector<16xf32>
          %mul3A_365 = arith.mulf %mul3A_364, %add3A_345 : vector<16xf32>
          %mul3A_366 = arith.mulf %mul3A_365, %mul3A_362 : vector<16xf32>
          %mul3A_367 = arith.mulf %mul3A_366, %mul3A_362 : vector<16xf32>
          %sub3A_368 = arith.constant 1.500000e+00 : f32
          %sub3A_369 = vector.broadcast %sub3A_368 : f32 to vector<16xf32>
          %sub3A_370 = arith.subf %sub3A_369, %mul3A_367 : vector<16xf32>
          %mul3A_371 = arith.mulf %mul3A_362, %sub3A_370 : vector<16xf32>
          %mul3A_372 = arith.constant 5.000000e-01 : f32
          %mul3A_373 = vector.broadcast %mul3A_372 : f32 to vector<16xf32>
          %mul3A_374 = arith.mulf %mul3A_373, %add3A_345 : vector<16xf32>
          %mul3A_375 = arith.mulf %mul3A_374, %mul3A_371 : vector<16xf32>
          %mul3A_376 = arith.mulf %mul3A_375, %mul3A_371 : vector<16xf32>
          %sub3A_377 = arith.constant 1.500000e+00 : f32
          %sub3A_378 = vector.broadcast %sub3A_377 : f32 to vector<16xf32>
          %sub3A_379 = arith.subf %sub3A_378, %mul3A_376 : vector<16xf32>
          %mul3A_380 = arith.mulf %mul3A_371, %sub3A_379 : vector<16xf32>
          %mul3A_381 = arith.mulf %add3A_345, %mul3A_380 : vector<16xf32>
          %sign3A_382 = tpu.bitcast %sub3A_337 : vector<16xf32> -> vector<16xi32>
          %sign3A_383 = arith.constant -2147483648 : i32
          %sign3A_384 = vector.broadcast %sign3A_383 : i32 to vector<16xi32>
          %sign3A_385 = arith.andi %sign3A_382, %sign3A_384 : vector<16xi32>
          %sign3A_386 = arith.constant 1065353216 : i32
          %sign3A_387 = vector.broadcast %sign3A_386 : i32 to vector<16xi32>
          %sign3A_388 = arith.ori %sign3A_387, %sign3A_385 : vector<16xi32>
          %sign3A_389 = tpu.bitcast %sign3A_388 : vector<16xi32> -> vector<16xf32>
          %sign3A_390 = math.absf %sub3A_337 : vector<16xf32>
          %sign3A_391 = arith.constant 0.000000e+00 : f32
          %sign3A_392 = vector.broadcast %sign3A_391 : f32 to vector<16xf32>
          %sign3A_393 = arith.cmpf ogt, %sign3A_390, %sign3A_392 : vector<16xf32>
          %sign3A_394 = arith.select %sign3A_393, %sign3A_389, %sub3A_337 : vector<16xi1>, vector<16xf32>
          %mul3A_395 = arith.mulf %exp3A_341, %sign3A_394 : vector<16xf32>
          %mul3A_396 = arith.mulf %mul3A_395, %mul3A_381 : vector<16xf32>
          %mul3A_397 = arith.mulf %mul3A_396, %mul3A_335 : vector<16xf32>
          %mul3A_398 = arith.mulf %mul3A_397, %sub3A_290 : vector<16xf32>
          %add3A_399 = arith.addf %add3A_277, %mul3A_398 : vector<16xf32>
          %mul3A_400 = arith.mulf %mul3A_397, %sub3A_291 : vector<16xf32>
          %add3A_401 = arith.addf %add3A_279, %mul3A_400 : vector<16xf32>
          %mul3A_402 = arith.mulf %mul3A_397, %sub3A_292 : vector<16xf32>
          %add3A_403 = arith.addf %add3A_281, %mul3A_402 : vector<16xf32>
          %add3A_404 = arith.constant 2 : i32
          %add3A_405 = vector.broadcast %add3A_404 : i32 to vector<16xi32>
          %add3A_406 = arith.addi %mul3A_165, %add3A_405 : vector<16xi32>
          %gather3A_407 = tpu.vector_load_idx %arg14[%add3A_406] : memref<4096xf32, #tpu.memory_space<vmem>>[vector<16xi32>], vector<16xf32>,
          %gather3A_408 = tpu.vector_load_idx %arg16[%add3A_406] : memref<4096xf32, #tpu.memory_space<vmem>>[vector<16xi32>], vector<16xf32>,
          %gather3A_409 = tpu.vector_load_idx %arg18[%add3A_406] : memref<4096xf32, #tpu.memory_space<vmem>>[vector<16xi32>], vector<16xf32>,
          %gather3A_410 = tpu.vector_load_idx %arg28[%add3A_406] : memref<4096xf32, #tpu.memory_space<vmem>>[vector<16xi32>], vector<16xf32>,
          %gather3A_411 = tpu.vector_load_idx %arg30[%add3A_406] : memref<4096xf32, #tpu.memory_space<vmem>>[vector<16xi32>], vector<16xf32>,
          %sub3A_412 = arith.subf %gather3A_407, %gather3A : vector<16xf32>
          %sub3A_413 = arith.subf %gather3A_408, %gather3A_143 : vector<16xf32>
          %sub3A_414 = arith.subf %gather3A_409, %gather3A_144 : vector<16xf32>
          %mul3A_415 = arith.mulf %sub3A_412, %sub3A_412 : vector<16xf32>
          %mul3A_416 = arith.mulf %sub3A_413, %sub3A_413 : vector<16xf32>
          %add3A_417 = arith.addf %mul3A_415, %mul3A_416 : vector<16xf32>
          %mul3A_418 = arith.mulf %sub3A_414, %sub3A_414 : vector<16xf32>
          %add3A_419 = arith.addf %add3A_417, %mul3A_418 : vector<16xf32>
          %add3A_420 = arith.constant 9.99999982E-15 : f32
          %add3A_421 = vector.broadcast %add3A_420 : f32 to vector<16xf32>
          %add3A_422 = arith.addf %add3A_419, %add3A_421 : vector<16xf32>
          %bitcast_convert_type3A_423 = tpu.bitcast %add3A_422 : vector<16xf32> -> vector<16xi32>
          %shift_right_logical3A_424 = arith.constant 1 : i32
          %shift_right_logical3A_425 = vector.broadcast %shift_right_logical3A_424 : i32 to vector<16xi32>
          %shift_right_logical3A_426 = arith.shrui %bitcast_convert_type3A_423, %shift_right_logical3A_425 : vector<16xi32>
          %sub3A_427 = arith.constant 1597463007 : i32
          %sub3A_428 = vector.broadcast %sub3A_427 : i32 to vector<16xi32>
          %sub3A_429 = arith.subi %sub3A_428, %shift_right_logical3A_426 : vector<16xi32>
          %bitcast_convert_type3A_430 = tpu.bitcast %sub3A_429 : vector<16xi32> -> vector<16xf32>
          %mul3A_431 = arith.constant 5.000000e-01 : f32
          %mul3A_432 = vector.broadcast %mul3A_431 : f32 to vector<16xf32>
          %mul3A_433 = arith.mulf %mul3A_432, %add3A_422 : vector<16xf32>
          %mul3A_434 = arith.mulf %mul3A_433, %bitcast_convert_type3A_430 : vector<16xf32>
          %mul3A_435 = arith.mulf %mul3A_434, %bitcast_convert_type3A_430 : vector<16xf32>
          %sub3A_436 = arith.constant 1.500000e+00 : f32
          %sub3A_437 = vector.broadcast %sub3A_436 : f32 to vector<16xf32>
          %sub3A_438 = arith.subf %sub3A_437, %mul3A_435 : vector<16xf32>
          %mul3A_439 = arith.mulf %bitcast_convert_type3A_430, %sub3A_438 : vector<16xf32>
          %mul3A_440 = arith.constant 5.000000e-01 : f32
          %mul3A_441 = vector.broadcast %mul3A_440 : f32 to vector<16xf32>
          %mul3A_442 = arith.mulf %mul3A_441, %add3A_422 : vector<16xf32>
          %mul3A_443 = arith.mulf %mul3A_442, %mul3A_439 : vector<16xf32>
          %mul3A_444 = arith.mulf %mul3A_443, %mul3A_439 : vector<16xf32>
          %sub3A_445 = arith.constant 1.500000e+00 : f32
          %sub3A_446 = vector.broadcast %sub3A_445 : f32 to vector<16xf32>
          %sub3A_447 = arith.subf %sub3A_446, %mul3A_444 : vector<16xf32>
          %mul3A_448 = arith.mulf %mul3A_439, %sub3A_447 : vector<16xf32>
          %mul3A_449 = arith.constant 5.000000e-01 : f32
          %mul3A_450 = vector.broadcast %mul3A_449 : f32 to vector<16xf32>
          %mul3A_451 = arith.mulf %mul3A_450, %add3A_422 : vector<16xf32>
          %mul3A_452 = arith.mulf %mul3A_451, %mul3A_448 : vector<16xf32>
          %mul3A_453 = arith.mulf %mul3A_452, %mul3A_448 : vector<16xf32>
          %sub3A_454 = arith.constant 1.500000e+00 : f32
          %sub3A_455 = vector.broadcast %sub3A_454 : f32 to vector<16xf32>
          %sub3A_456 = arith.subf %sub3A_455, %mul3A_453 : vector<16xf32>
          %mul3A_457 = arith.mulf %mul3A_448, %sub3A_456 : vector<16xf32>
          %mul3A_458 = arith.mulf %add3A_422, %mul3A_457 : vector<16xf32>
          %sub3A_459 = arith.subf %mul3A_458, %gather3A_410 : vector<16xf32>
          %mul3A_460 = arith.constant 2.30258512 : f32
          %mul3A_461 = vector.broadcast %mul3A_460 : f32 to vector<16xf32>
          %mul3A_462 = arith.mulf %mul3A_461, %gather3A_411 : vector<16xf32>
          %exp3A_463 = math.exp %mul3A_462 : vector<16xf32>
          %abs3A_464 = math.absf %sub3A_459 : vector<16xf32>
          %add3A_465 = arith.constant 9.99999982E-15 : f32
          %add3A_466 = vector.broadcast %add3A_465 : f32 to vector<16xf32>
          %add3A_467 = arith.addf %abs3A_464, %add3A_466 : vector<16xf32>
          %bitcast_convert_type3A_468 = tpu.bitcast %add3A_467 : vector<16xf32> -> vector<16xi32>
          %shift_right_logical3A_469 = arith.constant 1 : i32
          %shift_right_logical3A_470 = vector.broadcast %shift_right_logical3A_469 : i32 to vector<16xi32>
          %shift_right_logical3A_471 = arith.shrui %bitcast_convert_type3A_468, %shift_right_logical3A_470 : vector<16xi32>
          %sub3A_472 = arith.constant 1597463007 : i32
          %sub3A_473 = vector.broadcast %sub3A_472 : i32 to vector<16xi32>
          %sub3A_474 = arith.subi %sub3A_473, %shift_right_logical3A_471 : vector<16xi32>
          %bitcast_convert_type3A_475 = tpu.bitcast %sub3A_474 : vector<16xi32> -> vector<16xf32>
          %mul3A_476 = arith.constant 5.000000e-01 : f32
          %mul3A_477 = vector.broadcast %mul3A_476 : f32 to vector<16xf32>
          %mul3A_478 = arith.mulf %mul3A_477, %add3A_467 : vector<16xf32>
          %mul3A_479 = arith.mulf %mul3A_478, %bitcast_convert_type3A_475 : vector<16xf32>
          %mul3A_480 = arith.mulf %mul3A_479, %bitcast_convert_type3A_475 : vector<16xf32>
          %sub3A_481 = arith.constant 1.500000e+00 : f32
          %sub3A_482 = vector.broadcast %sub3A_481 : f32 to vector<16xf32>
          %sub3A_483 = arith.subf %sub3A_482, %mul3A_480 : vector<16xf32>
          %mul3A_484 = arith.mulf %bitcast_convert_type3A_475, %sub3A_483 : vector<16xf32>
          %mul3A_485 = arith.constant 5.000000e-01 : f32
          %mul3A_486 = vector.broadcast %mul3A_485 : f32 to vector<16xf32>
          %mul3A_487 = arith.mulf %mul3A_486, %add3A_467 : vector<16xf32>
          %mul3A_488 = arith.mulf %mul3A_487, %mul3A_484 : vector<16xf32>
          %mul3A_489 = arith.mulf %mul3A_488, %mul3A_484 : vector<16xf32>
          %sub3A_490 = arith.constant 1.500000e+00 : f32
          %sub3A_491 = vector.broadcast %sub3A_490 : f32 to vector<16xf32>
          %sub3A_492 = arith.subf %sub3A_491, %mul3A_489 : vector<16xf32>
          %mul3A_493 = arith.mulf %mul3A_484, %sub3A_492 : vector<16xf32>
          %mul3A_494 = arith.constant 5.000000e-01 : f32
          %mul3A_495 = vector.broadcast %mul3A_494 : f32 to vector<16xf32>
          %mul3A_496 = arith.mulf %mul3A_495, %add3A_467 : vector<16xf32>
          %mul3A_497 = arith.mulf %mul3A_496, %mul3A_493 : vector<16xf32>
          %mul3A_498 = arith.mulf %mul3A_497, %mul3A_493 : vector<16xf32>
          %sub3A_499 = arith.constant 1.500000e+00 : f32
          %sub3A_500 = vector.broadcast %sub3A_499 : f32 to vector<16xf32>
          %sub3A_501 = arith.subf %sub3A_500, %mul3A_498 : vector<16xf32>
          %mul3A_502 = arith.mulf %mul3A_493, %sub3A_501 : vector<16xf32>
          %mul3A_503 = arith.mulf %add3A_467, %mul3A_502 : vector<16xf32>
          %sign3A_504 = tpu.bitcast %sub3A_459 : vector<16xf32> -> vector<16xi32>
          %sign3A_505 = arith.constant -2147483648 : i32
          %sign3A_506 = vector.broadcast %sign3A_505 : i32 to vector<16xi32>
          %sign3A_507 = arith.andi %sign3A_504, %sign3A_506 : vector<16xi32>
          %sign3A_508 = arith.constant 1065353216 : i32
          %sign3A_509 = vector.broadcast %sign3A_508 : i32 to vector<16xi32>
          %sign3A_510 = arith.ori %sign3A_509, %sign3A_507 : vector<16xi32>
          %sign3A_511 = tpu.bitcast %sign3A_510 : vector<16xi32> -> vector<16xf32>
          %sign3A_512 = math.absf %sub3A_459 : vector<16xf32>
          %sign3A_513 = arith.constant 0.000000e+00 : f32
          %sign3A_514 = vector.broadcast %sign3A_513 : f32 to vector<16xf32>
          %sign3A_515 = arith.cmpf ogt, %sign3A_512, %sign3A_514 : vector<16xf32>
          %sign3A_516 = arith.select %sign3A_515, %sign3A_511, %sub3A_459 : vector<16xi1>, vector<16xf32>
          %mul3A_517 = arith.mulf %exp3A_463, %sign3A_516 : vector<16xf32>
          %mul3A_518 = arith.mulf %mul3A_517, %mul3A_503 : vector<16xf32>
          %mul3A_519 = arith.mulf %mul3A_518, %mul3A_457 : vector<16xf32>
          %mul3A_520 = arith.mulf %mul3A_519, %sub3A_412 : vector<16xf32>
          %add3A_521 = arith.addf %add3A_399, %mul3A_520 : vector<16xf32>
          %mul3A_522 = arith.mulf %mul3A_519, %sub3A_413 : vector<16xf32>
          %add3A_523 = arith.addf %add3A_401, %mul3A_522 : vector<16xf32>
          %mul3A_524 = arith.mulf %mul3A_519, %sub3A_414 : vector<16xf32>
          %add3A_525 = arith.addf %add3A_403, %mul3A_524 : vector<16xf32>
          %add3A_526 = arith.constant 3 : i32
          %add3A_527 = vector.broadcast %add3A_526 : i32 to vector<16xi32>
          %add3A_528 = arith.addi %mul3A_165, %add3A_527 : vector<16xi32>
          %gather3A_529 = tpu.vector_load_idx %arg14[%add3A_528] : memref<4096xf32, #tpu.memory_space<vmem>>[vector<16xi32>], vector<16xf32>,
          %gather3A_530 = tpu.vector_load_idx %arg16[%add3A_528] : memref<4096xf32, #tpu.memory_space<vmem>>[vector<16xi32>], vector<16xf32>,
          %gather3A_531 = tpu.vector_load_idx %arg18[%add3A_528] : memref<4096xf32, #tpu.memory_space<vmem>>[vector<16xi32>], vector<16xf32>,
          %gather3A_532 = tpu.vector_load_idx %arg28[%add3A_528] : memref<4096xf32, #tpu.memory_space<vmem>>[vector<16xi32>], vector<16xf32>,
          %gather3A_533 = tpu.vector_load_idx %arg30[%add3A_528] : memref<4096xf32, #tpu.memory_space<vmem>>[vector<16xi32>], vector<16xf32>,
          %sub3A_534 = arith.subf %gather3A_529, %gather3A : vector<16xf32>
          %sub3A_535 = arith.subf %gather3A_530, %gather3A_143 : vector<16xf32>
          %sub3A_536 = arith.subf %gather3A_531, %gather3A_144 : vector<16xf32>
          %mul3A_537 = arith.mulf %sub3A_534, %sub3A_534 : vector<16xf32>
          %mul3A_538 = arith.mulf %sub3A_535, %sub3A_535 : vector<16xf32>
          %add3A_539 = arith.addf %mul3A_537, %mul3A_538 : vector<16xf32>
          %mul3A_540 = arith.mulf %sub3A_536, %sub3A_536 : vector<16xf32>
          %add3A_541 = arith.addf %add3A_539, %mul3A_540 : vector<16xf32>
          %add3A_542 = arith.constant 9.99999982E-15 : f32
          %add3A_543 = vector.broadcast %add3A_542 : f32 to vector<16xf32>
          %add3A_544 = arith.addf %add3A_541, %add3A_543 : vector<16xf32>
          %bitcast_convert_type3A_545 = tpu.bitcast %add3A_544 : vector<16xf32> -> vector<16xi32>
          %shift_right_logical3A_546 = arith.constant 1 : i32
          %shift_right_logical3A_547 = vector.broadcast %shift_right_logical3A_546 : i32 to vector<16xi32>
          %shift_right_logical3A_548 = arith.shrui %bitcast_convert_type3A_545, %shift_right_logical3A_547 : vector<16xi32>
          %sub3A_549 = arith.constant 1597463007 : i32
          %sub3A_550 = vector.broadcast %sub3A_549 : i32 to vector<16xi32>
          %sub3A_551 = arith.subi %sub3A_550, %shift_right_logical3A_548 : vector<16xi32>
          %bitcast_convert_type3A_552 = tpu.bitcast %sub3A_551 : vector<16xi32> -> vector<16xf32>
          %mul3A_553 = arith.constant 5.000000e-01 : f32
          %mul3A_554 = vector.broadcast %mul3A_553 : f32 to vector<16xf32>
          %mul3A_555 = arith.mulf %mul3A_554, %add3A_544 : vector<16xf32>
          %mul3A_556 = arith.mulf %mul3A_555, %bitcast_convert_type3A_552 : vector<16xf32>
          %mul3A_557 = arith.mulf %mul3A_556, %bitcast_convert_type3A_552 : vector<16xf32>
          %sub3A_558 = arith.constant 1.500000e+00 : f32
          %sub3A_559 = vector.broadcast %sub3A_558 : f32 to vector<16xf32>
          %sub3A_560 = arith.subf %sub3A_559, %mul3A_557 : vector<16xf32>
          %mul3A_561 = arith.mulf %bitcast_convert_type3A_552, %sub3A_560 : vector<16xf32>
          %mul3A_562 = arith.constant 5.000000e-01 : f32
          %mul3A_563 = vector.broadcast %mul3A_562 : f32 to vector<16xf32>
          %mul3A_564 = arith.mulf %mul3A_563, %add3A_544 : vector<16xf32>
          %mul3A_565 = arith.mulf %mul3A_564, %mul3A_561 : vector<16xf32>
          %mul3A_566 = arith.mulf %mul3A_565, %mul3A_561 : vector<16xf32>
          %sub3A_567 = arith.constant 1.500000e+00 : f32
          %sub3A_568 = vector.broadcast %sub3A_567 : f32 to vector<16xf32>
          %sub3A_569 = arith.subf %sub3A_568, %mul3A_566 : vector<16xf32>
          %mul3A_570 = arith.mulf %mul3A_561, %sub3A_569 : vector<16xf32>
          %mul3A_571 = arith.constant 5.000000e-01 : f32
          %mul3A_572 = vector.broadcast %mul3A_571 : f32 to vector<16xf32>
          %mul3A_573 = arith.mulf %mul3A_572, %add3A_544 : vector<16xf32>
          %mul3A_574 = arith.mulf %mul3A_573, %mul3A_570 : vector<16xf32>
          %mul3A_575 = arith.mulf %mul3A_574, %mul3A_570 : vector<16xf32>
          %sub3A_576 = arith.constant 1.500000e+00 : f32
          %sub3A_577 = vector.broadcast %sub3A_576 : f32 to vector<16xf32>
          %sub3A_578 = arith.subf %sub3A_577, %mul3A_575 : vector<16xf32>
          %mul3A_579 = arith.mulf %mul3A_570, %sub3A_578 : vector<16xf32>
          %mul3A_580 = arith.mulf %add3A_544, %mul3A_579 : vector<16xf32>
          %sub3A_581 = arith.subf %mul3A_580, %gather3A_532 : vector<16xf32>
          %mul3A_582 = arith.constant 2.30258512 : f32
          %mul3A_583 = vector.broadcast %mul3A_582 : f32 to vector<16xf32>
          %mul3A_584 = arith.mulf %mul3A_583, %gather3A_533 : vector<16xf32>
          %exp3A_585 = math.exp %mul3A_584 : vector<16xf32>
          %abs3A_586 = math.absf %sub3A_581 : vector<16xf32>
          %add3A_587 = arith.constant 9.99999982E-15 : f32
          %add3A_588 = vector.broadcast %add3A_587 : f32 to vector<16xf32>
          %add3A_589 = arith.addf %abs3A_586, %add3A_588 : vector<16xf32>
          %bitcast_convert_type3A_590 = tpu.bitcast %add3A_589 : vector<16xf32> -> vector<16xi32>
          %shift_right_logical3A_591 = arith.constant 1 : i32
          %shift_right_logical3A_592 = vector.broadcast %shift_right_logical3A_591 : i32 to vector<16xi32>
          %shift_right_logical3A_593 = arith.shrui %bitcast_convert_type3A_590, %shift_right_logical3A_592 : vector<16xi32>
          %sub3A_594 = arith.constant 1597463007 : i32
          %sub3A_595 = vector.broadcast %sub3A_594 : i32 to vector<16xi32>
          %sub3A_596 = arith.subi %sub3A_595, %shift_right_logical3A_593 : vector<16xi32>
          %bitcast_convert_type3A_597 = tpu.bitcast %sub3A_596 : vector<16xi32> -> vector<16xf32>
          %mul3A_598 = arith.constant 5.000000e-01 : f32
          %mul3A_599 = vector.broadcast %mul3A_598 : f32 to vector<16xf32>
          %mul3A_600 = arith.mulf %mul3A_599, %add3A_589 : vector<16xf32>
          %mul3A_601 = arith.mulf %mul3A_600, %bitcast_convert_type3A_597 : vector<16xf32>
          %mul3A_602 = arith.mulf %mul3A_601, %bitcast_convert_type3A_597 : vector<16xf32>
          %sub3A_603 = arith.constant 1.500000e+00 : f32
          %sub3A_604 = vector.broadcast %sub3A_603 : f32 to vector<16xf32>
          %sub3A_605 = arith.subf %sub3A_604, %mul3A_602 : vector<16xf32>
          %mul3A_606 = arith.mulf %bitcast_convert_type3A_597, %sub3A_605 : vector<16xf32>
          %mul3A_607 = arith.constant 5.000000e-01 : f32
          %mul3A_608 = vector.broadcast %mul3A_607 : f32 to vector<16xf32>
          %mul3A_609 = arith.mulf %mul3A_608, %add3A_589 : vector<16xf32>
          %mul3A_610 = arith.mulf %mul3A_609, %mul3A_606 : vector<16xf32>
          %mul3A_611 = arith.mulf %mul3A_610, %mul3A_606 : vector<16xf32>
          %sub3A_612 = arith.constant 1.500000e+00 : f32
          %sub3A_613 = vector.broadcast %sub3A_612 : f32 to vector<16xf32>
          %sub3A_614 = arith.subf %sub3A_613, %mul3A_611 : vector<16xf32>
          %mul3A_615 = arith.mulf %mul3A_606, %sub3A_614 : vector<16xf32>
          %mul3A_616 = arith.constant 5.000000e-01 : f32
          %mul3A_617 = vector.broadcast %mul3A_616 : f32 to vector<16xf32>
          %mul3A_618 = arith.mulf %mul3A_617, %add3A_589 : vector<16xf32>
          %mul3A_619 = arith.mulf %mul3A_618, %mul3A_615 : vector<16xf32>
          %mul3A_620 = arith.mulf %mul3A_619, %mul3A_615 : vector<16xf32>
          %sub3A_621 = arith.constant 1.500000e+00 : f32
          %sub3A_622 = vector.broadcast %sub3A_621 : f32 to vector<16xf32>
          %sub3A_623 = arith.subf %sub3A_622, %mul3A_620 : vector<16xf32>
          %mul3A_624 = arith.mulf %mul3A_615, %sub3A_623 : vector<16xf32>
          %mul3A_625 = arith.mulf %add3A_589, %mul3A_624 : vector<16xf32>
          %sign3A_626 = tpu.bitcast %sub3A_581 : vector<16xf32> -> vector<16xi32>
          %sign3A_627 = arith.constant -2147483648 : i32
          %sign3A_628 = vector.broadcast %sign3A_627 : i32 to vector<16xi32>
          %sign3A_629 = arith.andi %sign3A_626, %sign3A_628 : vector<16xi32>
          %sign3A_630 = arith.constant 1065353216 : i32
          %sign3A_631 = vector.broadcast %sign3A_630 : i32 to vector<16xi32>
          %sign3A_632 = arith.ori %sign3A_631, %sign3A_629 : vector<16xi32>
          %sign3A_633 = tpu.bitcast %sign3A_632 : vector<16xi32> -> vector<16xf32>
          %sign3A_634 = math.absf %sub3A_581 : vector<16xf32>
          %sign3A_635 = arith.constant 0.000000e+00 : f32
          %sign3A_636 = vector.broadcast %sign3A_635 : f32 to vector<16xf32>
          %sign3A_637 = arith.cmpf ogt, %sign3A_634, %sign3A_636 : vector<16xf32>
          %sign3A_638 = arith.select %sign3A_637, %sign3A_633, %sub3A_581 : vector<16xi1>, vector<16xf32>
          %mul3A_639 = arith.mulf %exp3A_585, %sign3A_638 : vector<16xf32>
          %mul3A_640 = arith.mulf %mul3A_639, %mul3A_625 : vector<16xf32>
          %mul3A_641 = arith.mulf %mul3A_640, %mul3A_579 : vector<16xf32>
          %mul3A_642 = arith.mulf %mul3A_641, %sub3A_534 : vector<16xf32>
          %add3A_643 = arith.addf %add3A_521, %mul3A_642 : vector<16xf32>
          %mul3A_644 = arith.mulf %mul3A_641, %sub3A_535 : vector<16xf32>
          %add3A_645 = arith.addf %add3A_523, %mul3A_644 : vector<16xf32>
          %mul3A_646 = arith.mulf %mul3A_641, %sub3A_536 : vector<16xf32>
          %add3A_647 = arith.addf %add3A_525, %mul3A_646 : vector<16xf32>
          %add3A_648 = arith.constant 4 : i32
          %add3A_649 = vector.broadcast %add3A_648 : i32 to vector<16xi32>
          %add3A_650 = arith.addi %mul3A_165, %add3A_649 : vector<16xi32>
          %gather3A_651 = tpu.vector_load_idx %arg14[%add3A_650] : memref<4096xf32, #tpu.memory_space<vmem>>[vector<16xi32>], vector<16xf32>,
          %gather3A_652 = tpu.vector_load_idx %arg16[%add3A_650] : memref<4096xf32, #tpu.memory_space<vmem>>[vector<16xi32>], vector<16xf32>,
          %gather3A_653 = tpu.vector_load_idx %arg18[%add3A_650] : memref<4096xf32, #tpu.memory_space<vmem>>[vector<16xi32>], vector<16xf32>,
          %gather3A_654 = tpu.vector_load_idx %arg28[%add3A_650] : memref<4096xf32, #tpu.memory_space<vmem>>[vector<16xi32>], vector<16xf32>,
          %gather3A_655 = tpu.vector_load_idx %arg30[%add3A_650] : memref<4096xf32, #tpu.memory_space<vmem>>[vector<16xi32>], vector<16xf32>,
          %sub3A_656 = arith.subf %gather3A_651, %gather3A : vector<16xf32>
          %sub3A_657 = arith.subf %gather3A_652, %gather3A_143 : vector<16xf32>
          %sub3A_658 = arith.subf %gather3A_653, %gather3A_144 : vector<16xf32>
          %mul3A_659 = arith.mulf %sub3A_656, %sub3A_656 : vector<16xf32>
          %mul3A_660 = arith.mulf %sub3A_657, %sub3A_657 : vector<16xf32>
          %add3A_661 = arith.addf %mul3A_659, %mul3A_660 : vector<16xf32>
          %mul3A_662 = arith.mulf %sub3A_658, %sub3A_658 : vector<16xf32>
          %add3A_663 = arith.addf %add3A_661, %mul3A_662 : vector<16xf32>
          %add3A_664 = arith.constant 9.99999982E-15 : f32
          %add3A_665 = vector.broadcast %add3A_664 : f32 to vector<16xf32>
          %add3A_666 = arith.addf %add3A_663, %add3A_665 : vector<16xf32>
          %bitcast_convert_type3A_667 = tpu.bitcast %add3A_666 : vector<16xf32> -> vector<16xi32>
          %shift_right_logical3A_668 = arith.constant 1 : i32
          %shift_right_logical3A_669 = vector.broadcast %shift_right_logical3A_668 : i32 to vector<16xi32>
          %shift_right_logical3A_670 = arith.shrui %bitcast_convert_type3A_667, %shift_right_logical3A_669 : vector<16xi32>
          %sub3A_671 = arith.constant 1597463007 : i32
          %sub3A_672 = vector.broadcast %sub3A_671 : i32 to vector<16xi32>
          %sub3A_673 = arith.subi %sub3A_672, %shift_right_logical3A_670 : vector<16xi32>
          %bitcast_convert_type3A_674 = tpu.bitcast %sub3A_673 : vector<16xi32> -> vector<16xf32>
          %mul3A_675 = arith.constant 5.000000e-01 : f32
          %mul3A_676 = vector.broadcast %mul3A_675 : f32 to vector<16xf32>
          %mul3A_677 = arith.mulf %mul3A_676, %add3A_666 : vector<16xf32>
          %mul3A_678 = arith.mulf %mul3A_677, %bitcast_convert_type3A_674 : vector<16xf32>
          %mul3A_679 = arith.mulf %mul3A_678, %bitcast_convert_type3A_674 : vector<16xf32>
          %sub3A_680 = arith.constant 1.500000e+00 : f32
          %sub3A_681 = vector.broadcast %sub3A_680 : f32 to vector<16xf32>
          %sub3A_682 = arith.subf %sub3A_681, %mul3A_679 : vector<16xf32>
          %mul3A_683 = arith.mulf %bitcast_convert_type3A_674, %sub3A_682 : vector<16xf32>
          %mul3A_684 = arith.constant 5.000000e-01 : f32
          %mul3A_685 = vector.broadcast %mul3A_684 : f32 to vector<16xf32>
          %mul3A_686 = arith.mulf %mul3A_685, %add3A_666 : vector<16xf32>
          %mul3A_687 = arith.mulf %mul3A_686, %mul3A_683 : vector<16xf32>
          %mul3A_688 = arith.mulf %mul3A_687, %mul3A_683 : vector<16xf32>
          %sub3A_689 = arith.constant 1.500000e+00 : f32
          %sub3A_690 = vector.broadcast %sub3A_689 : f32 to vector<16xf32>
          %sub3A_691 = arith.subf %sub3A_690, %mul3A_688 : vector<16xf32>
          %mul3A_692 = arith.mulf %mul3A_683, %sub3A_691 : vector<16xf32>
          %mul3A_693 = arith.constant 5.000000e-01 : f32
          %mul3A_694 = vector.broadcast %mul3A_693 : f32 to vector<16xf32>
          %mul3A_695 = arith.mulf %mul3A_694, %add3A_666 : vector<16xf32>
          %mul3A_696 = arith.mulf %mul3A_695, %mul3A_692 : vector<16xf32>
          %mul3A_697 = arith.mulf %mul3A_696, %mul3A_692 : vector<16xf32>
          %sub3A_698 = arith.constant 1.500000e+00 : f32
          %sub3A_699 = vector.broadcast %sub3A_698 : f32 to vector<16xf32>
          %sub3A_700 = arith.subf %sub3A_699, %mul3A_697 : vector<16xf32>
          %mul3A_701 = arith.mulf %mul3A_692, %sub3A_700 : vector<16xf32>
          %mul3A_702 = arith.mulf %add3A_666, %mul3A_701 : vector<16xf32>
          %sub3A_703 = arith.subf %mul3A_702, %gather3A_654 : vector<16xf32>
          %mul3A_704 = arith.constant 2.30258512 : f32
          %mul3A_705 = vector.broadcast %mul3A_704 : f32 to vector<16xf32>
          %mul3A_706 = arith.mulf %mul3A_705, %gather3A_655 : vector<16xf32>
          %exp3A_707 = math.exp %mul3A_706 : vector<16xf32>
          %abs3A_708 = math.absf %sub3A_703 : vector<16xf32>
          %add3A_709 = arith.constant 9.99999982E-15 : f32
          %add3A_710 = vector.broadcast %add3A_709 : f32 to vector<16xf32>
          %add3A_711 = arith.addf %abs3A_708, %add3A_710 : vector<16xf32>
          %bitcast_convert_type3A_712 = tpu.bitcast %add3A_711 : vector<16xf32> -> vector<16xi32>
          %shift_right_logical3A_713 = arith.constant 1 : i32
          %shift_right_logical3A_714 = vector.broadcast %shift_right_logical3A_713 : i32 to vector<16xi32>
          %shift_right_logical3A_715 = arith.shrui %bitcast_convert_type3A_712, %shift_right_logical3A_714 : vector<16xi32>
          %sub3A_716 = arith.constant 1597463007 : i32
          %sub3A_717 = vector.broadcast %sub3A_716 : i32 to vector<16xi32>
          %sub3A_718 = arith.subi %sub3A_717, %shift_right_logical3A_715 : vector<16xi32>
          %bitcast_convert_type3A_719 = tpu.bitcast %sub3A_718 : vector<16xi32> -> vector<16xf32>
          %mul3A_720 = arith.constant 5.000000e-01 : f32
          %mul3A_721 = vector.broadcast %mul3A_720 : f32 to vector<16xf32>
          %mul3A_722 = arith.mulf %mul3A_721, %add3A_711 : vector<16xf32>
          %mul3A_723 = arith.mulf %mul3A_722, %bitcast_convert_type3A_719 : vector<16xf32>
          %mul3A_724 = arith.mulf %mul3A_723, %bitcast_convert_type3A_719 : vector<16xf32>
          %sub3A_725 = arith.constant 1.500000e+00 : f32
          %sub3A_726 = vector.broadcast %sub3A_725 : f32 to vector<16xf32>
          %sub3A_727 = arith.subf %sub3A_726, %mul3A_724 : vector<16xf32>
          %mul3A_728 = arith.mulf %bitcast_convert_type3A_719, %sub3A_727 : vector<16xf32>
          %mul3A_729 = arith.constant 5.000000e-01 : f32
          %mul3A_730 = vector.broadcast %mul3A_729 : f32 to vector<16xf32>
          %mul3A_731 = arith.mulf %mul3A_730, %add3A_711 : vector<16xf32>
          %mul3A_732 = arith.mulf %mul3A_731, %mul3A_728 : vector<16xf32>
          %mul3A_733 = arith.mulf %mul3A_732, %mul3A_728 : vector<16xf32>
          %sub3A_734 = arith.constant 1.500000e+00 : f32
          %sub3A_735 = vector.broadcast %sub3A_734 : f32 to vector<16xf32>
          %sub3A_736 = arith.subf %sub3A_735, %mul3A_733 : vector<16xf32>
          %mul3A_737 = arith.mulf %mul3A_728, %sub3A_736 : vector<16xf32>
          %mul3A_738 = arith.constant 5.000000e-01 : f32
          %mul3A_739 = vector.broadcast %mul3A_738 : f32 to vector<16xf32>
          %mul3A_740 = arith.mulf %mul3A_739, %add3A_711 : vector<16xf32>
          %mul3A_741 = arith.mulf %mul3A_740, %mul3A_737 : vector<16xf32>
          %mul3A_742 = arith.mulf %mul3A_741, %mul3A_737 : vector<16xf32>
          %sub3A_743 = arith.constant 1.500000e+00 : f32
          %sub3A_744 = vector.broadcast %sub3A_743 : f32 to vector<16xf32>
          %sub3A_745 = arith.subf %sub3A_744, %mul3A_742 : vector<16xf32>
          %mul3A_746 = arith.mulf %mul3A_737, %sub3A_745 : vector<16xf32>
          %mul3A_747 = arith.mulf %add3A_711, %mul3A_746 : vector<16xf32>
          %sign3A_748 = tpu.bitcast %sub3A_703 : vector<16xf32> -> vector<16xi32>
          %sign3A_749 = arith.constant -2147483648 : i32
          %sign3A_750 = vector.broadcast %sign3A_749 : i32 to vector<16xi32>
          %sign3A_751 = arith.andi %sign3A_748, %sign3A_750 : vector<16xi32>
          %sign3A_752 = arith.constant 1065353216 : i32
          %sign3A_753 = vector.broadcast %sign3A_752 : i32 to vector<16xi32>
          %sign3A_754 = arith.ori %sign3A_753, %sign3A_751 : vector<16xi32>
          %sign3A_755 = tpu.bitcast %sign3A_754 : vector<16xi32> -> vector<16xf32>
          %sign3A_756 = math.absf %sub3A_703 : vector<16xf32>
          %sign3A_757 = arith.constant 0.000000e+00 : f32
          %sign3A_758 = vector.broadcast %sign3A_757 : f32 to vector<16xf32>
          %sign3A_759 = arith.cmpf ogt, %sign3A_756, %sign3A_758 : vector<16xf32>
          %sign3A_760 = arith.select %sign3A_759, %sign3A_755, %sub3A_703 : vector<16xi1>, vector<16xf32>
          %mul3A_761 = arith.mulf %exp3A_707, %sign3A_760 : vector<16xf32>
          %mul3A_762 = arith.mulf %mul3A_761, %mul3A_747 : vector<16xf32>
          %mul3A_763 = arith.mulf %mul3A_762, %mul3A_701 : vector<16xf32>
          %mul3A_764 = arith.mulf %mul3A_763, %sub3A_656 : vector<16xf32>
          %add3A_765 = arith.addf %add3A_643, %mul3A_764 : vector<16xf32>
          %mul3A_766 = arith.mulf %mul3A_763, %sub3A_657 : vector<16xf32>
          %add3A_767 = arith.addf %add3A_645, %mul3A_766 : vector<16xf32>
          %mul3A_768 = arith.mulf %mul3A_763, %sub3A_658 : vector<16xf32>
          %add3A_769 = arith.addf %add3A_647, %mul3A_768 : vector<16xf32>
          %add3A_770 = arith.constant 5 : i32
          %add3A_771 = vector.broadcast %add3A_770 : i32 to vector<16xi32>
          %add3A_772 = arith.addi %mul3A_165, %add3A_771 : vector<16xi32>
          %gather3A_773 = tpu.vector_load_idx %arg14[%add3A_772] : memref<4096xf32, #tpu.memory_space<vmem>>[vector<16xi32>], vector<16xf32>,
          %gather3A_774 = tpu.vector_load_idx %arg16[%add3A_772] : memref<4096xf32, #tpu.memory_space<vmem>>[vector<16xi32>], vector<16xf32>,
          %gather3A_775 = tpu.vector_load_idx %arg18[%add3A_772] : memref<4096xf32, #tpu.memory_space<vmem>>[vector<16xi32>], vector<16xf32>,
          %gather3A_776 = tpu.vector_load_idx %arg28[%add3A_772] : memref<4096xf32, #tpu.memory_space<vmem>>[vector<16xi32>], vector<16xf32>,
          %gather3A_777 = tpu.vector_load_idx %arg30[%add3A_772] : memref<4096xf32, #tpu.memory_space<vmem>>[vector<16xi32>], vector<16xf32>,
          %sub3A_778 = arith.subf %gather3A_773, %gather3A : vector<16xf32>
          %sub3A_779 = arith.subf %gather3A_774, %gather3A_143 : vector<16xf32>
          %sub3A_780 = arith.subf %gather3A_775, %gather3A_144 : vector<16xf32>
          %mul3A_781 = arith.mulf %sub3A_778, %sub3A_778 : vector<16xf32>
          %mul3A_782 = arith.mulf %sub3A_779, %sub3A_779 : vector<16xf32>
          %add3A_783 = arith.addf %mul3A_781, %mul3A_782 : vector<16xf32>
          %mul3A_784 = arith.mulf %sub3A_780, %sub3A_780 : vector<16xf32>
          %add3A_785 = arith.addf %add3A_783, %mul3A_784 : vector<16xf32>
          %add3A_786 = arith.constant 9.99999982E-15 : f32
          %add3A_787 = vector.broadcast %add3A_786 : f32 to vector<16xf32>
          %add3A_788 = arith.addf %add3A_785, %add3A_787 : vector<16xf32>
          %bitcast_convert_type3A_789 = tpu.bitcast %add3A_788 : vector<16xf32> -> vector<16xi32>
          %shift_right_logical3A_790 = arith.constant 1 : i32
          %shift_right_logical3A_791 = vector.broadcast %shift_right_logical3A_790 : i32 to vector<16xi32>
          %shift_right_logical3A_792 = arith.shrui %bitcast_convert_type3A_789, %shift_right_logical3A_791 : vector<16xi32>
          %sub3A_793 = arith.constant 1597463007 : i32
          %sub3A_794 = vector.broadcast %sub3A_793 : i32 to vector<16xi32>
          %sub3A_795 = arith.subi %sub3A_794, %shift_right_logical3A_792 : vector<16xi32>
          %bitcast_convert_type3A_796 = tpu.bitcast %sub3A_795 : vector<16xi32> -> vector<16xf32>
          %mul3A_797 = arith.constant 5.000000e-01 : f32
          %mul3A_798 = vector.broadcast %mul3A_797 : f32 to vector<16xf32>
          %mul3A_799 = arith.mulf %mul3A_798, %add3A_788 : vector<16xf32>
          %mul3A_800 = arith.mulf %mul3A_799, %bitcast_convert_type3A_796 : vector<16xf32>
          %mul3A_801 = arith.mulf %mul3A_800, %bitcast_convert_type3A_796 : vector<16xf32>
          %sub3A_802 = arith.constant 1.500000e+00 : f32
          %sub3A_803 = vector.broadcast %sub3A_802 : f32 to vector<16xf32>
          %sub3A_804 = arith.subf %sub3A_803, %mul3A_801 : vector<16xf32>
          %mul3A_805 = arith.mulf %bitcast_convert_type3A_796, %sub3A_804 : vector<16xf32>
          %mul3A_806 = arith.constant 5.000000e-01 : f32
          %mul3A_807 = vector.broadcast %mul3A_806 : f32 to vector<16xf32>
          %mul3A_808 = arith.mulf %mul3A_807, %add3A_788 : vector<16xf32>
          %mul3A_809 = arith.mulf %mul3A_808, %mul3A_805 : vector<16xf32>
          %mul3A_810 = arith.mulf %mul3A_809, %mul3A_805 : vector<16xf32>
          %sub3A_811 = arith.constant 1.500000e+00 : f32
          %sub3A_812 = vector.broadcast %sub3A_811 : f32 to vector<16xf32>
          %sub3A_813 = arith.subf %sub3A_812, %mul3A_810 : vector<16xf32>
          %mul3A_814 = arith.mulf %mul3A_805, %sub3A_813 : vector<16xf32>
          %mul3A_815 = arith.constant 5.000000e-01 : f32
          %mul3A_816 = vector.broadcast %mul3A_815 : f32 to vector<16xf32>
          %mul3A_817 = arith.mulf %mul3A_816, %add3A_788 : vector<16xf32>
          %mul3A_818 = arith.mulf %mul3A_817, %mul3A_814 : vector<16xf32>
          %mul3A_819 = arith.mulf %mul3A_818, %mul3A_814 : vector<16xf32>
          %sub3A_820 = arith.constant 1.500000e+00 : f32
          %sub3A_821 = vector.broadcast %sub3A_820 : f32 to vector<16xf32>
          %sub3A_822 = arith.subf %sub3A_821, %mul3A_819 : vector<16xf32>
          %mul3A_823 = arith.mulf %mul3A_814, %sub3A_822 : vector<16xf32>
          %mul3A_824 = arith.mulf %add3A_788, %mul3A_823 : vector<16xf32>
          %sub3A_825 = arith.subf %mul3A_824, %gather3A_776 : vector<16xf32>
          %mul3A_826 = arith.constant 2.30258512 : f32
          %mul3A_827 = vector.broadcast %mul3A_826 : f32 to vector<16xf32>
          %mul3A_828 = arith.mulf %mul3A_827, %gather3A_777 : vector<16xf32>
          %exp3A_829 = math.exp %mul3A_828 : vector<16xf32>
          %abs3A_830 = math.absf %sub3A_825 : vector<16xf32>
          %add3A_831 = arith.constant 9.99999982E-15 : f32
          %add3A_832 = vector.broadcast %add3A_831 : f32 to vector<16xf32>
          %add3A_833 = arith.addf %abs3A_830, %add3A_832 : vector<16xf32>
          %bitcast_convert_type3A_834 = tpu.bitcast %add3A_833 : vector<16xf32> -> vector<16xi32>
          %shift_right_logical3A_835 = arith.constant 1 : i32
          %shift_right_logical3A_836 = vector.broadcast %shift_right_logical3A_835 : i32 to vector<16xi32>
          %shift_right_logical3A_837 = arith.shrui %bitcast_convert_type3A_834, %shift_right_logical3A_836 : vector<16xi32>
          %sub3A_838 = arith.constant 1597463007 : i32
          %sub3A_839 = vector.broadcast %sub3A_838 : i32 to vector<16xi32>
          %sub3A_840 = arith.subi %sub3A_839, %shift_right_logical3A_837 : vector<16xi32>
          %bitcast_convert_type3A_841 = tpu.bitcast %sub3A_840 : vector<16xi32> -> vector<16xf32>
          %mul3A_842 = arith.constant 5.000000e-01 : f32
          %mul3A_843 = vector.broadcast %mul3A_842 : f32 to vector<16xf32>
          %mul3A_844 = arith.mulf %mul3A_843, %add3A_833 : vector<16xf32>
          %mul3A_845 = arith.mulf %mul3A_844, %bitcast_convert_type3A_841 : vector<16xf32>
          %mul3A_846 = arith.mulf %mul3A_845, %bitcast_convert_type3A_841 : vector<16xf32>
          %sub3A_847 = arith.constant 1.500000e+00 : f32
          %sub3A_848 = vector.broadcast %sub3A_847 : f32 to vector<16xf32>
          %sub3A_849 = arith.subf %sub3A_848, %mul3A_846 : vector<16xf32>
          %mul3A_850 = arith.mulf %bitcast_convert_type3A_841, %sub3A_849 : vector<16xf32>
          %mul3A_851 = arith.constant 5.000000e-01 : f32
          %mul3A_852 = vector.broadcast %mul3A_851 : f32 to vector<16xf32>
          %mul3A_853 = arith.mulf %mul3A_852, %add3A_833 : vector<16xf32>
          %mul3A_854 = arith.mulf %mul3A_853, %mul3A_850 : vector<16xf32>
          %mul3A_855 = arith.mulf %mul3A_854, %mul3A_850 : vector<16xf32>
          %sub3A_856 = arith.constant 1.500000e+00 : f32
          %sub3A_857 = vector.broadcast %sub3A_856 : f32 to vector<16xf32>
          %sub3A_858 = arith.subf %sub3A_857, %mul3A_855 : vector<16xf32>
          %mul3A_859 = arith.mulf %mul3A_850, %sub3A_858 : vector<16xf32>
          %mul3A_860 = arith.constant 5.000000e-01 : f32
          %mul3A_861 = vector.broadcast %mul3A_860 : f32 to vector<16xf32>
          %mul3A_862 = arith.mulf %mul3A_861, %add3A_833 : vector<16xf32>
          %mul3A_863 = arith.mulf %mul3A_862, %mul3A_859 : vector<16xf32>
          %mul3A_864 = arith.mulf %mul3A_863, %mul3A_859 : vector<16xf32>
          %sub3A_865 = arith.constant 1.500000e+00 : f32
          %sub3A_866 = vector.broadcast %sub3A_865 : f32 to vector<16xf32>
          %sub3A_867 = arith.subf %sub3A_866, %mul3A_864 : vector<16xf32>
          %mul3A_868 = arith.mulf %mul3A_859, %sub3A_867 : vector<16xf32>
          %mul3A_869 = arith.mulf %add3A_833, %mul3A_868 : vector<16xf32>
          %sign3A_870 = tpu.bitcast %sub3A_825 : vector<16xf32> -> vector<16xi32>
          %sign3A_871 = arith.constant -2147483648 : i32
          %sign3A_872 = vector.broadcast %sign3A_871 : i32 to vector<16xi32>
          %sign3A_873 = arith.andi %sign3A_870, %sign3A_872 : vector<16xi32>
          %sign3A_874 = arith.constant 1065353216 : i32
          %sign3A_875 = vector.broadcast %sign3A_874 : i32 to vector<16xi32>
          %sign3A_876 = arith.ori %sign3A_875, %sign3A_873 : vector<16xi32>
          %sign3A_877 = tpu.bitcast %sign3A_876 : vector<16xi32> -> vector<16xf32>
          %sign3A_878 = math.absf %sub3A_825 : vector<16xf32>
          %sign3A_879 = arith.constant 0.000000e+00 : f32
          %sign3A_880 = vector.broadcast %sign3A_879 : f32 to vector<16xf32>
          %sign3A_881 = arith.cmpf ogt, %sign3A_878, %sign3A_880 : vector<16xf32>
          %sign3A_882 = arith.select %sign3A_881, %sign3A_877, %sub3A_825 : vector<16xi1>, vector<16xf32>
          %mul3A_883 = arith.mulf %exp3A_829, %sign3A_882 : vector<16xf32>
          %mul3A_884 = arith.mulf %mul3A_883, %mul3A_869 : vector<16xf32>
          %mul3A_885 = arith.mulf %mul3A_884, %mul3A_823 : vector<16xf32>
          %mul3A_886 = arith.mulf %mul3A_885, %sub3A_778 : vector<16xf32>
          %add3A_887 = arith.addf %add3A_765, %mul3A_886 : vector<16xf32>
          %mul3A_888 = arith.mulf %mul3A_885, %sub3A_779 : vector<16xf32>
          %add3A_889 = arith.addf %add3A_767, %mul3A_888 : vector<16xf32>
          %mul3A_890 = arith.mulf %mul3A_885, %sub3A_780 : vector<16xf32>
          %add3A_891 = arith.addf %add3A_769, %mul3A_890 : vector<16xf32>
          %add3A_892 = arith.constant 6 : i32
          %add3A_893 = vector.broadcast %add3A_892 : i32 to vector<16xi32>
          %add3A_894 = arith.addi %mul3A_165, %add3A_893 : vector<16xi32>
          %gather3A_895 = tpu.vector_load_idx %arg14[%add3A_894] : memref<4096xf32, #tpu.memory_space<vmem>>[vector<16xi32>], vector<16xf32>,
          %gather3A_896 = tpu.vector_load_idx %arg16[%add3A_894] : memref<4096xf32, #tpu.memory_space<vmem>>[vector<16xi32>], vector<16xf32>,
          %gather3A_897 = tpu.vector_load_idx %arg18[%add3A_894] : memref<4096xf32, #tpu.memory_space<vmem>>[vector<16xi32>], vector<16xf32>,
          %gather3A_898 = tpu.vector_load_idx %arg28[%add3A_894] : memref<4096xf32, #tpu.memory_space<vmem>>[vector<16xi32>], vector<16xf32>,
          %gather3A_899 = tpu.vector_load_idx %arg30[%add3A_894] : memref<4096xf32, #tpu.memory_space<vmem>>[vector<16xi32>], vector<16xf32>,
          %sub3A_900 = arith.subf %gather3A_895, %gather3A : vector<16xf32>
          %sub3A_901 = arith.subf %gather3A_896, %gather3A_143 : vector<16xf32>
          %sub3A_902 = arith.subf %gather3A_897, %gather3A_144 : vector<16xf32>
          %mul3A_903 = arith.mulf %sub3A_900, %sub3A_900 : vector<16xf32>
          %mul3A_904 = arith.mulf %sub3A_901, %sub3A_901 : vector<16xf32>
          %add3A_905 = arith.addf %mul3A_903, %mul3A_904 : vector<16xf32>
          %mul3A_906 = arith.mulf %sub3A_902, %sub3A_902 : vector<16xf32>
          %add3A_907 = arith.addf %add3A_905, %mul3A_906 : vector<16xf32>
          %add3A_908 = arith.constant 9.99999982E-15 : f32
          %add3A_909 = vector.broadcast %add3A_908 : f32 to vector<16xf32>
          %add3A_910 = arith.addf %add3A_907, %add3A_909 : vector<16xf32>
          %bitcast_convert_type3A_911 = tpu.bitcast %add3A_910 : vector<16xf32> -> vector<16xi32>
          %shift_right_logical3A_912 = arith.constant 1 : i32
          %shift_right_logical3A_913 = vector.broadcast %shift_right_logical3A_912 : i32 to vector<16xi32>
          %shift_right_logical3A_914 = arith.shrui %bitcast_convert_type3A_911, %shift_right_logical3A_913 : vector<16xi32>
          %sub3A_915 = arith.constant 1597463007 : i32
          %sub3A_916 = vector.broadcast %sub3A_915 : i32 to vector<16xi32>
          %sub3A_917 = arith.subi %sub3A_916, %shift_right_logical3A_914 : vector<16xi32>
          %bitcast_convert_type3A_918 = tpu.bitcast %sub3A_917 : vector<16xi32> -> vector<16xf32>
          %mul3A_919 = arith.constant 5.000000e-01 : f32
          %mul3A_920 = vector.broadcast %mul3A_919 : f32 to vector<16xf32>
          %mul3A_921 = arith.mulf %mul3A_920, %add3A_910 : vector<16xf32>
          %mul3A_922 = arith.mulf %mul3A_921, %bitcast_convert_type3A_918 : vector<16xf32>
          %mul3A_923 = arith.mulf %mul3A_922, %bitcast_convert_type3A_918 : vector<16xf32>
          %sub3A_924 = arith.constant 1.500000e+00 : f32
          %sub3A_925 = vector.broadcast %sub3A_924 : f32 to vector<16xf32>
          %sub3A_926 = arith.subf %sub3A_925, %mul3A_923 : vector<16xf32>
          %mul3A_927 = arith.mulf %bitcast_convert_type3A_918, %sub3A_926 : vector<16xf32>
          %mul3A_928 = arith.constant 5.000000e-01 : f32
          %mul3A_929 = vector.broadcast %mul3A_928 : f32 to vector<16xf32>
          %mul3A_930 = arith.mulf %mul3A_929, %add3A_910 : vector<16xf32>
          %mul3A_931 = arith.mulf %mul3A_930, %mul3A_927 : vector<16xf32>
          %mul3A_932 = arith.mulf %mul3A_931, %mul3A_927 : vector<16xf32>
          %sub3A_933 = arith.constant 1.500000e+00 : f32
          %sub3A_934 = vector.broadcast %sub3A_933 : f32 to vector<16xf32>
          %sub3A_935 = arith.subf %sub3A_934, %mul3A_932 : vector<16xf32>
          %mul3A_936 = arith.mulf %mul3A_927, %sub3A_935 : vector<16xf32>
          %mul3A_937 = arith.constant 5.000000e-01 : f32
          %mul3A_938 = vector.broadcast %mul3A_937 : f32 to vector<16xf32>
          %mul3A_939 = arith.mulf %mul3A_938, %add3A_910 : vector<16xf32>
          %mul3A_940 = arith.mulf %mul3A_939, %mul3A_936 : vector<16xf32>
          %mul3A_941 = arith.mulf %mul3A_940, %mul3A_936 : vector<16xf32>
          %sub3A_942 = arith.constant 1.500000e+00 : f32
          %sub3A_943 = vector.broadcast %sub3A_942 : f32 to vector<16xf32>
          %sub3A_944 = arith.subf %sub3A_943, %mul3A_941 : vector<16xf32>
          %mul3A_945 = arith.mulf %mul3A_936, %sub3A_944 : vector<16xf32>
          %mul3A_946 = arith.mulf %add3A_910, %mul3A_945 : vector<16xf32>
          %sub3A_947 = arith.subf %mul3A_946, %gather3A_898 : vector<16xf32>
          %mul3A_948 = arith.constant 2.30258512 : f32
          %mul3A_949 = vector.broadcast %mul3A_948 : f32 to vector<16xf32>
          %mul3A_950 = arith.mulf %mul3A_949, %gather3A_899 : vector<16xf32>
          %exp3A_951 = math.exp %mul3A_950 : vector<16xf32>
          %abs3A_952 = math.absf %sub3A_947 : vector<16xf32>
          %add3A_953 = arith.constant 9.99999982E-15 : f32
          %add3A_954 = vector.broadcast %add3A_953 : f32 to vector<16xf32>
          %add3A_955 = arith.addf %abs3A_952, %add3A_954 : vector<16xf32>
          %bitcast_convert_type3A_956 = tpu.bitcast %add3A_955 : vector<16xf32> -> vector<16xi32>
          %shift_right_logical3A_957 = arith.constant 1 : i32
          %shift_right_logical3A_958 = vector.broadcast %shift_right_logical3A_957 : i32 to vector<16xi32>
          %shift_right_logical3A_959 = arith.shrui %bitcast_convert_type3A_956, %shift_right_logical3A_958 : vector<16xi32>
          %sub3A_960 = arith.constant 1597463007 : i32
          %sub3A_961 = vector.broadcast %sub3A_960 : i32 to vector<16xi32>
          %sub3A_962 = arith.subi %sub3A_961, %shift_right_logical3A_959 : vector<16xi32>
          %bitcast_convert_type3A_963 = tpu.bitcast %sub3A_962 : vector<16xi32> -> vector<16xf32>
          %mul3A_964 = arith.constant 5.000000e-01 : f32
          %mul3A_965 = vector.broadcast %mul3A_964 : f32 to vector<16xf32>
          %mul3A_966 = arith.mulf %mul3A_965, %add3A_955 : vector<16xf32>
          %mul3A_967 = arith.mulf %mul3A_966, %bitcast_convert_type3A_963 : vector<16xf32>
          %mul3A_968 = arith.mulf %mul3A_967, %bitcast_convert_type3A_963 : vector<16xf32>
          %sub3A_969 = arith.constant 1.500000e+00 : f32
          %sub3A_970 = vector.broadcast %sub3A_969 : f32 to vector<16xf32>
          %sub3A_971 = arith.subf %sub3A_970, %mul3A_968 : vector<16xf32>
          %mul3A_972 = arith.mulf %bitcast_convert_type3A_963, %sub3A_971 : vector<16xf32>
          %mul3A_973 = arith.constant 5.000000e-01 : f32
          %mul3A_974 = vector.broadcast %mul3A_973 : f32 to vector<16xf32>
          %mul3A_975 = arith.mulf %mul3A_974, %add3A_955 : vector<16xf32>
          %mul3A_976 = arith.mulf %mul3A_975, %mul3A_972 : vector<16xf32>
          %mul3A_977 = arith.mulf %mul3A_976, %mul3A_972 : vector<16xf32>
          %sub3A_978 = arith.constant 1.500000e+00 : f32
          %sub3A_979 = vector.broadcast %sub3A_978 : f32 to vector<16xf32>
          %sub3A_980 = arith.subf %sub3A_979, %mul3A_977 : vector<16xf32>
          %mul3A_981 = arith.mulf %mul3A_972, %sub3A_980 : vector<16xf32>
          %mul3A_982 = arith.constant 5.000000e-01 : f32
          %mul3A_983 = vector.broadcast %mul3A_982 : f32 to vector<16xf32>
          %mul3A_984 = arith.mulf %mul3A_983, %add3A_955 : vector<16xf32>
          %mul3A_985 = arith.mulf %mul3A_984, %mul3A_981 : vector<16xf32>
          %mul3A_986 = arith.mulf %mul3A_985, %mul3A_981 : vector<16xf32>
          %sub3A_987 = arith.constant 1.500000e+00 : f32
          %sub3A_988 = vector.broadcast %sub3A_987 : f32 to vector<16xf32>
          %sub3A_989 = arith.subf %sub3A_988, %mul3A_986 : vector<16xf32>
          %mul3A_990 = arith.mulf %mul3A_981, %sub3A_989 : vector<16xf32>
          %mul3A_991 = arith.mulf %add3A_955, %mul3A_990 : vector<16xf32>
          %sign3A_992 = tpu.bitcast %sub3A_947 : vector<16xf32> -> vector<16xi32>
          %sign3A_993 = arith.constant -2147483648 : i32
          %sign3A_994 = vector.broadcast %sign3A_993 : i32 to vector<16xi32>
          %sign3A_995 = arith.andi %sign3A_992, %sign3A_994 : vector<16xi32>
          %sign3A_996 = arith.constant 1065353216 : i32
          %sign3A_997 = vector.broadcast %sign3A_996 : i32 to vector<16xi32>
          %sign3A_998 = arith.ori %sign3A_997, %sign3A_995 : vector<16xi32>
          %sign3A_999 = tpu.bitcast %sign3A_998 : vector<16xi32> -> vector<16xf32>
          %sign3A_1000 = math.absf %sub3A_947 : vector<16xf32>
          %sign3A_1001 = arith.constant 0.000000e+00 : f32
          %sign3A_1002 = vector.broadcast %sign3A_1001 : f32 to vector<16xf32>
          %sign3A_1003 = arith.cmpf ogt, %sign3A_1000, %sign3A_1002 : vector<16xf32>
          %sign3A_1004 = arith.select %sign3A_1003, %sign3A_999, %sub3A_947 : vector<16xi1>, vector<16xf32>
          %mul3A_1005 = arith.mulf %exp3A_951, %sign3A_1004 : vector<16xf32>
          %mul3A_1006 = arith.mulf %mul3A_1005, %mul3A_991 : vector<16xf32>
          %mul3A_1007 = arith.mulf %mul3A_1006, %mul3A_945 : vector<16xf32>
          %mul3A_1008 = arith.mulf %mul3A_1007, %sub3A_900 : vector<16xf32>
          %add3A_1009 = arith.addf %add3A_887, %mul3A_1008 : vector<16xf32>
          %mul3A_1010 = arith.mulf %mul3A_1007, %sub3A_901 : vector<16xf32>
          %add3A_1011 = arith.addf %add3A_889, %mul3A_1010 : vector<16xf32>
          %mul3A_1012 = arith.mulf %mul3A_1007, %sub3A_902 : vector<16xf32>
          %add3A_1013 = arith.addf %add3A_891, %mul3A_1012 : vector<16xf32>
          %add3A_1014 = arith.constant 7 : i32
          %add3A_1015 = vector.broadcast %add3A_1014 : i32 to vector<16xi32>
          %add3A_1016 = arith.addi %mul3A_165, %add3A_1015 : vector<16xi32>
          %gather3A_1017 = tpu.vector_load_idx %arg14[%add3A_1016] : memref<4096xf32, #tpu.memory_space<vmem>>[vector<16xi32>], vector<16xf32>,
          %gather3A_1018 = tpu.vector_load_idx %arg16[%add3A_1016] : memref<4096xf32, #tpu.memory_space<vmem>>[vector<16xi32>], vector<16xf32>,
          %gather3A_1019 = tpu.vector_load_idx %arg18[%add3A_1016] : memref<4096xf32, #tpu.memory_space<vmem>>[vector<16xi32>], vector<16xf32>,
          %gather3A_1020 = tpu.vector_load_idx %arg28[%add3A_1016] : memref<4096xf32, #tpu.memory_space<vmem>>[vector<16xi32>], vector<16xf32>,
          %gather3A_1021 = tpu.vector_load_idx %arg30[%add3A_1016] : memref<4096xf32, #tpu.memory_space<vmem>>[vector<16xi32>], vector<16xf32>,
          %sub3A_1022 = arith.subf %gather3A_1017, %gather3A : vector<16xf32>
          %sub3A_1023 = arith.subf %gather3A_1018, %gather3A_143 : vector<16xf32>
          %sub3A_1024 = arith.subf %gather3A_1019, %gather3A_144 : vector<16xf32>
          %mul3A_1025 = arith.mulf %sub3A_1022, %sub3A_1022 : vector<16xf32>
          %mul3A_1026 = arith.mulf %sub3A_1023, %sub3A_1023 : vector<16xf32>
          %add3A_1027 = arith.addf %mul3A_1025, %mul3A_1026 : vector<16xf32>
          %mul3A_1028 = arith.mulf %sub3A_1024, %sub3A_1024 : vector<16xf32>
          %add3A_1029 = arith.addf %add3A_1027, %mul3A_1028 : vector<16xf32>
          %add3A_1030 = arith.constant 9.99999982E-15 : f32
          %add3A_1031 = vector.broadcast %add3A_1030 : f32 to vector<16xf32>
          %add3A_1032 = arith.addf %add3A_1029, %add3A_1031 : vector<16xf32>
          %bitcast_convert_type3A_1033 = tpu.bitcast %add3A_1032 : vector<16xf32> -> vector<16xi32>
          %shift_right_logical3A_1034 = arith.constant 1 : i32
          %shift_right_logical3A_1035 = vector.broadcast %shift_right_logical3A_1034 : i32 to vector<16xi32>
          %shift_right_logical3A_1036 = arith.shrui %bitcast_convert_type3A_1033, %shift_right_logical3A_1035 : vector<16xi32>
          %sub3A_1037 = arith.constant 1597463007 : i32
          %sub3A_1038 = vector.broadcast %sub3A_1037 : i32 to vector<16xi32>
          %sub3A_1039 = arith.subi %sub3A_1038, %shift_right_logical3A_1036 : vector<16xi32>
          %bitcast_convert_type3A_1040 = tpu.bitcast %sub3A_1039 : vector<16xi32> -> vector<16xf32>
          %mul3A_1041 = arith.constant 5.000000e-01 : f32
          %mul3A_1042 = vector.broadcast %mul3A_1041 : f32 to vector<16xf32>
          %mul3A_1043 = arith.mulf %mul3A_1042, %add3A_1032 : vector<16xf32>
          %mul3A_1044 = arith.mulf %mul3A_1043, %bitcast_convert_type3A_1040 : vector<16xf32>
          %mul3A_1045 = arith.mulf %mul3A_1044, %bitcast_convert_type3A_1040 : vector<16xf32>
          %sub3A_1046 = arith.constant 1.500000e+00 : f32
          %sub3A_1047 = vector.broadcast %sub3A_1046 : f32 to vector<16xf32>
          %sub3A_1048 = arith.subf %sub3A_1047, %mul3A_1045 : vector<16xf32>
          %mul3A_1049 = arith.mulf %bitcast_convert_type3A_1040, %sub3A_1048 : vector<16xf32>
          %mul3A_1050 = arith.constant 5.000000e-01 : f32
          %mul3A_1051 = vector.broadcast %mul3A_1050 : f32 to vector<16xf32>
          %mul3A_1052 = arith.mulf %mul3A_1051, %add3A_1032 : vector<16xf32>
          %mul3A_1053 = arith.mulf %mul3A_1052, %mul3A_1049 : vector<16xf32>
          %mul3A_1054 = arith.mulf %mul3A_1053, %mul3A_1049 : vector<16xf32>
          %sub3A_1055 = arith.constant 1.500000e+00 : f32
          %sub3A_1056 = vector.broadcast %sub3A_1055 : f32 to vector<16xf32>
          %sub3A_1057 = arith.subf %sub3A_1056, %mul3A_1054 : vector<16xf32>
          %mul3A_1058 = arith.mulf %mul3A_1049, %sub3A_1057 : vector<16xf32>
          %mul3A_1059 = arith.constant 5.000000e-01 : f32
          %mul3A_1060 = vector.broadcast %mul3A_1059 : f32 to vector<16xf32>
          %mul3A_1061 = arith.mulf %mul3A_1060, %add3A_1032 : vector<16xf32>
          %mul3A_1062 = arith.mulf %mul3A_1061, %mul3A_1058 : vector<16xf32>
          %mul3A_1063 = arith.mulf %mul3A_1062, %mul3A_1058 : vector<16xf32>
          %sub3A_1064 = arith.constant 1.500000e+00 : f32
          %sub3A_1065 = vector.broadcast %sub3A_1064 : f32 to vector<16xf32>
          %sub3A_1066 = arith.subf %sub3A_1065, %mul3A_1063 : vector<16xf32>
          %mul3A_1067 = arith.mulf %mul3A_1058, %sub3A_1066 : vector<16xf32>
          %mul3A_1068 = arith.mulf %add3A_1032, %mul3A_1067 : vector<16xf32>
          %sub3A_1069 = arith.subf %mul3A_1068, %gather3A_1020 : vector<16xf32>
          %mul3A_1070 = arith.constant 2.30258512 : f32
          %mul3A_1071 = vector.broadcast %mul3A_1070 : f32 to vector<16xf32>
          %mul3A_1072 = arith.mulf %mul3A_1071, %gather3A_1021 : vector<16xf32>
          %exp3A_1073 = math.exp %mul3A_1072 : vector<16xf32>
          %abs3A_1074 = math.absf %sub3A_1069 : vector<16xf32>
          %add3A_1075 = arith.constant 9.99999982E-15 : f32
          %add3A_1076 = vector.broadcast %add3A_1075 : f32 to vector<16xf32>
          %add3A_1077 = arith.addf %abs3A_1074, %add3A_1076 : vector<16xf32>
          %bitcast_convert_type3A_1078 = tpu.bitcast %add3A_1077 : vector<16xf32> -> vector<16xi32>
          %shift_right_logical3A_1079 = arith.constant 1 : i32
          %shift_right_logical3A_1080 = vector.broadcast %shift_right_logical3A_1079 : i32 to vector<16xi32>
          %shift_right_logical3A_1081 = arith.shrui %bitcast_convert_type3A_1078, %shift_right_logical3A_1080 : vector<16xi32>
          %sub3A_1082 = arith.constant 1597463007 : i32
          %sub3A_1083 = vector.broadcast %sub3A_1082 : i32 to vector<16xi32>
          %sub3A_1084 = arith.subi %sub3A_1083, %shift_right_logical3A_1081 : vector<16xi32>
          %bitcast_convert_type3A_1085 = tpu.bitcast %sub3A_1084 : vector<16xi32> -> vector<16xf32>
          %mul3A_1086 = arith.constant 5.000000e-01 : f32
          %mul3A_1087 = vector.broadcast %mul3A_1086 : f32 to vector<16xf32>
          %mul3A_1088 = arith.mulf %mul3A_1087, %add3A_1077 : vector<16xf32>
          %mul3A_1089 = arith.mulf %mul3A_1088, %bitcast_convert_type3A_1085 : vector<16xf32>
          %mul3A_1090 = arith.mulf %mul3A_1089, %bitcast_convert_type3A_1085 : vector<16xf32>
          %sub3A_1091 = arith.constant 1.500000e+00 : f32
          %sub3A_1092 = vector.broadcast %sub3A_1091 : f32 to vector<16xf32>
          %sub3A_1093 = arith.subf %sub3A_1092, %mul3A_1090 : vector<16xf32>
          %mul3A_1094 = arith.mulf %bitcast_convert_type3A_1085, %sub3A_1093 : vector<16xf32>
          %mul3A_1095 = arith.constant 5.000000e-01 : f32
          %mul3A_1096 = vector.broadcast %mul3A_1095 : f32 to vector<16xf32>
          %mul3A_1097 = arith.mulf %mul3A_1096, %add3A_1077 : vector<16xf32>
          %mul3A_1098 = arith.mulf %mul3A_1097, %mul3A_1094 : vector<16xf32>
          %mul3A_1099 = arith.mulf %mul3A_1098, %mul3A_1094 : vector<16xf32>
          %sub3A_1100 = arith.constant 1.500000e+00 : f32
          %sub3A_1101 = vector.broadcast %sub3A_1100 : f32 to vector<16xf32>
          %sub3A_1102 = arith.subf %sub3A_1101, %mul3A_1099 : vector<16xf32>
          %mul3A_1103 = arith.mulf %mul3A_1094, %sub3A_1102 : vector<16xf32>
          %mul3A_1104 = arith.constant 5.000000e-01 : f32
          %mul3A_1105 = vector.broadcast %mul3A_1104 : f32 to vector<16xf32>
          %mul3A_1106 = arith.mulf %mul3A_1105, %add3A_1077 : vector<16xf32>
          %mul3A_1107 = arith.mulf %mul3A_1106, %mul3A_1103 : vector<16xf32>
          %mul3A_1108 = arith.mulf %mul3A_1107, %mul3A_1103 : vector<16xf32>
          %sub3A_1109 = arith.constant 1.500000e+00 : f32
          %sub3A_1110 = vector.broadcast %sub3A_1109 : f32 to vector<16xf32>
          %sub3A_1111 = arith.subf %sub3A_1110, %mul3A_1108 : vector<16xf32>
          %mul3A_1112 = arith.mulf %mul3A_1103, %sub3A_1111 : vector<16xf32>
          %mul3A_1113 = arith.mulf %add3A_1077, %mul3A_1112 : vector<16xf32>
          %sign3A_1114 = tpu.bitcast %sub3A_1069 : vector<16xf32> -> vector<16xi32>
          %sign3A_1115 = arith.constant -2147483648 : i32
          %sign3A_1116 = vector.broadcast %sign3A_1115 : i32 to vector<16xi32>
          %sign3A_1117 = arith.andi %sign3A_1114, %sign3A_1116 : vector<16xi32>
          %sign3A_1118 = arith.constant 1065353216 : i32
          %sign3A_1119 = vector.broadcast %sign3A_1118 : i32 to vector<16xi32>
          %sign3A_1120 = arith.ori %sign3A_1119, %sign3A_1117 : vector<16xi32>
          %sign3A_1121 = tpu.bitcast %sign3A_1120 : vector<16xi32> -> vector<16xf32>
          %sign3A_1122 = math.absf %sub3A_1069 : vector<16xf32>
          %sign3A_1123 = arith.constant 0.000000e+00 : f32
          %sign3A_1124 = vector.broadcast %sign3A_1123 : f32 to vector<16xf32>
          %sign3A_1125 = arith.cmpf ogt, %sign3A_1122, %sign3A_1124 : vector<16xf32>
          %sign3A_1126 = arith.select %sign3A_1125, %sign3A_1121, %sub3A_1069 : vector<16xi1>, vector<16xf32>
          %mul3A_1127 = arith.mulf %exp3A_1073, %sign3A_1126 : vector<16xf32>
          %mul3A_1128 = arith.mulf %mul3A_1127, %mul3A_1113 : vector<16xf32>
          %mul3A_1129 = arith.mulf %mul3A_1128, %mul3A_1067 : vector<16xf32>
          %mul3A_1130 = arith.mulf %mul3A_1129, %sub3A_1022 : vector<16xf32>
          %add3A_1131 = arith.addf %add3A_1009, %mul3A_1130 : vector<16xf32>
          %mul3A_1132 = arith.mulf %mul3A_1129, %sub3A_1023 : vector<16xf32>
          %add3A_1133 = arith.addf %add3A_1011, %mul3A_1132 : vector<16xf32>
          %mul3A_1134 = arith.mulf %mul3A_1129, %sub3A_1024 : vector<16xf32>
          %add3A_1135 = arith.addf %add3A_1013, %mul3A_1134 : vector<16xf32>
          %add3A_1136 = arith.constant 8 : i32
          %add3A_1137 = vector.broadcast %add3A_1136 : i32 to vector<16xi32>
          %add3A_1138 = arith.addi %mul3A_165, %add3A_1137 : vector<16xi32>
          %gather3A_1139 = tpu.vector_load_idx %arg14[%add3A_1138] : memref<4096xf32, #tpu.memory_space<vmem>>[vector<16xi32>], vector<16xf32>,
          %gather3A_1140 = tpu.vector_load_idx %arg16[%add3A_1138] : memref<4096xf32, #tpu.memory_space<vmem>>[vector<16xi32>], vector<16xf32>,
          %gather3A_1141 = tpu.vector_load_idx %arg18[%add3A_1138] : memref<4096xf32, #tpu.memory_space<vmem>>[vector<16xi32>], vector<16xf32>,
          %gather3A_1142 = tpu.vector_load_idx %arg28[%add3A_1138] : memref<4096xf32, #tpu.memory_space<vmem>>[vector<16xi32>], vector<16xf32>,
          %gather3A_1143 = tpu.vector_load_idx %arg30[%add3A_1138] : memref<4096xf32, #tpu.memory_space<vmem>>[vector<16xi32>], vector<16xf32>,
          %sub3A_1144 = arith.subf %gather3A_1139, %gather3A : vector<16xf32>
          %sub3A_1145 = arith.subf %gather3A_1140, %gather3A_143 : vector<16xf32>
          %sub3A_1146 = arith.subf %gather3A_1141, %gather3A_144 : vector<16xf32>
          %mul3A_1147 = arith.mulf %sub3A_1144, %sub3A_1144 : vector<16xf32>
          %mul3A_1148 = arith.mulf %sub3A_1145, %sub3A_1145 : vector<16xf32>
          %add3A_1149 = arith.addf %mul3A_1147, %mul3A_1148 : vector<16xf32>
          %mul3A_1150 = arith.mulf %sub3A_1146, %sub3A_1146 : vector<16xf32>
          %add3A_1151 = arith.addf %add3A_1149, %mul3A_1150 : vector<16xf32>
          %add3A_1152 = arith.constant 9.99999982E-15 : f32
          %add3A_1153 = vector.broadcast %add3A_1152 : f32 to vector<16xf32>
          %add3A_1154 = arith.addf %add3A_1151, %add3A_1153 : vector<16xf32>
          %bitcast_convert_type3A_1155 = tpu.bitcast %add3A_1154 : vector<16xf32> -> vector<16xi32>
          %shift_right_logical3A_1156 = arith.constant 1 : i32
          %shift_right_logical3A_1157 = vector.broadcast %shift_right_logical3A_1156 : i32 to vector<16xi32>
          %shift_right_logical3A_1158 = arith.shrui %bitcast_convert_type3A_1155, %shift_right_logical3A_1157 : vector<16xi32>
          %sub3A_1159 = arith.constant 1597463007 : i32
          %sub3A_1160 = vector.broadcast %sub3A_1159 : i32 to vector<16xi32>
          %sub3A_1161 = arith.subi %sub3A_1160, %shift_right_logical3A_1158 : vector<16xi32>
          %bitcast_convert_type3A_1162 = tpu.bitcast %sub3A_1161 : vector<16xi32> -> vector<16xf32>
          %mul3A_1163 = arith.constant 5.000000e-01 : f32
          %mul3A_1164 = vector.broadcast %mul3A_1163 : f32 to vector<16xf32>
          %mul3A_1165 = arith.mulf %mul3A_1164, %add3A_1154 : vector<16xf32>
          %mul3A_1166 = arith.mulf %mul3A_1165, %bitcast_convert_type3A_1162 : vector<16xf32>
          %mul3A_1167 = arith.mulf %mul3A_1166, %bitcast_convert_type3A_1162 : vector<16xf32>
          %sub3A_1168 = arith.constant 1.500000e+00 : f32
          %sub3A_1169 = vector.broadcast %sub3A_1168 : f32 to vector<16xf32>
          %sub3A_1170 = arith.subf %sub3A_1169, %mul3A_1167 : vector<16xf32>
          %mul3A_1171 = arith.mulf %bitcast_convert_type3A_1162, %sub3A_1170 : vector<16xf32>
          %mul3A_1172 = arith.constant 5.000000e-01 : f32
          %mul3A_1173 = vector.broadcast %mul3A_1172 : f32 to vector<16xf32>
          %mul3A_1174 = arith.mulf %mul3A_1173, %add3A_1154 : vector<16xf32>
          %mul3A_1175 = arith.mulf %mul3A_1174, %mul3A_1171 : vector<16xf32>
          %mul3A_1176 = arith.mulf %mul3A_1175, %mul3A_1171 : vector<16xf32>
          %sub3A_1177 = arith.constant 1.500000e+00 : f32
          %sub3A_1178 = vector.broadcast %sub3A_1177 : f32 to vector<16xf32>
          %sub3A_1179 = arith.subf %sub3A_1178, %mul3A_1176 : vector<16xf32>
          %mul3A_1180 = arith.mulf %mul3A_1171, %sub3A_1179 : vector<16xf32>
          %mul3A_1181 = arith.constant 5.000000e-01 : f32
          %mul3A_1182 = vector.broadcast %mul3A_1181 : f32 to vector<16xf32>
          %mul3A_1183 = arith.mulf %mul3A_1182, %add3A_1154 : vector<16xf32>
          %mul3A_1184 = arith.mulf %mul3A_1183, %mul3A_1180 : vector<16xf32>
          %mul3A_1185 = arith.mulf %mul3A_1184, %mul3A_1180 : vector<16xf32>
          %sub3A_1186 = arith.constant 1.500000e+00 : f32
          %sub3A_1187 = vector.broadcast %sub3A_1186 : f32 to vector<16xf32>
          %sub3A_1188 = arith.subf %sub3A_1187, %mul3A_1185 : vector<16xf32>
          %mul3A_1189 = arith.mulf %mul3A_1180, %sub3A_1188 : vector<16xf32>
          %mul3A_1190 = arith.mulf %add3A_1154, %mul3A_1189 : vector<16xf32>
          %sub3A_1191 = arith.subf %mul3A_1190, %gather3A_1142 : vector<16xf32>
          %mul3A_1192 = arith.constant 2.30258512 : f32
          %mul3A_1193 = vector.broadcast %mul3A_1192 : f32 to vector<16xf32>
          %mul3A_1194 = arith.mulf %mul3A_1193, %gather3A_1143 : vector<16xf32>
          %exp3A_1195 = math.exp %mul3A_1194 : vector<16xf32>
          %abs3A_1196 = math.absf %sub3A_1191 : vector<16xf32>
          %add3A_1197 = arith.constant 9.99999982E-15 : f32
          %add3A_1198 = vector.broadcast %add3A_1197 : f32 to vector<16xf32>
          %add3A_1199 = arith.addf %abs3A_1196, %add3A_1198 : vector<16xf32>
          %bitcast_convert_type3A_1200 = tpu.bitcast %add3A_1199 : vector<16xf32> -> vector<16xi32>
          %shift_right_logical3A_1201 = arith.constant 1 : i32
          %shift_right_logical3A_1202 = vector.broadcast %shift_right_logical3A_1201 : i32 to vector<16xi32>
          %shift_right_logical3A_1203 = arith.shrui %bitcast_convert_type3A_1200, %shift_right_logical3A_1202 : vector<16xi32>
          %sub3A_1204 = arith.constant 1597463007 : i32
          %sub3A_1205 = vector.broadcast %sub3A_1204 : i32 to vector<16xi32>
          %sub3A_1206 = arith.subi %sub3A_1205, %shift_right_logical3A_1203 : vector<16xi32>
          %bitcast_convert_type3A_1207 = tpu.bitcast %sub3A_1206 : vector<16xi32> -> vector<16xf32>
          %mul3A_1208 = arith.constant 5.000000e-01 : f32
          %mul3A_1209 = vector.broadcast %mul3A_1208 : f32 to vector<16xf32>
          %mul3A_1210 = arith.mulf %mul3A_1209, %add3A_1199 : vector<16xf32>
          %mul3A_1211 = arith.mulf %mul3A_1210, %bitcast_convert_type3A_1207 : vector<16xf32>
          %mul3A_1212 = arith.mulf %mul3A_1211, %bitcast_convert_type3A_1207 : vector<16xf32>
          %sub3A_1213 = arith.constant 1.500000e+00 : f32
          %sub3A_1214 = vector.broadcast %sub3A_1213 : f32 to vector<16xf32>
          %sub3A_1215 = arith.subf %sub3A_1214, %mul3A_1212 : vector<16xf32>
          %mul3A_1216 = arith.mulf %bitcast_convert_type3A_1207, %sub3A_1215 : vector<16xf32>
          %mul3A_1217 = arith.constant 5.000000e-01 : f32
          %mul3A_1218 = vector.broadcast %mul3A_1217 : f32 to vector<16xf32>
          %mul3A_1219 = arith.mulf %mul3A_1218, %add3A_1199 : vector<16xf32>
          %mul3A_1220 = arith.mulf %mul3A_1219, %mul3A_1216 : vector<16xf32>
          %mul3A_1221 = arith.mulf %mul3A_1220, %mul3A_1216 : vector<16xf32>
          %sub3A_1222 = arith.constant 1.500000e+00 : f32
          %sub3A_1223 = vector.broadcast %sub3A_1222 : f32 to vector<16xf32>
          %sub3A_1224 = arith.subf %sub3A_1223, %mul3A_1221 : vector<16xf32>
          %mul3A_1225 = arith.mulf %mul3A_1216, %sub3A_1224 : vector<16xf32>
          %mul3A_1226 = arith.constant 5.000000e-01 : f32
          %mul3A_1227 = vector.broadcast %mul3A_1226 : f32 to vector<16xf32>
          %mul3A_1228 = arith.mulf %mul3A_1227, %add3A_1199 : vector<16xf32>
          %mul3A_1229 = arith.mulf %mul3A_1228, %mul3A_1225 : vector<16xf32>
          %mul3A_1230 = arith.mulf %mul3A_1229, %mul3A_1225 : vector<16xf32>
          %sub3A_1231 = arith.constant 1.500000e+00 : f32
          %sub3A_1232 = vector.broadcast %sub3A_1231 : f32 to vector<16xf32>
          %sub3A_1233 = arith.subf %sub3A_1232, %mul3A_1230 : vector<16xf32>
          %mul3A_1234 = arith.mulf %mul3A_1225, %sub3A_1233 : vector<16xf32>
          %mul3A_1235 = arith.mulf %add3A_1199, %mul3A_1234 : vector<16xf32>
          %sign3A_1236 = tpu.bitcast %sub3A_1191 : vector<16xf32> -> vector<16xi32>
          %sign3A_1237 = arith.constant -2147483648 : i32
          %sign3A_1238 = vector.broadcast %sign3A_1237 : i32 to vector<16xi32>
          %sign3A_1239 = arith.andi %sign3A_1236, %sign3A_1238 : vector<16xi32>
          %sign3A_1240 = arith.constant 1065353216 : i32
          %sign3A_1241 = vector.broadcast %sign3A_1240 : i32 to vector<16xi32>
          %sign3A_1242 = arith.ori %sign3A_1241, %sign3A_1239 : vector<16xi32>
          %sign3A_1243 = tpu.bitcast %sign3A_1242 : vector<16xi32> -> vector<16xf32>
          %sign3A_1244 = math.absf %sub3A_1191 : vector<16xf32>
          %sign3A_1245 = arith.constant 0.000000e+00 : f32
          %sign3A_1246 = vector.broadcast %sign3A_1245 : f32 to vector<16xf32>
          %sign3A_1247 = arith.cmpf ogt, %sign3A_1244, %sign3A_1246 : vector<16xf32>
          %sign3A_1248 = arith.select %sign3A_1247, %sign3A_1243, %sub3A_1191 : vector<16xi1>, vector<16xf32>
          %mul3A_1249 = arith.mulf %exp3A_1195, %sign3A_1248 : vector<16xf32>
          %mul3A_1250 = arith.mulf %mul3A_1249, %mul3A_1235 : vector<16xf32>
          %mul3A_1251 = arith.mulf %mul3A_1250, %mul3A_1189 : vector<16xf32>
          %mul3A_1252 = arith.mulf %mul3A_1251, %sub3A_1144 : vector<16xf32>
          %add3A_1253 = arith.addf %add3A_1131, %mul3A_1252 : vector<16xf32>
          %mul3A_1254 = arith.mulf %mul3A_1251, %sub3A_1145 : vector<16xf32>
          %add3A_1255 = arith.addf %add3A_1133, %mul3A_1254 : vector<16xf32>
          %mul3A_1256 = arith.mulf %mul3A_1251, %sub3A_1146 : vector<16xf32>
          %add3A_1257 = arith.addf %add3A_1135, %mul3A_1256 : vector<16xf32>
          %add3A_1258 = arith.constant 9 : i32
          %add3A_1259 = vector.broadcast %add3A_1258 : i32 to vector<16xi32>
          %add3A_1260 = arith.addi %mul3A_165, %add3A_1259 : vector<16xi32>
          %gather3A_1261 = tpu.vector_load_idx %arg14[%add3A_1260] : memref<4096xf32, #tpu.memory_space<vmem>>[vector<16xi32>], vector<16xf32>,
          %gather3A_1262 = tpu.vector_load_idx %arg16[%add3A_1260] : memref<4096xf32, #tpu.memory_space<vmem>>[vector<16xi32>], vector<16xf32>,
          %gather3A_1263 = tpu.vector_load_idx %arg18[%add3A_1260] : memref<4096xf32, #tpu.memory_space<vmem>>[vector<16xi32>], vector<16xf32>,
          %gather3A_1264 = tpu.vector_load_idx %arg28[%add3A_1260] : memref<4096xf32, #tpu.memory_space<vmem>>[vector<16xi32>], vector<16xf32>,
          %gather3A_1265 = tpu.vector_load_idx %arg30[%add3A_1260] : memref<4096xf32, #tpu.memory_space<vmem>>[vector<16xi32>], vector<16xf32>,
          %sub3A_1266 = arith.subf %gather3A_1261, %gather3A : vector<16xf32>
          %sub3A_1267 = arith.subf %gather3A_1262, %gather3A_143 : vector<16xf32>
          %sub3A_1268 = arith.subf %gather3A_1263, %gather3A_144 : vector<16xf32>
          %mul3A_1269 = arith.mulf %sub3A_1266, %sub3A_1266 : vector<16xf32>
          %mul3A_1270 = arith.mulf %sub3A_1267, %sub3A_1267 : vector<16xf32>
          %add3A_1271 = arith.addf %mul3A_1269, %mul3A_1270 : vector<16xf32>
          %mul3A_1272 = arith.mulf %sub3A_1268, %sub3A_1268 : vector<16xf32>
          %add3A_1273 = arith.addf %add3A_1271, %mul3A_1272 : vector<16xf32>
          %add3A_1274 = arith.constant 9.99999982E-15 : f32
          %add3A_1275 = vector.broadcast %add3A_1274 : f32 to vector<16xf32>
          %add3A_1276 = arith.addf %add3A_1273, %add3A_1275 : vector<16xf32>
          %bitcast_convert_type3A_1277 = tpu.bitcast %add3A_1276 : vector<16xf32> -> vector<16xi32>
          %shift_right_logical3A_1278 = arith.constant 1 : i32
          %shift_right_logical3A_1279 = vector.broadcast %shift_right_logical3A_1278 : i32 to vector<16xi32>
          %shift_right_logical3A_1280 = arith.shrui %bitcast_convert_type3A_1277, %shift_right_logical3A_1279 : vector<16xi32>
          %sub3A_1281 = arith.constant 1597463007 : i32
          %sub3A_1282 = vector.broadcast %sub3A_1281 : i32 to vector<16xi32>
          %sub3A_1283 = arith.subi %sub3A_1282, %shift_right_logical3A_1280 : vector<16xi32>
          %bitcast_convert_type3A_1284 = tpu.bitcast %sub3A_1283 : vector<16xi32> -> vector<16xf32>
          %mul3A_1285 = arith.constant 5.000000e-01 : f32
          %mul3A_1286 = vector.broadcast %mul3A_1285 : f32 to vector<16xf32>
          %mul3A_1287 = arith.mulf %mul3A_1286, %add3A_1276 : vector<16xf32>
          %mul3A_1288 = arith.mulf %mul3A_1287, %bitcast_convert_type3A_1284 : vector<16xf32>
          %mul3A_1289 = arith.mulf %mul3A_1288, %bitcast_convert_type3A_1284 : vector<16xf32>
          %sub3A_1290 = arith.constant 1.500000e+00 : f32
          %sub3A_1291 = vector.broadcast %sub3A_1290 : f32 to vector<16xf32>
          %sub3A_1292 = arith.subf %sub3A_1291, %mul3A_1289 : vector<16xf32>
          %mul3A_1293 = arith.mulf %bitcast_convert_type3A_1284, %sub3A_1292 : vector<16xf32>
          %mul3A_1294 = arith.constant 5.000000e-01 : f32
          %mul3A_1295 = vector.broadcast %mul3A_1294 : f32 to vector<16xf32>
          %mul3A_1296 = arith.mulf %mul3A_1295, %add3A_1276 : vector<16xf32>
          %mul3A_1297 = arith.mulf %mul3A_1296, %mul3A_1293 : vector<16xf32>
          %mul3A_1298 = arith.mulf %mul3A_1297, %mul3A_1293 : vector<16xf32>
          %sub3A_1299 = arith.constant 1.500000e+00 : f32
          %sub3A_1300 = vector.broadcast %sub3A_1299 : f32 to vector<16xf32>
          %sub3A_1301 = arith.subf %sub3A_1300, %mul3A_1298 : vector<16xf32>
          %mul3A_1302 = arith.mulf %mul3A_1293, %sub3A_1301 : vector<16xf32>
          %mul3A_1303 = arith.constant 5.000000e-01 : f32
          %mul3A_1304 = vector.broadcast %mul3A_1303 : f32 to vector<16xf32>
          %mul3A_1305 = arith.mulf %mul3A_1304, %add3A_1276 : vector<16xf32>
          %mul3A_1306 = arith.mulf %mul3A_1305, %mul3A_1302 : vector<16xf32>
          %mul3A_1307 = arith.mulf %mul3A_1306, %mul3A_1302 : vector<16xf32>
          %sub3A_1308 = arith.constant 1.500000e+00 : f32
          %sub3A_1309 = vector.broadcast %sub3A_1308 : f32 to vector<16xf32>
          %sub3A_1310 = arith.subf %sub3A_1309, %mul3A_1307 : vector<16xf32>
          %mul3A_1311 = arith.mulf %mul3A_1302, %sub3A_1310 : vector<16xf32>
          %mul3A_1312 = arith.mulf %add3A_1276, %mul3A_1311 : vector<16xf32>
          %sub3A_1313 = arith.subf %mul3A_1312, %gather3A_1264 : vector<16xf32>
          %mul3A_1314 = arith.constant 2.30258512 : f32
          %mul3A_1315 = vector.broadcast %mul3A_1314 : f32 to vector<16xf32>
          %mul3A_1316 = arith.mulf %mul3A_1315, %gather3A_1265 : vector<16xf32>
          %exp3A_1317 = math.exp %mul3A_1316 : vector<16xf32>
          %abs3A_1318 = math.absf %sub3A_1313 : vector<16xf32>
          %add3A_1319 = arith.constant 9.99999982E-15 : f32
          %add3A_1320 = vector.broadcast %add3A_1319 : f32 to vector<16xf32>
          %add3A_1321 = arith.addf %abs3A_1318, %add3A_1320 : vector<16xf32>
          %bitcast_convert_type3A_1322 = tpu.bitcast %add3A_1321 : vector<16xf32> -> vector<16xi32>
          %shift_right_logical3A_1323 = arith.constant 1 : i32
          %shift_right_logical3A_1324 = vector.broadcast %shift_right_logical3A_1323 : i32 to vector<16xi32>
          %shift_right_logical3A_1325 = arith.shrui %bitcast_convert_type3A_1322, %shift_right_logical3A_1324 : vector<16xi32>
          %sub3A_1326 = arith.constant 1597463007 : i32
          %sub3A_1327 = vector.broadcast %sub3A_1326 : i32 to vector<16xi32>
          %sub3A_1328 = arith.subi %sub3A_1327, %shift_right_logical3A_1325 : vector<16xi32>
          %bitcast_convert_type3A_1329 = tpu.bitcast %sub3A_1328 : vector<16xi32> -> vector<16xf32>
          %mul3A_1330 = arith.constant 5.000000e-01 : f32
          %mul3A_1331 = vector.broadcast %mul3A_1330 : f32 to vector<16xf32>
          %mul3A_1332 = arith.mulf %mul3A_1331, %add3A_1321 : vector<16xf32>
          %mul3A_1333 = arith.mulf %mul3A_1332, %bitcast_convert_type3A_1329 : vector<16xf32>
          %mul3A_1334 = arith.mulf %mul3A_1333, %bitcast_convert_type3A_1329 : vector<16xf32>
          %sub3A_1335 = arith.constant 1.500000e+00 : f32
          %sub3A_1336 = vector.broadcast %sub3A_1335 : f32 to vector<16xf32>
          %sub3A_1337 = arith.subf %sub3A_1336, %mul3A_1334 : vector<16xf32>
          %mul3A_1338 = arith.mulf %bitcast_convert_type3A_1329, %sub3A_1337 : vector<16xf32>
          %mul3A_1339 = arith.constant 5.000000e-01 : f32
          %mul3A_1340 = vector.broadcast %mul3A_1339 : f32 to vector<16xf32>
          %mul3A_1341 = arith.mulf %mul3A_1340, %add3A_1321 : vector<16xf32>
          %mul3A_1342 = arith.mulf %mul3A_1341, %mul3A_1338 : vector<16xf32>
          %mul3A_1343 = arith.mulf %mul3A_1342, %mul3A_1338 : vector<16xf32>
          %sub3A_1344 = arith.constant 1.500000e+00 : f32
          %sub3A_1345 = vector.broadcast %sub3A_1344 : f32 to vector<16xf32>
          %sub3A_1346 = arith.subf %sub3A_1345, %mul3A_1343 : vector<16xf32>
          %mul3A_1347 = arith.mulf %mul3A_1338, %sub3A_1346 : vector<16xf32>
          %mul3A_1348 = arith.constant 5.000000e-01 : f32
          %mul3A_1349 = vector.broadcast %mul3A_1348 : f32 to vector<16xf32>
          %mul3A_1350 = arith.mulf %mul3A_1349, %add3A_1321 : vector<16xf32>
          %mul3A_1351 = arith.mulf %mul3A_1350, %mul3A_1347 : vector<16xf32>
          %mul3A_1352 = arith.mulf %mul3A_1351, %mul3A_1347 : vector<16xf32>
          %sub3A_1353 = arith.constant 1.500000e+00 : f32
          %sub3A_1354 = vector.broadcast %sub3A_1353 : f32 to vector<16xf32>
          %sub3A_1355 = arith.subf %sub3A_1354, %mul3A_1352 : vector<16xf32>
          %mul3A_1356 = arith.mulf %mul3A_1347, %sub3A_1355 : vector<16xf32>
          %mul3A_1357 = arith.mulf %add3A_1321, %mul3A_1356 : vector<16xf32>
          %sign3A_1358 = tpu.bitcast %sub3A_1313 : vector<16xf32> -> vector<16xi32>
          %sign3A_1359 = arith.constant -2147483648 : i32
          %sign3A_1360 = vector.broadcast %sign3A_1359 : i32 to vector<16xi32>
          %sign3A_1361 = arith.andi %sign3A_1358, %sign3A_1360 : vector<16xi32>
          %sign3A_1362 = arith.constant 1065353216 : i32
          %sign3A_1363 = vector.broadcast %sign3A_1362 : i32 to vector<16xi32>
          %sign3A_1364 = arith.ori %sign3A_1363, %sign3A_1361 : vector<16xi32>
          %sign3A_1365 = tpu.bitcast %sign3A_1364 : vector<16xi32> -> vector<16xf32>
          %sign3A_1366 = math.absf %sub3A_1313 : vector<16xf32>
          %sign3A_1367 = arith.constant 0.000000e+00 : f32
          %sign3A_1368 = vector.broadcast %sign3A_1367 : f32 to vector<16xf32>
          %sign3A_1369 = arith.cmpf ogt, %sign3A_1366, %sign3A_1368 : vector<16xf32>
          %sign3A_1370 = arith.select %sign3A_1369, %sign3A_1365, %sub3A_1313 : vector<16xi1>, vector<16xf32>
          %mul3A_1371 = arith.mulf %exp3A_1317, %sign3A_1370 : vector<16xf32>
          %mul3A_1372 = arith.mulf %mul3A_1371, %mul3A_1357 : vector<16xf32>
          %mul3A_1373 = arith.mulf %mul3A_1372, %mul3A_1311 : vector<16xf32>
          %mul3A_1374 = arith.mulf %mul3A_1373, %sub3A_1266 : vector<16xf32>
          %add3A_1375 = arith.addf %add3A_1253, %mul3A_1374 : vector<16xf32>
          %mul3A_1376 = arith.mulf %mul3A_1373, %sub3A_1267 : vector<16xf32>
          %add3A_1377 = arith.addf %add3A_1255, %mul3A_1376 : vector<16xf32>
          %mul3A_1378 = arith.mulf %mul3A_1373, %sub3A_1268 : vector<16xf32>
          %add3A_1379 = arith.addf %add3A_1257, %mul3A_1378 : vector<16xf32>
          %add3A_1380 = arith.constant 10 : i32
          %add3A_1381 = vector.broadcast %add3A_1380 : i32 to vector<16xi32>
          %add3A_1382 = arith.addi %mul3A_165, %add3A_1381 : vector<16xi32>
          %gather3A_1383 = tpu.vector_load_idx %arg14[%add3A_1382] : memref<4096xf32, #tpu.memory_space<vmem>>[vector<16xi32>], vector<16xf32>,
          %gather3A_1384 = tpu.vector_load_idx %arg16[%add3A_1382] : memref<4096xf32, #tpu.memory_space<vmem>>[vector<16xi32>], vector<16xf32>,
          %gather3A_1385 = tpu.vector_load_idx %arg18[%add3A_1382] : memref<4096xf32, #tpu.memory_space<vmem>>[vector<16xi32>], vector<16xf32>,
          %gather3A_1386 = tpu.vector_load_idx %arg28[%add3A_1382] : memref<4096xf32, #tpu.memory_space<vmem>>[vector<16xi32>], vector<16xf32>,
          %gather3A_1387 = tpu.vector_load_idx %arg30[%add3A_1382] : memref<4096xf32, #tpu.memory_space<vmem>>[vector<16xi32>], vector<16xf32>,
          %sub3A_1388 = arith.subf %gather3A_1383, %gather3A : vector<16xf32>
          %sub3A_1389 = arith.subf %gather3A_1384, %gather3A_143 : vector<16xf32>
          %sub3A_1390 = arith.subf %gather3A_1385, %gather3A_144 : vector<16xf32>
          %mul3A_1391 = arith.mulf %sub3A_1388, %sub3A_1388 : vector<16xf32>
          %mul3A_1392 = arith.mulf %sub3A_1389, %sub3A_1389 : vector<16xf32>
          %add3A_1393 = arith.addf %mul3A_1391, %mul3A_1392 : vector<16xf32>
          %mul3A_1394 = arith.mulf %sub3A_1390, %sub3A_1390 : vector<16xf32>
          %add3A_1395 = arith.addf %add3A_1393, %mul3A_1394 : vector<16xf32>
          %add3A_1396 = arith.constant 9.99999982E-15 : f32
          %add3A_1397 = vector.broadcast %add3A_1396 : f32 to vector<16xf32>
          %add3A_1398 = arith.addf %add3A_1395, %add3A_1397 : vector<16xf32>
          %bitcast_convert_type3A_1399 = tpu.bitcast %add3A_1398 : vector<16xf32> -> vector<16xi32>
          %shift_right_logical3A_1400 = arith.constant 1 : i32
          %shift_right_logical3A_1401 = vector.broadcast %shift_right_logical3A_1400 : i32 to vector<16xi32>
          %shift_right_logical3A_1402 = arith.shrui %bitcast_convert_type3A_1399, %shift_right_logical3A_1401 : vector<16xi32>
          %sub3A_1403 = arith.constant 1597463007 : i32
          %sub3A_1404 = vector.broadcast %sub3A_1403 : i32 to vector<16xi32>
          %sub3A_1405 = arith.subi %sub3A_1404, %shift_right_logical3A_1402 : vector<16xi32>
          %bitcast_convert_type3A_1406 = tpu.bitcast %sub3A_1405 : vector<16xi32> -> vector<16xf32>
          %mul3A_1407 = arith.constant 5.000000e-01 : f32
          %mul3A_1408 = vector.broadcast %mul3A_1407 : f32 to vector<16xf32>
          %mul3A_1409 = arith.mulf %mul3A_1408, %add3A_1398 : vector<16xf32>
          %mul3A_1410 = arith.mulf %mul3A_1409, %bitcast_convert_type3A_1406 : vector<16xf32>
          %mul3A_1411 = arith.mulf %mul3A_1410, %bitcast_convert_type3A_1406 : vector<16xf32>
          %sub3A_1412 = arith.constant 1.500000e+00 : f32
          %sub3A_1413 = vector.broadcast %sub3A_1412 : f32 to vector<16xf32>
          %sub3A_1414 = arith.subf %sub3A_1413, %mul3A_1411 : vector<16xf32>
          %mul3A_1415 = arith.mulf %bitcast_convert_type3A_1406, %sub3A_1414 : vector<16xf32>
          %mul3A_1416 = arith.constant 5.000000e-01 : f32
          %mul3A_1417 = vector.broadcast %mul3A_1416 : f32 to vector<16xf32>
          %mul3A_1418 = arith.mulf %mul3A_1417, %add3A_1398 : vector<16xf32>
          %mul3A_1419 = arith.mulf %mul3A_1418, %mul3A_1415 : vector<16xf32>
          %mul3A_1420 = arith.mulf %mul3A_1419, %mul3A_1415 : vector<16xf32>
          %sub3A_1421 = arith.constant 1.500000e+00 : f32
          %sub3A_1422 = vector.broadcast %sub3A_1421 : f32 to vector<16xf32>
          %sub3A_1423 = arith.subf %sub3A_1422, %mul3A_1420 : vector<16xf32>
          %mul3A_1424 = arith.mulf %mul3A_1415, %sub3A_1423 : vector<16xf32>
          %mul3A_1425 = arith.constant 5.000000e-01 : f32
          %mul3A_1426 = vector.broadcast %mul3A_1425 : f32 to vector<16xf32>
          %mul3A_1427 = arith.mulf %mul3A_1426, %add3A_1398 : vector<16xf32>
          %mul3A_1428 = arith.mulf %mul3A_1427, %mul3A_1424 : vector<16xf32>
          %mul3A_1429 = arith.mulf %mul3A_1428, %mul3A_1424 : vector<16xf32>
          %sub3A_1430 = arith.constant 1.500000e+00 : f32
          %sub3A_1431 = vector.broadcast %sub3A_1430 : f32 to vector<16xf32>
          %sub3A_1432 = arith.subf %sub3A_1431, %mul3A_1429 : vector<16xf32>
          %mul3A_1433 = arith.mulf %mul3A_1424, %sub3A_1432 : vector<16xf32>
          %mul3A_1434 = arith.mulf %add3A_1398, %mul3A_1433 : vector<16xf32>
          %sub3A_1435 = arith.subf %mul3A_1434, %gather3A_1386 : vector<16xf32>
          %mul3A_1436 = arith.constant 2.30258512 : f32
          %mul3A_1437 = vector.broadcast %mul3A_1436 : f32 to vector<16xf32>
          %mul3A_1438 = arith.mulf %mul3A_1437, %gather3A_1387 : vector<16xf32>
          %exp3A_1439 = math.exp %mul3A_1438 : vector<16xf32>
          %abs3A_1440 = math.absf %sub3A_1435 : vector<16xf32>
          %add3A_1441 = arith.constant 9.99999982E-15 : f32
          %add3A_1442 = vector.broadcast %add3A_1441 : f32 to vector<16xf32>
          %add3A_1443 = arith.addf %abs3A_1440, %add3A_1442 : vector<16xf32>
          %bitcast_convert_type3A_1444 = tpu.bitcast %add3A_1443 : vector<16xf32> -> vector<16xi32>
          %shift_right_logical3A_1445 = arith.constant 1 : i32
          %shift_right_logical3A_1446 = vector.broadcast %shift_right_logical3A_1445 : i32 to vector<16xi32>
          %shift_right_logical3A_1447 = arith.shrui %bitcast_convert_type3A_1444, %shift_right_logical3A_1446 : vector<16xi32>
          %sub3A_1448 = arith.constant 1597463007 : i32
          %sub3A_1449 = vector.broadcast %sub3A_1448 : i32 to vector<16xi32>
          %sub3A_1450 = arith.subi %sub3A_1449, %shift_right_logical3A_1447 : vector<16xi32>
          %bitcast_convert_type3A_1451 = tpu.bitcast %sub3A_1450 : vector<16xi32> -> vector<16xf32>
          %mul3A_1452 = arith.constant 5.000000e-01 : f32
          %mul3A_1453 = vector.broadcast %mul3A_1452 : f32 to vector<16xf32>
          %mul3A_1454 = arith.mulf %mul3A_1453, %add3A_1443 : vector<16xf32>
          %mul3A_1455 = arith.mulf %mul3A_1454, %bitcast_convert_type3A_1451 : vector<16xf32>
          %mul3A_1456 = arith.mulf %mul3A_1455, %bitcast_convert_type3A_1451 : vector<16xf32>
          %sub3A_1457 = arith.constant 1.500000e+00 : f32
          %sub3A_1458 = vector.broadcast %sub3A_1457 : f32 to vector<16xf32>
          %sub3A_1459 = arith.subf %sub3A_1458, %mul3A_1456 : vector<16xf32>
          %mul3A_1460 = arith.mulf %bitcast_convert_type3A_1451, %sub3A_1459 : vector<16xf32>
          %mul3A_1461 = arith.constant 5.000000e-01 : f32
          %mul3A_1462 = vector.broadcast %mul3A_1461 : f32 to vector<16xf32>
          %mul3A_1463 = arith.mulf %mul3A_1462, %add3A_1443 : vector<16xf32>
          %mul3A_1464 = arith.mulf %mul3A_1463, %mul3A_1460 : vector<16xf32>
          %mul3A_1465 = arith.mulf %mul3A_1464, %mul3A_1460 : vector<16xf32>
          %sub3A_1466 = arith.constant 1.500000e+00 : f32
          %sub3A_1467 = vector.broadcast %sub3A_1466 : f32 to vector<16xf32>
          %sub3A_1468 = arith.subf %sub3A_1467, %mul3A_1465 : vector<16xf32>
          %mul3A_1469 = arith.mulf %mul3A_1460, %sub3A_1468 : vector<16xf32>
          %mul3A_1470 = arith.constant 5.000000e-01 : f32
          %mul3A_1471 = vector.broadcast %mul3A_1470 : f32 to vector<16xf32>
          %mul3A_1472 = arith.mulf %mul3A_1471, %add3A_1443 : vector<16xf32>
          %mul3A_1473 = arith.mulf %mul3A_1472, %mul3A_1469 : vector<16xf32>
          %mul3A_1474 = arith.mulf %mul3A_1473, %mul3A_1469 : vector<16xf32>
          %sub3A_1475 = arith.constant 1.500000e+00 : f32
          %sub3A_1476 = vector.broadcast %sub3A_1475 : f32 to vector<16xf32>
          %sub3A_1477 = arith.subf %sub3A_1476, %mul3A_1474 : vector<16xf32>
          %mul3A_1478 = arith.mulf %mul3A_1469, %sub3A_1477 : vector<16xf32>
          %mul3A_1479 = arith.mulf %add3A_1443, %mul3A_1478 : vector<16xf32>
          %sign3A_1480 = tpu.bitcast %sub3A_1435 : vector<16xf32> -> vector<16xi32>
          %sign3A_1481 = arith.constant -2147483648 : i32
          %sign3A_1482 = vector.broadcast %sign3A_1481 : i32 to vector<16xi32>
          %sign3A_1483 = arith.andi %sign3A_1480, %sign3A_1482 : vector<16xi32>
          %sign3A_1484 = arith.constant 1065353216 : i32
          %sign3A_1485 = vector.broadcast %sign3A_1484 : i32 to vector<16xi32>
          %sign3A_1486 = arith.ori %sign3A_1485, %sign3A_1483 : vector<16xi32>
          %sign3A_1487 = tpu.bitcast %sign3A_1486 : vector<16xi32> -> vector<16xf32>
          %sign3A_1488 = math.absf %sub3A_1435 : vector<16xf32>
          %sign3A_1489 = arith.constant 0.000000e+00 : f32
          %sign3A_1490 = vector.broadcast %sign3A_1489 : f32 to vector<16xf32>
          %sign3A_1491 = arith.cmpf ogt, %sign3A_1488, %sign3A_1490 : vector<16xf32>
          %sign3A_1492 = arith.select %sign3A_1491, %sign3A_1487, %sub3A_1435 : vector<16xi1>, vector<16xf32>
          %mul3A_1493 = arith.mulf %exp3A_1439, %sign3A_1492 : vector<16xf32>
          %mul3A_1494 = arith.mulf %mul3A_1493, %mul3A_1479 : vector<16xf32>
          %mul3A_1495 = arith.mulf %mul3A_1494, %mul3A_1433 : vector<16xf32>
          %mul3A_1496 = arith.mulf %mul3A_1495, %sub3A_1388 : vector<16xf32>
          %add3A_1497 = arith.addf %add3A_1375, %mul3A_1496 : vector<16xf32>
          %mul3A_1498 = arith.mulf %mul3A_1495, %sub3A_1389 : vector<16xf32>
          %add3A_1499 = arith.addf %add3A_1377, %mul3A_1498 : vector<16xf32>
          %mul3A_1500 = arith.mulf %mul3A_1495, %sub3A_1390 : vector<16xf32>
          %add3A_1501 = arith.addf %add3A_1379, %mul3A_1500 : vector<16xf32>
          %add3A_1502 = arith.constant 11 : i32
          %add3A_1503 = vector.broadcast %add3A_1502 : i32 to vector<16xi32>
          %add3A_1504 = arith.addi %mul3A_165, %add3A_1503 : vector<16xi32>
          %gather3A_1505 = tpu.vector_load_idx %arg14[%add3A_1504] : memref<4096xf32, #tpu.memory_space<vmem>>[vector<16xi32>], vector<16xf32>,
          %gather3A_1506 = tpu.vector_load_idx %arg16[%add3A_1504] : memref<4096xf32, #tpu.memory_space<vmem>>[vector<16xi32>], vector<16xf32>,
          %gather3A_1507 = tpu.vector_load_idx %arg18[%add3A_1504] : memref<4096xf32, #tpu.memory_space<vmem>>[vector<16xi32>], vector<16xf32>,
          %gather3A_1508 = tpu.vector_load_idx %arg28[%add3A_1504] : memref<4096xf32, #tpu.memory_space<vmem>>[vector<16xi32>], vector<16xf32>,
          %gather3A_1509 = tpu.vector_load_idx %arg30[%add3A_1504] : memref<4096xf32, #tpu.memory_space<vmem>>[vector<16xi32>], vector<16xf32>,
          %sub3A_1510 = arith.subf %gather3A_1505, %gather3A : vector<16xf32>
          %sub3A_1511 = arith.subf %gather3A_1506, %gather3A_143 : vector<16xf32>
          %sub3A_1512 = arith.subf %gather3A_1507, %gather3A_144 : vector<16xf32>
          %mul3A_1513 = arith.mulf %sub3A_1510, %sub3A_1510 : vector<16xf32>
          %mul3A_1514 = arith.mulf %sub3A_1511, %sub3A_1511 : vector<16xf32>
          %add3A_1515 = arith.addf %mul3A_1513, %mul3A_1514 : vector<16xf32>
          %mul3A_1516 = arith.mulf %sub3A_1512, %sub3A_1512 : vector<16xf32>
          %add3A_1517 = arith.addf %add3A_1515, %mul3A_1516 : vector<16xf32>
          %add3A_1518 = arith.constant 9.99999982E-15 : f32
          %add3A_1519 = vector.broadcast %add3A_1518 : f32 to vector<16xf32>
          %add3A_1520 = arith.addf %add3A_1517, %add3A_1519 : vector<16xf32>
          %bitcast_convert_type3A_1521 = tpu.bitcast %add3A_1520 : vector<16xf32> -> vector<16xi32>
          %shift_right_logical3A_1522 = arith.constant 1 : i32
          %shift_right_logical3A_1523 = vector.broadcast %shift_right_logical3A_1522 : i32 to vector<16xi32>
          %shift_right_logical3A_1524 = arith.shrui %bitcast_convert_type3A_1521, %shift_right_logical3A_1523 : vector<16xi32>
          %sub3A_1525 = arith.constant 1597463007 : i32
          %sub3A_1526 = vector.broadcast %sub3A_1525 : i32 to vector<16xi32>
          %sub3A_1527 = arith.subi %sub3A_1526, %shift_right_logical3A_1524 : vector<16xi32>
          %bitcast_convert_type3A_1528 = tpu.bitcast %sub3A_1527 : vector<16xi32> -> vector<16xf32>
          %mul3A_1529 = arith.constant 5.000000e-01 : f32
          %mul3A_1530 = vector.broadcast %mul3A_1529 : f32 to vector<16xf32>
          %mul3A_1531 = arith.mulf %mul3A_1530, %add3A_1520 : vector<16xf32>
          %mul3A_1532 = arith.mulf %mul3A_1531, %bitcast_convert_type3A_1528 : vector<16xf32>
          %mul3A_1533 = arith.mulf %mul3A_1532, %bitcast_convert_type3A_1528 : vector<16xf32>
          %sub3A_1534 = arith.constant 1.500000e+00 : f32
          %sub3A_1535 = vector.broadcast %sub3A_1534 : f32 to vector<16xf32>
          %sub3A_1536 = arith.subf %sub3A_1535, %mul3A_1533 : vector<16xf32>
          %mul3A_1537 = arith.mulf %bitcast_convert_type3A_1528, %sub3A_1536 : vector<16xf32>
          %mul3A_1538 = arith.constant 5.000000e-01 : f32
          %mul3A_1539 = vector.broadcast %mul3A_1538 : f32 to vector<16xf32>
          %mul3A_1540 = arith.mulf %mul3A_1539, %add3A_1520 : vector<16xf32>
          %mul3A_1541 = arith.mulf %mul3A_1540, %mul3A_1537 : vector<16xf32>
          %mul3A_1542 = arith.mulf %mul3A_1541, %mul3A_1537 : vector<16xf32>
          %sub3A_1543 = arith.constant 1.500000e+00 : f32
          %sub3A_1544 = vector.broadcast %sub3A_1543 : f32 to vector<16xf32>
          %sub3A_1545 = arith.subf %sub3A_1544, %mul3A_1542 : vector<16xf32>
          %mul3A_1546 = arith.mulf %mul3A_1537, %sub3A_1545 : vector<16xf32>
          %mul3A_1547 = arith.constant 5.000000e-01 : f32
          %mul3A_1548 = vector.broadcast %mul3A_1547 : f32 to vector<16xf32>
          %mul3A_1549 = arith.mulf %mul3A_1548, %add3A_1520 : vector<16xf32>
          %mul3A_1550 = arith.mulf %mul3A_1549, %mul3A_1546 : vector<16xf32>
          %mul3A_1551 = arith.mulf %mul3A_1550, %mul3A_1546 : vector<16xf32>
          %sub3A_1552 = arith.constant 1.500000e+00 : f32
          %sub3A_1553 = vector.broadcast %sub3A_1552 : f32 to vector<16xf32>
          %sub3A_1554 = arith.subf %sub3A_1553, %mul3A_1551 : vector<16xf32>
          %mul3A_1555 = arith.mulf %mul3A_1546, %sub3A_1554 : vector<16xf32>
          %mul3A_1556 = arith.mulf %add3A_1520, %mul3A_1555 : vector<16xf32>
          %sub3A_1557 = arith.subf %mul3A_1556, %gather3A_1508 : vector<16xf32>
          %mul3A_1558 = arith.constant 2.30258512 : f32
          %mul3A_1559 = vector.broadcast %mul3A_1558 : f32 to vector<16xf32>
          %mul3A_1560 = arith.mulf %mul3A_1559, %gather3A_1509 : vector<16xf32>
          %exp3A_1561 = math.exp %mul3A_1560 : vector<16xf32>
          %abs3A_1562 = math.absf %sub3A_1557 : vector<16xf32>
          %add3A_1563 = arith.constant 9.99999982E-15 : f32
          %add3A_1564 = vector.broadcast %add3A_1563 : f32 to vector<16xf32>
          %add3A_1565 = arith.addf %abs3A_1562, %add3A_1564 : vector<16xf32>
          %bitcast_convert_type3A_1566 = tpu.bitcast %add3A_1565 : vector<16xf32> -> vector<16xi32>
          %shift_right_logical3A_1567 = arith.constant 1 : i32
          %shift_right_logical3A_1568 = vector.broadcast %shift_right_logical3A_1567 : i32 to vector<16xi32>
          %shift_right_logical3A_1569 = arith.shrui %bitcast_convert_type3A_1566, %shift_right_logical3A_1568 : vector<16xi32>
          %sub3A_1570 = arith.constant 1597463007 : i32
          %sub3A_1571 = vector.broadcast %sub3A_1570 : i32 to vector<16xi32>
          %sub3A_1572 = arith.subi %sub3A_1571, %shift_right_logical3A_1569 : vector<16xi32>
          %bitcast_convert_type3A_1573 = tpu.bitcast %sub3A_1572 : vector<16xi32> -> vector<16xf32>
          %mul3A_1574 = arith.constant 5.000000e-01 : f32
          %mul3A_1575 = vector.broadcast %mul3A_1574 : f32 to vector<16xf32>
          %mul3A_1576 = arith.mulf %mul3A_1575, %add3A_1565 : vector<16xf32>
          %mul3A_1577 = arith.mulf %mul3A_1576, %bitcast_convert_type3A_1573 : vector<16xf32>
          %mul3A_1578 = arith.mulf %mul3A_1577, %bitcast_convert_type3A_1573 : vector<16xf32>
          %sub3A_1579 = arith.constant 1.500000e+00 : f32
          %sub3A_1580 = vector.broadcast %sub3A_1579 : f32 to vector<16xf32>
          %sub3A_1581 = arith.subf %sub3A_1580, %mul3A_1578 : vector<16xf32>
          %mul3A_1582 = arith.mulf %bitcast_convert_type3A_1573, %sub3A_1581 : vector<16xf32>
          %mul3A_1583 = arith.constant 5.000000e-01 : f32
          %mul3A_1584 = vector.broadcast %mul3A_1583 : f32 to vector<16xf32>
          %mul3A_1585 = arith.mulf %mul3A_1584, %add3A_1565 : vector<16xf32>
          %mul3A_1586 = arith.mulf %mul3A_1585, %mul3A_1582 : vector<16xf32>
          %mul3A_1587 = arith.mulf %mul3A_1586, %mul3A_1582 : vector<16xf32>
          %sub3A_1588 = arith.constant 1.500000e+00 : f32
          %sub3A_1589 = vector.broadcast %sub3A_1588 : f32 to vector<16xf32>
          %sub3A_1590 = arith.subf %sub3A_1589, %mul3A_1587 : vector<16xf32>
          %mul3A_1591 = arith.mulf %mul3A_1582, %sub3A_1590 : vector<16xf32>
          %mul3A_1592 = arith.constant 5.000000e-01 : f32
          %mul3A_1593 = vector.broadcast %mul3A_1592 : f32 to vector<16xf32>
          %mul3A_1594 = arith.mulf %mul3A_1593, %add3A_1565 : vector<16xf32>
          %mul3A_1595 = arith.mulf %mul3A_1594, %mul3A_1591 : vector<16xf32>
          %mul3A_1596 = arith.mulf %mul3A_1595, %mul3A_1591 : vector<16xf32>
          %sub3A_1597 = arith.constant 1.500000e+00 : f32
          %sub3A_1598 = vector.broadcast %sub3A_1597 : f32 to vector<16xf32>
          %sub3A_1599 = arith.subf %sub3A_1598, %mul3A_1596 : vector<16xf32>
          %mul3A_1600 = arith.mulf %mul3A_1591, %sub3A_1599 : vector<16xf32>
          %mul3A_1601 = arith.mulf %add3A_1565, %mul3A_1600 : vector<16xf32>
          %sign3A_1602 = tpu.bitcast %sub3A_1557 : vector<16xf32> -> vector<16xi32>
          %sign3A_1603 = arith.constant -2147483648 : i32
          %sign3A_1604 = vector.broadcast %sign3A_1603 : i32 to vector<16xi32>
          %sign3A_1605 = arith.andi %sign3A_1602, %sign3A_1604 : vector<16xi32>
          %sign3A_1606 = arith.constant 1065353216 : i32
          %sign3A_1607 = vector.broadcast %sign3A_1606 : i32 to vector<16xi32>
          %sign3A_1608 = arith.ori %sign3A_1607, %sign3A_1605 : vector<16xi32>
          %sign3A_1609 = tpu.bitcast %sign3A_1608 : vector<16xi32> -> vector<16xf32>
          %sign3A_1610 = math.absf %sub3A_1557 : vector<16xf32>
          %sign3A_1611 = arith.constant 0.000000e+00 : f32
          %sign3A_1612 = vector.broadcast %sign3A_1611 : f32 to vector<16xf32>
          %sign3A_1613 = arith.cmpf ogt, %sign3A_1610, %sign3A_1612 : vector<16xf32>
          %sign3A_1614 = arith.select %sign3A_1613, %sign3A_1609, %sub3A_1557 : vector<16xi1>, vector<16xf32>
          %mul3A_1615 = arith.mulf %exp3A_1561, %sign3A_1614 : vector<16xf32>
          %mul3A_1616 = arith.mulf %mul3A_1615, %mul3A_1601 : vector<16xf32>
          %mul3A_1617 = arith.mulf %mul3A_1616, %mul3A_1555 : vector<16xf32>
          %mul3A_1618 = arith.mulf %mul3A_1617, %sub3A_1510 : vector<16xf32>
          %add3A_1619 = arith.addf %add3A_1497, %mul3A_1618 : vector<16xf32>
          %mul3A_1620 = arith.mulf %mul3A_1617, %sub3A_1511 : vector<16xf32>
          %add3A_1621 = arith.addf %add3A_1499, %mul3A_1620 : vector<16xf32>
          %mul3A_1622 = arith.mulf %mul3A_1617, %sub3A_1512 : vector<16xf32>
          %add3A_1623 = arith.addf %add3A_1501, %mul3A_1622 : vector<16xf32>
          %add3A_1624 = arith.constant 12 : i32
          %add3A_1625 = vector.broadcast %add3A_1624 : i32 to vector<16xi32>
          %add3A_1626 = arith.addi %mul3A_165, %add3A_1625 : vector<16xi32>
          %gather3A_1627 = tpu.vector_load_idx %arg14[%add3A_1626] : memref<4096xf32, #tpu.memory_space<vmem>>[vector<16xi32>], vector<16xf32>,
          %gather3A_1628 = tpu.vector_load_idx %arg16[%add3A_1626] : memref<4096xf32, #tpu.memory_space<vmem>>[vector<16xi32>], vector<16xf32>,
          %gather3A_1629 = tpu.vector_load_idx %arg18[%add3A_1626] : memref<4096xf32, #tpu.memory_space<vmem>>[vector<16xi32>], vector<16xf32>,
          %gather3A_1630 = tpu.vector_load_idx %arg28[%add3A_1626] : memref<4096xf32, #tpu.memory_space<vmem>>[vector<16xi32>], vector<16xf32>,
          %gather3A_1631 = tpu.vector_load_idx %arg30[%add3A_1626] : memref<4096xf32, #tpu.memory_space<vmem>>[vector<16xi32>], vector<16xf32>,
          %sub3A_1632 = arith.subf %gather3A_1627, %gather3A : vector<16xf32>
          %sub3A_1633 = arith.subf %gather3A_1628, %gather3A_143 : vector<16xf32>
          %sub3A_1634 = arith.subf %gather3A_1629, %gather3A_144 : vector<16xf32>
          %mul3A_1635 = arith.mulf %sub3A_1632, %sub3A_1632 : vector<16xf32>
          %mul3A_1636 = arith.mulf %sub3A_1633, %sub3A_1633 : vector<16xf32>
          %add3A_1637 = arith.addf %mul3A_1635, %mul3A_1636 : vector<16xf32>
          %mul3A_1638 = arith.mulf %sub3A_1634, %sub3A_1634 : vector<16xf32>
          %add3A_1639 = arith.addf %add3A_1637, %mul3A_1638 : vector<16xf32>
          %add3A_1640 = arith.constant 9.99999982E-15 : f32
          %add3A_1641 = vector.broadcast %add3A_1640 : f32 to vector<16xf32>
          %add3A_1642 = arith.addf %add3A_1639, %add3A_1641 : vector<16xf32>
          %bitcast_convert_type3A_1643 = tpu.bitcast %add3A_1642 : vector<16xf32> -> vector<16xi32>
          %shift_right_logical3A_1644 = arith.constant 1 : i32
          %shift_right_logical3A_1645 = vector.broadcast %shift_right_logical3A_1644 : i32 to vector<16xi32>
          %shift_right_logical3A_1646 = arith.shrui %bitcast_convert_type3A_1643, %shift_right_logical3A_1645 : vector<16xi32>
          %sub3A_1647 = arith.constant 1597463007 : i32
          %sub3A_1648 = vector.broadcast %sub3A_1647 : i32 to vector<16xi32>
          %sub3A_1649 = arith.subi %sub3A_1648, %shift_right_logical3A_1646 : vector<16xi32>
          %bitcast_convert_type3A_1650 = tpu.bitcast %sub3A_1649 : vector<16xi32> -> vector<16xf32>
          %mul3A_1651 = arith.constant 5.000000e-01 : f32
          %mul3A_1652 = vector.broadcast %mul3A_1651 : f32 to vector<16xf32>
          %mul3A_1653 = arith.mulf %mul3A_1652, %add3A_1642 : vector<16xf32>
          %mul3A_1654 = arith.mulf %mul3A_1653, %bitcast_convert_type3A_1650 : vector<16xf32>
          %mul3A_1655 = arith.mulf %mul3A_1654, %bitcast_convert_type3A_1650 : vector<16xf32>
          %sub3A_1656 = arith.constant 1.500000e+00 : f32
          %sub3A_1657 = vector.broadcast %sub3A_1656 : f32 to vector<16xf32>
          %sub3A_1658 = arith.subf %sub3A_1657, %mul3A_1655 : vector<16xf32>
          %mul3A_1659 = arith.mulf %bitcast_convert_type3A_1650, %sub3A_1658 : vector<16xf32>
          %mul3A_1660 = arith.constant 5.000000e-01 : f32
          %mul3A_1661 = vector.broadcast %mul3A_1660 : f32 to vector<16xf32>
          %mul3A_1662 = arith.mulf %mul3A_1661, %add3A_1642 : vector<16xf32>
          %mul3A_1663 = arith.mulf %mul3A_1662, %mul3A_1659 : vector<16xf32>
          %mul3A_1664 = arith.mulf %mul3A_1663, %mul3A_1659 : vector<16xf32>
          %sub3A_1665 = arith.constant 1.500000e+00 : f32
          %sub3A_1666 = vector.broadcast %sub3A_1665 : f32 to vector<16xf32>
          %sub3A_1667 = arith.subf %sub3A_1666, %mul3A_1664 : vector<16xf32>
          %mul3A_1668 = arith.mulf %mul3A_1659, %sub3A_1667 : vector<16xf32>
          %mul3A_1669 = arith.constant 5.000000e-01 : f32
          %mul3A_1670 = vector.broadcast %mul3A_1669 : f32 to vector<16xf32>
          %mul3A_1671 = arith.mulf %mul3A_1670, %add3A_1642 : vector<16xf32>
          %mul3A_1672 = arith.mulf %mul3A_1671, %mul3A_1668 : vector<16xf32>
          %mul3A_1673 = arith.mulf %mul3A_1672, %mul3A_1668 : vector<16xf32>
          %sub3A_1674 = arith.constant 1.500000e+00 : f32
          %sub3A_1675 = vector.broadcast %sub3A_1674 : f32 to vector<16xf32>
          %sub3A_1676 = arith.subf %sub3A_1675, %mul3A_1673 : vector<16xf32>
          %mul3A_1677 = arith.mulf %mul3A_1668, %sub3A_1676 : vector<16xf32>
          %mul3A_1678 = arith.mulf %add3A_1642, %mul3A_1677 : vector<16xf32>
          %sub3A_1679 = arith.subf %mul3A_1678, %gather3A_1630 : vector<16xf32>
          %mul3A_1680 = arith.constant 2.30258512 : f32
          %mul3A_1681 = vector.broadcast %mul3A_1680 : f32 to vector<16xf32>
          %mul3A_1682 = arith.mulf %mul3A_1681, %gather3A_1631 : vector<16xf32>
          %exp3A_1683 = math.exp %mul3A_1682 : vector<16xf32>
          %abs3A_1684 = math.absf %sub3A_1679 : vector<16xf32>
          %add3A_1685 = arith.constant 9.99999982E-15 : f32
          %add3A_1686 = vector.broadcast %add3A_1685 : f32 to vector<16xf32>
          %add3A_1687 = arith.addf %abs3A_1684, %add3A_1686 : vector<16xf32>
          %bitcast_convert_type3A_1688 = tpu.bitcast %add3A_1687 : vector<16xf32> -> vector<16xi32>
          %shift_right_logical3A_1689 = arith.constant 1 : i32
          %shift_right_logical3A_1690 = vector.broadcast %shift_right_logical3A_1689 : i32 to vector<16xi32>
          %shift_right_logical3A_1691 = arith.shrui %bitcast_convert_type3A_1688, %shift_right_logical3A_1690 : vector<16xi32>
          %sub3A_1692 = arith.constant 1597463007 : i32
          %sub3A_1693 = vector.broadcast %sub3A_1692 : i32 to vector<16xi32>
          %sub3A_1694 = arith.subi %sub3A_1693, %shift_right_logical3A_1691 : vector<16xi32>
          %bitcast_convert_type3A_1695 = tpu.bitcast %sub3A_1694 : vector<16xi32> -> vector<16xf32>
          %mul3A_1696 = arith.constant 5.000000e-01 : f32
          %mul3A_1697 = vector.broadcast %mul3A_1696 : f32 to vector<16xf32>
          %mul3A_1698 = arith.mulf %mul3A_1697, %add3A_1687 : vector<16xf32>
          %mul3A_1699 = arith.mulf %mul3A_1698, %bitcast_convert_type3A_1695 : vector<16xf32>
          %mul3A_1700 = arith.mulf %mul3A_1699, %bitcast_convert_type3A_1695 : vector<16xf32>
          %sub3A_1701 = arith.constant 1.500000e+00 : f32
          %sub3A_1702 = vector.broadcast %sub3A_1701 : f32 to vector<16xf32>
          %sub3A_1703 = arith.subf %sub3A_1702, %mul3A_1700 : vector<16xf32>
          %mul3A_1704 = arith.mulf %bitcast_convert_type3A_1695, %sub3A_1703 : vector<16xf32>
          %mul3A_1705 = arith.constant 5.000000e-01 : f32
          %mul3A_1706 = vector.broadcast %mul3A_1705 : f32 to vector<16xf32>
          %mul3A_1707 = arith.mulf %mul3A_1706, %add3A_1687 : vector<16xf32>
          %mul3A_1708 = arith.mulf %mul3A_1707, %mul3A_1704 : vector<16xf32>
          %mul3A_1709 = arith.mulf %mul3A_1708, %mul3A_1704 : vector<16xf32>
          %sub3A_1710 = arith.constant 1.500000e+00 : f32
          %sub3A_1711 = vector.broadcast %sub3A_1710 : f32 to vector<16xf32>
          %sub3A_1712 = arith.subf %sub3A_1711, %mul3A_1709 : vector<16xf32>
          %mul3A_1713 = arith.mulf %mul3A_1704, %sub3A_1712 : vector<16xf32>
          %mul3A_1714 = arith.constant 5.000000e-01 : f32
          %mul3A_1715 = vector.broadcast %mul3A_1714 : f32 to vector<16xf32>
          %mul3A_1716 = arith.mulf %mul3A_1715, %add3A_1687 : vector<16xf32>
          %mul3A_1717 = arith.mulf %mul3A_1716, %mul3A_1713 : vector<16xf32>
          %mul3A_1718 = arith.mulf %mul3A_1717, %mul3A_1713 : vector<16xf32>
          %sub3A_1719 = arith.constant 1.500000e+00 : f32
          %sub3A_1720 = vector.broadcast %sub3A_1719 : f32 to vector<16xf32>
          %sub3A_1721 = arith.subf %sub3A_1720, %mul3A_1718 : vector<16xf32>
          %mul3A_1722 = arith.mulf %mul3A_1713, %sub3A_1721 : vector<16xf32>
          %mul3A_1723 = arith.mulf %add3A_1687, %mul3A_1722 : vector<16xf32>
          %sign3A_1724 = tpu.bitcast %sub3A_1679 : vector<16xf32> -> vector<16xi32>
          %sign3A_1725 = arith.constant -2147483648 : i32
          %sign3A_1726 = vector.broadcast %sign3A_1725 : i32 to vector<16xi32>
          %sign3A_1727 = arith.andi %sign3A_1724, %sign3A_1726 : vector<16xi32>
          %sign3A_1728 = arith.constant 1065353216 : i32
          %sign3A_1729 = vector.broadcast %sign3A_1728 : i32 to vector<16xi32>
          %sign3A_1730 = arith.ori %sign3A_1729, %sign3A_1727 : vector<16xi32>
          %sign3A_1731 = tpu.bitcast %sign3A_1730 : vector<16xi32> -> vector<16xf32>
          %sign3A_1732 = math.absf %sub3A_1679 : vector<16xf32>
          %sign3A_1733 = arith.constant 0.000000e+00 : f32
          %sign3A_1734 = vector.broadcast %sign3A_1733 : f32 to vector<16xf32>
          %sign3A_1735 = arith.cmpf ogt, %sign3A_1732, %sign3A_1734 : vector<16xf32>
          %sign3A_1736 = arith.select %sign3A_1735, %sign3A_1731, %sub3A_1679 : vector<16xi1>, vector<16xf32>
          %mul3A_1737 = arith.mulf %exp3A_1683, %sign3A_1736 : vector<16xf32>
          %mul3A_1738 = arith.mulf %mul3A_1737, %mul3A_1723 : vector<16xf32>
          %mul3A_1739 = arith.mulf %mul3A_1738, %mul3A_1677 : vector<16xf32>
          %mul3A_1740 = arith.mulf %mul3A_1739, %sub3A_1632 : vector<16xf32>
          %add3A_1741 = arith.addf %add3A_1619, %mul3A_1740 : vector<16xf32>
          %mul3A_1742 = arith.mulf %mul3A_1739, %sub3A_1633 : vector<16xf32>
          %add3A_1743 = arith.addf %add3A_1621, %mul3A_1742 : vector<16xf32>
          %mul3A_1744 = arith.mulf %mul3A_1739, %sub3A_1634 : vector<16xf32>
          %add3A_1745 = arith.addf %add3A_1623, %mul3A_1744 : vector<16xf32>
          %add3A_1746 = arith.constant 13 : i32
          %add3A_1747 = vector.broadcast %add3A_1746 : i32 to vector<16xi32>
          %add3A_1748 = arith.addi %mul3A_165, %add3A_1747 : vector<16xi32>
          %gather3A_1749 = tpu.vector_load_idx %arg14[%add3A_1748] : memref<4096xf32, #tpu.memory_space<vmem>>[vector<16xi32>], vector<16xf32>,
          %gather3A_1750 = tpu.vector_load_idx %arg16[%add3A_1748] : memref<4096xf32, #tpu.memory_space<vmem>>[vector<16xi32>], vector<16xf32>,
          %gather3A_1751 = tpu.vector_load_idx %arg18[%add3A_1748] : memref<4096xf32, #tpu.memory_space<vmem>>[vector<16xi32>], vector<16xf32>,
          %gather3A_1752 = tpu.vector_load_idx %arg28[%add3A_1748] : memref<4096xf32, #tpu.memory_space<vmem>>[vector<16xi32>], vector<16xf32>,
          %gather3A_1753 = tpu.vector_load_idx %arg30[%add3A_1748] : memref<4096xf32, #tpu.memory_space<vmem>>[vector<16xi32>], vector<16xf32>,
          %sub3A_1754 = arith.subf %gather3A_1749, %gather3A : vector<16xf32>
          %sub3A_1755 = arith.subf %gather3A_1750, %gather3A_143 : vector<16xf32>
          %sub3A_1756 = arith.subf %gather3A_1751, %gather3A_144 : vector<16xf32>
          %mul3A_1757 = arith.mulf %sub3A_1754, %sub3A_1754 : vector<16xf32>
          %mul3A_1758 = arith.mulf %sub3A_1755, %sub3A_1755 : vector<16xf32>
          %add3A_1759 = arith.addf %mul3A_1757, %mul3A_1758 : vector<16xf32>
          %mul3A_1760 = arith.mulf %sub3A_1756, %sub3A_1756 : vector<16xf32>
          %add3A_1761 = arith.addf %add3A_1759, %mul3A_1760 : vector<16xf32>
          %add3A_1762 = arith.constant 9.99999982E-15 : f32
          %add3A_1763 = vector.broadcast %add3A_1762 : f32 to vector<16xf32>
          %add3A_1764 = arith.addf %add3A_1761, %add3A_1763 : vector<16xf32>
          %bitcast_convert_type3A_1765 = tpu.bitcast %add3A_1764 : vector<16xf32> -> vector<16xi32>
          %shift_right_logical3A_1766 = arith.constant 1 : i32
          %shift_right_logical3A_1767 = vector.broadcast %shift_right_logical3A_1766 : i32 to vector<16xi32>
          %shift_right_logical3A_1768 = arith.shrui %bitcast_convert_type3A_1765, %shift_right_logical3A_1767 : vector<16xi32>
          %sub3A_1769 = arith.constant 1597463007 : i32
          %sub3A_1770 = vector.broadcast %sub3A_1769 : i32 to vector<16xi32>
          %sub3A_1771 = arith.subi %sub3A_1770, %shift_right_logical3A_1768 : vector<16xi32>
          %bitcast_convert_type3A_1772 = tpu.bitcast %sub3A_1771 : vector<16xi32> -> vector<16xf32>
          %mul3A_1773 = arith.constant 5.000000e-01 : f32
          %mul3A_1774 = vector.broadcast %mul3A_1773 : f32 to vector<16xf32>
          %mul3A_1775 = arith.mulf %mul3A_1774, %add3A_1764 : vector<16xf32>
          %mul3A_1776 = arith.mulf %mul3A_1775, %bitcast_convert_type3A_1772 : vector<16xf32>
          %mul3A_1777 = arith.mulf %mul3A_1776, %bitcast_convert_type3A_1772 : vector<16xf32>
          %sub3A_1778 = arith.constant 1.500000e+00 : f32
          %sub3A_1779 = vector.broadcast %sub3A_1778 : f32 to vector<16xf32>
          %sub3A_1780 = arith.subf %sub3A_1779, %mul3A_1777 : vector<16xf32>
          %mul3A_1781 = arith.mulf %bitcast_convert_type3A_1772, %sub3A_1780 : vector<16xf32>
          %mul3A_1782 = arith.constant 5.000000e-01 : f32
          %mul3A_1783 = vector.broadcast %mul3A_1782 : f32 to vector<16xf32>
          %mul3A_1784 = arith.mulf %mul3A_1783, %add3A_1764 : vector<16xf32>
          %mul3A_1785 = arith.mulf %mul3A_1784, %mul3A_1781 : vector<16xf32>
          %mul3A_1786 = arith.mulf %mul3A_1785, %mul3A_1781 : vector<16xf32>
          %sub3A_1787 = arith.constant 1.500000e+00 : f32
          %sub3A_1788 = vector.broadcast %sub3A_1787 : f32 to vector<16xf32>
          %sub3A_1789 = arith.subf %sub3A_1788, %mul3A_1786 : vector<16xf32>
          %mul3A_1790 = arith.mulf %mul3A_1781, %sub3A_1789 : vector<16xf32>
          %mul3A_1791 = arith.constant 5.000000e-01 : f32
          %mul3A_1792 = vector.broadcast %mul3A_1791 : f32 to vector<16xf32>
          %mul3A_1793 = arith.mulf %mul3A_1792, %add3A_1764 : vector<16xf32>
          %mul3A_1794 = arith.mulf %mul3A_1793, %mul3A_1790 : vector<16xf32>
          %mul3A_1795 = arith.mulf %mul3A_1794, %mul3A_1790 : vector<16xf32>
          %sub3A_1796 = arith.constant 1.500000e+00 : f32
          %sub3A_1797 = vector.broadcast %sub3A_1796 : f32 to vector<16xf32>
          %sub3A_1798 = arith.subf %sub3A_1797, %mul3A_1795 : vector<16xf32>
          %mul3A_1799 = arith.mulf %mul3A_1790, %sub3A_1798 : vector<16xf32>
          %mul3A_1800 = arith.mulf %add3A_1764, %mul3A_1799 : vector<16xf32>
          %sub3A_1801 = arith.subf %mul3A_1800, %gather3A_1752 : vector<16xf32>
          %mul3A_1802 = arith.constant 2.30258512 : f32
          %mul3A_1803 = vector.broadcast %mul3A_1802 : f32 to vector<16xf32>
          %mul3A_1804 = arith.mulf %mul3A_1803, %gather3A_1753 : vector<16xf32>
          %exp3A_1805 = math.exp %mul3A_1804 : vector<16xf32>
          %abs3A_1806 = math.absf %sub3A_1801 : vector<16xf32>
          %add3A_1807 = arith.constant 9.99999982E-15 : f32
          %add3A_1808 = vector.broadcast %add3A_1807 : f32 to vector<16xf32>
          %add3A_1809 = arith.addf %abs3A_1806, %add3A_1808 : vector<16xf32>
          %bitcast_convert_type3A_1810 = tpu.bitcast %add3A_1809 : vector<16xf32> -> vector<16xi32>
          %shift_right_logical3A_1811 = arith.constant 1 : i32
          %shift_right_logical3A_1812 = vector.broadcast %shift_right_logical3A_1811 : i32 to vector<16xi32>
          %shift_right_logical3A_1813 = arith.shrui %bitcast_convert_type3A_1810, %shift_right_logical3A_1812 : vector<16xi32>
          %sub3A_1814 = arith.constant 1597463007 : i32
          %sub3A_1815 = vector.broadcast %sub3A_1814 : i32 to vector<16xi32>
          %sub3A_1816 = arith.subi %sub3A_1815, %shift_right_logical3A_1813 : vector<16xi32>
          %bitcast_convert_type3A_1817 = tpu.bitcast %sub3A_1816 : vector<16xi32> -> vector<16xf32>
          %mul3A_1818 = arith.constant 5.000000e-01 : f32
          %mul3A_1819 = vector.broadcast %mul3A_1818 : f32 to vector<16xf32>
          %mul3A_1820 = arith.mulf %mul3A_1819, %add3A_1809 : vector<16xf32>
          %mul3A_1821 = arith.mulf %mul3A_1820, %bitcast_convert_type3A_1817 : vector<16xf32>
          %mul3A_1822 = arith.mulf %mul3A_1821, %bitcast_convert_type3A_1817 : vector<16xf32>
          %sub3A_1823 = arith.constant 1.500000e+00 : f32
          %sub3A_1824 = vector.broadcast %sub3A_1823 : f32 to vector<16xf32>
          %sub3A_1825 = arith.subf %sub3A_1824, %mul3A_1822 : vector<16xf32>
          %mul3A_1826 = arith.mulf %bitcast_convert_type3A_1817, %sub3A_1825 : vector<16xf32>
          %mul3A_1827 = arith.constant 5.000000e-01 : f32
          %mul3A_1828 = vector.broadcast %mul3A_1827 : f32 to vector<16xf32>
          %mul3A_1829 = arith.mulf %mul3A_1828, %add3A_1809 : vector<16xf32>
          %mul3A_1830 = arith.mulf %mul3A_1829, %mul3A_1826 : vector<16xf32>
          %mul3A_1831 = arith.mulf %mul3A_1830, %mul3A_1826 : vector<16xf32>
          %sub3A_1832 = arith.constant 1.500000e+00 : f32
          %sub3A_1833 = vector.broadcast %sub3A_1832 : f32 to vector<16xf32>
          %sub3A_1834 = arith.subf %sub3A_1833, %mul3A_1831 : vector<16xf32>
          %mul3A_1835 = arith.mulf %mul3A_1826, %sub3A_1834 : vector<16xf32>
          %mul3A_1836 = arith.constant 5.000000e-01 : f32
          %mul3A_1837 = vector.broadcast %mul3A_1836 : f32 to vector<16xf32>
          %mul3A_1838 = arith.mulf %mul3A_1837, %add3A_1809 : vector<16xf32>
          %mul3A_1839 = arith.mulf %mul3A_1838, %mul3A_1835 : vector<16xf32>
          %mul3A_1840 = arith.mulf %mul3A_1839, %mul3A_1835 : vector<16xf32>
          %sub3A_1841 = arith.constant 1.500000e+00 : f32
          %sub3A_1842 = vector.broadcast %sub3A_1841 : f32 to vector<16xf32>
          %sub3A_1843 = arith.subf %sub3A_1842, %mul3A_1840 : vector<16xf32>
          %mul3A_1844 = arith.mulf %mul3A_1835, %sub3A_1843 : vector<16xf32>
          %mul3A_1845 = arith.mulf %add3A_1809, %mul3A_1844 : vector<16xf32>
          %sign3A_1846 = tpu.bitcast %sub3A_1801 : vector<16xf32> -> vector<16xi32>
          %sign3A_1847 = arith.constant -2147483648 : i32
          %sign3A_1848 = vector.broadcast %sign3A_1847 : i32 to vector<16xi32>
          %sign3A_1849 = arith.andi %sign3A_1846, %sign3A_1848 : vector<16xi32>
          %sign3A_1850 = arith.constant 1065353216 : i32
          %sign3A_1851 = vector.broadcast %sign3A_1850 : i32 to vector<16xi32>
          %sign3A_1852 = arith.ori %sign3A_1851, %sign3A_1849 : vector<16xi32>
          %sign3A_1853 = tpu.bitcast %sign3A_1852 : vector<16xi32> -> vector<16xf32>
          %sign3A_1854 = math.absf %sub3A_1801 : vector<16xf32>
          %sign3A_1855 = arith.constant 0.000000e+00 : f32
          %sign3A_1856 = vector.broadcast %sign3A_1855 : f32 to vector<16xf32>
          %sign3A_1857 = arith.cmpf ogt, %sign3A_1854, %sign3A_1856 : vector<16xf32>
          %sign3A_1858 = arith.select %sign3A_1857, %sign3A_1853, %sub3A_1801 : vector<16xi1>, vector<16xf32>
          %mul3A_1859 = arith.mulf %exp3A_1805, %sign3A_1858 : vector<16xf32>
          %mul3A_1860 = arith.mulf %mul3A_1859, %mul3A_1845 : vector<16xf32>
          %mul3A_1861 = arith.mulf %mul3A_1860, %mul3A_1799 : vector<16xf32>
          %mul3A_1862 = arith.mulf %mul3A_1861, %sub3A_1754 : vector<16xf32>
          %add3A_1863 = arith.addf %add3A_1741, %mul3A_1862 : vector<16xf32>
          %mul3A_1864 = arith.mulf %mul3A_1861, %sub3A_1755 : vector<16xf32>
          %add3A_1865 = arith.addf %add3A_1743, %mul3A_1864 : vector<16xf32>
          %mul3A_1866 = arith.mulf %mul3A_1861, %sub3A_1756 : vector<16xf32>
          %add3A_1867 = arith.addf %add3A_1745, %mul3A_1866 : vector<16xf32>
          %add3A_1868 = arith.constant 14 : i32
          %add3A_1869 = vector.broadcast %add3A_1868 : i32 to vector<16xi32>
          %add3A_1870 = arith.addi %mul3A_165, %add3A_1869 : vector<16xi32>
          %gather3A_1871 = tpu.vector_load_idx %arg14[%add3A_1870] : memref<4096xf32, #tpu.memory_space<vmem>>[vector<16xi32>], vector<16xf32>,
          %gather3A_1872 = tpu.vector_load_idx %arg16[%add3A_1870] : memref<4096xf32, #tpu.memory_space<vmem>>[vector<16xi32>], vector<16xf32>,
          %gather3A_1873 = tpu.vector_load_idx %arg18[%add3A_1870] : memref<4096xf32, #tpu.memory_space<vmem>>[vector<16xi32>], vector<16xf32>,
          %gather3A_1874 = tpu.vector_load_idx %arg28[%add3A_1870] : memref<4096xf32, #tpu.memory_space<vmem>>[vector<16xi32>], vector<16xf32>,
          %gather3A_1875 = tpu.vector_load_idx %arg30[%add3A_1870] : memref<4096xf32, #tpu.memory_space<vmem>>[vector<16xi32>], vector<16xf32>,
          %sub3A_1876 = arith.subf %gather3A_1871, %gather3A : vector<16xf32>
          %sub3A_1877 = arith.subf %gather3A_1872, %gather3A_143 : vector<16xf32>
          %sub3A_1878 = arith.subf %gather3A_1873, %gather3A_144 : vector<16xf32>
          %mul3A_1879 = arith.mulf %sub3A_1876, %sub3A_1876 : vector<16xf32>
          %mul3A_1880 = arith.mulf %sub3A_1877, %sub3A_1877 : vector<16xf32>
          %add3A_1881 = arith.addf %mul3A_1879, %mul3A_1880 : vector<16xf32>
          %mul3A_1882 = arith.mulf %sub3A_1878, %sub3A_1878 : vector<16xf32>
          %add3A_1883 = arith.addf %add3A_1881, %mul3A_1882 : vector<16xf32>
          %add3A_1884 = arith.constant 9.99999982E-15 : f32
          %add3A_1885 = vector.broadcast %add3A_1884 : f32 to vector<16xf32>
          %add3A_1886 = arith.addf %add3A_1883, %add3A_1885 : vector<16xf32>
          %bitcast_convert_type3A_1887 = tpu.bitcast %add3A_1886 : vector<16xf32> -> vector<16xi32>
          %shift_right_logical3A_1888 = arith.constant 1 : i32
          %shift_right_logical3A_1889 = vector.broadcast %shift_right_logical3A_1888 : i32 to vector<16xi32>
          %shift_right_logical3A_1890 = arith.shrui %bitcast_convert_type3A_1887, %shift_right_logical3A_1889 : vector<16xi32>
          %sub3A_1891 = arith.constant 1597463007 : i32
          %sub3A_1892 = vector.broadcast %sub3A_1891 : i32 to vector<16xi32>
          %sub3A_1893 = arith.subi %sub3A_1892, %shift_right_logical3A_1890 : vector<16xi32>
          %bitcast_convert_type3A_1894 = tpu.bitcast %sub3A_1893 : vector<16xi32> -> vector<16xf32>
          %mul3A_1895 = arith.constant 5.000000e-01 : f32
          %mul3A_1896 = vector.broadcast %mul3A_1895 : f32 to vector<16xf32>
          %mul3A_1897 = arith.mulf %mul3A_1896, %add3A_1886 : vector<16xf32>
          %mul3A_1898 = arith.mulf %mul3A_1897, %bitcast_convert_type3A_1894 : vector<16xf32>
          %mul3A_1899 = arith.mulf %mul3A_1898, %bitcast_convert_type3A_1894 : vector<16xf32>
          %sub3A_1900 = arith.constant 1.500000e+00 : f32
          %sub3A_1901 = vector.broadcast %sub3A_1900 : f32 to vector<16xf32>
          %sub3A_1902 = arith.subf %sub3A_1901, %mul3A_1899 : vector<16xf32>
          %mul3A_1903 = arith.mulf %bitcast_convert_type3A_1894, %sub3A_1902 : vector<16xf32>
          %mul3A_1904 = arith.constant 5.000000e-01 : f32
          %mul3A_1905 = vector.broadcast %mul3A_1904 : f32 to vector<16xf32>
          %mul3A_1906 = arith.mulf %mul3A_1905, %add3A_1886 : vector<16xf32>
          %mul3A_1907 = arith.mulf %mul3A_1906, %mul3A_1903 : vector<16xf32>
          %mul3A_1908 = arith.mulf %mul3A_1907, %mul3A_1903 : vector<16xf32>
          %sub3A_1909 = arith.constant 1.500000e+00 : f32
          %sub3A_1910 = vector.broadcast %sub3A_1909 : f32 to vector<16xf32>
          %sub3A_1911 = arith.subf %sub3A_1910, %mul3A_1908 : vector<16xf32>
          %mul3A_1912 = arith.mulf %mul3A_1903, %sub3A_1911 : vector<16xf32>
          %mul3A_1913 = arith.constant 5.000000e-01 : f32
          %mul3A_1914 = vector.broadcast %mul3A_1913 : f32 to vector<16xf32>
          %mul3A_1915 = arith.mulf %mul3A_1914, %add3A_1886 : vector<16xf32>
          %mul3A_1916 = arith.mulf %mul3A_1915, %mul3A_1912 : vector<16xf32>
          %mul3A_1917 = arith.mulf %mul3A_1916, %mul3A_1912 : vector<16xf32>
          %sub3A_1918 = arith.constant 1.500000e+00 : f32
          %sub3A_1919 = vector.broadcast %sub3A_1918 : f32 to vector<16xf32>
          %sub3A_1920 = arith.subf %sub3A_1919, %mul3A_1917 : vector<16xf32>
          %mul3A_1921 = arith.mulf %mul3A_1912, %sub3A_1920 : vector<16xf32>
          %mul3A_1922 = arith.mulf %add3A_1886, %mul3A_1921 : vector<16xf32>
          %sub3A_1923 = arith.subf %mul3A_1922, %gather3A_1874 : vector<16xf32>
          %mul3A_1924 = arith.constant 2.30258512 : f32
          %mul3A_1925 = vector.broadcast %mul3A_1924 : f32 to vector<16xf32>
          %mul3A_1926 = arith.mulf %mul3A_1925, %gather3A_1875 : vector<16xf32>
          %exp3A_1927 = math.exp %mul3A_1926 : vector<16xf32>
          %abs3A_1928 = math.absf %sub3A_1923 : vector<16xf32>
          %add3A_1929 = arith.constant 9.99999982E-15 : f32
          %add3A_1930 = vector.broadcast %add3A_1929 : f32 to vector<16xf32>
          %add3A_1931 = arith.addf %abs3A_1928, %add3A_1930 : vector<16xf32>
          %bitcast_convert_type3A_1932 = tpu.bitcast %add3A_1931 : vector<16xf32> -> vector<16xi32>
          %shift_right_logical3A_1933 = arith.constant 1 : i32
          %shift_right_logical3A_1934 = vector.broadcast %shift_right_logical3A_1933 : i32 to vector<16xi32>
          %shift_right_logical3A_1935 = arith.shrui %bitcast_convert_type3A_1932, %shift_right_logical3A_1934 : vector<16xi32>
          %sub3A_1936 = arith.constant 1597463007 : i32
          %sub3A_1937 = vector.broadcast %sub3A_1936 : i32 to vector<16xi32>
          %sub3A_1938 = arith.subi %sub3A_1937, %shift_right_logical3A_1935 : vector<16xi32>
          %bitcast_convert_type3A_1939 = tpu.bitcast %sub3A_1938 : vector<16xi32> -> vector<16xf32>
          %mul3A_1940 = arith.constant 5.000000e-01 : f32
          %mul3A_1941 = vector.broadcast %mul3A_1940 : f32 to vector<16xf32>
          %mul3A_1942 = arith.mulf %mul3A_1941, %add3A_1931 : vector<16xf32>
          %mul3A_1943 = arith.mulf %mul3A_1942, %bitcast_convert_type3A_1939 : vector<16xf32>
          %mul3A_1944 = arith.mulf %mul3A_1943, %bitcast_convert_type3A_1939 : vector<16xf32>
          %sub3A_1945 = arith.constant 1.500000e+00 : f32
          %sub3A_1946 = vector.broadcast %sub3A_1945 : f32 to vector<16xf32>
          %sub3A_1947 = arith.subf %sub3A_1946, %mul3A_1944 : vector<16xf32>
          %mul3A_1948 = arith.mulf %bitcast_convert_type3A_1939, %sub3A_1947 : vector<16xf32>
          %mul3A_1949 = arith.constant 5.000000e-01 : f32
          %mul3A_1950 = vector.broadcast %mul3A_1949 : f32 to vector<16xf32>
          %mul3A_1951 = arith.mulf %mul3A_1950, %add3A_1931 : vector<16xf32>
          %mul3A_1952 = arith.mulf %mul3A_1951, %mul3A_1948 : vector<16xf32>
          %mul3A_1953 = arith.mulf %mul3A_1952, %mul3A_1948 : vector<16xf32>
          %sub3A_1954 = arith.constant 1.500000e+00 : f32
          %sub3A_1955 = vector.broadcast %sub3A_1954 : f32 to vector<16xf32>
          %sub3A_1956 = arith.subf %sub3A_1955, %mul3A_1953 : vector<16xf32>
          %mul3A_1957 = arith.mulf %mul3A_1948, %sub3A_1956 : vector<16xf32>
          %mul3A_1958 = arith.constant 5.000000e-01 : f32
          %mul3A_1959 = vector.broadcast %mul3A_1958 : f32 to vector<16xf32>
          %mul3A_1960 = arith.mulf %mul3A_1959, %add3A_1931 : vector<16xf32>
          %mul3A_1961 = arith.mulf %mul3A_1960, %mul3A_1957 : vector<16xf32>
          %mul3A_1962 = arith.mulf %mul3A_1961, %mul3A_1957 : vector<16xf32>
          %sub3A_1963 = arith.constant 1.500000e+00 : f32
          %sub3A_1964 = vector.broadcast %sub3A_1963 : f32 to vector<16xf32>
          %sub3A_1965 = arith.subf %sub3A_1964, %mul3A_1962 : vector<16xf32>
          %mul3A_1966 = arith.mulf %mul3A_1957, %sub3A_1965 : vector<16xf32>
          %mul3A_1967 = arith.mulf %add3A_1931, %mul3A_1966 : vector<16xf32>
          %sign3A_1968 = tpu.bitcast %sub3A_1923 : vector<16xf32> -> vector<16xi32>
          %sign3A_1969 = arith.constant -2147483648 : i32
          %sign3A_1970 = vector.broadcast %sign3A_1969 : i32 to vector<16xi32>
          %sign3A_1971 = arith.andi %sign3A_1968, %sign3A_1970 : vector<16xi32>
          %sign3A_1972 = arith.constant 1065353216 : i32
          %sign3A_1973 = vector.broadcast %sign3A_1972 : i32 to vector<16xi32>
          %sign3A_1974 = arith.ori %sign3A_1973, %sign3A_1971 : vector<16xi32>
          %sign3A_1975 = tpu.bitcast %sign3A_1974 : vector<16xi32> -> vector<16xf32>
          %sign3A_1976 = math.absf %sub3A_1923 : vector<16xf32>
          %sign3A_1977 = arith.constant 0.000000e+00 : f32
          %sign3A_1978 = vector.broadcast %sign3A_1977 : f32 to vector<16xf32>
          %sign3A_1979 = arith.cmpf ogt, %sign3A_1976, %sign3A_1978 : vector<16xf32>
          %sign3A_1980 = arith.select %sign3A_1979, %sign3A_1975, %sub3A_1923 : vector<16xi1>, vector<16xf32>
          %mul3A_1981 = arith.mulf %exp3A_1927, %sign3A_1980 : vector<16xf32>
          %mul3A_1982 = arith.mulf %mul3A_1981, %mul3A_1967 : vector<16xf32>
          %mul3A_1983 = arith.mulf %mul3A_1982, %mul3A_1921 : vector<16xf32>
          %mul3A_1984 = arith.mulf %mul3A_1983, %sub3A_1876 : vector<16xf32>
          %add3A_1985 = arith.addf %add3A_1863, %mul3A_1984 : vector<16xf32>
          %mul3A_1986 = arith.mulf %mul3A_1983, %sub3A_1877 : vector<16xf32>
          %add3A_1987 = arith.addf %add3A_1865, %mul3A_1986 : vector<16xf32>
          %mul3A_1988 = arith.mulf %mul3A_1983, %sub3A_1878 : vector<16xf32>
          %add3A_1989 = arith.addf %add3A_1867, %mul3A_1988 : vector<16xf32>
          %add3A_1990 = arith.constant 15 : i32
          %add3A_1991 = vector.broadcast %add3A_1990 : i32 to vector<16xi32>
          %add3A_1992 = arith.addi %mul3A_165, %add3A_1991 : vector<16xi32>
          %gather3A_1993 = tpu.vector_load_idx %arg14[%add3A_1992] : memref<4096xf32, #tpu.memory_space<vmem>>[vector<16xi32>], vector<16xf32>,
          %gather3A_1994 = tpu.vector_load_idx %arg16[%add3A_1992] : memref<4096xf32, #tpu.memory_space<vmem>>[vector<16xi32>], vector<16xf32>,
          %gather3A_1995 = tpu.vector_load_idx %arg18[%add3A_1992] : memref<4096xf32, #tpu.memory_space<vmem>>[vector<16xi32>], vector<16xf32>,
          %gather3A_1996 = tpu.vector_load_idx %arg28[%add3A_1992] : memref<4096xf32, #tpu.memory_space<vmem>>[vector<16xi32>], vector<16xf32>,
          %gather3A_1997 = tpu.vector_load_idx %arg30[%add3A_1992] : memref<4096xf32, #tpu.memory_space<vmem>>[vector<16xi32>], vector<16xf32>,
          %sub3A_1998 = arith.subf %gather3A_1993, %gather3A : vector<16xf32>
          %sub3A_1999 = arith.subf %gather3A_1994, %gather3A_143 : vector<16xf32>
          %sub3A_2000 = arith.subf %gather3A_1995, %gather3A_144 : vector<16xf32>
          %mul3A_2001 = arith.mulf %sub3A_1998, %sub3A_1998 : vector<16xf32>
          %mul3A_2002 = arith.mulf %sub3A_1999, %sub3A_1999 : vector<16xf32>
          %add3A_2003 = arith.addf %mul3A_2001, %mul3A_2002 : vector<16xf32>
          %mul3A_2004 = arith.mulf %sub3A_2000, %sub3A_2000 : vector<16xf32>
          %add3A_2005 = arith.addf %add3A_2003, %mul3A_2004 : vector<16xf32>
          %add3A_2006 = arith.constant 9.99999982E-15 : f32
          %add3A_2007 = vector.broadcast %add3A_2006 : f32 to vector<16xf32>
          %add3A_2008 = arith.addf %add3A_2005, %add3A_2007 : vector<16xf32>
          %bitcast_convert_type3A_2009 = tpu.bitcast %add3A_2008 : vector<16xf32> -> vector<16xi32>
          %shift_right_logical3A_2010 = arith.constant 1 : i32
          %shift_right_logical3A_2011 = vector.broadcast %shift_right_logical3A_2010 : i32 to vector<16xi32>
          %shift_right_logical3A_2012 = arith.shrui %bitcast_convert_type3A_2009, %shift_right_logical3A_2011 : vector<16xi32>
          %sub3A_2013 = arith.constant 1597463007 : i32
          %sub3A_2014 = vector.broadcast %sub3A_2013 : i32 to vector<16xi32>
          %sub3A_2015 = arith.subi %sub3A_2014, %shift_right_logical3A_2012 : vector<16xi32>
          %bitcast_convert_type3A_2016 = tpu.bitcast %sub3A_2015 : vector<16xi32> -> vector<16xf32>
          %mul3A_2017 = arith.constant 5.000000e-01 : f32
          %mul3A_2018 = vector.broadcast %mul3A_2017 : f32 to vector<16xf32>
          %mul3A_2019 = arith.mulf %mul3A_2018, %add3A_2008 : vector<16xf32>
          %mul3A_2020 = arith.mulf %mul3A_2019, %bitcast_convert_type3A_2016 : vector<16xf32>
          %mul3A_2021 = arith.mulf %mul3A_2020, %bitcast_convert_type3A_2016 : vector<16xf32>
          %sub3A_2022 = arith.constant 1.500000e+00 : f32
          %sub3A_2023 = vector.broadcast %sub3A_2022 : f32 to vector<16xf32>
          %sub3A_2024 = arith.subf %sub3A_2023, %mul3A_2021 : vector<16xf32>
          %mul3A_2025 = arith.mulf %bitcast_convert_type3A_2016, %sub3A_2024 : vector<16xf32>
          %mul3A_2026 = arith.constant 5.000000e-01 : f32
          %mul3A_2027 = vector.broadcast %mul3A_2026 : f32 to vector<16xf32>
          %mul3A_2028 = arith.mulf %mul3A_2027, %add3A_2008 : vector<16xf32>
          %mul3A_2029 = arith.mulf %mul3A_2028, %mul3A_2025 : vector<16xf32>
          %mul3A_2030 = arith.mulf %mul3A_2029, %mul3A_2025 : vector<16xf32>
          %sub3A_2031 = arith.constant 1.500000e+00 : f32
          %sub3A_2032 = vector.broadcast %sub3A_2031 : f32 to vector<16xf32>
          %sub3A_2033 = arith.subf %sub3A_2032, %mul3A_2030 : vector<16xf32>
          %mul3A_2034 = arith.mulf %mul3A_2025, %sub3A_2033 : vector<16xf32>
          %mul3A_2035 = arith.constant 5.000000e-01 : f32
          %mul3A_2036 = vector.broadcast %mul3A_2035 : f32 to vector<16xf32>
          %mul3A_2037 = arith.mulf %mul3A_2036, %add3A_2008 : vector<16xf32>
          %mul3A_2038 = arith.mulf %mul3A_2037, %mul3A_2034 : vector<16xf32>
          %mul3A_2039 = arith.mulf %mul3A_2038, %mul3A_2034 : vector<16xf32>
          %sub3A_2040 = arith.constant 1.500000e+00 : f32
          %sub3A_2041 = vector.broadcast %sub3A_2040 : f32 to vector<16xf32>
          %sub3A_2042 = arith.subf %sub3A_2041, %mul3A_2039 : vector<16xf32>
          %mul3A_2043 = arith.mulf %mul3A_2034, %sub3A_2042 : vector<16xf32>
          %mul3A_2044 = arith.mulf %add3A_2008, %mul3A_2043 : vector<16xf32>
          %sub3A_2045 = arith.subf %mul3A_2044, %gather3A_1996 : vector<16xf32>
          %mul3A_2046 = arith.constant 2.30258512 : f32
          %mul3A_2047 = vector.broadcast %mul3A_2046 : f32 to vector<16xf32>
          %mul3A_2048 = arith.mulf %mul3A_2047, %gather3A_1997 : vector<16xf32>
          %exp3A_2049 = math.exp %mul3A_2048 : vector<16xf32>
          %abs3A_2050 = math.absf %sub3A_2045 : vector<16xf32>
          %add3A_2051 = arith.constant 9.99999982E-15 : f32
          %add3A_2052 = vector.broadcast %add3A_2051 : f32 to vector<16xf32>
          %add3A_2053 = arith.addf %abs3A_2050, %add3A_2052 : vector<16xf32>
          %bitcast_convert_type3A_2054 = tpu.bitcast %add3A_2053 : vector<16xf32> -> vector<16xi32>
          %shift_right_logical3A_2055 = arith.constant 1 : i32
          %shift_right_logical3A_2056 = vector.broadcast %shift_right_logical3A_2055 : i32 to vector<16xi32>
          %shift_right_logical3A_2057 = arith.shrui %bitcast_convert_type3A_2054, %shift_right_logical3A_2056 : vector<16xi32>
          %sub3A_2058 = arith.constant 1597463007 : i32
          %sub3A_2059 = vector.broadcast %sub3A_2058 : i32 to vector<16xi32>
          %sub3A_2060 = arith.subi %sub3A_2059, %shift_right_logical3A_2057 : vector<16xi32>
          %bitcast_convert_type3A_2061 = tpu.bitcast %sub3A_2060 : vector<16xi32> -> vector<16xf32>
          %mul3A_2062 = arith.constant 5.000000e-01 : f32
          %mul3A_2063 = vector.broadcast %mul3A_2062 : f32 to vector<16xf32>
          %mul3A_2064 = arith.mulf %mul3A_2063, %add3A_2053 : vector<16xf32>
          %mul3A_2065 = arith.mulf %mul3A_2064, %bitcast_convert_type3A_2061 : vector<16xf32>
          %mul3A_2066 = arith.mulf %mul3A_2065, %bitcast_convert_type3A_2061 : vector<16xf32>
          %sub3A_2067 = arith.constant 1.500000e+00 : f32
          %sub3A_2068 = vector.broadcast %sub3A_2067 : f32 to vector<16xf32>
          %sub3A_2069 = arith.subf %sub3A_2068, %mul3A_2066 : vector<16xf32>
          %mul3A_2070 = arith.mulf %bitcast_convert_type3A_2061, %sub3A_2069 : vector<16xf32>
          %mul3A_2071 = arith.constant 5.000000e-01 : f32
          %mul3A_2072 = vector.broadcast %mul3A_2071 : f32 to vector<16xf32>
          %mul3A_2073 = arith.mulf %mul3A_2072, %add3A_2053 : vector<16xf32>
          %mul3A_2074 = arith.mulf %mul3A_2073, %mul3A_2070 : vector<16xf32>
          %mul3A_2075 = arith.mulf %mul3A_2074, %mul3A_2070 : vector<16xf32>
          %sub3A_2076 = arith.constant 1.500000e+00 : f32
          %sub3A_2077 = vector.broadcast %sub3A_2076 : f32 to vector<16xf32>
          %sub3A_2078 = arith.subf %sub3A_2077, %mul3A_2075 : vector<16xf32>
          %mul3A_2079 = arith.mulf %mul3A_2070, %sub3A_2078 : vector<16xf32>
          %mul3A_2080 = arith.constant 5.000000e-01 : f32
          %mul3A_2081 = vector.broadcast %mul3A_2080 : f32 to vector<16xf32>
          %mul3A_2082 = arith.mulf %mul3A_2081, %add3A_2053 : vector<16xf32>
          %mul3A_2083 = arith.mulf %mul3A_2082, %mul3A_2079 : vector<16xf32>
          %mul3A_2084 = arith.mulf %mul3A_2083, %mul3A_2079 : vector<16xf32>
          %sub3A_2085 = arith.constant 1.500000e+00 : f32
          %sub3A_2086 = vector.broadcast %sub3A_2085 : f32 to vector<16xf32>
          %sub3A_2087 = arith.subf %sub3A_2086, %mul3A_2084 : vector<16xf32>
          %mul3A_2088 = arith.mulf %mul3A_2079, %sub3A_2087 : vector<16xf32>
          %mul3A_2089 = arith.mulf %add3A_2053, %mul3A_2088 : vector<16xf32>
          %sign3A_2090 = tpu.bitcast %sub3A_2045 : vector<16xf32> -> vector<16xi32>
          %sign3A_2091 = arith.constant -2147483648 : i32
          %sign3A_2092 = vector.broadcast %sign3A_2091 : i32 to vector<16xi32>
          %sign3A_2093 = arith.andi %sign3A_2090, %sign3A_2092 : vector<16xi32>
          %sign3A_2094 = arith.constant 1065353216 : i32
          %sign3A_2095 = vector.broadcast %sign3A_2094 : i32 to vector<16xi32>
          %sign3A_2096 = arith.ori %sign3A_2095, %sign3A_2093 : vector<16xi32>
          %sign3A_2097 = tpu.bitcast %sign3A_2096 : vector<16xi32> -> vector<16xf32>
          %sign3A_2098 = math.absf %sub3A_2045 : vector<16xf32>
          %sign3A_2099 = arith.constant 0.000000e+00 : f32
          %sign3A_2100 = vector.broadcast %sign3A_2099 : f32 to vector<16xf32>
          %sign3A_2101 = arith.cmpf ogt, %sign3A_2098, %sign3A_2100 : vector<16xf32>
          %sign3A_2102 = arith.select %sign3A_2101, %sign3A_2097, %sub3A_2045 : vector<16xi1>, vector<16xf32>
          %mul3A_2103 = arith.mulf %exp3A_2049, %sign3A_2102 : vector<16xf32>
          %mul3A_2104 = arith.mulf %mul3A_2103, %mul3A_2089 : vector<16xf32>
          %mul3A_2105 = arith.mulf %mul3A_2104, %mul3A_2043 : vector<16xf32>
          %mul3A_2106 = arith.mulf %mul3A_2105, %sub3A_1998 : vector<16xf32>
          %add3A_2107 = arith.addf %add3A_1985, %mul3A_2106 : vector<16xf32>
          %mul3A_2108 = arith.mulf %mul3A_2105, %sub3A_1999 : vector<16xf32>
          %add3A_2109 = arith.addf %add3A_1987, %mul3A_2108 : vector<16xf32>
          %mul3A_2110 = arith.mulf %mul3A_2105, %sub3A_2000 : vector<16xf32>
          %add3A_2111 = arith.addf %add3A_1989, %mul3A_2110 : vector<16xf32>
          %mul3A_2112 = arith.constant -2.30258512 : f32
          %mul3A_2113 = vector.broadcast %mul3A_2112 : f32 to vector<16xf32>
          %mul3A_2114 = arith.mulf %mul3A_2113, %gather3A_157 : vector<16xf32>
          %exp3A_2115 = math.exp %mul3A_2114 : vector<16xf32>
          %mul3A_2116 = arith.mulf %add3A_2107, %exp3A_2115 : vector<16xf32>
          %mul3A_2117 = arith.constant 0.00999999977 : f32
          %mul3A_2118 = vector.broadcast %mul3A_2117 : f32 to vector<16xf32>
          %mul3A_2119 = arith.mulf %mul3A_2116, %mul3A_2118 : vector<16xf32>
          %add3A_2120 = arith.addf %gather3A_148, %mul3A_2119 : vector<16xf32>
          %mul3A_2121 = arith.mulf %add3A_2109, %exp3A_2115 : vector<16xf32>
          %add3A_2122 = arith.constant -9.800000e+00 : f32
          %add3A_2123 = vector.broadcast %add3A_2122 : f32 to vector<16xf32>
          %add3A_2124 = arith.addf %mul3A_2121, %add3A_2123 : vector<16xf32>
          %mul3A_2125 = arith.constant 0.00999999977 : f32
          %mul3A_2126 = vector.broadcast %mul3A_2125 : f32 to vector<16xf32>
          %mul3A_2127 = arith.mulf %add3A_2124, %mul3A_2126 : vector<16xf32>
          %add3A_2128 = arith.addf %gather3A_152, %mul3A_2127 : vector<16xf32>
          %mul3A_2129 = arith.mulf %add3A_2111, %exp3A_2115 : vector<16xf32>
          %mul3A_2130 = arith.constant 0.00999999977 : f32
          %mul3A_2131 = vector.broadcast %mul3A_2130 : f32 to vector<16xf32>
          %mul3A_2132 = arith.mulf %mul3A_2129, %mul3A_2131 : vector<16xf32>
          %add3A_2133 = arith.addf %gather3A_156, %mul3A_2132 : vector<16xf32>
          %mul3A_2134 = arith.constant 0.00999999977 : f32
          %mul3A_2135 = vector.broadcast %mul3A_2134 : f32 to vector<16xf32>
          %mul3A_2136 = arith.mulf %add3A_2120, %mul3A_2135 : vector<16xf32>
          %add3A_2137 = arith.addf %gather3A, %mul3A_2136 : vector<16xf32>
          %mul3A_2138 = arith.constant 0.00999999977 : f32
          %mul3A_2139 = vector.broadcast %mul3A_2138 : f32 to vector<16xf32>
          %mul3A_2140 = arith.mulf %add3A_2128, %mul3A_2139 : vector<16xf32>
          %add3A_2141 = arith.addf %gather3A_143, %mul3A_2140 : vector<16xf32>
          %mul3A_2142 = arith.constant 0.00999999977 : f32
          %mul3A_2143 = vector.broadcast %mul3A_2142 : f32 to vector<16xf32>
          %mul3A_2144 = arith.mulf %add3A_2133, %mul3A_2143 : vector<16xf32>
          %add3A_2145 = arith.addf %gather3A_144, %mul3A_2144 : vector<16xf32>
          %lt3A_2146 = arith.constant -2.000000e+00 : f32
          %lt3A_2147 = vector.broadcast %lt3A_2146 : f32 to vector<16xf32>
          %lt3A_2148 = arith.cmpf olt, %add3A_2141, %lt3A_2147 : vector<16xf32>
          %jit3A_2149 = arith.constant -2.000000e+00 : f32
          %broadcast_in_dim3A_2150 = vector.broadcast %jit3A_2149 : f32 to vector<16xf32>
          %select_n3A_2151 = arith.select %lt3A_2148, %broadcast_in_dim3A_2150, %add3A_2141 : vector<16xi1>, vector<16xf32>
          %neg3A = arith.constant 0.000000e+00 : f32
          %neg3A_2152 = vector.broadcast %neg3A : f32 to vector<16xf32>
          %neg3A_2153 = arith.subf %neg3A_2152, %add3A_2128 : vector<16xf32>
          %mul3A_2154 = arith.constant 1.000000e-01 : f32
          %mul3A_2155 = vector.broadcast %mul3A_2154 : f32 to vector<16xf32>
          %mul3A_2156 = arith.mulf %neg3A_2153, %mul3A_2155 : vector<16xf32>
          %select_n3A_2157 = arith.select %lt3A_2148, %mul3A_2156, %add3A_2128 : vector<16xi1>, vector<16xf32>
          %mul3A_2158 = arith.constant 6 : i32
          %mul3A_2159 = vector.broadcast %mul3A_2158 : i32 to vector<16xi32>
          %mul3A_2160 = arith.muli %add3A_142, %mul3A_2159 : vector<16xi32>
          tpu.vector_store_idx %arg34[%mul3A_2160], %add3A_2137 : memref<1536xf32, #tpu.memory_space<vmem>>[vector<16xi32>], vector<16xf32>,
          %add3A_2161 = arith.constant 1 : i32
          %add3A_2162 = vector.broadcast %add3A_2161 : i32 to vector<16xi32>
          %add3A_2163 = arith.addi %mul3A_2160, %add3A_2162 : vector<16xi32>
          tpu.vector_store_idx %arg34[%add3A_2163], %select_n3A_2151 : memref<1536xf32, #tpu.memory_space<vmem>>[vector<16xi32>], vector<16xf32>,
          %add3A_2164 = arith.constant 2 : i32
          %add3A_2165 = vector.broadcast %add3A_2164 : i32 to vector<16xi32>
          %add3A_2166 = arith.addi %mul3A_2160, %add3A_2165 : vector<16xi32>
          tpu.vector_store_idx %arg34[%add3A_2166], %add3A_2145 : memref<1536xf32, #tpu.memory_space<vmem>>[vector<16xi32>], vector<16xf32>,
          %add3A_2167 = arith.constant 3 : i32
          %add3A_2168 = vector.broadcast %add3A_2167 : i32 to vector<16xi32>
          %add3A_2169 = arith.addi %mul3A_2160, %add3A_2168 : vector<16xi32>
          tpu.vector_store_idx %arg34[%add3A_2169], %add3A_2120 : memref<1536xf32, #tpu.memory_space<vmem>>[vector<16xi32>], vector<16xf32>,
          %add3A_2170 = arith.constant 4 : i32
          %add3A_2171 = vector.broadcast %add3A_2170 : i32 to vector<16xi32>
          %add3A_2172 = arith.addi %mul3A_2160, %add3A_2171 : vector<16xi32>
          tpu.vector_store_idx %arg34[%add3A_2172], %select_n3A_2157 : memref<1536xf32, #tpu.memory_space<vmem>>[vector<16xi32>], vector<16xf32>,
          %add3A_2173 = arith.constant 5 : i32
          %add3A_2174 = vector.broadcast %add3A_2173 : i32 to vector<16xi32>
          %add3A_2175 = arith.addi %mul3A_2160, %add3A_2174 : vector<16xi32>
          tpu.vector_store_idx %arg34[%add3A_2175], %add3A_2133 : memref<1536xf32, #tpu.memory_space<vmem>>[vector<16xi32>], vector<16xf32>,
        }
        %scan3A_133 = arith.constant 16 : i32
        %mul3A_134 = arith.constant 6 : i32
        %mul3A_135 = arith.muli %multiple_of3A_97, %mul3A_134 : i32
        %dma_start3A_136 = tpu.memref_slice %arg10[%mul3A_135] : memref<600000xf32, #tpu.memory_space<hbm>> -> memref<1536xf32, #tpu.memory_space<hbm>>
        %dma_start3A_137 = tpu.memref_slice %arg10[%mul3A_135] : memref<600000xf32, #tpu.memory_space<hbm>> -> memref<1536xf32, #tpu.memory_space<hbm>>
        tpu.enqueue_dma source(%arg34 : memref<1536xf32, #tpu.memory_space<vmem>>) target(%dma_start3A_137 : memref<1536xf32, #tpu.memory_space<hbm>>) target_semaphore(%arg42 : memref<!tpu.dma_semaphore, #tpu.memory_space<semaphore_mem>>)
      } else {
      }
    }
    %scan3A_50 = arith.constant 7 : i32
    %dma_wait3A_51 = arith.constant 0 : i32
    %dma_wait3A_52 = tpu.memref_slice %arg10[%dma_wait3A_51] : memref<600000xf32, #tpu.memory_space<hbm>> -> memref<1536xf32, #tpu.memory_space<hbm>>
    %dma_wait3A_53 = arith.constant 0 : i32
    %dma_wait3A_54 = tpu.memref_slice %arg10[%dma_wait3A_53] : memref<600000xf32, #tpu.memory_space<hbm>> -> memref<1536xf32, #tpu.memory_space<hbm>>
    tpu.wait_dma2 semaphore(%arg41 : memref<!tpu.dma_semaphore, #tpu.memory_space<semaphore_mem>>) src(%arg33 : memref<1536xf32, #tpu.memory_space<vmem>>) dst(%dma_wait3A_54 : memref<1536xf32, #tpu.memory_space<hbm>>)
    %dma_wait3A_55 = arith.constant 0 : i32
    %dma_wait3A_56 = tpu.memref_slice %arg10[%dma_wait3A_55] : memref<600000xf32, #tpu.memory_space<hbm>> -> memref<1536xf32, #tpu.memory_space<hbm>>
    %dma_wait3A_57 = arith.constant 0 : i32
    %dma_wait3A_58 = tpu.memref_slice %arg10[%dma_wait3A_57] : memref<600000xf32, #tpu.memory_space<hbm>> -> memref<1536xf32, #tpu.memory_space<hbm>>
    tpu.wait_dma2 semaphore(%arg42 : memref<!tpu.dma_semaphore, #tpu.memory_space<semaphore_mem>>) src(%arg34 : memref<1536xf32, #tpu.memory_space<vmem>>) dst(%dma_wait3A_58 : memref<1536xf32, #tpu.memory_space<hbm>>)
    return
  }
}

</mosaic_0001>

<sc_bundles>
// kernel: kernel.3.cloned.1.call-start
scs
__scs_entry_jumppad:
0x0: {  	(pc) =	sbr.rel $0x88, $3  }
0x1: {  	(tag) =	ssettag $0x0;
	lr =	simm.s32 $0x1  }
0x2: {  	[smem:$0x3F9B] =	sst lr;
	_ =	strace $0xD0000000  }
0x3: {  	_ = 	snop  }
0x4: {  	_ = 	snop  }
0x5: {  	_ = 	snop  }
0x6: {  	_ = 	snop  }
0x7: {  	_ = 	snop  }
__scs_overlays_trampoline_lowered:
0x8: {  	[smem:$0x3FAA] =	sst s0  }
0x9: {  	[smem:$0x3FAB] =	sst s1  }
0xa: {  	[smem:$0x3FAC] =	sst s2  }
0xb: {  	[smem:$0x3FAD] =	sst s3  }
0xc: {  	[smem:$0x3FAE] =	sst s4  }
0xd: {  	[smem:$0x3FAF] =	sst s5  }
0xe: {  	[smem:$0x3FB0] =	sst s6  }
0xf: {  	[smem:$0x3FB1] =	sst s7  }
0x10: {  	[smem:$0x3FB2] =	sst s8  }
0x11: {  	[smem:$0x3FB3] =	sst s9;
	s0 =	simm.s32 @!p0 $0x0  }
0x12: {  	s1 =	sld [smem:$0x3F99];
	s0 =	simm.s32 @p0 $0x1  }
0x13: {  	[smem:$0x3FB4] =	sst s0;
	s0 =	simm.s32 @!p1 $0x0  }
0x14: {  	s2 =	sld [smem:$0x3F98];
	s0 =	simm.s32 @p1 $0x1  }
0x15: {  	[smem:$0x3FB5] =	sst s0;
	s0 =	simm.s32 @!p2 $0x0  }
0x16: {  	s3 =	sld [smem:$0x3FDB];
	s0 =	simm.s32 @p2 $0x1  }
0x17: {  	s4 =	simm.s32 $0x1BF5;
	[smem:$0x3FB7] =	sst s0  }
0x18: {  	s0 =	sld [smem:$0x3F9A];
	_ =	swait.ge [sflag:s4], $0x0  }
0x19: {  	s7 =	sld [smem:$0x3F9B]  }
0x1a: {  	s8 =	sadd.s32 $0xFFFFE003, lr  }
0x1b: {  	s9 =	sadd.s32 $0xFFFFFEF7, lr;
	s5 =	simm.s32 $0xFFFFFFFF;
	p2 =	slt.u32 s8, $0xFFFFF086  }
0x1c: {  	p1 =	slt.u32 s9, $0xF7A;
	s5 =	simm.s32 @!p2 $0x0  }
0x1d: {  	s5 =	simm.s32 @p1 $0x1;
	p0 =	seq.s32 s7, s2  }
0x1e: {  	s7 =	smul.u32 @!p0 $0xF7A, s2;
	p2 =	seq.s32 @!p0 s5, $0x0  }
0x1f: {  	s9 =	smul.u32 $0xF7A, s1;
	s8 =	simm.s32 @!p0 $0x1BF5;
	p2 =	por !p2, p0  }
0x20: {  	[sflag:s8] =	ssyncset.s32 @!p0 $0xFFFFF086;
	s6 =	sadd.s32 @!p0 s3, s7;
	s7 =	simm.s32 @!p0 $0x108  }
0x21: {  	s3 =	sadd.s32 s3, s9;
	s6 =	sadd.s32 @!p0 $0x88, s6;
	s7 =	simm.s32 @p2 $0x1082  }
0x22: {  	[simem:s7], [sflag:s8] =	dma.local @!p0 [hbm:s6], $0xF7A  }
0x23: {  	s9 =	sor.u32 $0xD0000000, s2;
	s6 =	simm.s32 $0x108;
	_ =	swait.ge @!p0 [sflag:s8], $0x0  }
0x24: {  	s3 =	sadd.s32 $0x88, s3;
	s6 =	simm.s32 @!p1 $0x1082;
	[sflag:s4] =	ssyncset.s32 $0xFFFFF086  }
0x25: {  	[simem:s6], [sflag:s4] =	dma.local [hbm:s3], $0xF7A  }
0x26: {  	[smem:$0x3F9B] =	sst s1;
	(tag) =	ssettag s2;
	_ =	strace s9  }
0x27: {  	s1 =	sld [smem:$0x3FAB]  }
0x28: {  	s2 =	sld [smem:$0x3FAC]  }
0x29: {  	s4 =	sld [smem:$0x3FAE]  }
0x2a: {  	p0 =	seq.s32 s5, $0x0;
	s5 =	sld [smem:$0x3FAF]  }
0x2b: {  	s6 =	sld [smem:$0x3FB0]  }
0x2c: {  	s7 =	sld [smem:$0x3FB1]  }
0x2d: {  	s3 =	simm.s32 $0x108;
	s8 =	sld [smem:$0x3FB2]  }
0x2e: {  	s3 =	simm.s32 @!p0 $0x1082;
	s9 =	sld [smem:$0x3FB3]  }
0x2f: {  	lr =	sadd.s32 s0, s3;
	s0 =	sld [smem:$0x3FAA]  }
0x30: {  	s3 =	sld [smem:$0x3FAD]  }
0x31: {  	[smem:$0x3FB6] =	sst s10  }
0x32: {  	s10 =	sld [smem:$0x3FB4];
	_ =	sdelay $0x3  }
0x33: {  	p0 =	seq.s32 s10, $0x1;
	s10 =	sld [smem:$0x3FB6];
	_ =	sdelay $0x3  }
0x34: {  	[smem:$0x3FB6] =	sst s10  }
0x35: {  	s10 =	sld [smem:$0x3FB5];
	_ =	sdelay $0x3  }
0x36: {  	p1 =	seq.s32 s10, $0x1;
	s10 =	sld [smem:$0x3FB6];
	_ =	sdelay $0x3  }
0x37: {  	[smem:$0x3FB6] =	sst s10  }
0x38: {  	s10 =	sld [smem:$0x3FB7]  }
0x39: {  	_ = 	snop;
	(pc) =	sbr.ind lr, $3  }
0x3a: {  	_ = 	snop  }
0x3b: {  	_ = 	snop  }
0x3c: {  	p2 =	seq.s32 s10, $0x1;
	s10 =	sld [smem:$0x3FB6]  }
0x3d: {  	_ =	shalt  }
0x3e: {  	_ =	shalt  }
0x3f: {  	_ =	shalt  }
0x40: {  	_ =	shalt  }
0x41: {  	_ =	shalt  }
0x42: {  	_ =	shalt  }
0x43: {  	_ =	shalt  }
0x44: {  	_ =	shalt  }
0x45: {  	_ =	shalt  }
0x46: {  	_ =	shalt  }
0x47: {  	_ =	shalt  }
0x48: {  	_ =	shalt  }
0x49: {  	_ =	shalt  }
0x4a: {  	_ =	shalt  }
0x4b: {  	_ =	shalt  }
0x4c: {  	_ =	shalt  }
0x4d: {  	_ =	shalt  }
0x4e: {  	_ =	shalt  }
0x4f: {  	_ =	shalt  }
0x50: {  	_ =	shalt  }
0x51: {  	_ =	shalt  }
0x52: {  	_ =	shalt  }
0x53: {  	_ =	shalt  }
0x54: {  	_ =	shalt  }
0x55: {  	_ =	shalt  }
0x56: {  	_ =	shalt  }
0x57: {  	_ =	shalt  }
0x58: {  	_ =	shalt  }
0x59: {  	_ =	shalt  }
0x5a: {  	_ =	shalt  }
0x5b: {  	_ =	shalt  }
0x5c: {  	_ =	shalt  }
0x5d: {  	_ =	shalt  }
0x5e: {  	_ =	shalt  }
0x5f: {  	_ =	shalt  }
0x60: {  	_ =	shalt  }
0x61: {  	_ =	shalt  }
0x62: {  	_ =	shalt  }
0x63: {  	_ =	shalt  }
0x64: {  	_ =	shalt  }
0x65: {  	_ =	shalt  }
0x66: {  	_ =	shalt  }
0x67: {  	_ =	shalt  }
0x68: {  	_ =	shalt  }
0x69: {  	_ =	shalt  }
0x6a: {  	_ =	shalt  }
0x6b: {  	_ =	shalt  }
0x6c: {  	_ =	shalt  }
0x6d: {  	_ =	shalt  }
0x6e: {  	_ =	shalt  }
0x6f: {  	_ =	shalt  }
0x70: {  	_ =	shalt  }
0x71: {  	_ =	shalt  }
0x72: {  	_ =	shalt  }
0x73: {  	_ =	shalt  }
0x74: {  	_ =	shalt  }
0x75: {  	_ =	shalt  }
0x76: {  	_ =	shalt  }
0x77: {  	_ =	shalt  }
0x78: {  	_ =	shalt  }
0x79: {  	_ =	shalt  }
0x7a: {  	_ =	shalt  }
0x7b: {  	_ =	shalt  }
0x7c: {  	_ =	shalt  }
0x7d: {  	_ =	shalt  }
0x7e: {  	_ =	shalt  }
0x7f: {  	_ =	shalt  }
0x80: {  	_ =	shalt  }
0x81: {  	_ =	shalt  }
0x82: {  	_ =	shalt  }
0x83: {  	_ =	shalt  }
0x84: {  	_ =	shalt  }
0x85: {  	_ =	shalt  }
0x86: {  	_ =	shalt  }
0x87: {  	_ =	shalt  }
.Lfunc_end0:
.L_simem_size_0:
called_computation_lowered:
.L_overlay_start_0:
0x88: {  	s2 =	sld [smem:$0x3FD9]  }
0x89: {  	s3 =	sld [smem:$0x3FFE];
	_ =	sdelay $0x1  }
0x8a: {  	s1 =	srdreg.scid  }
0x8b: {  	s0 =	sand.u32 $0x1, s1  }
0x8c: {  	s17 =	sshll.u32 s0, $0xA;
	s2 =	sadd.s32 s3, s2  }
0x8d: {  	s2 =	sadd.s32 s2, s17  }
0x8e: {  	[smem:$0x3FC2] =	sst s2  }
0x8f: {  	_ = 	snop  }
0x90: {  	s2 =	sld [smem:$0x3FC5]  }
0x91: {  	s18 =	sld [smem:$0x3FD0];
	(tm) =	ssettm $0x1  }
0x92: {  	s4 =	sld [smem:$0x3FFB];
	_ =	sdelay $0x3  }
0x93: {  	_ =	strace s4  }
0x94: {  	s4 =	sld [smem:$0x3FFC];
	_ =	sdelay $0x3  }
0x95: {  	_ =	strace s4  }
0x96: {  	s4 =	sld [smem:$0x3FFD];
	_ =	sdelay $0x3  }
0x97: {  	_ =	strace s4  }
0x98: {  	_ =	strace $0x8FFFFFFF  }
0x99: {  	s19 =	sld [smem:$0x3FDB];
	_ =	sdelay $0x1  }
0x9a: {  	s5 =	simm.s32 $_scs_section_size  }
0x9b: {  	s6 =	simm.s32 $_size__tile_overlayer_lowered;
	s7 =	simm.s32 $_tile_overlayer_lowered  }
0x9c: {  	s22 =	simm.s32 $0x1BFF;
	s21 =	sshll.u32 s7, $0x1;
	s4 =	sadd.s32 s5, s19  }
0x9d: {  	s8 =	simm.s32 $0x0;
	s20 =	sshll.u32 s6, $0x1;
	s6 =	sadd.s32 s21, s4  }
0x9e: {  	[timem:s8], [sflag:s22] =	dma.local [hbm:s6], s20  }
0x9f: {  	_ =	swait.ge [sflag:s22], s20  }
0xa0: {  	s5 =	ssub.s32 $0x0, s20;
	[sflag:s22] =	ssyncset.done $0x0  }
0xa1: {  	[sflag:s22] =	ssyncadd.s32 s5;
	_ =	sdelay $0x1  }
0xa2: {  	s23 =	simm.s32 $0x1B8B  }
0xa3: {  	_ =	swait.ge [sflag:s23], $0x1  }
0xa4: {  	[sflag:s23] =	ssyncset.done $0x0  }
0xa5: {  	s25 =	simm.s32 $0x1B8E;
	s24 =	sld [smem:$0x3FFE];
	[sflag:s23] =	ssyncadd.s32 $0xFFFFFFFF  }
0xa6: {  	s26 =	simm.s32 $execute0_lowered;
	[smem:$0x3FD2] =	sst s25  }
0xa7: {  	s6 =	sshll.u32 s26, $0x1;
	_ =	strace $0x80000046;
	[dreg:$0x1] =	wrdreg $0xFFFFFFFF  }
0xa8: {  	s28 =	simm.s32 $_size_execute0_lowered;
	s4 =	sadd.s32 s4, s6;
	[dreg:$0x0] =	wrdreg $0x0  }
0xa9: {  	s6 =	sshll.u32 s28, $0x1;
	[dreg:$0x2] =	wrdreg s4  }
0xaa: {  	[dreg:$0x3] =	wrdreg s6  }
0xab: {  	[dreg:$0x4] =	wrdreg $0xC0  }
0xac: {  	_ =	task [dreg:s8], $0x5FFFF  }
0xad: {  	[dreg:$0x1] =	wrdreg $0xFFFFFFFF  }
0xae: {  	[dreg:$0x0] =	wrdreg $0x60  }
0xaf: {  	[dreg:$0x2] =	wrdreg s24  }
0xb0: {  	[dreg:$0x3] =	wrdreg s2  }
0xb1: {  	[dreg:$0x4] =	wrdreg s18  }
0xb2: {  	[dreg:$0x5] =	wrdreg $0xDA000  }
0xb3: {  	[dreg:$0x6] =	wrdreg $0xF2700  }
0xb4: {  	[dreg:$0x7] =	wrdreg $0x10AE00  }
0xb5: {  	[dreg:$0x8] =	wrdreg $0x9  }
0xb6: {  	_ =	task.clear_ibuf [dreg:s8], $0x9FFFF;
	_ =	strace $0x90000046  }
0xb7: {  	s29 =	simm.s32 $0x9;
	_ =	strace $0x80000048  }
0xb8: {  	_ =	swait.ge [sflag:s29], $0x1  }
0xb9: {  	[sflag:s29] =	ssyncadd.s32 $0xFFFFFFFF  }
0xba: {  	_ =	strace $0x90000048  }
0xbb: {  	_ =	sfence  }
0xbc: {  	s30 =	sld [smem:$0x0];
	_ =	sdelay $0x2  }
0xbd: {  	s31 =	sshll.u32 s1, $0xD;
	s1 =	sshrl.u32 s1, $0x2  }
0xbe: {  	s3 =	sand.u32 $0x4000, s31;
	s1 =	sadd.s32 s1, s30  }
0xbf: {  	s0 =	sor.u32 s3, s0;
	s1 =	sshll.u32 s1, $0x11  }
0xc0: {  	s0 =	sor.u32 s1, s0  }
0xc1: {  	s0 =	sadd.s32 $0x8F2B, s0  }
0xc2: {  	[sflag:s0] =	ssyncadd.remote.s32 $0x1  }
0xc3: {  	_ =	sfence.sel $0xFFFF  }
0xc4: {  	[dreg:$0x0] =	wrdreg $0xFFFFFFFF;
	(pc) =	sbr.abs _section_cstart, $3  }
0xc5: {  	[dreg:$0x1] =	wrdreg $0xFFFFFFFF  }
0xc6: {  	_ =	task.clear_ibuf [dreg:s8], $0x2FFFF;
	_ =	strace $0x9FFFFFFF  }
0xc7: {  	(tm) =	ssettm $0x7FFFFFFF  }
tec
execute0_lowered:
.L_overlay_start_1:
0x0: {  	(tag) =	ssettag $0x1  }
0x1: {  	s0 =	rddreg [dreg:$0x0]  }
0x2: {  	s24 =	rddreg [dreg:$0x1]  }
0x3: {  	s6 =	rddreg [dreg:$0x3]  }
0x4: {  	s7 =	rddreg [dreg:$0x4]  }
0x5: {  	s8 =	rddreg [dreg:$0x5];
	s1 =	simm.s32 $0x0;
	s25 =	srdreg.scid  }
0x6: {  	[smem:$0x7FF] =	sst s1;
	s9 =	sadd.s32 $0x7200, s0;
	s10 =	sadd.s32 $0x4000, s0  }
0x7: {  	s11 =	sadd.s32 $0xE00, s0;
	s13 =	sadd.s32 $0x190E00, s0;
	s14 =	sadd.s32 $0x19A200, s0  }
0x8: {  	s1 =	sand.u32 $0x1, s25;
	s15 =	sadd.s32 $0x1CB000, s0;
	s22 =	sadd.s32 $0xA2D0, s0  }
0x9: {  	s25 =	sadd.s32 $0x70D0, s0;
	_ =	strace $0x80000047;
	[dreg:$0x16] =	wrdreg s22  }
0xa: {  	s16 =	sadd.s32 $0x1FBE00, s0;
	s0 =	sadd.s32 $0x3ED0, s0;
	[dreg:$0x17] =	wrdreg s25  }
0xb: {  	[dreg:$0x18] =	wrdreg s0  }
0xc: {  	[dreg:$0xa] =	wrdreg s13  }
0xd: {  	[dreg:$0xd] =	wrdreg s16  }
0xe: {  	s12 =	stileid.u32;
	[dreg:$0xb] =	wrdreg s14  }
0xf: {  	s28 =	simm.s32 $0x8400;
	s29 =	simm.s32 $0x8600;
	[dreg:$0xc] =	wrdreg s15  }
0x10: {  	s30 =	simm.s32 $0x8C00;
	s31 =	simm.s32 $0xAC00;
	[dreg:$0x7] =	wrdreg s9  }
0x11: {  	s4 =	sshll.u32 s12, $0x1;
	s5 =	smul.u32 $0x1868, s12;
	[dreg:$0x8] =	wrdreg s10  }
0x12: {  	s2 =	ssub.s32 $0x2, s1;
	[dreg:$0x9] =	wrdreg s11;
	s22 =	sadd.s32 $0x18680, s6  }
0x13: {  	s25 =	sadd.s32 $0x18680, s8;
	s3 =	sshrl.u32 s2, $0x1;
	[smem:$0x7FA] =	sst s22  }
0x14: {  	s26 =	sshrl.u32 s5, $0x3;
	s18 =	sadd.s32 s5, s6;
	[smem:$0x7FC] =	sst s25  }
0x15: {  	s20 =	sadd.s32 s5, s7;
	s21 =	sadd.s32 s5, s8;
	[dreg:$0x11] =	wrdreg s18  }
0x16: {  	s6 =	simm.s32 $0x8300;
	s22 =	simm.s32 $0x5000;
	[dreg:$0x13] =	wrdreg s20  }
0x17: {  	s8 =	simm.s32 $0x9C00;
	s17 =	sadd.s32 s9, s26;
	[dreg:$0x15] =	wrdreg s21  }
0x18: {  	s2 =	ssub.s32 s2, s3;
	s19 =	sadd.s32 s10, s26;
	[dreg:$0x10] =	wrdreg s17  }
0x19: {  	s3 =	sor.u32 s1, s4;
	s1 =	sadd.s32 s11, s26;
	[dreg:$0x12] =	wrdreg s19  }
0x1a: {  	s4 =	simm.s32 $0xD;
	p0 =	slt.u32 s3, $0x7;
	[dreg:$0x14] =	wrdreg s1  }
0x1b: {  	s23 =	smul.u32 $0x60, s3;
	s21 =	smax.u32 s2, $0x1;
	[dreg:$0xe] =	wrdreg s3  }
0x1c: {  	s26 =	sshll.u32 s3, $0x9;
	s4 =	simm.s32 @!p0 $0xC;
	[smem:$0x7F9] =	sst s21  }
0x1d: {  	s2 =	simm.s32 $0x8100;
	s5 =	sadd.s32 s16, s26;
	[dreg:$0xf] =	wrdreg s4  }
0x1e: {  	s16 =	sadd.s32 s14, s26;
	s0 =	sadd.s32 s15, s26;
	[dreg:$0x1a] =	wrdreg s5  }
0x1f: {  	p0 =	sne.s32 s12, $0xF;
	s26 =	sshll.u32 s3, $0x8;
	[dreg:$0x1b] =	wrdreg s16  }
0x20: {  	s1 =	sadd.s32 s13, s23;
	s13 =	sshll.u32 s3, $0x5;
	[dreg:$0x1c] =	wrdreg s0  }
0x21: {  	s23 =	sadd.s32 $0x18680, s7;
	[smem:$0x7FD] =	sst s26;
	s26 =	simm.s32 $0x8200  }
0x22: {  	s0 =	simm.s32 $0xCC00;
	s3 =	simm.s32 $0x8900;
	s4 =	simm.s32 $0xCD00  }
0x23: {  	s5 =	simm.s32 $0x3000;
	s7 =	simm.s32 $0x7000;
	[dreg:$0x19] =	wrdreg s1  }
0x24: {  	s17 =	sadd.s32 s9, s13;
	s18 =	sadd.s32 s10, s13;
	[smem:$0x7FB] =	sst s23  }
.Ltmp0:
0x25: {  	s19 =	sadd.s32 s11, s13;
	[dreg:$0x1d] =	wrdreg s17;
	(pc) =	sbr.rel .LBB2_1-.Ltmp0, $4  }
0x26: {  	s20 =	sadd.s32 s24, s13;
	s1 =	simm.s32 $0x8500;
	[dreg:$0x1e] =	wrdreg s18  }
0x27: {  	s9 =	simm.s32 $0xBC00;
	s11 =	simm.s32 $0xD400;
	[dreg:$0x1f] =	wrdreg s19  }
0x28: {  	v1 =	vimm.f32 $1.000000000e+00;
	s13 =	simm.s32 $0x0;
	[smem:$0x7F8] =	sst s20;
	s18 =	simm.s32 $0x2000  }
0x29: {  	v0 =	vlaneseq.u32;
	v1 =	vand.u32 $0x7FFFFFFF, v1;
	s19 =	simm.s32 $0x4000;
	s20 =	simm.s32 $0x6000;
	s17 =	simm.s32 $0xCE00  }
.LBB2_11:
0x2a: {  	s10 =	simm.s32 $0x7  }
0x2b: {  	_ =	swait.ge [sflag:s10], $0x600  }
0x2c: {  	[sflag:s10] =	ssyncset.done $0x0  }
0x2d: {  	s12 =	simm.s32 $0x8;
	[sflag:s10] =	ssyncadd.s32 $0xFFFFFA00  }
0x2e: {  	_ =	swait.ge [sflag:s12], $0x600  }
0x2f: {  	s13 =	sld [smem:$0x7F7]  }
0x30: {  	s25 =	sld [smem:$0x7F9];
	_ =	sdelay $0x1  }
0x31: {  	s13 =	sadd.s32 $0x1, s13  }
0x32: {  	p1 =	sne.s32 s13, s25  }
.Ltmp1:
0x33: {  	_ = 	snop;
	(pc) =	sbr.rel @!p1 .LBB2_12-.Ltmp1, $3  }
0x34: {  	_ =	sdelay $0x1  }
0x35: {  	[sflag:s12] =	ssyncset.done $0x0  }
0x36: {  	[sflag:s12] =	ssyncadd.s32 $0xFFFFFA00  }
.LBB2_1:
0x37: {  	[smem:$0x7F7] =	sst s13;
	s15 =	simm.s32 $0x0  }
0x38: {  	s10 =	rddreg [dreg:$0x10];
	s12 =	simm.s32 $0x12350;
	s13 =	simm.s32 $0x9  }
0x39: {  	[tilespmem:s12], [sflag:$0x9] =	stream.linear.gather [hbm4b:s10+s15], $0x1868, $0x38;
	[tilespmem:$0x13BD0] =	vst v63  }
0x3a: {  	_ =	swait.ge [sflag:s13], $0x1868  }
0x3b: {  	[sflag:s13] =	ssyncset.done $0x0  }
0x3c: {  	s14 =	rddreg [dreg:$0x11];
	[sflag:s13] =	ssyncadd.s32 $0xFFFFE798  }
0x3d: {  	[spmem:s14] =	stream.linear.scatter [tilespmem:s12], [sflag:$0x9], $0x1868, $0x38;
	[tilespmem:$0x13BD0] =	vst v63  }
0x3e: {  	_ =	swait.ge [sflag:s13], $0x1868  }
0x3f: {  	[sflag:s13] =	ssyncset.done $0x0  }
0x40: {  	s16 =	rddreg [dreg:$0x12];
	[sflag:s13] =	ssyncadd.s32 $0xFFFFE798  }
0x41: {  	[tilespmem:s12], [sflag:$0x9] =	stream.linear.gather [hbm4b:s16+s15], $0x1868, $0x38;
	[tilespmem:$0x13BD0] =	vst v63  }
0x42: {  	_ =	swait.ge [sflag:s13], $0x1868  }
0x43: {  	[sflag:s13] =	ssyncset.done $0x0  }
0x44: {  	s21 =	rddreg [dreg:$0x13];
	[sflag:s13] =	ssyncadd.s32 $0xFFFFE798  }
0x45: {  	[spmem:s21] =	stream.linear.scatter [tilespmem:s12], [sflag:$0x9], $0x1868, $0x38;
	[tilespmem:$0x13BD0] =	vst v63  }
0x46: {  	_ =	swait.ge [sflag:s13], $0x1868  }
0x47: {  	[sflag:s13] =	ssyncset.done $0x0  }
0x48: {  	s23 =	rddreg [dreg:$0x14];
	[sflag:s13] =	ssyncadd.s32 $0xFFFFE798  }
0x49: {  	[tilespmem:s12], [sflag:$0x9] =	stream.linear.gather [hbm4b:s23+s15], $0x1868, $0x38;
	[tilespmem:$0x13BD0] =	vst v63  }
0x4a: {  	_ =	swait.ge [sflag:s13], $0x1868  }
0x4b: {  	[sflag:s13] =	ssyncset.done $0x0  }
0x4c: {  	s25 =	rddreg [dreg:$0x15];
	[sflag:s13] =	ssyncadd.s32 $0xFFFFE798  }
0x4d: {  	[spmem:s25] =	stream.linear.scatter [tilespmem:s12], [sflag:$0x9], $0x1868, $0x38;
	[tilespmem:$0x13BD0] =	vst v63  }
0x4e: {  	_ =	swait.ge [sflag:s13], $0x1868  }
0x4f: {  	s14 =	simm.s32 @!p0 $0x9;
	s12 =	simm.s32 @!p0 $0x0;
	[sflag:s13] =	ssyncset.done $0x0  }
0x50: {  	s10 =	rddreg [dreg:$0x16];
	[sflag:s13] =	ssyncadd.s32 $0xFFFFE798;
	s13 =	simm.s32 @!p0 $0x12350  }
0x51: {  	[tilespmem:s13], [sflag:$0x9] =	stream.linear.gather @!p0 [hbm4b:s10+s12], $0x20, $0x38;
	[tilespmem:$0x13BD0] =	vst v63  }
0x52: {  	_ =	swait.ge @!p0 [sflag:s14], $0x20  }
0x53: {  	s10 =	sld [smem:$0x7FA]  }
0x54: {  	[sflag:s14] =	ssyncset.done @!p0 $0x0  }
0x55: {  	[sflag:s14] =	ssyncadd.s32 @!p0 $0xFFFFFFE0  }
0x56: {  	[spmem:s10] =	stream.linear.scatter @!p0 [tilespmem:s13], [sflag:$0x9], $0x20, $0x38;
	[tilespmem:$0x13BD0] =	vst v63  }
0x57: {  	_ =	swait.ge @!p0 [sflag:s14], $0x20  }
0x58: {  	[sflag:s14] =	ssyncset.done @!p0 $0x0  }
0x59: {  	s10 =	rddreg [dreg:$0x17];
	[sflag:s14] =	ssyncadd.s32 @!p0 $0xFFFFFFE0  }
0x5a: {  	[tilespmem:s13], [sflag:$0x9] =	stream.linear.gather @!p0 [hbm4b:s10+s12], $0x20, $0x38;
	[tilespmem:$0x13BD0] =	vst v63  }
0x5b: {  	_ =	swait.ge @!p0 [sflag:s14], $0x20  }
0x5c: {  	s10 =	sld [smem:$0x7FB]  }
0x5d: {  	[sflag:s14] =	ssyncset.done @!p0 $0x0  }
0x5e: {  	[sflag:s14] =	ssyncadd.s32 @!p0 $0xFFFFFFE0  }
0x5f: {  	[spmem:s10] =	stream.linear.scatter @!p0 [tilespmem:s13], [sflag:$0x9], $0x20, $0x38;
	[tilespmem:$0x13BD0] =	vst v63  }
0x60: {  	_ =	swait.ge @!p0 [sflag:s14], $0x20  }
0x61: {  	[sflag:s14] =	ssyncset.done @!p0 $0x0  }
0x62: {  	s10 =	rddreg [dreg:$0x18];
	[sflag:s14] =	ssyncadd.s32 @!p0 $0xFFFFFFE0  }
0x63: {  	[tilespmem:s13], [sflag:$0x9] =	stream.linear.gather @!p0 [hbm4b:s10+s12], $0x20, $0x38;
	[tilespmem:$0x13BD0] =	vst v63  }
0x64: {  	_ =	swait.ge @!p0 [sflag:s14], $0x20  }
0x65: {  	s10 =	sld [smem:$0x7FC]  }
0x66: {  	[sflag:s14] =	ssyncset.done @!p0 $0x0  }
0x67: {  	[sflag:s14] =	ssyncadd.s32 @!p0 $0xFFFFFFE0  }
0x68: {  	[spmem:s10] =	stream.linear.scatter @!p0 [tilespmem:s13], [sflag:$0x9], $0x20, $0x38;
	[tilespmem:$0x13BD0] =	vst v63  }
0x69: {  	_ =	swait.ge @!p0 [sflag:s14], $0x20  }
0x6a: {  	[sflag:s14] =	ssyncset.done @!p0 $0x0  }
0x6b: {  	[sflag:s14] =	ssyncadd.s32 @!p0 $0xFFFFFFE0  }
0x6c: {  	[bflag:$0x0] =	sbarrier.arrive $0xFFFF  }
0x6d: {  	s13 =	rddreg [dreg:$0x1a]  }
0x6e: {  	s14 =	rddreg [dreg:$0x1d]  }
0x6f: {  	[tilespmem:s15], [sflag:$0x3] =	stream.linear.gather [hbm4b:s13+s15], $0x1000, $0x38;
	[tilespmem:$0x13BD0] =	vst v63  }
0x70: {  	s16 =	simm.s32 $0x8000;
	s21 =	rddreg [dreg:$0x1e]  }
0x71: {  	[tilespmem:s16], [sflag:$0x5] =	stream.linear.gather [hbm4b:s14+s15], $0x100, $0x38;
	[tilespmem:$0x13BD0] =	vst v63  }
0x72: {  	s23 =	rddreg [dreg:$0x1f]  }
0x73: {  	[tilespmem:s26], [sflag:$0x5] =	stream.linear.gather [hbm4b:s21+s15], $0x100, $0x38;
	[tilespmem:$0x13BD0] =	vst v63  }
0x74: {  	s25 =	rddreg [dreg:$0x19]  }
0x75: {  	[tilespmem:s28], [sflag:$0x5] =	stream.linear.gather [hbm4b:s23+s15], $0x100, $0x38;
	[tilespmem:$0x13BD0] =	vst v63  }
0x76: {  	s12 =	rddreg [dreg:$0x1b]  }
0x77: {  	[tilespmem:s29], [sflag:$0x5] =	stream.linear.gather [hbm4b:s25+s15], $0x300, $0x38;
	[tilespmem:$0x13BD0] =	vst v63  }
0x78: {  	s13 =	rddreg [dreg:$0x1c]  }
0x79: {  	[tilespmem:s30], [sflag:$0x5] =	stream.linear.gather [hbm4b:s12+s15], $0x1000, $0x38;
	[tilespmem:$0x13BD0] =	vst v63  }
0x7a: {  	s14 =	sld [smem:$0x7F8]  }
0x7b: {  	[tilespmem:s31], [sflag:$0x5] =	stream.linear.gather [hbm4b:s13+s15], $0x1000, $0x38;
	[tilespmem:$0x13BD0] =	vst v63  }
0x7c: {  	s16 =	simm.s32 $0x3  }
0x7d: {  	[tilespmem:s0], [sflag:$0x5] =	stream.linear.gather [hbm4b:s14+s15], $0x100, $0x38;
	[tilespmem:$0x13BD0] =	vst v63  }
0x7e: {  	_ =	swait.ge [sflag:s16], $0x1000  }
0x7f: {  	[sflag:s16] =	ssyncset.done $0x0  }
0x80: {  	[sflag:s16] =	ssyncadd.s32 $0xFFFFF000  }
0x81: {  	s21 =	simm.s32 $0x1000;
	s10 =	rddreg [dreg:$0x3]  }
0x82: {  	[tilespmem:s18], [sflag:$0x1] =	stream.indirect.gather [spmem:s10], $0x1, s15, s21, $0xb8;
	[tilespmem:$0x13BD0] =	vst v63  }
.Ltmp2:
0x83: {  	_ = 	snop;
	(pc) =	sbr.rel .LBB2_2-.Ltmp2, $4  }
0x84: {  	s23 =	rddreg [dreg:$0x4]  }
0x85: {  	[tilespmem:s19], [sflag:$0x1] =	stream.indirect.gather [spmem:s23], $0x1, s15, s21, $0xb8;
	[tilespmem:$0x13BD0] =	vst v63  }
0x86: {  	s12 =	simm.s32 $0x0;
	s25 =	rddreg [dreg:$0x5]  }
0x87: {  	[tilespmem:s20], [sflag:$0x1] =	stream.indirect.gather [spmem:s25], $0x1, s15, s21, $0xb8;
	[tilespmem:$0x13BD0] =	vst v63  }
.LBB2_10:
0x88: {  	s12 =	sadd.s32 $0x1, s12  }
0x89: {  	p1 =	sne.s32 s12, $0x7  }
.Ltmp3:
0x8a: {  	_ = 	snop;
	(pc) =	sbr.rel @!p1 .LBB2_11-.Ltmp3, $1  }
0x8b: {  	_ =	sdelay $0x3  }
.LBB2_2:
0x8c: {  	s10 =	sshllo.u32 s12, $0x1;
	s25 =	rddreg [dreg:$0xf]  }
0x8d: {  	p1 =	sge.u32 s10, s25;
	[smem:$0x7F6] =	sst s10  }
0x8e: {  	s14 =	sshll.u32 @!p1 s10, $0xD;
	s10 =	sld [smem:$0x7FD];
	_ =	sdelay $0x2  }
0x8f: {  	s14 =	sor.u32 @!p1 s10, s14  }
0x90: {  	s15 =	sshll.u32 @!p1 s14, $0x1  }
0x91: {  	s10 =	rddreg [dreg:$0xd];
	s15 =	sand.u32 @!p1 $0x1FFFFE00, s15  }
0x92: {  	s23 =	simm.s32 @!p1 $0x0;
	s16 =	simm.s32 @!p1 $0x1000;
	s21 =	sadd.s32 @!p1 s10, s15  }
0x93: {  	[tilespmem:s16], [sflag:$0x4] =	stream.linear.gather @!p1 [hbm4b:s21+s23], $0x1000, $0x38;
	[tilespmem:$0x13BD0] =	vst v63  }
0x94: {  	s10 =	rddreg [dreg:$0x7];
	s21 =	sshrl.u32 @!p1 s14, $0x3  }
0x95: {  	s13 =	smov.u32 s24;
	s24 =	simm.s32 @!p1 $0x8100;
	s10 =	sadd.s32 @!p1 s10, s21  }
0x96: {  	[tilespmem:s24], [sflag:$0x6] =	stream.linear.gather @!p1 [hbm4b:s10+s23], $0x100, $0x38;
	[tilespmem:$0x13BD0] =	vst v63  }
0x97: {  	s10 =	rddreg [dreg:$0x8]  }
0x98: {  	s24 =	simm.s32 @!p1 $0x8300;
	s10 =	sadd.s32 @!p1 s10, s21  }
0x99: {  	[tilespmem:s24], [sflag:$0x6] =	stream.linear.gather @!p1 [hbm4b:s10+s23], $0x100, $0x38;
	[tilespmem:$0x13BD0] =	vst v63  }
0x9a: {  	s10 =	smul.u32 @!p1 $0x3, s14;
	s14 =	rddreg [dreg:$0x9]  }
0x9b: {  	s24 =	simm.s32 @!p1 $0x8500;
	s14 =	sadd.s32 @!p1 s14, s21  }
0x9c: {  	[tilespmem:s24], [sflag:$0x6] =	stream.linear.gather @!p1 [hbm4b:s14+s23], $0x100, $0x38;
	[tilespmem:$0x13BD0] =	vst v63  }
0x9d: {  	s24 =	smov.u32 s13;
	s10 =	sshrl.u32 @!p1 s10, $0x3;
	s13 =	rddreg [dreg:$0xa]  }
0x9e: {  	s14 =	simm.s32 @!p1 $0x8900;
	s10 =	sadd.s32 @!p1 s13, s10  }
0x9f: {  	[tilespmem:s14], [sflag:$0x6] =	stream.linear.gather @!p1 [hbm4b:s10+s23], $0x300, $0x38;
	[tilespmem:$0x13BD0] =	vst v63  }
0xa0: {  	s10 =	rddreg [dreg:$0xb]  }
0xa1: {  	s14 =	simm.s32 @!p1 $0x9C00;
	s10 =	sadd.s32 @!p1 s10, s15  }
0xa2: {  	[tilespmem:s14], [sflag:$0x6] =	stream.linear.gather @!p1 [hbm4b:s10+s23], $0x1000, $0x38;
	[tilespmem:$0x13BD0] =	vst v63  }
0xa3: {  	s10 =	rddreg [dreg:$0xc]  }
0xa4: {  	s14 =	simm.s32 @!p1 $0xBC00;
	s10 =	sadd.s32 @!p1 s10, s15  }
0xa5: {  	[tilespmem:s14], [sflag:$0x6] =	stream.linear.gather @!p1 [hbm4b:s10+s23], $0x1000, $0x38;
	[tilespmem:$0x13BD0] =	vst v63  }
0xa6: {  	s10 =	sadd.s32 @!p1 s24, s21;
	s14 =	simm.s32 @!p1 $0xCD00  }
0xa7: {  	[tilespmem:s14], [sflag:$0x6] =	stream.linear.gather @!p1 [hbm4b:s10+s23], $0x100, $0x38;
	[tilespmem:$0x13BD0] =	vst v63  }
0xa8: {  	s10 =	simm.s32 @!p1 $0x4  }
0xa9: {  	_ =	swait.ge @!p1 [sflag:s10], $0x1000  }
0xaa: {  	[sflag:s10] =	ssyncset.done @!p1 $0x0  }
0xab: {  	s14 =	sshll.u32 s12, $0x1;
	[sflag:s10] =	ssyncadd.s32 @!p1 $0xFFFFF000  }
0xac: {  	p2 =	sge.u32 s14, s25;
	s10 =	simm.s32 @!p1 $0x3000;
	s13 =	rddreg [dreg:$0x3]  }
0xad: {  	[tilespmem:s10], [sflag:$0x2] =	stream.indirect.gather @!p1 [spmem:s13], $0x1, s16, s16, $0xb8;
	[tilespmem:$0x13BD0] =	vst v63  }
.Ltmp4:
0xae: {  	_ = 	snop;
	(pc) =	sbr.rel @p2 .LBB2_6-.Ltmp4, $4  }
0xaf: {  	s10 =	simm.s32 @!p1 $0x5000;
	s13 =	rddreg [dreg:$0x4]  }
0xb0: {  	[tilespmem:s10], [sflag:$0x2] =	stream.indirect.gather @!p1 [spmem:s13], $0x1, s16, s16, $0xb8;
	[tilespmem:$0x13BD0] =	vst v63  }
0xb1: {  	s10 =	simm.s32 @!p1 $0x7000;
	s13 =	rddreg [dreg:$0x5]  }
0xb2: {  	[tilespmem:s10], [sflag:$0x2] =	stream.indirect.gather @!p1 [spmem:s13], $0x1, s16, s16, $0xb8;
	[tilespmem:$0x13BD0] =	vst v63  }
0xb3: {  	s10 =	simm.s32 $0x1  }
0xb4: {  	_ =	swait.ge [sflag:s10], $0x1000  }
0xb5: {  	[sflag:s10] =	ssyncset.done $0x0  }
0xb6: {  	[sflag:s10] =	ssyncadd.s32 $0xFFFFF000  }
0xb7: {  	_ =	swait.ge [sflag:s10], $0x1000  }
0xb8: {  	[sflag:s10] =	ssyncset.done $0x0  }
0xb9: {  	[sflag:s10] =	ssyncadd.s32 $0xFFFFF000  }
0xba: {  	_ =	swait.ge [sflag:s10], $0x1000  }
0xbb: {  	[sflag:s10] =	ssyncset.done $0x0  }
0xbc: {  	s25 =	simm.s32 $0x5;
	[sflag:s10] =	ssyncadd.s32 $0xFFFFF000  }
0xbd: {  	_ =	swait.ge [sflag:s25], $0x100  }
0xbe: {  	[sflag:s25] =	ssyncset.done $0x0  }
0xbf: {  	[sflag:s25] =	ssyncadd.s32 $0xFFFFFF00  }
0xc0: {  	_ =	swait.ge [sflag:s25], $0x100  }
0xc1: {  	[sflag:s25] =	ssyncset.done $0x0  }
0xc2: {  	[sflag:s25] =	ssyncadd.s32 $0xFFFFFF00  }
0xc3: {  	_ =	swait.ge [sflag:s25], $0x100  }
0xc4: {  	[sflag:s25] =	ssyncset.done $0x0  }
0xc5: {  	[sflag:s25] =	ssyncadd.s32 $0xFFFFFF00  }
0xc6: {  	_ =	swait.ge [sflag:s25], $0x300  }
0xc7: {  	[sflag:s25] =	ssyncset.done $0x0  }
0xc8: {  	[sflag:s25] =	ssyncadd.s32 $0xFFFFFD00  }
0xc9: {  	_ =	swait.ge [sflag:s25], $0x1000  }
0xca: {  	[sflag:s25] =	ssyncset.done $0x0  }
0xcb: {  	[sflag:s25] =	ssyncadd.s32 $0xFFFFF000  }
0xcc: {  	_ =	swait.ge [sflag:s25], $0x1000  }
0xcd: {  	[sflag:s25] =	ssyncset.done $0x0  }
0xce: {  	[sflag:s25] =	ssyncadd.s32 $0xFFFFF000  }
0xcf: {  	_ =	swait.ge [sflag:s25], $0x100  }
0xd0: {  	p2 =	seq.s32 s12, $0x0;
	[sflag:s25] =	ssyncset.done $0x0  }
0xd1: {  	s10 =	simm.s32 @!p2 $0x7;
	[sflag:s25] =	ssyncadd.s32 $0xFFFFFF00  }
0xd2: {  	s15 =	sshll.u32 s12, $0x6;
	_ =	swait.ge @!p2 [sflag:s10], $0x600  }
0xd3: {  	s21 =	simm.s32 $0x0;
	[sflag:s10] =	ssyncset.done @!p2 $0x0;
	s13 =	rddreg [dreg:$0xe]  }
0xd4: {  	s15 =	sor.u32 s13, s15;
	[sflag:s10] =	ssyncadd.s32 @!p2 $0xFFFFFA00;
	s10 =	simm.s32 $0x8000  }
.LBB2_4:
0xd5: {  	v5 =	vor.u32 s21, v0;
	_ =	sdelay $0x1  }
0xd6: {  	v6 =	vshll.u32 v5, $0x4;
	_ =	sdelay $0x2  }
0xd7: {  	v3 =	vld.idx.msk [tilespmem:v5+s10+$0x0], $0xffff  }
0xd8: {  	v4 =	vld.idx.msk [tilespmem:v5+s26+$0x0], $0xffff  }
0xd9: {  	v7 =	vld.idx.msk [tilespmem:v6+s18+$0x0], $0xffff  }
0xda: {  	v8 =	vld.idx.msk [tilespmem:v6+s19+$0x0], $0xffff  }
0xdb: {  	v2 =	vld.idx.msk [tilespmem:v5+s28+$0x0], $0xffff  }
0xdc: {  	v9 =	vld.idx.msk [tilespmem:v6+s20+$0x0], $0xffff;
	_ =	sdelay $0x2  }
0xdd: {  	v7 =	vsub.f32 v7, v3;
	v13 =	vsub.f32 v8, v4;
	_ =	sdelay $0x1  }
0xde: {  	v9 =	vsub.f32 v9, v2;
	v32 =	vmul.f32 v7, v7;
	v10 =	vmul.f32 v13, v13;
	_ =	sdelay $0x1  }
0xdf: {  	v33 =	vmul.f32 v9, v9;
	v8 =	vadd.f32 v10, v32;
	_ =	sdelay $0x1  }
0xe0: {  	v8 =	vadd.f32 v33, v8;
	_ =	sdelay $0x1  }
0xe1: {  	v23 =	vor.u32 $0x1, v6;
	v8 =	vadd.f32 $9.999999820e-15, v8;
	_ =	sdelay $0x1  }
0xe2: {  	v34 =	vshrl.u32 v8, $0x1;
	v12 =	vmul.f32 $5.000000000e-01, v8  }
0xe3: {  	v10 =	vsub.s32 $0x5F3759DF, v34  }
0xe4: {  	v11 =	vmul.f32 v10, v12  }
0xe5: {  	v14 =	vld.idx.msk [tilespmem:v23+s18+$0x0], $0xffff  }
0xe6: {  	v15 =	vld.idx.msk [tilespmem:v23+s19+$0x0], $0xffff;
	v11 =	vmul.f32 v10, v11;
	_ =	sdelay $0x1  }
0xe7: {  	v17 =	vld.idx.msk [tilespmem:v23+s20+$0x0], $0xffff;
	v11 =	vsub.f32 $1.500000000e+00, v11;
	_ =	sdelay $0x1  }
0xe8: {  	v16 =	vmul.f32 v10, v11  }
0xe9: {  	v10 =	vsub.f32 v14, v3;
	v11 =	vsub.f32 v15, v4  }
0xea: {  	v18 =	vmul.f32 v16, v12  }
0xeb: {  	v17 =	vsub.f32 v17, v2;
	v36 =	vmul.f32 v10, v10;
	v37 =	vmul.f32 v11, v11;
	_ =	sdelay $0x1  }
0xec: {  	v38 =	vmul.f32 v17, v17;
	v35 =	vmul.f32 v18, v16;
	v15 =	vadd.f32 v37, v36;
	_ =	sdelay $0x1  }
0xed: {  	v14 =	vsub.f32 $1.500000000e+00, v35;
	v15 =	vadd.f32 v38, v15;
	_ =	sdelay $0x1  }
0xee: {  	v14 =	vmul.f32 v14, v16;
	v20 =	vadd.f32 $9.999999820e-15, v15  }
0xef: {  	v18 =	vor.u32 $0x2, v6  }
0xf0: {  	v12 =	vmul.f32 v14, v12;
	v15 =	vshrl.u32 v20, $0x1;
	v19 =	vmul.f32 $5.000000000e-01, v20  }
0xf1: {  	v15 =	vsub.s32 $0x5F3759DF, v15  }
0xf2: {  	v12 =	vmul.f32 v12, v14;
	v21 =	vmul.f32 v15, v19  }
0xf3: {  	v39 =	vld.idx.msk [tilespmem:v6+s30+$0x0], $0xffff  }
0xf4: {  	v41 =	vld.idx.msk [tilespmem:v18+s18+$0x0], $0xffff;
	v12 =	vsub.f32 $1.500000000e+00, v12;
	v40 =	vmul.f32 v15, v21  }
0xf5: {  	v22 =	vld.idx.msk [tilespmem:v18+s19+$0x0], $0xffff  }
0xf6: {  	v42 =	vld.idx.msk [tilespmem:v18+s20+$0x0], $0xffff;
	v12 =	vmul.f32 v12, v14;
	v14 =	vsub.f32 $1.500000000e+00, v40;
	_ =	sdelay $0x1  }
0xf7: {  	v8 =	vmul.f32 v12, v8;
	v24 =	vmul.f32 v15, v14  }
0xf8: {  	v16 =	vsub.f32 v41, v3  }
0xf9: {  	v14 =	vsub.f32 v22, v4;
	v8 =	vsub.f32 v8, v39;
	v26 =	vmul.f32 v24, v19  }
0xfa: {  	v46 =	vmul.f32 v16, v16;
	v15 =	vsub.f32 v42, v2  }
0xfb: {  	v27 =	vmul.f32 v14, v14;
	v43 =	vand.u32 $0x7FFFFFFF, v8;
	v45 =	vmul.f32 v26, v24  }
0xfc: {  	v25 =	vadd.f32 $9.999999820e-15, v43  }
0xfd: {  	v47 =	vmul.f32 v15, v15;
	v26 =	vadd.f32 v27, v46;
	v22 =	vsub.f32 $1.500000000e+00, v45  }
0xfe: {  	v44 =	vshrl.u32 v25, $0x1;
	v28 =	vmul.f32 $5.000000000e-01, v25  }
0xff: {  	v48 =	vadd.f32 v47, v26;
	v21 =	vsub.s32 $0x5F3759DF, v44;
	v24 =	vmul.f32 v22, v24  }
0x100: {  	v29 =	vmul.f32 v21, v28  }
0x101: {  	v27 =	vadd.f32 $9.999999820e-15, v48;
	v19 =	vmul.f32 v24, v19  }
0x102: {  	v49 =	vmul.f32 v21, v29  }
0x103: {  	v30 =	vld.idx.msk [tilespmem:v6+s31+$0x0], $0xffff;
	v51 =	vshrl.u32 v27, $0x1;
	v52 =	vmul.f32 $5.000000000e-01, v27;
	v19 =	vmul.f32 v19, v24  }
0x104: {  	v22 =	vor.u32 $0x3, v6;
	v26 =	vsub.s32 $0x5F3759DF, v51;
	v50 =	vsub.f32 $1.500000000e+00, v49  }
0x105: {  	v31 =	vmul.f32 v26, v52;
	v19 =	vsub.f32 $1.500000000e+00, v19  }
0x106: {  	v33 =	vld.idx.msk [tilespmem:v23+s30+$0x0], $0xffff;
	v21 =	vmul.f32 v21, v50  }
0x107: {  	v23 =	vld.idx.msk [tilespmem:v23+s31+$0x0], $0xffff;
	v53 =	vmul.f32 v26, v31;
	v19 =	vmul.f32 v19, v24  }
0x108: {  	v30 =	vmul.f32 $2.302585120e+00, v30;
	v32 =	vmul.f32 v21, v28  }
0x109: {  	v57 =	vld.idx.msk [tilespmem:v22+s19+$0x0], $0xffff;
	v24 =	vsub.f32 $1.500000000e+00, v53;
	v20 =	vmul.f32 v19, v20  }
0x10a: {  	v58 =	vmul.f32 $1.442695020e+00, v30;
	v34 =	vld.idx.msk [tilespmem:v22+s20+$0x0], $0xffff;
	v54 =	vmul.f32 v32, v21  }
0x10b: {  	v55 =	vld.idx.msk [tilespmem:v22+s18+$0x0], $0xffff;
	v56 =	vmul.f32 v26, v24;
	v33 =	vsub.f32 v20, v33  }
0x10c: {  	(erf) = vpow2.f32 v58;
	v23 =	vmul.f32 $2.302585120e+00, v23;
	v31 =	vsub.f32 $1.500000000e+00, v54  }
0x10d: {  	vm0 =	vlt.f32 v8, $0.0e+00;
	v61 =	vmul.f32 v56, v52;
	v60 =	vand.u32 $0x7FFFFFFF, v33  }
0x10e: {  	vm1 =	vgt.f32 v8, $0.0e+00;
	v59 =	vmul.f32 v31, v21;
	v26 =	vadd.f32 $9.999999820e-15, v60  }
0x10f: {  	v24 =	vsub.f32 v34, v2;
	v31 =	vmul.f32 v61, v56;
	v21 =	vsub.f32 v57, v4  }
0x110: {  	v35 =	vmul.f32 v59, v28;
	v36 =	vshrl.u32 v26, $0x1;
	v28 =	vsub.f32 v55, v3  }
0x111: {  	v63 =	vmul.f32 $5.000000000e-01, v26;
	v31 =	vsub.f32 $1.500000000e+00, v31;
	v37 =	vmul.f32 v21, v21  }
0x112: {  	v40 =	vld.idx.msk [tilespmem:v18+s30+$0x0], $0xffff;
	v62 =	vsub.s32 $0x5F3759DF, v36;
	v44 =	vmul.f32 v28, v28;
	v45 =	vmul.f32 v35, v59  }
0x113: {  	v18 =	vld.idx.msk [tilespmem:v18+s31+$0x0], $0xffff;
	vm0 =	vmor vm1, vm0;
	v38 =	vmul.f32 v62, v63;
	v31 =	vmul.f32 v31, v56  }
0x114: {  	v46 =	vmul.f32 v24, v24;
	v34 =	vadd.f32 v37, v44;
	v20 =	vsub.f32 $1.500000000e+00, v45  }
0x115: {  	v49 =	vand.u32 $0x80000000, v8;
	v47 =	vmul.f32 v62, v38;
	v29 =	vmul.f32 v31, v52  }
0x116: {  	v34 =	vadd.f32 v46, v34;
	v30 =	vmul.f32 v20, v59;
	v20 =	vor.u32 $0x4, v6  }
0x117: {  	v37 =	vor.u32 v49, v1;
	v48 =	vsub.f32 $1.500000000e+00, v47;
	v29 =	vmul.f32 v29, v31  }
0x118: {  	v41 =	vpop (erf);
	v18 =	vmul.f32 $2.302585120e+00, v18;
	v8 =	vsel vm0, v37, v8;
	v34 =	vadd.f32 $9.999999820e-15, v34  }
0x119: {  	v8 =	vmul.f32 v8, v41;
	v32 =	vmul.f32 v62, v48;
	v29 =	vsub.f32 $1.500000000e+00, v29  }
0x11a: {  	v25 =	vmul.f32 v30, v25;
	v50 =	vshrl.u32 v34, $0x1;
	v51 =	vmul.f32 $5.000000000e-01, v34  }
0x11b: {  	v39 =	vmul.f32 v32, v63;
	v31 =	vmul.f32 v29, v31;
	v35 =	vsub.s32 $0x5F3759DF, v50;
	v54 =	vld.idx.msk [tilespmem:v20+s18+$0x0], $0xffff  }
0x11c: {  	v62 =	vmul.f32 $1.442695020e+00, v23;
	v56 =	vld.idx.msk [tilespmem:v20+s19+$0x0], $0xffff;
	v52 =	vmul.f32 v35, v51  }
0x11d: {  	v60 =	vld.idx.msk [tilespmem:v20+s20+$0x0], $0xffff;
	v39 =	vmul.f32 v39, v32;
	v27 =	vmul.f32 v31, v27  }
0x11e: {  	v8 =	vmul.f32 v25, v8;
	v29 =	vmul.f32 v35, v52  }
0x11f: {  	vm9 =	vlt.f32 v33, $0.0e+00;
	v53 =	vsub.f32 $1.500000000e+00, v39;
	v39 =	vsub.f32 v27, v40  }
0x120: {  	(erf) = vpow2.f32 v62;
	v61 =	vmul.f32 v8, v12;
	v55 =	vsub.f32 $1.500000000e+00, v29  }
0x121: {  	v57 =	vmul.f32 v53, v32;
	v58 =	vand.u32 $0x7FFFFFFF, v39;
	v29 =	vsub.f32 v54, v3  }
0x122: {  	v27 =	vsub.f32 v56, v4;
	v12 =	vsub.f32 v60, v2;
	v59 =	vmul.f32 v35, v55  }
0x123: {  	v23 =	vadd.f32 $9.999999820e-15, v58;
	v36 =	vmul.f32 v57, v63;
	v47 =	vmul.f32 v29, v29  }
0x124: {  	vm10 =	vgt.f32 v33, $0.0e+00;
	v42 =	vmul.f32 v27, v27;
	v63 =	vmul.f32 v59, v51  }
0x125: {  	v48 =	vmul.f32 v12, v12;
	v44 =	vshrl.u32 v23, $0x1;
	v40 =	vmul.f32 $5.000000000e-01, v23  }
0x126: {  	v45 =	vsub.s32 $0x5F3759DF, v44;
	v32 =	vadd.f32 v42, v47;
	v46 =	vmul.f32 v63, v59  }
0x127: {  	vm0 =	vmor vm10, vm9;
	v8 =	vmul.f32 v61, v7;
	v43 =	vmul.f32 v45, v40  }
0x128: {  	v7 =	vmul.f32 v61, v13;
	v49 =	vadd.f32 v48, v32;
	v41 =	vsub.f32 $1.500000000e+00, v46  }
0x129: {  	v30 =	vor.u32 $0x5, v6;
	v36 =	vmul.f32 v36, v57;
	v43 =	vmul.f32 v45, v43  }
0x12a: {  	v52 =	vand.u32 $0x80000000, v33;
	v38 =	vadd.f32 $9.999999820e-15, v49;
	v41 =	vmul.f32 v41, v59  }
0x12b: {  	v9 =	vmul.f32 v61, v9;
	v36 =	vsub.f32 $1.500000000e+00, v36;
	v50 =	vsub.f32 $1.500000000e+00, v43  }
0x12c: {  	v54 =	vshrl.u32 v38, $0x1;
	v37 =	vmul.f32 $5.000000000e-01, v38;
	v51 =	vmul.f32 v41, v51  }
0x12d: {  	v25 =	vmul.f32 v36, v57;
	v13 =	vmul.f32 v45, v50;
	v56 =	vsub.s32 $0x5F3759DF, v54  }
0x12e: {  	v61 =	vld.idx.msk [tilespmem:v30+s18+$0x0], $0xffff;
	v36 =	vor.u32 v52, v1;
	v44 =	vmul.f32 v56, v37;
	v53 =	vmul.f32 v51, v41  }
0x12f: {  	vm11 =	vlt.f32 v39, $0.0e+00;
	v49 =	vmul.f32 $1.442695020e+00, v18;
	v33 =	vsel vm0, v36, v33  }
0x130: {  	v63 =	vld.idx.msk [tilespmem:v30+s19+$0x0], $0xffff;
	v46 =	vpop (erf);
	v55 =	vmul.f32 v13, v40;
	v58 =	vmul.f32 v56, v44;
	v57 =	vsub.f32 $1.500000000e+00, v53  }
0x131: {  	vm12 =	vgt.f32 v39, $0.0e+00;
	v25 =	vmul.f32 v25, v26;
	v45 =	vld.idx.msk [tilespmem:v22+s30+$0x0], $0xffff;
	v59 =	vmul.f32 v33, v46  }
0x132: {  	v48 =	vld.idx.msk [tilespmem:v30+s20+$0x0], $0xffff;
	v42 =	vmul.f32 v55, v13;
	v36 =	vsub.f32 $1.500000000e+00, v58;
	v32 =	vmul.f32 v57, v41  }
0x133: {  	vm0 =	vmor vm12, vm11;
	v26 =	vsub.f32 v61, v3;
	v25 =	vmul.f32 v25, v59  }
0x134: {  	v60 =	vsub.f32 $1.500000000e+00, v42;
	v62 =	vmul.f32 v56, v36;
	v34 =	vmul.f32 v32, v34  }
0x135: {  	(erf) = vpow2.f32 v49;
	v18 =	vsub.f32 v63, v4;
	v25 =	vmul.f32 v25, v19  }
0x136: {  	v13 =	vmul.f32 v60, v13;
	v47 =	vmul.f32 v62, v37;
	v35 =	vsub.f32 v34, v45  }
0x137: {  	v19 =	vsub.f32 v48, v2;
	v55 =	vmul.f32 v26, v26;
	v56 =	vmul.f32 v18, v18  }
0x138: {  	v45 =	vmul.f32 v13, v40;
	v51 =	vmul.f32 v47, v62;
	v46 =	vand.u32 $0x7FFFFFFF, v35  }
0x139: {  	v59 =	vmul.f32 v19, v19;
	v58 =	vadd.f32 v56, v55;
	v43 =	vadd.f32 $9.999999820e-15, v46  }
0x13a: {  	v33 =	vor.u32 $0x6, v6;
	v50 =	vmul.f32 v45, v13;
	v54 =	vsub.f32 $1.500000000e+00, v51  }
0x13b: {  	v41 =	vadd.f32 v59, v58;
	v52 =	vshrl.u32 v43, $0x1;
	v40 =	vmul.f32 $5.000000000e-01, v43  }
0x13c: {  	v22 =	vld.idx.msk [tilespmem:v22+s31+$0x0], $0xffff;
	v36 =	vsub.f32 $1.500000000e+00, v50;
	v44 =	vmul.f32 v54, v62;
	v53 =	vsub.s32 $0x5F3759DF, v52  }
0x13d: {  	v10 =	vmul.f32 v25, v10;
	v41 =	vadd.f32 $9.999999820e-15, v41;
	v57 =	vmul.f32 v53, v40  }
0x13e: {  	v61 =	vand.u32 $0x80000000, v39;
	v13 =	vmul.f32 v36, v13;
	v37 =	vmul.f32 v44, v37  }
0x13f: {  	v51 =	vshrl.u32 v41, $0x1;
	v45 =	vmul.f32 $5.000000000e-01, v41;
	v60 =	vmul.f32 v53, v57  }
0x140: {  	v47 =	vld.idx.msk [tilespmem:v33+s18+$0x0], $0xffff;
	v23 =	vmul.f32 v13, v23;
	v13 =	vor.u32 v61, v1;
	v37 =	vmul.f32 v37, v44  }
0x141: {  	v48 =	vpop (erf);
	v54 =	vld.idx.msk [tilespmem:v33+s19+$0x0], $0xffff;
	v13 =	vsel vm0, v13, v39;
	v57 =	vmul.f32 $2.302585120e+00, v22;
	v36 =	vsub.f32 $1.500000000e+00, v60  }
0x142: {  	v49 =	vld.idx.msk [tilespmem:v33+s20+$0x0], $0xffff;
	v63 =	vsub.f32 $1.500000000e+00, v37;
	v48 =	vmul.f32 v13, v48;
	v13 =	vmul.f32 v25, v11  }
0x143: {  	v62 =	vld.idx.msk [tilespmem:v20+s30+$0x0], $0xffff;
	v37 =	vsub.s32 $0x5F3759DF, v51;
	v11 =	vmul.f32 v25, v17;
	v34 =	vmul.f32 v53, v36  }
0x144: {  	vm13 =	vlt.f32 v35, $0.0e+00;
	v36 =	vmul.f32 v63, v44;
	v53 =	vmul.f32 v37, v45  }
0x145: {  	v25 =	vsub.f32 v47, v3;
	v56 =	vmul.f32 v23, v48;
	v52 =	vmul.f32 v34, v40  }
0x146: {  	v23 =	vsub.f32 v54, v4;
	v38 =	vmul.f32 v36, v38;
	v39 =	vmul.f32 v37, v53  }
0x147: {  	v22 =	vsub.f32 v49, v2;
	v59 =	vmul.f32 v25, v25;
	v46 =	vmul.f32 v52, v34  }
0x148: {  	v44 =	vmul.f32 v23, v23;
	v38 =	vsub.f32 v38, v62;
	v39 =	vsub.f32 $1.500000000e+00, v39  }
0x149: {  	v42 =	vmul.f32 $1.442695020e+00, v57;
	v61 =	vmul.f32 v22, v22;
	v55 =	vsub.f32 $1.500000000e+00, v46  }
0x14a: {  	v58 =	vand.u32 $0x7FFFFFFF, v38;
	v37 =	vmul.f32 v37, v39;
	v39 =	vadd.f32 v44, v59  }
0x14b: {  	vm14 =	vgt.f32 v35, $0.0e+00;
	v47 =	vadd.f32 $9.999999820e-15, v58;
	v17 =	vmul.f32 v55, v34  }
0x14c: {  	(erf) = vpow2.f32 v42;
	v60 =	vmul.f32 v37, v45;
	v39 =	vadd.f32 v61, v39  }
0x14d: {  	v62 =	vshrl.u32 v47, $0x1;
	v49 =	vmul.f32 $5.000000000e-01, v47;
	v40 =	vmul.f32 v17, v40  }
0x14e: {  	v48 =	vsub.s32 $0x5F3759DF, v62;
	v34 =	vmul.f32 v60, v37;
	v39 =	vadd.f32 $9.999999820e-15, v39  }
0x14f: {  	vm0 =	vmor vm14, vm13;
	v31 =	vmul.f32 v56, v31;
	v63 =	vmul.f32 v48, v49  }
0x150: {  	v40 =	vmul.f32 v40, v17;
	v34 =	vsub.f32 $1.500000000e+00, v34;
	v51 =	vshrl.u32 v39, $0x1  }
0x151: {  	v42 =	vmul.f32 $5.000000000e-01, v39;
	v50 =	vmul.f32 v48, v63;
	v52 =	vsub.s32 $0x5F3759DF, v51  }
0x152: {  	v56 =	vld.idx.msk [tilespmem:v30+s30+$0x0], $0xffff;
	v40 =	vsub.f32 $1.500000000e+00, v40;
	v37 =	vmul.f32 v34, v37;
	v34 =	vor.u32 $0x7, v6  }
0x153: {  	v30 =	vld.idx.msk [tilespmem:v30+s31+$0x0], $0xffff;
	v16 =	vmul.f32 v31, v16;
	v55 =	vand.u32 $0x80000000, v35;
	v54 =	vmul.f32 v52, v42  }
0x154: {  	v17 =	vmul.f32 v40, v17;
	v40 =	vsub.f32 $1.500000000e+00, v50;
	v53 =	vmul.f32 v37, v45  }
0x155: {  	v14 =	vmul.f32 v31, v14;
	v46 =	vor.u32 v55, v1;
	v45 =	vmul.f32 v52, v54  }
0x156: {  	v20 =	vld.idx.msk [tilespmem:v20+s31+$0x0], $0xffff;
	v35 =	vsel vm0, v46, v35;
	v50 =	vpop (erf);
	v40 =	vmul.f32 v48, v40;
	v44 =	vmul.f32 v53, v37  }
0x157: {  	v17 =	vmul.f32 v17, v43;
	v45 =	vsub.f32 $1.500000000e+00, v45;
	v35 =	vmul.f32 v35, v50;
	v57 =	vld.idx.msk [tilespmem:v34+s18+$0x0], $0xffff  }
0x158: {  	v30 =	vmul.f32 $2.302585120e+00, v30;
	v58 =	vld.idx.msk [tilespmem:v34+s19+$0x0], $0xffff;
	v48 =	vmul.f32 v40, v49;
	v44 =	vsub.f32 $1.500000000e+00, v44  }
0x159: {  	v60 =	vld.idx.msk [tilespmem:v34+s20+$0x0], $0xffff;
	v43 =	vmul.f32 v52, v45;
	v17 =	vmul.f32 v17, v35  }
0x15a: {  	vm15 =	vlt.f32 v38, $0.0e+00;
	v48 =	vmul.f32 v48, v40;
	v37 =	vmul.f32 v44, v37  }
0x15b: {  	vm4 =	vgt.f32 v38, $0.0e+00;
	v62 =	vmul.f32 $2.302585120e+00, v20;
	v45 =	vmul.f32 v43, v42  }
0x15c: {  	v51 =	vmul.f32 v17, v32;
	v59 =	vsub.f32 $1.500000000e+00, v48;
	v41 =	vmul.f32 v37, v41  }
0x15d: {  	v61 =	vmul.f32 v45, v43;
	v35 =	vsub.f32 v57, v3;
	v32 =	vsub.f32 v58, v4  }
0x15e: {  	v20 =	vsub.f32 v60, v2;
	v21 =	vmul.f32 v51, v21;
	v24 =	vmul.f32 v51, v24  }
0x15f: {  	v40 =	vmul.f32 v59, v40;
	v52 =	vsub.f32 v41, v56;
	v54 =	vmul.f32 v35, v35  }
0x160: {  	v17 =	vsub.f32 $1.500000000e+00, v61;
	v55 =	vmul.f32 v32, v32;
	v41 =	vmul.f32 $1.442695020e+00, v62  }
0x161: {  	v58 =	vmul.f32 v20, v20;
	v63 =	vmul.f32 v40, v49;
	v53 =	vand.u32 $0x7FFFFFFF, v52  }
0x162: {  	v43 =	vmul.f32 v17, v43;
	v57 =	vadd.f32 v55, v54;
	(erf) = vpow2.f32 v41  }
0x163: {  	v17 =	vmul.f32 v31, v15;
	v15 =	vmul.f32 v51, v28;
	v49 =	vadd.f32 $9.999999820e-15, v53  }
0x164: {  	v41 =	vor.u32 $0x8, v6;
	v42 =	vmul.f32 v43, v42;
	v60 =	vadd.f32 v58, v57  }
0x165: {  	v56 =	vmul.f32 v63, v40;
	v59 =	vshrl.u32 v49, $0x1;
	v48 =	vmul.f32 $5.000000000e-01, v49  }
0x166: {  	v46 =	vsub.s32 $0x5F3759DF, v59;
	v42 =	vmul.f32 v42, v43;
	v50 =	vadd.f32 $9.999999820e-15, v60  }
0x167: {  	v51 =	vmul.f32 $1.442695020e+00, v30;
	v61 =	vsub.f32 $1.500000000e+00, v56;
	v62 =	vmul.f32 v46, v48  }
0x168: {  	v53 =	vld.idx.msk [tilespmem:v33+s30+$0x0], $0xffff;
	v57 =	vsub.f32 $1.500000000e+00, v42;
	v58 =	vshrl.u32 v50, $0x1;
	v44 =	vmul.f32 $5.000000000e-01, v50  }
0x169: {  	v63 =	vmul.f32 v61, v40;
	v40 =	vld.idx.msk [tilespmem:v41+s18+$0x0], $0xffff;
	v56 =	vmul.f32 v46, v62;
	v42 =	vsub.s32 $0x5F3759DF, v58  }
0x16a: {  	vm0 =	vmor vm4, vm15;
	v58 =	vld.idx.msk [tilespmem:v41+s19+$0x0], $0xffff;
	v45 =	vmul.f32 v57, v43;
	v60 =	vmul.f32 v42, v44  }
0x16b: {  	v59 =	vand.u32 $0x80000000, v38;
	v28 =	vmul.f32 v63, v47;
	v31 =	vsub.f32 $1.500000000e+00, v56  }
0x16c: {  	v54 =	vor.u32 v59, v1;
	v61 =	vmul.f32 v45, v39;
	v62 =	vmul.f32 v42, v60  }
0x16d: {  	v38 =	vsel vm0, v54, v38;
	v63 =	vpop (erf);
	(erf) = vpow2.f32 v51;
	v43 =	vmul.f32 v46, v31  }
0x16e: {  	v38 =	vmul.f32 v38, v63;
	v53 =	vsub.f32 v61, v53;
	v57 =	vsub.f32 $1.500000000e+00, v62  }
0x16f: {  	v31 =	vsub.f32 v40, v3;
	v61 =	vld.idx.msk [tilespmem:v41+s20+$0x0], $0xffff;
	v30 =	vsub.f32 v58, v4;
	v56 =	vmul.f32 v43, v48  }
0x170: {  	v38 =	vmul.f32 v28, v38;
	v60 =	vand.u32 $0x7FFFFFFF, v53;
	v42 =	vmul.f32 v42, v57  }
0x171: {  	v59 =	vmul.f32 v56, v43;
	v47 =	vadd.f32 $9.999999820e-15, v60;
	v60 =	vmul.f32 v31, v31  }
0x172: {  	v56 =	vmul.f32 v30, v30;
	v62 =	vmul.f32 v42, v44  }
0x173: {  	v46 =	vsub.f32 $1.500000000e+00, v59;
	v55 =	vshrl.u32 v47, $0x1;
	v40 =	vmul.f32 $5.000000000e-01, v47  }
0x174: {  	v28 =	vsub.f32 v61, v2;
	v39 =	vsub.s32 $0x5F3759DF, v55;
	v63 =	vmul.f32 v62, v42  }
0x175: {  	v8 =	vadd.f32 $0.0e+00, v8;
	v43 =	vmul.f32 v46, v43;
	v61 =	vmul.f32 v39, v40  }
0x176: {  	v54 =	vadd.f32 v56, v60;
	v62 =	vmul.f32 v28, v28;
	v55 =	vsub.f32 $1.500000000e+00, v63  }
0x177: {  	v10 =	vadd.f32 v10, v8;
	v48 =	vmul.f32 v43, v48;
	v46 =	vmul.f32 v39, v61  }
0x178: {  	vm5 =	vlt.f32 v52, $0.0e+00;
	v63 =	vmul.f32 v55, v42;
	v55 =	vadd.f32 v62, v54  }
0x179: {  	vm6 =	vgt.f32 v52, $0.0e+00;
	v56 =	vmul.f32 v48, v43;
	v46 =	vsub.f32 $1.500000000e+00, v46  }
0x17a: {  	vm0 =	vmor vm6, vm5;
	v44 =	vmul.f32 v63, v44;
	v51 =	vadd.f32 $9.999999820e-15, v55  }
0x17b: {  	v57 =	vmul.f32 v38, v36;
	v38 =	vsub.f32 $1.500000000e+00, v56;
	v39 =	vmul.f32 v39, v46  }
0x17c: {  	v44 =	vmul.f32 v44, v63;
	v59 =	vshrl.u32 v51, $0x1;
	v54 =	vmul.f32 $5.000000000e-01, v51  }
0x17d: {  	v33 =	vld.idx.msk [tilespmem:v33+s31+$0x0], $0xffff;
	v46 =	vor.u32 $0x9, v6;
	v60 =	vmul.f32 v39, v40;
	v61 =	vsub.s32 $0x5F3759DF, v59  }
0x17e: {  	v58 =	vand.u32 $0x80000000, v52;
	v44 =	vsub.f32 $1.500000000e+00, v44;
	v62 =	vmul.f32 v61, v54  }
0x17f: {  	v42 =	vor.u32 v58, v1;
	v38 =	vmul.f32 v38, v43;
	v58 =	vmul.f32 v60, v39  }
0x180: {  	v42 =	vsel vm0, v42, v52;
	v59 =	vld.idx.msk [tilespmem:v34+s30+$0x0], $0xffff;
	v56 =	vpop (erf);
	v48 =	vmul.f32 v44, v63;
	v63 =	vmul.f32 v61, v62  }
0x181: {  	v10 =	vadd.f32 v16, v10;
	v42 =	vmul.f32 v42, v56;
	v38 =	vmul.f32 v38, v49  }
0x182: {  	v33 =	vmul.f32 $2.302585120e+00, v33;
	v43 =	vld.idx.msk [tilespmem:v46+s18+$0x0], $0xffff;
	v60 =	vsub.f32 $1.500000000e+00, v58;
	v36 =	vsub.f32 $1.500000000e+00, v63  }
0x183: {  	v38 =	vmul.f32 v38, v42;
	v50 =	vmul.f32 v48, v50  }
0x184: {  	v15 =	vadd.f32 v15, v10;
	v39 =	vmul.f32 v60, v39;
	v44 =	vmul.f32 v61, v36;
	v36 =	vld.idx.msk [tilespmem:v46+s19+$0x0], $0xffff  }
0x185: {  	v33 =	vmul.f32 $1.442695020e+00, v33;
	vm7 =	vlt.f32 v53, $0.0e+00;
	v63 =	vld.idx.msk [tilespmem:v46+s20+$0x0], $0xffff;
	v49 =	vsub.f32 v50, v59  }
0x186: {  	vm8 =	vgt.f32 v53, $0.0e+00;
	v55 =	vmul.f32 v38, v37;
	v40 =	vmul.f32 v39, v40  }
0x187: {  	v38 =	vsub.f32 v43, v3;
	v61 =	vand.u32 $0x7FFFFFFF, v49;
	v62 =	vmul.f32 v44, v54  }
0x188: {  	(erf) = vpow2.f32 v33;
	v56 =	vadd.f32 $9.999999820e-15, v61;
	v40 =	vmul.f32 v40, v39  }
0x189: {  	v60 =	vmul.f32 v62, v44;
	v62 =	vmul.f32 v38, v38;
	v37 =	vsub.f32 v36, v4  }
0x18a: {  	v61 =	vshrl.u32 v56, $0x1;
	v50 =	vmul.f32 $5.000000000e-01, v56;
	v36 =	vsub.f32 v63, v2  }
0x18b: {  	v43 =	vsub.s32 $0x5F3759DF, v61;
	v42 =	vsub.f32 $1.500000000e+00, v60;
	v63 =	vmul.f32 v37, v37  }
0x18c: {  	v29 =	vmul.f32 v57, v29;
	v59 =	vsub.f32 $1.500000000e+00, v40;
	v60 =	vmul.f32 v43, v50  }
0x18d: {  	v42 =	vmul.f32 v42, v44;
	v61 =	vadd.f32 v63, v62;
	v62 =	vmul.f32 v36, v36  }
0x18e: {  	vm0 =	vmor vm8, vm7;
	v33 =	vmul.f32 v59, v39;
	v63 =	vmul.f32 v43, v60  }
0x18f: {  	v44 =	vor.u32 $0xA, v6;
	v58 =	vmul.f32 v42, v54;
	v52 =	vadd.f32 v62, v61  }
0x190: {  	v59 =	vand.u32 $0x80000000, v53;
	v33 =	vmul.f32 v33, v47;
	v39 =	vsub.f32 $1.500000000e+00, v63  }
0x191: {  	v47 =	vor.u32 v59, v1;
	v40 =	vmul.f32 v58, v42;
	v52 =	vadd.f32 $9.999999820e-15, v52  }
0x192: {  	v27 =	vmul.f32 v57, v27;
	v34 =	vld.idx.msk [tilespmem:v34+s31+$0x0], $0xffff;
	v53 =	vsel vm0, v47, v53;
	v54 =	vmul.f32 v43, v39  }
0x193: {  	v58 =	vld.idx.msk [tilespmem:v41+s30+$0x0], $0xffff;
	v61 =	vpop (erf);
	v39 =	vsub.f32 $1.500000000e+00, v40;
	v60 =	vshrl.u32 v52, $0x1;
	v59 =	vmul.f32 $5.000000000e-01, v52  }
0x194: {  	v53 =	vmul.f32 v53, v61;
	v43 =	vmul.f32 v54, v50;
	v40 =	vsub.s32 $0x5F3759DF, v60;
	v60 =	vld.idx.msk [tilespmem:v44+s18+$0x0], $0xffff  }
0x195: {  	v47 =	vmul.f32 v39, v42;
	v42 =	vld.idx.msk [tilespmem:v44+s19+$0x0], $0xffff;
	v39 =	vmul.f32 v40, v59  }
0x196: {  	v15 =	vadd.f32 v29, v15;
	v63 =	vld.idx.msk [tilespmem:v44+s20+$0x0], $0xffff;
	v53 =	vmul.f32 v33, v53;
	v61 =	vmul.f32 v43, v54  }
0x197: {  	vm9 =	vlt.f32 v49, $0.0e+00;
	v51 =	vmul.f32 v47, v51;
	v62 =	vmul.f32 v40, v39  }
0x198: {  	v43 =	vmul.f32 v57, v12;
	v53 =	vmul.f32 v53, v45;
	v61 =	vsub.f32 $1.500000000e+00, v61  }
0x199: {  	v39 =	vmul.f32 v55, v26;
	v51 =	vsub.f32 v51, v58;
	v57 =	vsub.f32 $1.500000000e+00, v62  }
0x19a: {  	v62 =	vmul.f32 $2.302585120e+00, v34;
	v26 =	vsub.f32 v60, v3;
	v33 =	vsub.f32 v42, v4  }
0x19b: {  	v12 =	vmul.f32 v61, v54;
	v34 =	vsub.f32 v63, v2;
	v54 =	vmul.f32 v40, v57  }
0x19c: {  	v61 =	vand.u32 $0x7FFFFFFF, v51;
	v40 =	vmul.f32 v26, v26;
	v57 =	vmul.f32 v33, v33  }
0x19d: {  	v58 =	vmul.f32 $1.442695020e+00, v62;
	v50 =	vmul.f32 v12, v50;
	v60 =	vadd.f32 $9.999999820e-15, v61  }
0x19e: {  	v62 =	vmul.f32 v34, v34;
	v42 =	vmul.f32 v54, v59;
	v40 =	vadd.f32 v57, v40  }
0x19f: {  	(erf) = vpow2.f32 v58;
	v50 =	vmul.f32 v50, v12;
	v58 =	vshrl.u32 v60, $0x1  }
0x1a0: {  	v61 =	vmul.f32 $5.000000000e-01, v60;
	v57 =	vadd.f32 v62, v40;
	v62 =	vmul.f32 v42, v54  }
0x1a1: {  	v42 =	vmul.f32 v55, v18;
	v18 =	vsub.f32 $1.500000000e+00, v50;
	v50 =	vsub.s32 $0x5F3759DF, v58  }
0x1a2: {  	vm10 =	vgt.f32 v49, $0.0e+00;
	v25 =	vmul.f32 v53, v25;
	v63 =	vmul.f32 v50, v61  }
0x1a3: {  	v23 =	vmul.f32 v53, v23;
	v62 =	vsub.f32 $1.500000000e+00, v62;
	v57 =	vadd.f32 $9.999999820e-15, v57  }
0x1a4: {  	vm0 =	vmor vm10, vm9;
	v40 =	vmul.f32 v55, v19;
	v63 =	vmul.f32 v50, v63  }
0x1a5: {  	v19 =	vmul.f32 v62, v54;
	v58 =	vshrl.u32 v57, $0x1;
	v54 =	vmul.f32 $5.000000000e-01, v57  }
0x1a6: {  	v22 =	vmul.f32 v53, v22;
	v12 =	vmul.f32 v18, v12;
	v45 =	vsub.s32 $0x5F3759DF, v58  }
0x1a7: {  	v18 =	vsub.f32 $1.500000000e+00, v63;
	v55 =	vmul.f32 v19, v59;
	v63 =	vmul.f32 v45, v54  }
0x1a8: {  	v39 =	vadd.f32 v39, v15;
	vm11 =	vlt.f32 v51, $0.0e+00;
	vm12 =	vgt.f32 v51, $0.0e+00  }
0x1a9: {  	v62 =	vand.u32 $0x80000000, v49;
	v18 =	vmul.f32 v50, v18;
	v50 =	vmul.f32 v55, v19  }
0x1aa: {  	v12 =	vmul.f32 v12, v56;
	v62 =	vor.u32 v62, v1;
	v56 =	vmul.f32 v45, v63  }
0x1ab: {  	v41 =	vld.idx.msk [tilespmem:v41+s31+$0x0], $0xffff;
	v49 =	vsel vm0, v62, v49;
	v62 =	vmul.f32 v18, v61;
	v63 =	vpop (erf);
	v50 =	vsub.f32 $1.500000000e+00, v50  }
0x1ac: {  	v25 =	vadd.f32 v25, v39;
	v56 =	vsub.f32 $1.500000000e+00, v56;
	v49 =	vmul.f32 v49, v63;
	v63 =	vld.idx.msk [tilespmem:v46+s30+$0x0], $0xffff  }
0x1ad: {  	v58 =	vadd.f32 $0.0e+00, v9;
	v55 =	vmul.f32 v62, v18;
	v50 =	vmul.f32 v50, v19  }
0x1ae: {  	v12 =	vmul.f32 v12, v49;
	v49 =	vmul.f32 v45, v56;
	v45 =	vor.u32 $0xB, v6  }
0x1af: {  	vm0 =	vmor vm12, vm11;
	v59 =	vsub.f32 $1.500000000e+00, v55;
	v52 =	vmul.f32 v50, v52  }
0x1b0: {  	v11 =	vadd.f32 v11, v58;
	v12 =	vmul.f32 v12, v48;
	v62 =	vmul.f32 v49, v54  }
0x1b1: {  	v53 =	vmul.f32 v59, v18;
	v52 =	vsub.f32 v52, v63;
	v63 =	vmul.f32 $2.302585120e+00, v41  }
0x1b2: {  	v55 =	vadd.f32 $0.0e+00, v7;
	v19 =	vmul.f32 v12, v35;
	v7 =	vmul.f32 v62, v49  }
0x1b3: {  	v61 =	vmul.f32 v53, v61;
	v62 =	vand.u32 $0x7FFFFFFF, v52;
	v56 =	vld.idx.msk [tilespmem:v45+s18+$0x0], $0xffff;
	v9 =	vmul.f32 $1.442695020e+00, v63  }
0x1b4: {  	v18 =	vmul.f32 v12, v32;
	v32 =	vld.idx.msk [tilespmem:v45+s19+$0x0], $0xffff;
	v48 =	vadd.f32 $9.999999820e-15, v62;
	v7 =	vsub.f32 $1.500000000e+00, v7  }
0x1b5: {  	v11 =	vadd.f32 v17, v11;
	v35 =	vmul.f32 v61, v53;
	(erf) = vpow2.f32 v9  }
0x1b6: {  	v61 =	vld.idx.msk [tilespmem:v45+s20+$0x0], $0xffff;
	v41 =	vshrl.u32 v48, $0x1;
	v59 =	vmul.f32 $5.000000000e-01, v48;
	v49 =	vmul.f32 v7, v49  }
0x1b7: {  	v24 =	vadd.f32 v24, v11;
	v7 =	vsub.f32 $1.500000000e+00, v35;
	v35 =	vsub.s32 $0x5F3759DF, v41  }
0x1b8: {  	v13 =	vadd.f32 v13, v55;
	v63 =	vmul.f32 v35, v59;
	v62 =	vmul.f32 v49, v54  }
0x1b9: {  	v53 =	vmul.f32 v7, v53;
	v7 =	vsub.f32 v56, v3;
	v8 =	vsub.f32 v32, v4  }
0x1ba: {  	v56 =	vand.u32 $0x80000000, v51;
	v63 =	vmul.f32 v35, v63;
	v41 =	vmul.f32 v62, v49  }
0x1bb: {  	v46 =	vld.idx.msk [tilespmem:v46+s31+$0x0], $0xffff;
	v9 =	vsub.f32 v61, v2;
	v61 =	vmul.f32 v7, v7;
	v62 =	vmul.f32 v8, v8  }
0x1bc: {  	v13 =	vadd.f32 v14, v13;
	v56 =	vor.u32 v56, v1;
	v32 =	vsub.f32 $1.500000000e+00, v63  }
0x1bd: {  	v55 =	vmul.f32 v9, v9;
	v41 =	vsub.f32 $1.500000000e+00, v41;
	v54 =	vadd.f32 v62, v61  }
0x1be: {  	v53 =	vmul.f32 v53, v60;
	v51 =	vsel vm0, v56, v51;
	v61 =	vld.idx.msk [tilespmem:v44+s30+$0x0], $0xffff;
	v32 =	vmul.f32 v35, v32;
	v63 =	vpop (erf)  }
0x1bf: {  	v35 =	vmul.f32 v41, v49;
	v41 =	vadd.f32 v55, v54;
	v49 =	vmul.f32 v51, v63  }
0x1c0: {  	vm13 =	vlt.f32 v52, $0.0e+00;
	v63 =	vmul.f32 $2.302585120e+00, v46;
	v60 =	vmul.f32 v32, v59  }
0x1c1: {  	vm14 =	vgt.f32 v52, $0.0e+00;
	v62 =	vmul.f32 v35, v57;
	v55 =	vadd.f32 $9.999999820e-15, v41  }
0x1c2: {  	v13 =	vadd.f32 v21, v13;
	v41 =	vmul.f32 $1.442695020e+00, v63;
	v60 =	vmul.f32 v60, v32  }
0x1c3: {  	v51 =	vsub.f32 v62, v61;
	v61 =	vshrl.u32 v55, $0x1;
	v56 =	vmul.f32 $5.000000000e-01, v55  }
0x1c4: {  	v49 =	vmul.f32 v53, v49;
	v54 =	vsub.s32 $0x5F3759DF, v61;
	v46 =	vsub.f32 $1.500000000e+00, v60  }
0x1c5: {  	(erf) = vpow2.f32 v41;
	v62 =	vand.u32 $0x7FFFFFFF, v51;
	v63 =	vmul.f32 v54, v56  }
0x1c6: {  	v25 =	vadd.f32 v19, v25;
	v53 =	vadd.f32 $9.999999820e-15, v62;
	v46 =	vmul.f32 v46, v32  }
0x1c7: {  	v16 =	vmul.f32 v49, v47;
	v41 =	vor.u32 $0xC, v6;
	v58 =	vmul.f32 v54, v63  }
0x1c8: {  	v61 =	vshrl.u32 v53, $0x1;
	v49 =	vmul.f32 $5.000000000e-01, v53;
	v60 =	vmul.f32 v46, v59  }
0x1c9: {  	v32 =	vmul.f32 v12, v20;
	v12 =	vsub.f32 $1.500000000e+00, v58;
	v47 =	vsub.s32 $0x5F3759DF, v61  }
0x1ca: {  	vm0 =	vmor vm14, vm13;
	v62 =	vmul.f32 v47, v49;
	v20 =	vmul.f32 v60, v46  }
0x1cb: {  	vm15 =	vlt.f32 v51, $0.0e+00;
	v31 =	vmul.f32 v16, v31;
	v12 =	vmul.f32 v54, v12  }
0x1cc: {  	v63 =	vand.u32 $0x80000000, v52;
	v54 =	vld.idx.msk [tilespmem:v41+s18+$0x0], $0xffff;
	v14 =	vmul.f32 v47, v62;
	v20 =	vsub.f32 $1.500000000e+00, v20  }
0x1cd: {  	v30 =	vmul.f32 v16, v30;
	v61 =	vor.u32 v63, v1;
	v60 =	vmul.f32 v12, v56  }
0x1ce: {  	v57 =	vld.idx.msk [tilespmem:v41+s19+$0x0], $0xffff;
	v62 =	vpop (erf);
	v14 =	vsub.f32 $1.500000000e+00, v14;
	v20 =	vmul.f32 v20, v46;
	v46 =	vsel vm0, v61, v52  }
0x1cf: {  	vm4 =	vgt.f32 v51, $0.0e+00;
	v63 =	vmul.f32 v60, v12;
	v61 =	vld.idx.msk [tilespmem:v41+s20+$0x0], $0xffff;
	v46 =	vmul.f32 v46, v62  }
0x1d0: {  	v25 =	vadd.f32 v31, v25;
	v14 =	vmul.f32 v47, v14;
	v20 =	vmul.f32 v20, v48  }
0x1d1: {  	v17 =	vmul.f32 v16, v28;
	v10 =	vsub.f32 v54, v3;
	v60 =	vsub.f32 $1.500000000e+00, v63;
	v63 =	vld.idx.msk [tilespmem:v44+s31+$0x0], $0xffff  }
0x1d2: {  	vm0 =	vmor vm4, vm15;
	v52 =	vmul.f32 v14, v49;
	v62 =	vmul.f32 v20, v46  }
0x1d3: {  	v59 =	vmul.f32 v10, v10;
	v44 =	vmul.f32 v60, v12;
	v12 =	vsub.f32 v57, v4  }
0x1d4: {  	v20 =	vmul.f32 v52, v14;
	v11 =	vsub.f32 v61, v2;
	v46 =	vmul.f32 v62, v50  }
0x1d5: {  	v48 =	vadd.f32 v27, v13;
	v58 =	vmul.f32 v44, v56;
	v60 =	vmul.f32 v12, v12  }
0x1d6: {  	v16 =	vmul.f32 $2.302585120e+00, v63;
	v20 =	vsub.f32 $1.500000000e+00, v20;
	v62 =	vmul.f32 v11, v11  }
0x1d7: {  	v21 =	vmul.f32 v58, v44;
	v61 =	vadd.f32 v60, v59;
	v28 =	vmul.f32 v46, v38  }
0x1d8: {  	v57 =	vand.u32 $0x80000000, v51;
	v16 =	vmul.f32 $1.442695020e+00, v16;
	v14 =	vmul.f32 v20, v14  }
0x1d9: {  	v63 =	vsub.f32 $1.500000000e+00, v21;
	v21 =	vmul.f32 v46, v37;
	v29 =	vadd.f32 v62, v61  }
0x1da: {  	v42 =	vadd.f32 v42, v48;
	v52 =	vld.idx.msk [tilespmem:v45+s30+$0x0], $0xffff;
	(erf) = vpow2.f32 v16;
	v54 =	vmul.f32 v14, v49  }
0x1db: {  	v37 =	vor.u32 $0xD, v6;
	v44 =	vmul.f32 v63, v44;
	v49 =	vadd.f32 $9.999999820e-15, v29  }
0x1dc: {  	v23 =	vadd.f32 v23, v42;
	v27 =	vmul.f32 v46, v36;
	v13 =	vmul.f32 v54, v14  }
0x1dd: {  	v56 =	vmul.f32 v44, v55;
	v29 =	vshrl.u32 v49, $0x1;
	v50 =	vmul.f32 $5.000000000e-01, v49  }
0x1de: {  	v58 =	vor.u32 v57, v1;
	v23 =	vadd.f32 v18, v23;
	v20 =	vsub.s32 $0x5F3759DF, v29  }
0x1df: {  	v13 =	vsub.f32 $1.500000000e+00, v13;
	v46 =	vsub.f32 v56, v52;
	v29 =	vmul.f32 v20, v50  }
0x1e0: {  	v38 =	vor.u32 $0xF, v6;
	v62 =	vsel vm0, v58, v51;
	v23 =	vadd.f32 v30, v23;
	v61 =	vld.idx.msk [tilespmem:v37+s19+$0x0], $0xffff  }
0x1e1: {  	v60 =	vld.idx.msk [tilespmem:v37+s18+$0x0], $0xffff;
	v13 =	vmul.f32 v13, v14;
	v59 =	vand.u32 $0x7FFFFFFF, v46;
	v29 =	vmul.f32 v20, v29  }
0x1e2: {  	v16 =	vadd.f32 v43, v24;
	v43 =	vor.u32 $0xE, v6;
	v47 =	vadd.f32 $9.999999820e-15, v59  }
0x1e3: {  	v25 =	vadd.f32 v28, v25;
	v58 =	vld.idx.msk [tilespmem:v37+s20+$0x0], $0xffff;
	v13 =	vmul.f32 v13, v53;
	v63 =	vpop (erf);
	v29 =	vsub.f32 $1.500000000e+00, v29  }
0x1e4: {  	v57 =	vshrl.u32 v47, $0x1;
	v52 =	vmul.f32 $5.000000000e-01, v47;
	v14 =	vmul.f32 v62, v63  }
0x1e5: {  	v15 =	vsub.f32 v61, v4;
	v24 =	vsub.s32 $0x5F3759DF, v57;
	v29 =	vmul.f32 v20, v29  }
0x1e6: {  	v51 =	vmul.f32 v24, v52;
	v59 =	vmul.f32 v13, v14;
	v13 =	vsub.f32 v60, v3  }
0x1e7: {  	v21 =	vadd.f32 v21, v23;
	v55 =	vld.idx.msk [tilespmem:v43+s19+$0x0], $0xffff;
	v63 =	vmul.f32 v15, v15;
	v61 =	vmul.f32 v29, v50  }
0x1e8: {  	v14 =	vsub.f32 v58, v2;
	v60 =	vmul.f32 v24, v51;
	v51 =	vld.idx.msk [tilespmem:v43+s18+$0x0], $0xffff;
	v62 =	vmul.f32 v13, v13  }
0x1e9: {  	v40 =	vadd.f32 v40, v16;
	v20 =	vmul.f32 v59, v35;
	v61 =	vmul.f32 v61, v29  }
0x1ea: {  	v57 =	vld.idx.msk [tilespmem:v43+s20+$0x0], $0xffff;
	v60 =	vsub.f32 $1.500000000e+00, v60;
	v62 =	vadd.f32 v63, v62;
	v63 =	vmul.f32 v14, v14  }
0x1eb: {  	v40 =	vadd.f32 v22, v40;
	v36 =	vmul.f32 v20, v26;
	v35 =	vmul.f32 v20, v33  }
0x1ec: {  	v58 =	vsub.f32 $1.500000000e+00, v61;
	v24 =	vmul.f32 v24, v60;
	v59 =	vadd.f32 v63, v62  }
0x1ed: {  	v54 =	vld.idx.msk [tilespmem:v38+s19+$0x0], $0xffff;
	v33 =	vmul.f32 v20, v34;
	v20 =	vsub.f32 v55, v4;
	v6 =	vsub.f32 v51, v3  }
0x1ee: {  	v26 =	vld.idx.msk [tilespmem:v38+s18+$0x0], $0xffff;
	v48 =	vmul.f32 v58, v29;
	v60 =	vmul.f32 v24, v52;
	v51 =	vadd.f32 $9.999999820e-15, v59  }
0x1ef: {  	v34 =	vld.idx.msk [tilespmem:v45+s31+$0x0], $0xffff;
	v16 =	vsub.f32 v57, v2;
	v62 =	vmul.f32 v20, v20;
	v61 =	vmul.f32 v6, v6  }
0x1f0: {  	v50 =	vmul.f32 v48, v50;
	v45 =	vmul.f32 v60, v24;
	v63 =	vshrl.u32 v51, $0x1  }
0x1f1: {  	v56 =	vmul.f32 $5.000000000e-01, v51;
	v60 =	vmul.f32 v16, v16;
	v29 =	vadd.f32 v62, v61;
	v61 =	vld.idx.msk [tilespmem:v38+s20+$0x0], $0xffff  }
0x1f2: {  	v50 =	vmul.f32 v50, v48;
	v62 =	vsub.f32 $1.500000000e+00, v45;
	v45 =	vsub.s32 $0x5F3759DF, v63  }
0x1f3: {  	v26 =	vsub.f32 v26, v3;
	v55 =	vmul.f32 v45, v56;
	v53 =	vadd.f32 v60, v29  }
0x1f4: {  	v58 =	vmul.f32 $2.302585120e+00, v34;
	v29 =	vsub.f32 v54, v4;
	v63 =	vsub.f32 $1.500000000e+00, v50  }
0x1f5: {  	v54 =	vmul.f32 v26, v26;
	v60 =	vmul.f32 v45, v55;
	v53 =	vadd.f32 $9.999999820e-15, v53  }
0x1f6: {  	v59 =	vmul.f32 v62, v24;
	v55 =	vmul.f32 v29, v29;
	v24 =	vsub.f32 v61, v2  }
0x1f7: {  	v34 =	vmul.f32 v63, v48;
	v48 =	vsub.f32 $1.500000000e+00, v60;
	v50 =	vshrl.u32 v53, $0x1  }
0x1f8: {  	v57 =	vld.idx.msk [tilespmem:v41+s30+$0x0], $0xffff;
	v60 =	vmul.f32 $5.000000000e-01, v53;
	v54 =	vadd.f32 v55, v54;
	v61 =	vmul.f32 v24, v24  }
0x1f9: {  	v32 =	vadd.f32 v32, v40;
	v45 =	vmul.f32 v45, v48;
	v48 =	vsub.s32 $0x5F3759DF, v50  }
0x1fa: {  	v58 =	vmul.f32 $1.442695020e+00, v58;
	v62 =	vmul.f32 v48, v60;
	v54 =	vadd.f32 v61, v54  }
0x1fb: {  	vm5 =	vlt.f32 v46, $0.0e+00;
	v63 =	vmul.f32 v34, v49;
	v50 =	vmul.f32 v59, v52  }
0x1fc: {  	(erf) = vpow2.f32 v58;
	v52 =	vmul.f32 v48, v62;
	v54 =	vadd.f32 $9.999999820e-15, v54  }
0x1fd: {  	v39 =	vsub.f32 v63, v57;
	v61 =	vmul.f32 v45, v56;
	v50 =	vmul.f32 v50, v59  }
0x1fe: {  	v52 =	vsub.f32 $1.500000000e+00, v52;
	v62 =	vshrl.u32 v54, $0x1;
	v57 =	vmul.f32 $5.000000000e-01, v54  }
0x1ff: {  	v49 =	vmul.f32 v61, v45;
	v50 =	vsub.f32 $1.500000000e+00, v50;
	v55 =	vsub.s32 $0x5F3759DF, v62  }
0x200: {  	v63 =	vand.u32 $0x7FFFFFFF, v39;
	v48 =	vmul.f32 v48, v52;
	v61 =	vmul.f32 v55, v57  }
0x201: {  	v41 =	vld.idx.msk [tilespmem:v41+s31+$0x0], $0xffff;
	v58 =	vadd.f32 $9.999999820e-15, v63;
	v49 =	vsub.f32 $1.500000000e+00, v49;
	v50 =	vmul.f32 v50, v59  }
0x202: {  	vm6 =	vgt.f32 v46, $0.0e+00;
	v62 =	vmul.f32 v48, v60;
	v63 =	vmul.f32 v55, v61  }
0x203: {  	v59 =	vmul.f32 $5.000000000e-01, v58;
	v45 =	vmul.f32 v49, v45;
	v61 =	vshrl.u32 v58, $0x1  }
0x204: {  	v52 =	vsub.s32 $0x5F3759DF, v61;
	v42 =	vmul.f32 v62, v48;
	v49 =	vsub.f32 $1.500000000e+00, v63  }
0x205: {  	v17 =	vadd.f32 v17, v32;
	v56 =	vmul.f32 v45, v56;
	v62 =	vmul.f32 v52, v59  }
0x206: {  	v41 =	vmul.f32 $2.302585120e+00, v41;
	v42 =	vsub.f32 $1.500000000e+00, v42;
	v49 =	vmul.f32 v55, v49  }
0x207: {  	vm0 =	vmor vm6, vm5;
	v56 =	vmul.f32 v56, v45;
	v22 =	vmul.f32 v52, v62  }
0x208: {  	v17 =	vadd.f32 v27, v17;
	v42 =	vmul.f32 v42, v48;
	v48 =	vmul.f32 v49, v57  }
0x209: {  	v25 =	vadd.f32 v36, v25;
	v41 =	vmul.f32 $1.442695020e+00, v41;
	v55 =	vsub.f32 $1.500000000e+00, v56  }
0x20a: {  	v56 =	vand.u32 $0x80000000, v46;
	v61 =	vsub.f32 $1.500000000e+00, v22;
	v48 =	vmul.f32 v48, v49  }
0x20b: {  	v63 =	vor.u32 v56, v1;
	v22 =	vmul.f32 v55, v45;
	v45 =	vld.idx.msk [tilespmem:v37+s30+$0x0], $0xffff;
	v62 =	vmul.f32 v42, v60  }
0x20c: {  	v47 =	vmul.f32 v50, v47;
	v50 =	vmul.f32 v52, v61;
	v48 =	vsub.f32 $1.500000000e+00, v48  }
0x20d: {  	v21 =	vadd.f32 v35, v21;
	v55 =	vld.idx.msk [tilespmem:v43+s30+$0x0], $0xffff;
	v51 =	vmul.f32 v22, v51;
	v60 =	vmul.f32 v62, v42  }
0x20e: {  	v46 =	vsel vm0, v63, v46;
	v37 =	vld.idx.msk [tilespmem:v37+s31+$0x0], $0xffff;
	v63 =	vpop (erf);
	v62 =	vmul.f32 v50, v59;
	v48 =	vmul.f32 v48, v49  }
0x20f: {  	v43 =	vld.idx.msk [tilespmem:v43+s31+$0x0], $0xffff;
	(erf) = vpow2.f32 v41;
	v61 =	vmul.f32 v46, v63;
	v63 =	vsub.f32 $1.500000000e+00, v60  }
0x210: {  	v45 =	vsub.f32 v51, v45;
	v46 =	vmul.f32 v62, v50;
	v57 =	vmul.f32 v48, v57  }
0x211: {  	v17 =	vadd.f32 v33, v17;
	v19 =	vmul.f32 v47, v61;
	v18 =	vmul.f32 v63, v42  }
0x212: {  	v56 =	vand.u32 $0x7FFFFFFF, v45;
	v60 =	vsub.f32 $1.500000000e+00, v46;
	v42 =	vmul.f32 v57, v48  }
0x213: {  	v37 =	vmul.f32 $2.302585120e+00, v37;
	v46 =	vadd.f32 $9.999999820e-15, v56;
	v61 =	vmul.f32 v18, v53  }
0x214: {  	v43 =	vmul.f32 $2.302585120e+00, v43;
	v49 =	vmul.f32 v60, v50;
	v42 =	vsub.f32 $1.500000000e+00, v42  }
0x215: {  	v52 =	vld.idx.msk [tilespmem:v38+s30+$0x0], $0xffff;
	v62 =	vshrl.u32 v46, $0x1;
	v50 =	vmul.f32 $5.000000000e-01, v46;
	v40 =	vsub.f32 v61, v55  }
0x216: {  	v44 =	vmul.f32 v19, v44;
	v51 =	vsub.s32 $0x5F3759DF, v62;
	v19 =	vmul.f32 v42, v48  }
0x217: {  	v63 =	vmul.f32 v49, v59;
	v57 =	vmul.f32 v51, v50;
	v59 =	vand.u32 $0x7FFFFFFF, v40  }
0x218: {  	v37 =	vmul.f32 $1.442695020e+00, v37;
	v42 =	vadd.f32 $9.999999820e-15, v59;
	v62 =	vmul.f32 v19, v54  }
0x219: {  	vm7 =	vlt.f32 v39, $0.0e+00;
	v60 =	vmul.f32 v63, v49;
	v61 =	vmul.f32 v51, v57  }
0x21a: {  	v63 =	vshrl.u32 v42, $0x1;
	v53 =	vmul.f32 $5.000000000e-01, v42;
	v47 =	vsub.f32 v62, v52  }
0x21b: {  	v41 =	vsub.f32 $1.500000000e+00, v60;
	v31 =	vsub.f32 $1.500000000e+00, v61;
	v48 =	vsub.s32 $0x5F3759DF, v63  }
0x21c: {  	(erf) = vpow2.f32 v37;
	v56 =	vmul.f32 v48, v53;
	v57 =	vand.u32 $0x7FFFFFFF, v47  }
0x21d: {  	v55 =	vmul.f32 v41, v49;
	v31 =	vmul.f32 v51, v31;
	v49 =	vadd.f32 $9.999999820e-15, v57  }
0x21e: {  	vm8 =	vgt.f32 v39, $0.0e+00;
	v7 =	vmul.f32 v44, v7;
	v41 =	vmul.f32 v48, v56  }
0x21f: {  	v51 =	vmul.f32 v31, v50;
	v59 =	vshrl.u32 v49, $0x1;
	v54 =	vmul.f32 $5.000000000e-01, v49  }
0x220: {  	v8 =	vmul.f32 v44, v8;
	v41 =	vsub.f32 $1.500000000e+00, v41;
	v52 =	vsub.s32 $0x5F3759DF, v59  }
0x221: {  	vm0 =	vmor vm8, vm7;
	v51 =	vmul.f32 v51, v31;
	v61 =	vmul.f32 v52, v54  }
0x222: {  	vm9 =	vlt.f32 v45, $0.0e+00;
	v9 =	vmul.f32 v44, v9;
	v41 =	vmul.f32 v48, v41  }
0x223: {  	v60 =	vand.u32 $0x80000000, v39;
	v51 =	vsub.f32 $1.500000000e+00, v51;
	v48 =	vmul.f32 v52, v61  }
0x224: {  	v30 =	vmul.f32 v55, v58;
	v55 =	vor.u32 v60, v1;
	v63 =	vmul.f32 v41, v53  }
0x225: {  	v62 =	vpop (erf);
	v39 =	vsel vm0, v55, v39;
	v31 =	vmul.f32 v51, v31;
	v51 =	vld.idx.msk [tilespmem:v38+s31+$0x0], $0xffff;
	v60 =	vsub.f32 $1.500000000e+00, v48  }
0x226: {  	vm10 =	vgt.f32 v45, $0.0e+00;
	v58 =	vmul.f32 v39, v62;
	v59 =	vmul.f32 v63, v41  }
0x227: {  	vm11 =	vlt.f32 v40, $0.0e+00;
	v48 =	vmul.f32 $1.442695020e+00, v43;
	v62 =	vmul.f32 v52, v60  }
0x228: {  	v30 =	vmul.f32 v30, v58;
	v61 =	vmul.f32 v31, v50;
	v37 =	vsub.f32 $1.500000000e+00, v59  }
0x229: {  	vm12 =	vgt.f32 v40, $0.0e+00;
	(erf) = vpow2.f32 v48;
	v52 =	vmul.f32 v62, v54  }
0x22a: {  	vm13 =	vlt.f32 v47, $0.0e+00;
	v50 =	vmul.f32 v37, v41;
	v37 =	vmul.f32 $2.302585120e+00, v51  }
0x22b: {  	vm14 =	vgt.f32 v47, $0.0e+00;
	v63 =	vmul.f32 v61, v31;
	v38 =	vmul.f32 v52, v62  }
0x22c: {  	vm0 =	vmor vm10, vm9;
	v53 =	vmul.f32 v50, v53;
	v37 =	vmul.f32 $1.442695020e+00, v37  }
0x22d: {  	v55 =	vand.u32 $0x80000000, v45;
	v30 =	vmul.f32 v30, v34;
	v38 =	vsub.f32 $1.500000000e+00, v38  }
0x22e: {  	v56 =	vpop (erf);
	v23 =	vsub.f32 $1.500000000e+00, v63;
	v28 =	vmul.f32 v53, v50;
	(erf) = vpow2.f32 v37  }
0x22f: {  	v57 =	vand.u32 $0x80000000, v40;
	v12 =	vmul.f32 v30, v12;
	v32 =	vmul.f32 v38, v62  }
0x230: {  	v60 =	vld.idx.msk [tilespmem:v5+s0+$0x0], $0xffff;
	v23 =	vmul.f32 v23, v31;
	v31 =	vor.u32 v55, v1;
	v28 =	vsub.f32 $1.500000000e+00, v28  }
0x231: {  	v31 =	vsel vm0, v31, v45;
	vm0 =	vmor vm12, vm11;
	v58 =	vmul.f32 v32, v54  }
0x232: {  	v23 =	vmul.f32 v23, v46;
	v27 =	vmul.f32 v28, v50;
	v28 =	vor.u32 v57, v1  }
0x233: {  	v31 =	vmul.f32 v31, v56;
	v59 =	vpop (erf);
	v28 =	vsel vm0, v28, v40;
	v61 =	vmul.f32 v58, v32  }
0x234: {  	v34 =	vand.u32 $0x80000000, v47;
	v27 =	vmul.f32 v27, v42;
	v28 =	vmul.f32 v28, v59  }
0x235: {  	v33 =	vmul.f32 $-2.302585120e+00, v60;
	v23 =	vmul.f32 v23, v31;
	v62 =	vsub.f32 $1.500000000e+00, v61  }
0x236: {  	vm0 =	vmor vm14, vm13;
	v63 =	vmul.f32 v27, v28;
	v28 =	vor.u32 v34, v1  }
0x237: {  	v27 =	vmul.f32 $1.442695020e+00, v33;
	v28 =	vsel vm0, v28, v47;
	v35 =	vpop (erf);
	v32 =	vmul.f32 v62, v32  }
0x238: {  	v8 =	vadd.f32 v8, v21;
	v22 =	vmul.f32 v23, v22;
	v36 =	vmul.f32 v28, v35  }
0x239: {  	v7 =	vadd.f32 v7, v25;
	(erf) = vpow2.f32 v27;
	v21 =	vmul.f32 v32, v49  }
0x23a: {  	v9 =	vadd.f32 v9, v17;
	v10 =	vmul.f32 v30, v10;
	v37 =	vmul.f32 v22, v15  }
0x23b: {  	v8 =	vadd.f32 v12, v8;
	v38 =	vmul.f32 v63, v18;
	v39 =	vmul.f32 v21, v36  }
0x23c: {  	v11 =	vmul.f32 v30, v11;
	v7 =	vadd.f32 v10, v7;
	v40 =	vmul.u32 $0x3, v5  }
0x23d: {  	v8 =	vadd.f32 v37, v8;
	v43 =	vmul.f32 v38, v20;
	v41 =	vmul.f32 v39, v19  }
0x23e: {  	v9 =	vadd.f32 v11, v9;
	v44 =	vmul.f32 v22, v13;
	v45 =	vmul.f32 v22, v14  }
0x23f: {  	v42 =	vadd.s32 $0x1, v40;
	v8 =	vadd.f32 v43, v8;
	v46 =	vmul.f32 v41, v29  }
0x240: {  	v7 =	vadd.f32 v44, v7;
	v6 =	vmul.f32 v38, v6  }
0x241: {  	v9 =	vadd.f32 v45, v9;
	v47 =	vadd.s32 $0x2, v40;
	v8 =	vadd.f32 v46, v8  }
0x242: {  	v48 =	vmul.f32 v38, v16;
	v6 =	vadd.f32 v6, v7;
	v49 =	vmul.f32 v41, v26;
	v50 =	vpop (erf)  }
0x243: {  	v8 =	vmul.f32 v8, v50  }
0x244: {  	v51 =	vld.idx.msk [tilespmem:v42+s29+$0x0], $0xffff;
	v7 =	vadd.f32 v48, v9;
	v52 =	vmul.f32 v41, v24;
	v6 =	vadd.f32 v49, v6  }
0x245: {  	v53 =	vld.idx.msk [tilespmem:v40+s29+$0x0], $0xffff;
	v8 =	vadd.f32 $-9.800000190e+00, v8  }
0x246: {  	v7 =	vadd.f32 v52, v7;
	v6 =	vmul.f32 v6, v50  }
0x247: {  	v54 =	vld.idx.msk [tilespmem:v47+s29+$0x0], $0xffff;
	v8 =	vmul.f32 $9.999999770e-03, v8  }
0x248: {  	v7 =	vmul.f32 v7, v50;
	v6 =	vmul.f32 $9.999999770e-03, v6  }
0x249: {  	v8 =	vadd.f32 v8, v51  }
0x24a: {  	v5 =	vmul.u32 $0x6, v5;
	v7 =	vmul.f32 $9.999999770e-03, v7;
	v6 =	vadd.f32 v6, v53  }
0x24b: {  	v55 =	vmul.f32 $9.999999770e-03, v8  }
0x24c: {  	v57 =	vor.u32 $0x1, v5;
	v7 =	vadd.f32 v7, v54;
	v56 =	vmul.f32 $9.999999770e-03, v6  }
0x24d: {  	v58 =	vadd.s32 $0x2, v5;
	v4 =	vadd.f32 v55, v4  }
0x24e: {  	v60 =	vadd.s32 $0x3, v5;
	v59 =	vmul.f32 $9.999999770e-03, v7;
	v3 =	vadd.f32 v56, v3  }
0x24f: {  	v62 =	vadd.s32 $0x4, v5;
	v61 =	vsub.f32 $0.0e+00, v8;
	vm15 =	vlt.f32 v4, $-2.000000000e+00  }
0x250: {  	p2 =	sne.s32 s21, $0xF0;
	v2 =	vadd.f32 v59, v2;
	[tilespmem:v5+s17+$0x0] =	vst.idx.msk $0xffff, v3;
	v3 =	vadd.s32 $0x5, v5;
	v4 =	vsel vm15, $0xC0000000, v4  }
.Ltmp5:
0x251: {  	v63 =	vmul.f32 $1.000000010e-01, v61;
	[tilespmem:v57+s17+$0x0] =	vst.idx.msk $0xffff, v4;
	(pc) =	sbr.rel @p2 .LBB2_4-.Ltmp5, $4  }
0x252: {  	[tilespmem:v58+s17+$0x0] =	vst.idx.msk $0xffff, v2  }
0x253: {  	v2 =	vsel vm15, v63, v8;
	[tilespmem:v60+s17+$0x0] =	vst.idx.msk $0xffff, v6  }
0x254: {  	[tilespmem:v62+s17+$0x0] =	vst.idx.msk $0xffff, v2  }
0x255: {  	s21 =	sadd.s32 $0x10, s21;
	[tilespmem:v3+s17+$0x0] =	vst.idx.msk $0xffff, v7  }
0x256: {  	s10 =	smul.u32 $0xC0, s15  }
0x257: {  	p2 =	seq.s32 s15, $0x186  }
0x258: {  	s13 =	rddreg [dreg:$0x2];
	s10 =	simm.s32 @p2 $0x12438  }
0x259: {  	s25 =	simm.s32 $0x0;
	s10 =	sadd.s32 s13, s10  }
0x25a: {  	[hbm4b:s10+s25] =	stream.linear.scatter [tilespmem:s17], [sflag:$0x7], $0x600, $0x38;
	[tilespmem:$0x13BD0] =	vst v63  }
.LBB2_6:
0x25b: {  	s10 =	sadd.s32 $0x2, s14;
	s13 =	rddreg [dreg:$0xf]  }
0x25c: {  	p2 =	sge.u32 s10, s13  }
0x25d: {  	s13 =	rddreg [dreg:$0xe];
	s10 =	sshll.u32 @!p2 s10, $0x5  }
0x25e: {  	s10 =	sor.u32 @!p2 s13, s10  }
0x25f: {  	p3 =	seq.s32 @!p2 s10, $0x186  }
0x260: {  	s10 =	sshll.u32 @!p2 s10, $0x8;
	p3 =	por !p3, p2  }
0x261: {  	s10 =	simm.s32 @!p3 $0x185A0  }
0x262: {  	s14 =	sshll.u32 @!p2 s10, $0x1  }
0x263: {  	s13 =	rddreg [dreg:$0xd];
	s14 =	sand.u32 @!p2 $0x1FFFFF40, s14  }
0x264: {  	s16 =	simm.s32 @!p2 $0x0;
	s15 =	sadd.s32 @!p2 s13, s14  }
0x265: {  	[tilespmem:s16], [sflag:$0x3] =	stream.linear.gather @!p2 [hbm4b:s15+s16], $0x1000, $0x38;
	[tilespmem:$0x13BD0] =	vst v63  }
0x266: {  	s23 =	simm.s32 @!p2 $0x8000;
	s13 =	rddreg [dreg:$0x7];
	s15 =	sshrl.u32 @!p2 s10, $0x3  }
0x267: {  	s10 =	smul.u32 @!p2 $0x3, s10;
	s21 =	sadd.s32 @!p2 s13, s15;
	s13 =	rddreg [dreg:$0x8]  }
0x268: {  	[tilespmem:s23], [sflag:$0x5] =	stream.linear.gather @!p2 [hbm4b:s21+s16], $0x100, $0x38;
	[tilespmem:$0x13BD0] =	vst v63  }
0x269: {  	s21 =	sadd.s32 @!p2 s13, s15  }
0x26a: {  	s23 =	simm.s32 @!p2 $0x8200;
	s13 =	rddreg [dreg:$0x9];
	s10 =	sshrl.u32 @!p2 s10, $0x3  }
0x26b: {  	[tilespmem:s23], [sflag:$0x5] =	stream.linear.gather @!p2 [hbm4b:s21+s16], $0x100, $0x38;
	[tilespmem:$0x13BD0] =	vst v63  }
0x26c: {  	s21 =	sadd.s32 @!p2 s13, s15;
	s23 =	simm.s32 @!p2 $0x8400;
	s13 =	rddreg [dreg:$0xa]  }
0x26d: {  	[tilespmem:s23], [sflag:$0x5] =	stream.linear.gather @!p2 [hbm4b:s21+s16], $0x100, $0x38;
	[tilespmem:$0x13BD0] =	vst v63  }
0x26e: {  	s10 =	sadd.s32 @!p2 s13, s10;
	s21 =	simm.s32 @!p2 $0x8600  }
0x26f: {  	[tilespmem:s21], [sflag:$0x5] =	stream.linear.gather @!p2 [hbm4b:s10+s16], $0x300, $0x38;
	[tilespmem:$0x13BD0] =	vst v63  }
0x270: {  	s10 =	rddreg [dreg:$0xb]  }
0x271: {  	s21 =	simm.s32 @!p2 $0x8C00;
	s10 =	sadd.s32 @!p2 s10, s14  }
0x272: {  	[tilespmem:s21], [sflag:$0x5] =	stream.linear.gather @!p2 [hbm4b:s10+s16], $0x1000, $0x38;
	[tilespmem:$0x13BD0] =	vst v63  }
0x273: {  	s10 =	rddreg [dreg:$0xc]  }
0x274: {  	s10 =	sadd.s32 @!p2 s10, s14;
	s14 =	simm.s32 @!p2 $0xAC00  }
0x275: {  	[tilespmem:s14], [sflag:$0x5] =	stream.linear.gather @!p2 [hbm4b:s10+s16], $0x1000, $0x38;
	[tilespmem:$0x13BD0] =	vst v63  }
0x276: {  	s10 =	sadd.s32 @!p2 s24, s15;
	s14 =	simm.s32 @!p2 $0xCC00  }
0x277: {  	[tilespmem:s14], [sflag:$0x5] =	stream.linear.gather @!p2 [hbm4b:s10+s16], $0x100, $0x38;
	[tilespmem:$0x13BD0] =	vst v63  }
0x278: {  	s10 =	simm.s32 @!p2 $0x3  }
0x279: {  	_ =	swait.ge @!p2 [sflag:s10], $0x1000  }
0x27a: {  	[sflag:s10] =	ssyncset.done @!p2 $0x0  }
0x27b: {  	[sflag:s10] =	ssyncadd.s32 @!p2 $0xFFFFF000  }
0x27c: {  	s14 =	simm.s32 @!p2 $0x2000;
	s10 =	simm.s32 @!p2 $0x1000;
	s13 =	rddreg [dreg:$0x3]  }
0x27d: {  	[tilespmem:s14], [sflag:$0x1] =	stream.indirect.gather @!p2 [spmem:s13], $0x1, s16, s10, $0xb8;
	[tilespmem:$0x13BD0] =	vst v63  }
.Ltmp6:
0x27e: {  	_ = 	snop;
	(pc) =	sbr.rel @p1 .LBB2_10-.Ltmp6, $4  }
0x27f: {  	s14 =	simm.s32 @!p2 $0x4000;
	s13 =	rddreg [dreg:$0x4]  }
0x280: {  	[tilespmem:s14], [sflag:$0x1] =	stream.indirect.gather @!p2 [spmem:s13], $0x1, s16, s10, $0xb8;
	[tilespmem:$0x13BD0] =	vst v63  }
0x281: {  	s14 =	simm.s32 @!p2 $0x6000;
	s13 =	rddreg [dreg:$0x5]  }
0x282: {  	[tilespmem:s14], [sflag:$0x1] =	stream.indirect.gather @!p2 [spmem:s13], $0x1, s16, s10, $0xb8;
	[tilespmem:$0x13BD0] =	vst v63  }
0x283: {  	s10 =	simm.s32 $0x2  }
0x284: {  	_ =	swait.ge [sflag:s10], $0x1000  }
0x285: {  	[sflag:s10] =	ssyncset.done $0x0  }
0x286: {  	[sflag:s10] =	ssyncadd.s32 $0xFFFFF000  }
0x287: {  	_ =	swait.ge [sflag:s10], $0x1000  }
0x288: {  	[sflag:s10] =	ssyncset.done $0x0  }
0x289: {  	[sflag:s10] =	ssyncadd.s32 $0xFFFFF000  }
0x28a: {  	_ =	swait.ge [sflag:s10], $0x1000  }
0x28b: {  	[sflag:s10] =	ssyncset.done $0x0  }
0x28c: {  	s25 =	simm.s32 $0x6;
	[sflag:s10] =	ssyncadd.s32 $0xFFFFF000  }
0x28d: {  	_ =	swait.ge [sflag:s25], $0x100  }
0x28e: {  	[sflag:s25] =	ssyncset.done $0x0  }
0x28f: {  	[sflag:s25] =	ssyncadd.s32 $0xFFFFFF00  }
0x290: {  	_ =	swait.ge [sflag:s25], $0x100  }
0x291: {  	[sflag:s25] =	ssyncset.done $0x0  }
0x292: {  	[sflag:s25] =	ssyncadd.s32 $0xFFFFFF00  }
0x293: {  	_ =	swait.ge [sflag:s25], $0x100  }
0x294: {  	[sflag:s25] =	ssyncset.done $0x0  }
0x295: {  	[sflag:s25] =	ssyncadd.s32 $0xFFFFFF00  }
0x296: {  	_ =	swait.ge [sflag:s25], $0x300  }
0x297: {  	[sflag:s25] =	ssyncset.done $0x0  }
0x298: {  	[sflag:s25] =	ssyncadd.s32 $0xFFFFFD00  }
0x299: {  	_ =	swait.ge [sflag:s25], $0x1000  }
0x29a: {  	[sflag:s25] =	ssyncset.done $0x0  }
0x29b: {  	[sflag:s25] =	ssyncadd.s32 $0xFFFFF000  }
0x29c: {  	_ =	swait.ge [sflag:s25], $0x1000  }
0x29d: {  	[sflag:s25] =	ssyncset.done $0x0  }
0x29e: {  	[sflag:s25] =	ssyncadd.s32 $0xFFFFF000  }
0x29f: {  	_ =	swait.ge [sflag:s25], $0x100  }
0x2a0: {  	p1 =	seq.s32 s12, $0x0;
	[sflag:s25] =	ssyncset.done $0x0  }
0x2a1: {  	s10 =	simm.s32 @!p1 $0x8;
	[sflag:s25] =	ssyncadd.s32 $0xFFFFFF00  }
0x2a2: {  	_ =	swait.ge @!p1 [sflag:s10], $0x600  }
0x2a3: {  	s13 =	sld [smem:$0x7F6];
	_ =	sdelay $0x2  }
0x2a4: {  	[sflag:s10] =	ssyncset.done @!p1 $0x0;
	s14 =	rddreg [dreg:$0xe];
	s13 =	sshll.u32 s13, $0x5  }
0x2a5: {  	[sflag:s10] =	ssyncadd.s32 @!p1 $0xFFFFFA00;
	s13 =	sor.u32 s14, s13;
	s14 =	simm.s32 $0x0  }
.LBB2_8:
0x2a6: {  	v5 =	vor.u32 s14, v0;
	_ =	sdelay $0x1  }
0x2a7: {  	v6 =	vshll.u32 v5, $0x4;
	_ =	sdelay $0x2  }
0x2a8: {  	v3 =	vld.idx.msk [tilespmem:v5+s2+$0x0], $0xffff  }
0x2a9: {  	v4 =	vld.idx.msk [tilespmem:v5+s6+$0x0], $0xffff  }
0x2aa: {  	v7 =	vld.idx.msk [tilespmem:v6+s5+$0x0], $0xffff  }
0x2ab: {  	v8 =	vld.idx.msk [tilespmem:v6+s22+$0x0], $0xffff  }
0x2ac: {  	v2 =	vld.idx.msk [tilespmem:v5+s1+$0x0], $0xffff  }
0x2ad: {  	v9 =	vld.idx.msk [tilespmem:v6+s7+$0x0], $0xffff;
	_ =	sdelay $0x2  }
0x2ae: {  	v7 =	vsub.f32 v7, v3;
	v13 =	vsub.f32 v8, v4;
	_ =	sdelay $0x1  }
0x2af: {  	v9 =	vsub.f32 v9, v2;
	v32 =	vmul.f32 v7, v7;
	v10 =	vmul.f32 v13, v13;
	_ =	sdelay $0x1  }
0x2b0: {  	v33 =	vmul.f32 v9, v9;
	v8 =	vadd.f32 v10, v32;
	_ =	sdelay $0x1  }
0x2b1: {  	v8 =	vadd.f32 v33, v8;
	_ =	sdelay $0x1  }
0x2b2: {  	v23 =	vor.u32 $0x1, v6;
	v8 =	vadd.f32 $9.999999820e-15, v8;
	_ =	sdelay $0x1  }
0x2b3: {  	v34 =	vshrl.u32 v8, $0x1;
	v12 =	vmul.f32 $5.000000000e-01, v8  }
0x2b4: {  	v10 =	vsub.s32 $0x5F3759DF, v34  }
0x2b5: {  	v11 =	vmul.f32 v10, v12  }
0x2b6: {  	v14 =	vld.idx.msk [tilespmem:v23+s5+$0x0], $0xffff  }
0x2b7: {  	v15 =	vld.idx.msk [tilespmem:v23+s22+$0x0], $0xffff;
	v11 =	vmul.f32 v10, v11;
	_ =	sdelay $0x1  }
0x2b8: {  	v17 =	vld.idx.msk [tilespmem:v23+s7+$0x0], $0xffff;
	v11 =	vsub.f32 $1.500000000e+00, v11;
	_ =	sdelay $0x1  }
0x2b9: {  	v16 =	vmul.f32 v10, v11  }
0x2ba: {  	v10 =	vsub.f32 v14, v3;
	v11 =	vsub.f32 v15, v4  }
0x2bb: {  	v18 =	vmul.f32 v16, v12  }
0x2bc: {  	v17 =	vsub.f32 v17, v2;
	v36 =	vmul.f32 v10, v10;
	v37 =	vmul.f32 v11, v11;
	_ =	sdelay $0x1  }
0x2bd: {  	v38 =	vmul.f32 v17, v17;
	v35 =	vmul.f32 v18, v16;
	v15 =	vadd.f32 v37, v36;
	_ =	sdelay $0x1  }
0x2be: {  	v14 =	vsub.f32 $1.500000000e+00, v35;
	v15 =	vadd.f32 v38, v15;
	_ =	sdelay $0x1  }
0x2bf: {  	v14 =	vmul.f32 v14, v16;
	v20 =	vadd.f32 $9.999999820e-15, v15  }
0x2c0: {  	v18 =	vor.u32 $0x2, v6  }
0x2c1: {  	v12 =	vmul.f32 v14, v12;
	v15 =	vshrl.u32 v20, $0x1;
	v19 =	vmul.f32 $5.000000000e-01, v20  }
0x2c2: {  	v15 =	vsub.s32 $0x5F3759DF, v15  }
0x2c3: {  	v12 =	vmul.f32 v12, v14;
	v21 =	vmul.f32 v15, v19  }
0x2c4: {  	v39 =	vld.idx.msk [tilespmem:v6+s8+$0x0], $0xffff  }
0x2c5: {  	v41 =	vld.idx.msk [tilespmem:v18+s5+$0x0], $0xffff;
	v12 =	vsub.f32 $1.500000000e+00, v12;
	v40 =	vmul.f32 v15, v21  }
0x2c6: {  	v22 =	vld.idx.msk [tilespmem:v18+s22+$0x0], $0xffff  }
0x2c7: {  	v42 =	vld.idx.msk [tilespmem:v18+s7+$0x0], $0xffff;
	v12 =	vmul.f32 v12, v14;
	v14 =	vsub.f32 $1.500000000e+00, v40;
	_ =	sdelay $0x1  }
0x2c8: {  	v8 =	vmul.f32 v12, v8;
	v24 =	vmul.f32 v15, v14  }
0x2c9: {  	v16 =	vsub.f32 v41, v3  }
0x2ca: {  	v14 =	vsub.f32 v22, v4;
	v8 =	vsub.f32 v8, v39;
	v26 =	vmul.f32 v24, v19  }
0x2cb: {  	v46 =	vmul.f32 v16, v16;
	v15 =	vsub.f32 v42, v2  }
0x2cc: {  	v27 =	vmul.f32 v14, v14;
	v43 =	vand.u32 $0x7FFFFFFF, v8;
	v45 =	vmul.f32 v26, v24  }
0x2cd: {  	v25 =	vadd.f32 $9.999999820e-15, v43  }
0x2ce: {  	v47 =	vmul.f32 v15, v15;
	v26 =	vadd.f32 v27, v46;
	v22 =	vsub.f32 $1.500000000e+00, v45  }
0x2cf: {  	v44 =	vshrl.u32 v25, $0x1;
	v28 =	vmul.f32 $5.000000000e-01, v25  }
0x2d0: {  	v48 =	vadd.f32 v47, v26;
	v21 =	vsub.s32 $0x5F3759DF, v44;
	v24 =	vmul.f32 v22, v24  }
0x2d1: {  	v29 =	vmul.f32 v21, v28  }
0x2d2: {  	v27 =	vadd.f32 $9.999999820e-15, v48;
	v19 =	vmul.f32 v24, v19  }
0x2d3: {  	v49 =	vmul.f32 v21, v29  }
0x2d4: {  	v30 =	vld.idx.msk [tilespmem:v6+s9+$0x0], $0xffff;
	v51 =	vshrl.u32 v27, $0x1;
	v52 =	vmul.f32 $5.000000000e-01, v27;
	v19 =	vmul.f32 v19, v24  }
0x2d5: {  	v22 =	vor.u32 $0x3, v6;
	v26 =	vsub.s32 $0x5F3759DF, v51;
	v50 =	vsub.f32 $1.500000000e+00, v49  }
0x2d6: {  	v31 =	vmul.f32 v26, v52;
	v19 =	vsub.f32 $1.500000000e+00, v19  }
0x2d7: {  	v33 =	vld.idx.msk [tilespmem:v23+s8+$0x0], $0xffff;
	v21 =	vmul.f32 v21, v50  }
0x2d8: {  	v23 =	vld.idx.msk [tilespmem:v23+s9+$0x0], $0xffff;
	v53 =	vmul.f32 v26, v31;
	v19 =	vmul.f32 v19, v24  }
0x2d9: {  	v30 =	vmul.f32 $2.302585120e+00, v30;
	v32 =	vmul.f32 v21, v28  }
0x2da: {  	v57 =	vld.idx.msk [tilespmem:v22+s22+$0x0], $0xffff;
	v24 =	vsub.f32 $1.500000000e+00, v53;
	v20 =	vmul.f32 v19, v20  }
0x2db: {  	v58 =	vmul.f32 $1.442695020e+00, v30;
	v34 =	vld.idx.msk [tilespmem:v22+s7+$0x0], $0xffff;
	v54 =	vmul.f32 v32, v21  }
0x2dc: {  	v55 =	vld.idx.msk [tilespmem:v22+s5+$0x0], $0xffff;
	v56 =	vmul.f32 v26, v24;
	v33 =	vsub.f32 v20, v33  }
0x2dd: {  	(erf) = vpow2.f32 v58;
	v23 =	vmul.f32 $2.302585120e+00, v23;
	v31 =	vsub.f32 $1.500000000e+00, v54  }
0x2de: {  	vm0 =	vlt.f32 v8, $0.0e+00;
	v61 =	vmul.f32 v56, v52;
	v60 =	vand.u32 $0x7FFFFFFF, v33  }
0x2df: {  	vm1 =	vgt.f32 v8, $0.0e+00;
	v59 =	vmul.f32 v31, v21;
	v26 =	vadd.f32 $9.999999820e-15, v60  }
0x2e0: {  	v24 =	vsub.f32 v34, v2;
	v31 =	vmul.f32 v61, v56;
	v21 =	vsub.f32 v57, v4  }
0x2e1: {  	v35 =	vmul.f32 v59, v28;
	v36 =	vshrl.u32 v26, $0x1;
	v28 =	vsub.f32 v55, v3  }
0x2e2: {  	v63 =	vmul.f32 $5.000000000e-01, v26;
	v31 =	vsub.f32 $1.500000000e+00, v31;
	v37 =	vmul.f32 v21, v21  }
0x2e3: {  	v40 =	vld.idx.msk [tilespmem:v18+s8+$0x0], $0xffff;
	v62 =	vsub.s32 $0x5F3759DF, v36;
	v44 =	vmul.f32 v28, v28;
	v45 =	vmul.f32 v35, v59  }
0x2e4: {  	v18 =	vld.idx.msk [tilespmem:v18+s9+$0x0], $0xffff;
	vm0 =	vmor vm1, vm0;
	v38 =	vmul.f32 v62, v63;
	v31 =	vmul.f32 v31, v56  }
0x2e5: {  	v46 =	vmul.f32 v24, v24;
	v34 =	vadd.f32 v37, v44;
	v20 =	vsub.f32 $1.500000000e+00, v45  }
0x2e6: {  	v49 =	vand.u32 $0x80000000, v8;
	v47 =	vmul.f32 v62, v38;
	v29 =	vmul.f32 v31, v52  }
0x2e7: {  	v34 =	vadd.f32 v46, v34;
	v30 =	vmul.f32 v20, v59;
	v20 =	vor.u32 $0x4, v6  }
0x2e8: {  	v37 =	vor.u32 v49, v1;
	v48 =	vsub.f32 $1.500000000e+00, v47;
	v29 =	vmul.f32 v29, v31  }
0x2e9: {  	v41 =	vpop (erf);
	v18 =	vmul.f32 $2.302585120e+00, v18;
	v8 =	vsel vm0, v37, v8;
	v34 =	vadd.f32 $9.999999820e-15, v34  }
0x2ea: {  	v8 =	vmul.f32 v8, v41;
	v32 =	vmul.f32 v62, v48;
	v29 =	vsub.f32 $1.500000000e+00, v29  }
0x2eb: {  	v25 =	vmul.f32 v30, v25;
	v50 =	vshrl.u32 v34, $0x1;
	v51 =	vmul.f32 $5.000000000e-01, v34  }
0x2ec: {  	v39 =	vmul.f32 v32, v63;
	v31 =	vmul.f32 v29, v31;
	v35 =	vsub.s32 $0x5F3759DF, v50;
	v54 =	vld.idx.msk [tilespmem:v20+s5+$0x0], $0xffff  }
0x2ed: {  	v62 =	vmul.f32 $1.442695020e+00, v23;
	v56 =	vld.idx.msk [tilespmem:v20+s22+$0x0], $0xffff;
	v52 =	vmul.f32 v35, v51  }
0x2ee: {  	v60 =	vld.idx.msk [tilespmem:v20+s7+$0x0], $0xffff;
	v39 =	vmul.f32 v39, v32;
	v27 =	vmul.f32 v31, v27  }
0x2ef: {  	v8 =	vmul.f32 v25, v8;
	v29 =	vmul.f32 v35, v52  }
0x2f0: {  	vm9 =	vlt.f32 v33, $0.0e+00;
	v53 =	vsub.f32 $1.500000000e+00, v39;
	v39 =	vsub.f32 v27, v40  }
0x2f1: {  	(erf) = vpow2.f32 v62;
	v61 =	vmul.f32 v8, v12;
	v55 =	vsub.f32 $1.500000000e+00, v29  }
0x2f2: {  	v57 =	vmul.f32 v53, v32;
	v58 =	vand.u32 $0x7FFFFFFF, v39;
	v29 =	vsub.f32 v54, v3  }
0x2f3: {  	v27 =	vsub.f32 v56, v4;
	v12 =	vsub.f32 v60, v2;
	v59 =	vmul.f32 v35, v55  }
0x2f4: {  	v23 =	vadd.f32 $9.999999820e-15, v58;
	v36 =	vmul.f32 v57, v63;
	v47 =	vmul.f32 v29, v29  }
0x2f5: {  	vm10 =	vgt.f32 v33, $0.0e+00;
	v42 =	vmul.f32 v27, v27;
	v63 =	vmul.f32 v59, v51  }
0x2f6: {  	v48 =	vmul.f32 v12, v12;
	v44 =	vshrl.u32 v23, $0x1;
	v40 =	vmul.f32 $5.000000000e-01, v23  }
0x2f7: {  	v45 =	vsub.s32 $0x5F3759DF, v44;
	v32 =	vadd.f32 v42, v47;
	v46 =	vmul.f32 v63, v59  }
0x2f8: {  	vm0 =	vmor vm10, vm9;
	v8 =	vmul.f32 v61, v7;
	v43 =	vmul.f32 v45, v40  }
0x2f9: {  	v7 =	vmul.f32 v61, v13;
	v49 =	vadd.f32 v48, v32;
	v41 =	vsub.f32 $1.500000000e+00, v46  }
0x2fa: {  	v30 =	vor.u32 $0x5, v6;
	v36 =	vmul.f32 v36, v57;
	v43 =	vmul.f32 v45, v43  }
0x2fb: {  	v52 =	vand.u32 $0x80000000, v33;
	v38 =	vadd.f32 $9.999999820e-15, v49;
	v41 =	vmul.f32 v41, v59  }
0x2fc: {  	v9 =	vmul.f32 v61, v9;
	v36 =	vsub.f32 $1.500000000e+00, v36;
	v50 =	vsub.f32 $1.500000000e+00, v43  }
0x2fd: {  	v54 =	vshrl.u32 v38, $0x1;
	v37 =	vmul.f32 $5.000000000e-01, v38;
	v51 =	vmul.f32 v41, v51  }
0x2fe: {  	v25 =	vmul.f32 v36, v57;
	v13 =	vmul.f32 v45, v50;
	v56 =	vsub.s32 $0x5F3759DF, v54  }
0x2ff: {  	v61 =	vld.idx.msk [tilespmem:v30+s5+$0x0], $0xffff;
	v36 =	vor.u32 v52, v1;
	v44 =	vmul.f32 v56, v37;
	v53 =	vmul.f32 v51, v41  }
0x300: {  	vm11 =	vlt.f32 v39, $0.0e+00;
	v49 =	vmul.f32 $1.442695020e+00, v18;
	v33 =	vsel vm0, v36, v33  }
0x301: {  	v63 =	vld.idx.msk [tilespmem:v30+s22+$0x0], $0xffff;
	v46 =	vpop (erf);
	v55 =	vmul.f32 v13, v40;
	v58 =	vmul.f32 v56, v44;
	v57 =	vsub.f32 $1.500000000e+00, v53  }
0x302: {  	vm12 =	vgt.f32 v39, $0.0e+00;
	v25 =	vmul.f32 v25, v26;
	v45 =	vld.idx.msk [tilespmem:v22+s8+$0x0], $0xffff;
	v59 =	vmul.f32 v33, v46  }
0x303: {  	v48 =	vld.idx.msk [tilespmem:v30+s7+$0x0], $0xffff;
	v42 =	vmul.f32 v55, v13;
	v36 =	vsub.f32 $1.500000000e+00, v58;
	v32 =	vmul.f32 v57, v41  }
0x304: {  	vm0 =	vmor vm12, vm11;
	v26 =	vsub.f32 v61, v3;
	v25 =	vmul.f32 v25, v59  }
0x305: {  	v60 =	vsub.f32 $1.500000000e+00, v42;
	v62 =	vmul.f32 v56, v36;
	v34 =	vmul.f32 v32, v34  }
0x306: {  	(erf) = vpow2.f32 v49;
	v18 =	vsub.f32 v63, v4;
	v25 =	vmul.f32 v25, v19  }
0x307: {  	v13 =	vmul.f32 v60, v13;
	v47 =	vmul.f32 v62, v37;
	v35 =	vsub.f32 v34, v45  }
0x308: {  	v19 =	vsub.f32 v48, v2;
	v55 =	vmul.f32 v26, v26;
	v56 =	vmul.f32 v18, v18  }
0x309: {  	v45 =	vmul.f32 v13, v40;
	v51 =	vmul.f32 v47, v62;
	v46 =	vand.u32 $0x7FFFFFFF, v35  }
0x30a: {  	v59 =	vmul.f32 v19, v19;
	v58 =	vadd.f32 v56, v55;
	v43 =	vadd.f32 $9.999999820e-15, v46  }
0x30b: {  	v33 =	vor.u32 $0x6, v6;
	v50 =	vmul.f32 v45, v13;
	v54 =	vsub.f32 $1.500000000e+00, v51  }
0x30c: {  	v41 =	vadd.f32 v59, v58;
	v52 =	vshrl.u32 v43, $0x1;
	v40 =	vmul.f32 $5.000000000e-01, v43  }
0x30d: {  	v22 =	vld.idx.msk [tilespmem:v22+s9+$0x0], $0xffff;
	v36 =	vsub.f32 $1.500000000e+00, v50;
	v44 =	vmul.f32 v54, v62;
	v53 =	vsub.s32 $0x5F3759DF, v52  }
0x30e: {  	v10 =	vmul.f32 v25, v10;
	v41 =	vadd.f32 $9.999999820e-15, v41;
	v57 =	vmul.f32 v53, v40  }
0x30f: {  	v61 =	vand.u32 $0x80000000, v39;
	v13 =	vmul.f32 v36, v13;
	v37 =	vmul.f32 v44, v37  }
0x310: {  	v51 =	vshrl.u32 v41, $0x1;
	v45 =	vmul.f32 $5.000000000e-01, v41;
	v60 =	vmul.f32 v53, v57  }
0x311: {  	v47 =	vld.idx.msk [tilespmem:v33+s5+$0x0], $0xffff;
	v23 =	vmul.f32 v13, v23;
	v13 =	vor.u32 v61, v1;
	v37 =	vmul.f32 v37, v44  }
0x312: {  	v48 =	vpop (erf);
	v54 =	vld.idx.msk [tilespmem:v33+s22+$0x0], $0xffff;
	v13 =	vsel vm0, v13, v39;
	v57 =	vmul.f32 $2.302585120e+00, v22;
	v36 =	vsub.f32 $1.500000000e+00, v60  }
0x313: {  	v49 =	vld.idx.msk [tilespmem:v33+s7+$0x0], $0xffff;
	v63 =	vsub.f32 $1.500000000e+00, v37;
	v48 =	vmul.f32 v13, v48;
	v13 =	vmul.f32 v25, v11  }
0x314: {  	v62 =	vld.idx.msk [tilespmem:v20+s8+$0x0], $0xffff;
	v37 =	vsub.s32 $0x5F3759DF, v51;
	v11 =	vmul.f32 v25, v17;
	v34 =	vmul.f32 v53, v36  }
0x315: {  	vm13 =	vlt.f32 v35, $0.0e+00;
	v36 =	vmul.f32 v63, v44;
	v53 =	vmul.f32 v37, v45  }
0x316: {  	v25 =	vsub.f32 v47, v3;
	v56 =	vmul.f32 v23, v48;
	v52 =	vmul.f32 v34, v40  }
0x317: {  	v23 =	vsub.f32 v54, v4;
	v38 =	vmul.f32 v36, v38;
	v39 =	vmul.f32 v37, v53  }
0x318: {  	v22 =	vsub.f32 v49, v2;
	v59 =	vmul.f32 v25, v25;
	v46 =	vmul.f32 v52, v34  }
0x319: {  	v44 =	vmul.f32 v23, v23;
	v38 =	vsub.f32 v38, v62;
	v39 =	vsub.f32 $1.500000000e+00, v39  }
0x31a: {  	v42 =	vmul.f32 $1.442695020e+00, v57;
	v61 =	vmul.f32 v22, v22;
	v55 =	vsub.f32 $1.500000000e+00, v46  }
0x31b: {  	v58 =	vand.u32 $0x7FFFFFFF, v38;
	v37 =	vmul.f32 v37, v39;
	v39 =	vadd.f32 v44, v59  }
0x31c: {  	vm14 =	vgt.f32 v35, $0.0e+00;
	v47 =	vadd.f32 $9.999999820e-15, v58;
	v17 =	vmul.f32 v55, v34  }
0x31d: {  	(erf) = vpow2.f32 v42;
	v60 =	vmul.f32 v37, v45;
	v39 =	vadd.f32 v61, v39  }
0x31e: {  	v62 =	vshrl.u32 v47, $0x1;
	v49 =	vmul.f32 $5.000000000e-01, v47;
	v40 =	vmul.f32 v17, v40  }
0x31f: {  	v48 =	vsub.s32 $0x5F3759DF, v62;
	v34 =	vmul.f32 v60, v37;
	v39 =	vadd.f32 $9.999999820e-15, v39  }
0x320: {  	vm0 =	vmor vm14, vm13;
	v31 =	vmul.f32 v56, v31;
	v63 =	vmul.f32 v48, v49  }
0x321: {  	v40 =	vmul.f32 v40, v17;
	v34 =	vsub.f32 $1.500000000e+00, v34;
	v51 =	vshrl.u32 v39, $0x1  }
0x322: {  	v42 =	vmul.f32 $5.000000000e-01, v39;
	v50 =	vmul.f32 v48, v63;
	v52 =	vsub.s32 $0x5F3759DF, v51  }
0x323: {  	v56 =	vld.idx.msk [tilespmem:v30+s8+$0x0], $0xffff;
	v40 =	vsub.f32 $1.500000000e+00, v40;
	v37 =	vmul.f32 v34, v37;
	v34 =	vor.u32 $0x7, v6  }
0x324: {  	v30 =	vld.idx.msk [tilespmem:v30+s9+$0x0], $0xffff;
	v16 =	vmul.f32 v31, v16;
	v55 =	vand.u32 $0x80000000, v35;
	v54 =	vmul.f32 v52, v42  }
0x325: {  	v17 =	vmul.f32 v40, v17;
	v40 =	vsub.f32 $1.500000000e+00, v50;
	v53 =	vmul.f32 v37, v45  }
0x326: {  	v14 =	vmul.f32 v31, v14;
	v46 =	vor.u32 v55, v1;
	v45 =	vmul.f32 v52, v54  }
0x327: {  	v20 =	vld.idx.msk [tilespmem:v20+s9+$0x0], $0xffff;
	v35 =	vsel vm0, v46, v35;
	v50 =	vpop (erf);
	v40 =	vmul.f32 v48, v40;
	v44 =	vmul.f32 v53, v37  }
0x328: {  	v17 =	vmul.f32 v17, v43;
	v45 =	vsub.f32 $1.500000000e+00, v45;
	v35 =	vmul.f32 v35, v50;
	v57 =	vld.idx.msk [tilespmem:v34+s5+$0x0], $0xffff  }
0x329: {  	v30 =	vmul.f32 $2.302585120e+00, v30;
	v58 =	vld.idx.msk [tilespmem:v34+s22+$0x0], $0xffff;
	v48 =	vmul.f32 v40, v49;
	v44 =	vsub.f32 $1.500000000e+00, v44  }
0x32a: {  	v60 =	vld.idx.msk [tilespmem:v34+s7+$0x0], $0xffff;
	v43 =	vmul.f32 v52, v45;
	v17 =	vmul.f32 v17, v35  }
0x32b: {  	vm15 =	vlt.f32 v38, $0.0e+00;
	v48 =	vmul.f32 v48, v40;
	v37 =	vmul.f32 v44, v37  }
0x32c: {  	vm4 =	vgt.f32 v38, $0.0e+00;
	v62 =	vmul.f32 $2.302585120e+00, v20;
	v45 =	vmul.f32 v43, v42  }
0x32d: {  	v51 =	vmul.f32 v17, v32;
	v59 =	vsub.f32 $1.500000000e+00, v48;
	v41 =	vmul.f32 v37, v41  }
0x32e: {  	v61 =	vmul.f32 v45, v43;
	v35 =	vsub.f32 v57, v3;
	v32 =	vsub.f32 v58, v4  }
0x32f: {  	v20 =	vsub.f32 v60, v2;
	v21 =	vmul.f32 v51, v21;
	v24 =	vmul.f32 v51, v24  }
0x330: {  	v40 =	vmul.f32 v59, v40;
	v52 =	vsub.f32 v41, v56;
	v54 =	vmul.f32 v35, v35  }
0x331: {  	v17 =	vsub.f32 $1.500000000e+00, v61;
	v55 =	vmul.f32 v32, v32;
	v41 =	vmul.f32 $1.442695020e+00, v62  }
0x332: {  	v58 =	vmul.f32 v20, v20;
	v63 =	vmul.f32 v40, v49;
	v53 =	vand.u32 $0x7FFFFFFF, v52  }
0x333: {  	v43 =	vmul.f32 v17, v43;
	v57 =	vadd.f32 v55, v54;
	(erf) = vpow2.f32 v41  }
0x334: {  	v17 =	vmul.f32 v31, v15;
	v15 =	vmul.f32 v51, v28;
	v49 =	vadd.f32 $9.999999820e-15, v53  }
0x335: {  	v41 =	vor.u32 $0x8, v6;
	v42 =	vmul.f32 v43, v42;
	v60 =	vadd.f32 v58, v57  }
0x336: {  	v56 =	vmul.f32 v63, v40;
	v59 =	vshrl.u32 v49, $0x1;
	v48 =	vmul.f32 $5.000000000e-01, v49  }
0x337: {  	v46 =	vsub.s32 $0x5F3759DF, v59;
	v42 =	vmul.f32 v42, v43;
	v50 =	vadd.f32 $9.999999820e-15, v60  }
0x338: {  	v51 =	vmul.f32 $1.442695020e+00, v30;
	v61 =	vsub.f32 $1.500000000e+00, v56;
	v62 =	vmul.f32 v46, v48  }
0x339: {  	v53 =	vld.idx.msk [tilespmem:v33+s8+$0x0], $0xffff;
	v57 =	vsub.f32 $1.500000000e+00, v42;
	v58 =	vshrl.u32 v50, $0x1;
	v44 =	vmul.f32 $5.000000000e-01, v50  }
0x33a: {  	v63 =	vmul.f32 v61, v40;
	v40 =	vld.idx.msk [tilespmem:v41+s5+$0x0], $0xffff;
	v56 =	vmul.f32 v46, v62;
	v42 =	vsub.s32 $0x5F3759DF, v58  }
0x33b: {  	vm0 =	vmor vm4, vm15;
	v58 =	vld.idx.msk [tilespmem:v41+s22+$0x0], $0xffff;
	v45 =	vmul.f32 v57, v43;
	v60 =	vmul.f32 v42, v44  }
0x33c: {  	v59 =	vand.u32 $0x80000000, v38;
	v28 =	vmul.f32 v63, v47;
	v31 =	vsub.f32 $1.500000000e+00, v56  }
0x33d: {  	v54 =	vor.u32 v59, v1;
	v61 =	vmul.f32 v45, v39;
	v62 =	vmul.f32 v42, v60  }
0x33e: {  	v38 =	vsel vm0, v54, v38;
	v63 =	vpop (erf);
	(erf) = vpow2.f32 v51;
	v43 =	vmul.f32 v46, v31  }
0x33f: {  	v38 =	vmul.f32 v38, v63;
	v53 =	vsub.f32 v61, v53;
	v57 =	vsub.f32 $1.500000000e+00, v62  }
0x340: {  	v31 =	vsub.f32 v40, v3;
	v61 =	vld.idx.msk [tilespmem:v41+s7+$0x0], $0xffff;
	v30 =	vsub.f32 v58, v4;
	v56 =	vmul.f32 v43, v48  }
0x341: {  	v38 =	vmul.f32 v28, v38;
	v60 =	vand.u32 $0x7FFFFFFF, v53;
	v42 =	vmul.f32 v42, v57  }
0x342: {  	v59 =	vmul.f32 v56, v43;
	v47 =	vadd.f32 $9.999999820e-15, v60;
	v60 =	vmul.f32 v31, v31  }
0x343: {  	v56 =	vmul.f32 v30, v30;
	v62 =	vmul.f32 v42, v44  }
0x344: {  	v46 =	vsub.f32 $1.500000000e+00, v59;
	v55 =	vshrl.u32 v47, $0x1;
	v40 =	vmul.f32 $5.000000000e-01, v47  }
0x345: {  	v28 =	vsub.f32 v61, v2;
	v39 =	vsub.s32 $0x5F3759DF, v55;
	v63 =	vmul.f32 v62, v42  }
0x346: {  	v8 =	vadd.f32 $0.0e+00, v8;
	v43 =	vmul.f32 v46, v43;
	v61 =	vmul.f32 v39, v40  }
0x347: {  	v54 =	vadd.f32 v56, v60;
	v62 =	vmul.f32 v28, v28;
	v55 =	vsub.f32 $1.500000000e+00, v63  }
0x348: {  	v10 =	vadd.f32 v10, v8;
	v48 =	vmul.f32 v43, v48;
	v46 =	vmul.f32 v39, v61  }
0x349: {  	vm5 =	vlt.f32 v52, $0.0e+00;
	v63 =	vmul.f32 v55, v42;
	v55 =	vadd.f32 v62, v54  }
0x34a: {  	vm6 =	vgt.f32 v52, $0.0e+00;
	v56 =	vmul.f32 v48, v43;
	v46 =	vsub.f32 $1.500000000e+00, v46  }
0x34b: {  	vm0 =	vmor vm6, vm5;
	v44 =	vmul.f32 v63, v44;
	v51 =	vadd.f32 $9.999999820e-15, v55  }
0x34c: {  	v57 =	vmul.f32 v38, v36;
	v38 =	vsub.f32 $1.500000000e+00, v56;
	v39 =	vmul.f32 v39, v46  }
0x34d: {  	v44 =	vmul.f32 v44, v63;
	v59 =	vshrl.u32 v51, $0x1;
	v54 =	vmul.f32 $5.000000000e-01, v51  }
0x34e: {  	v33 =	vld.idx.msk [tilespmem:v33+s9+$0x0], $0xffff;
	v46 =	vor.u32 $0x9, v6;
	v60 =	vmul.f32 v39, v40;
	v61 =	vsub.s32 $0x5F3759DF, v59  }
0x34f: {  	v58 =	vand.u32 $0x80000000, v52;
	v44 =	vsub.f32 $1.500000000e+00, v44;
	v62 =	vmul.f32 v61, v54  }
0x350: {  	v42 =	vor.u32 v58, v1;
	v38 =	vmul.f32 v38, v43;
	v58 =	vmul.f32 v60, v39  }
0x351: {  	v42 =	vsel vm0, v42, v52;
	v59 =	vld.idx.msk [tilespmem:v34+s8+$0x0], $0xffff;
	v56 =	vpop (erf);
	v48 =	vmul.f32 v44, v63;
	v63 =	vmul.f32 v61, v62  }
0x352: {  	v10 =	vadd.f32 v16, v10;
	v42 =	vmul.f32 v42, v56;
	v38 =	vmul.f32 v38, v49  }
0x353: {  	v33 =	vmul.f32 $2.302585120e+00, v33;
	v43 =	vld.idx.msk [tilespmem:v46+s5+$0x0], $0xffff;
	v60 =	vsub.f32 $1.500000000e+00, v58;
	v36 =	vsub.f32 $1.500000000e+00, v63  }
0x354: {  	v38 =	vmul.f32 v38, v42;
	v50 =	vmul.f32 v48, v50  }
0x355: {  	v15 =	vadd.f32 v15, v10;
	v39 =	vmul.f32 v60, v39;
	v44 =	vmul.f32 v61, v36;
	v36 =	vld.idx.msk [tilespmem:v46+s22+$0x0], $0xffff  }
0x356: {  	v33 =	vmul.f32 $1.442695020e+00, v33;
	vm7 =	vlt.f32 v53, $0.0e+00;
	v63 =	vld.idx.msk [tilespmem:v46+s7+$0x0], $0xffff;
	v49 =	vsub.f32 v50, v59  }
0x357: {  	vm8 =	vgt.f32 v53, $0.0e+00;
	v55 =	vmul.f32 v38, v37;
	v40 =	vmul.f32 v39, v40  }
0x358: {  	v38 =	vsub.f32 v43, v3;
	v61 =	vand.u32 $0x7FFFFFFF, v49;
	v62 =	vmul.f32 v44, v54  }
0x359: {  	(erf) = vpow2.f32 v33;
	v56 =	vadd.f32 $9.999999820e-15, v61;
	v40 =	vmul.f32 v40, v39  }
0x35a: {  	v60 =	vmul.f32 v62, v44;
	v62 =	vmul.f32 v38, v38;
	v37 =	vsub.f32 v36, v4  }
0x35b: {  	v61 =	vshrl.u32 v56, $0x1;
	v50 =	vmul.f32 $5.000000000e-01, v56;
	v36 =	vsub.f32 v63, v2  }
0x35c: {  	v43 =	vsub.s32 $0x5F3759DF, v61;
	v42 =	vsub.f32 $1.500000000e+00, v60;
	v63 =	vmul.f32 v37, v37  }
0x35d: {  	v29 =	vmul.f32 v57, v29;
	v59 =	vsub.f32 $1.500000000e+00, v40;
	v60 =	vmul.f32 v43, v50  }
0x35e: {  	v42 =	vmul.f32 v42, v44;
	v61 =	vadd.f32 v63, v62;
	v62 =	vmul.f32 v36, v36  }
0x35f: {  	vm0 =	vmor vm8, vm7;
	v33 =	vmul.f32 v59, v39;
	v63 =	vmul.f32 v43, v60  }
0x360: {  	v44 =	vor.u32 $0xA, v6;
	v58 =	vmul.f32 v42, v54;
	v52 =	vadd.f32 v62, v61  }
0x361: {  	v59 =	vand.u32 $0x80000000, v53;
	v33 =	vmul.f32 v33, v47;
	v39 =	vsub.f32 $1.500000000e+00, v63  }
0x362: {  	v47 =	vor.u32 v59, v1;
	v40 =	vmul.f32 v58, v42;
	v52 =	vadd.f32 $9.999999820e-15, v52  }
0x363: {  	v27 =	vmul.f32 v57, v27;
	v34 =	vld.idx.msk [tilespmem:v34+s9+$0x0], $0xffff;
	v53 =	vsel vm0, v47, v53;
	v54 =	vmul.f32 v43, v39  }
0x364: {  	v58 =	vld.idx.msk [tilespmem:v41+s8+$0x0], $0xffff;
	v61 =	vpop (erf);
	v39 =	vsub.f32 $1.500000000e+00, v40;
	v60 =	vshrl.u32 v52, $0x1;
	v59 =	vmul.f32 $5.000000000e-01, v52  }
0x365: {  	v53 =	vmul.f32 v53, v61;
	v43 =	vmul.f32 v54, v50;
	v40 =	vsub.s32 $0x5F3759DF, v60;
	v60 =	vld.idx.msk [tilespmem:v44+s5+$0x0], $0xffff  }
0x366: {  	v47 =	vmul.f32 v39, v42;
	v42 =	vld.idx.msk [tilespmem:v44+s22+$0x0], $0xffff;
	v39 =	vmul.f32 v40, v59  }
0x367: {  	v15 =	vadd.f32 v29, v15;
	v63 =	vld.idx.msk [tilespmem:v44+s7+$0x0], $0xffff;
	v53 =	vmul.f32 v33, v53;
	v61 =	vmul.f32 v43, v54  }
0x368: {  	vm9 =	vlt.f32 v49, $0.0e+00;
	v51 =	vmul.f32 v47, v51;
	v62 =	vmul.f32 v40, v39  }
0x369: {  	v43 =	vmul.f32 v57, v12;
	v53 =	vmul.f32 v53, v45;
	v61 =	vsub.f32 $1.500000000e+00, v61  }
0x36a: {  	v39 =	vmul.f32 v55, v26;
	v51 =	vsub.f32 v51, v58;
	v57 =	vsub.f32 $1.500000000e+00, v62  }
0x36b: {  	v62 =	vmul.f32 $2.302585120e+00, v34;
	v26 =	vsub.f32 v60, v3;
	v33 =	vsub.f32 v42, v4  }
0x36c: {  	v12 =	vmul.f32 v61, v54;
	v34 =	vsub.f32 v63, v2;
	v54 =	vmul.f32 v40, v57  }
0x36d: {  	v61 =	vand.u32 $0x7FFFFFFF, v51;
	v40 =	vmul.f32 v26, v26;
	v57 =	vmul.f32 v33, v33  }
0x36e: {  	v58 =	vmul.f32 $1.442695020e+00, v62;
	v50 =	vmul.f32 v12, v50;
	v60 =	vadd.f32 $9.999999820e-15, v61  }
0x36f: {  	v62 =	vmul.f32 v34, v34;
	v42 =	vmul.f32 v54, v59;
	v40 =	vadd.f32 v57, v40  }
0x370: {  	(erf) = vpow2.f32 v58;
	v50 =	vmul.f32 v50, v12;
	v58 =	vshrl.u32 v60, $0x1  }
0x371: {  	v61 =	vmul.f32 $5.000000000e-01, v60;
	v57 =	vadd.f32 v62, v40;
	v62 =	vmul.f32 v42, v54  }
0x372: {  	v42 =	vmul.f32 v55, v18;
	v18 =	vsub.f32 $1.500000000e+00, v50;
	v50 =	vsub.s32 $0x5F3759DF, v58  }
0x373: {  	vm10 =	vgt.f32 v49, $0.0e+00;
	v25 =	vmul.f32 v53, v25;
	v63 =	vmul.f32 v50, v61  }
0x374: {  	v23 =	vmul.f32 v53, v23;
	v62 =	vsub.f32 $1.500000000e+00, v62;
	v57 =	vadd.f32 $9.999999820e-15, v57  }
0x375: {  	vm0 =	vmor vm10, vm9;
	v40 =	vmul.f32 v55, v19;
	v63 =	vmul.f32 v50, v63  }
0x376: {  	v19 =	vmul.f32 v62, v54;
	v58 =	vshrl.u32 v57, $0x1;
	v54 =	vmul.f32 $5.000000000e-01, v57  }
0x377: {  	v22 =	vmul.f32 v53, v22;
	v12 =	vmul.f32 v18, v12;
	v45 =	vsub.s32 $0x5F3759DF, v58  }
0x378: {  	v18 =	vsub.f32 $1.500000000e+00, v63;
	v55 =	vmul.f32 v19, v59;
	v63 =	vmul.f32 v45, v54  }
0x379: {  	v39 =	vadd.f32 v39, v15;
	vm11 =	vlt.f32 v51, $0.0e+00;
	vm12 =	vgt.f32 v51, $0.0e+00  }
0x37a: {  	v62 =	vand.u32 $0x80000000, v49;
	v18 =	vmul.f32 v50, v18;
	v50 =	vmul.f32 v55, v19  }
0x37b: {  	v12 =	vmul.f32 v12, v56;
	v62 =	vor.u32 v62, v1;
	v56 =	vmul.f32 v45, v63  }
0x37c: {  	v41 =	vld.idx.msk [tilespmem:v41+s9+$0x0], $0xffff;
	v49 =	vsel vm0, v62, v49;
	v62 =	vmul.f32 v18, v61;
	v63 =	vpop (erf);
	v50 =	vsub.f32 $1.500000000e+00, v50  }
0x37d: {  	v25 =	vadd.f32 v25, v39;
	v56 =	vsub.f32 $1.500000000e+00, v56;
	v49 =	vmul.f32 v49, v63;
	v63 =	vld.idx.msk [tilespmem:v46+s8+$0x0], $0xffff  }
0x37e: {  	v58 =	vadd.f32 $0.0e+00, v9;
	v55 =	vmul.f32 v62, v18;
	v50 =	vmul.f32 v50, v19  }
0x37f: {  	v12 =	vmul.f32 v12, v49;
	v49 =	vmul.f32 v45, v56;
	v45 =	vor.u32 $0xB, v6  }
0x380: {  	vm0 =	vmor vm12, vm11;
	v59 =	vsub.f32 $1.500000000e+00, v55;
	v52 =	vmul.f32 v50, v52  }
0x381: {  	v11 =	vadd.f32 v11, v58;
	v12 =	vmul.f32 v12, v48;
	v62 =	vmul.f32 v49, v54  }
0x382: {  	v53 =	vmul.f32 v59, v18;
	v52 =	vsub.f32 v52, v63;
	v63 =	vmul.f32 $2.302585120e+00, v41  }
0x383: {  	v55 =	vadd.f32 $0.0e+00, v7;
	v19 =	vmul.f32 v12, v35;
	v7 =	vmul.f32 v62, v49  }
0x384: {  	v61 =	vmul.f32 v53, v61;
	v62 =	vand.u32 $0x7FFFFFFF, v52;
	v56 =	vld.idx.msk [tilespmem:v45+s5+$0x0], $0xffff;
	v9 =	vmul.f32 $1.442695020e+00, v63  }
0x385: {  	v18 =	vmul.f32 v12, v32;
	v32 =	vld.idx.msk [tilespmem:v45+s22+$0x0], $0xffff;
	v48 =	vadd.f32 $9.999999820e-15, v62;
	v7 =	vsub.f32 $1.500000000e+00, v7  }
0x386: {  	v11 =	vadd.f32 v17, v11;
	v35 =	vmul.f32 v61, v53;
	(erf) = vpow2.f32 v9  }
0x387: {  	v61 =	vld.idx.msk [tilespmem:v45+s7+$0x0], $0xffff;
	v41 =	vshrl.u32 v48, $0x1;
	v59 =	vmul.f32 $5.000000000e-01, v48;
	v49 =	vmul.f32 v7, v49  }
0x388: {  	v24 =	vadd.f32 v24, v11;
	v7 =	vsub.f32 $1.500000000e+00, v35;
	v35 =	vsub.s32 $0x5F3759DF, v41  }
0x389: {  	v13 =	vadd.f32 v13, v55;
	v63 =	vmul.f32 v35, v59;
	v62 =	vmul.f32 v49, v54  }
0x38a: {  	v53 =	vmul.f32 v7, v53;
	v7 =	vsub.f32 v56, v3;
	v8 =	vsub.f32 v32, v4  }
0x38b: {  	v56 =	vand.u32 $0x80000000, v51;
	v63 =	vmul.f32 v35, v63;
	v41 =	vmul.f32 v62, v49  }
0x38c: {  	v46 =	vld.idx.msk [tilespmem:v46+s9+$0x0], $0xffff;
	v9 =	vsub.f32 v61, v2;
	v61 =	vmul.f32 v7, v7;
	v62 =	vmul.f32 v8, v8  }
0x38d: {  	v13 =	vadd.f32 v14, v13;
	v56 =	vor.u32 v56, v1;
	v32 =	vsub.f32 $1.500000000e+00, v63  }
0x38e: {  	v55 =	vmul.f32 v9, v9;
	v41 =	vsub.f32 $1.500000000e+00, v41;
	v54 =	vadd.f32 v62, v61  }
0x38f: {  	v53 =	vmul.f32 v53, v60;
	v51 =	vsel vm0, v56, v51;
	v61 =	vld.idx.msk [tilespmem:v44+s8+$0x0], $0xffff;
	v32 =	vmul.f32 v35, v32;
	v63 =	vpop (erf)  }
0x390: {  	v35 =	vmul.f32 v41, v49;
	v41 =	vadd.f32 v55, v54;
	v49 =	vmul.f32 v51, v63  }
0x391: {  	vm13 =	vlt.f32 v52, $0.0e+00;
	v63 =	vmul.f32 $2.302585120e+00, v46;
	v60 =	vmul.f32 v32, v59  }
0x392: {  	vm14 =	vgt.f32 v52, $0.0e+00;
	v62 =	vmul.f32 v35, v57;
	v55 =	vadd.f32 $9.999999820e-15, v41  }
0x393: {  	v13 =	vadd.f32 v21, v13;
	v41 =	vmul.f32 $1.442695020e+00, v63;
	v60 =	vmul.f32 v60, v32  }
0x394: {  	v51 =	vsub.f32 v62, v61;
	v61 =	vshrl.u32 v55, $0x1;
	v56 =	vmul.f32 $5.000000000e-01, v55  }
0x395: {  	v49 =	vmul.f32 v53, v49;
	v54 =	vsub.s32 $0x5F3759DF, v61;
	v46 =	vsub.f32 $1.500000000e+00, v60  }
0x396: {  	(erf) = vpow2.f32 v41;
	v62 =	vand.u32 $0x7FFFFFFF, v51;
	v63 =	vmul.f32 v54, v56  }
0x397: {  	v25 =	vadd.f32 v19, v25;
	v53 =	vadd.f32 $9.999999820e-15, v62;
	v46 =	vmul.f32 v46, v32  }
0x398: {  	v16 =	vmul.f32 v49, v47;
	v41 =	vor.u32 $0xC, v6;
	v58 =	vmul.f32 v54, v63  }
0x399: {  	v61 =	vshrl.u32 v53, $0x1;
	v49 =	vmul.f32 $5.000000000e-01, v53;
	v60 =	vmul.f32 v46, v59  }
0x39a: {  	v32 =	vmul.f32 v12, v20;
	v12 =	vsub.f32 $1.500000000e+00, v58;
	v47 =	vsub.s32 $0x5F3759DF, v61  }
0x39b: {  	vm0 =	vmor vm14, vm13;
	v62 =	vmul.f32 v47, v49;
	v20 =	vmul.f32 v60, v46  }
0x39c: {  	vm15 =	vlt.f32 v51, $0.0e+00;
	v31 =	vmul.f32 v16, v31;
	v12 =	vmul.f32 v54, v12  }
0x39d: {  	v63 =	vand.u32 $0x80000000, v52;
	v54 =	vld.idx.msk [tilespmem:v41+s5+$0x0], $0xffff;
	v14 =	vmul.f32 v47, v62;
	v20 =	vsub.f32 $1.500000000e+00, v20  }
0x39e: {  	v30 =	vmul.f32 v16, v30;
	v61 =	vor.u32 v63, v1;
	v60 =	vmul.f32 v12, v56  }
0x39f: {  	v57 =	vld.idx.msk [tilespmem:v41+s22+$0x0], $0xffff;
	v62 =	vpop (erf);
	v14 =	vsub.f32 $1.500000000e+00, v14;
	v20 =	vmul.f32 v20, v46;
	v46 =	vsel vm0, v61, v52  }
0x3a0: {  	vm4 =	vgt.f32 v51, $0.0e+00;
	v63 =	vmul.f32 v60, v12;
	v61 =	vld.idx.msk [tilespmem:v41+s7+$0x0], $0xffff;
	v46 =	vmul.f32 v46, v62  }
0x3a1: {  	v25 =	vadd.f32 v31, v25;
	v14 =	vmul.f32 v47, v14;
	v20 =	vmul.f32 v20, v48  }
0x3a2: {  	v17 =	vmul.f32 v16, v28;
	v10 =	vsub.f32 v54, v3;
	v60 =	vsub.f32 $1.500000000e+00, v63;
	v63 =	vld.idx.msk [tilespmem:v44+s9+$0x0], $0xffff  }
0x3a3: {  	vm0 =	vmor vm4, vm15;
	v52 =	vmul.f32 v14, v49;
	v62 =	vmul.f32 v20, v46  }
0x3a4: {  	v59 =	vmul.f32 v10, v10;
	v44 =	vmul.f32 v60, v12;
	v12 =	vsub.f32 v57, v4  }
0x3a5: {  	v20 =	vmul.f32 v52, v14;
	v11 =	vsub.f32 v61, v2;
	v46 =	vmul.f32 v62, v50  }
0x3a6: {  	v48 =	vadd.f32 v27, v13;
	v58 =	vmul.f32 v44, v56;
	v60 =	vmul.f32 v12, v12  }
0x3a7: {  	v16 =	vmul.f32 $2.302585120e+00, v63;
	v20 =	vsub.f32 $1.500000000e+00, v20;
	v62 =	vmul.f32 v11, v11  }
0x3a8: {  	v21 =	vmul.f32 v58, v44;
	v61 =	vadd.f32 v60, v59;
	v28 =	vmul.f32 v46, v38  }
0x3a9: {  	v57 =	vand.u32 $0x80000000, v51;
	v16 =	vmul.f32 $1.442695020e+00, v16;
	v14 =	vmul.f32 v20, v14  }
0x3aa: {  	v63 =	vsub.f32 $1.500000000e+00, v21;
	v21 =	vmul.f32 v46, v37;
	v29 =	vadd.f32 v62, v61  }
0x3ab: {  	v42 =	vadd.f32 v42, v48;
	v52 =	vld.idx.msk [tilespmem:v45+s8+$0x0], $0xffff;
	(erf) = vpow2.f32 v16;
	v54 =	vmul.f32 v14, v49  }
0x3ac: {  	v37 =	vor.u32 $0xD, v6;
	v44 =	vmul.f32 v63, v44;
	v49 =	vadd.f32 $9.999999820e-15, v29  }
0x3ad: {  	v23 =	vadd.f32 v23, v42;
	v27 =	vmul.f32 v46, v36;
	v13 =	vmul.f32 v54, v14  }
0x3ae: {  	v56 =	vmul.f32 v44, v55;
	v29 =	vshrl.u32 v49, $0x1;
	v50 =	vmul.f32 $5.000000000e-01, v49  }
0x3af: {  	v58 =	vor.u32 v57, v1;
	v23 =	vadd.f32 v18, v23;
	v20 =	vsub.s32 $0x5F3759DF, v29  }
0x3b0: {  	v13 =	vsub.f32 $1.500000000e+00, v13;
	v46 =	vsub.f32 v56, v52;
	v29 =	vmul.f32 v20, v50  }
0x3b1: {  	v38 =	vor.u32 $0xF, v6;
	v62 =	vsel vm0, v58, v51;
	v23 =	vadd.f32 v30, v23;
	v61 =	vld.idx.msk [tilespmem:v37+s22+$0x0], $0xffff  }
0x3b2: {  	v60 =	vld.idx.msk [tilespmem:v37+s5+$0x0], $0xffff;
	v13 =	vmul.f32 v13, v14;
	v59 =	vand.u32 $0x7FFFFFFF, v46;
	v29 =	vmul.f32 v20, v29  }
0x3b3: {  	v16 =	vadd.f32 v43, v24;
	v43 =	vor.u32 $0xE, v6;
	v47 =	vadd.f32 $9.999999820e-15, v59  }
0x3b4: {  	v25 =	vadd.f32 v28, v25;
	v58 =	vld.idx.msk [tilespmem:v37+s7+$0x0], $0xffff;
	v13 =	vmul.f32 v13, v53;
	v63 =	vpop (erf);
	v29 =	vsub.f32 $1.500000000e+00, v29  }
0x3b5: {  	v57 =	vshrl.u32 v47, $0x1;
	v52 =	vmul.f32 $5.000000000e-01, v47;
	v14 =	vmul.f32 v62, v63  }
0x3b6: {  	v15 =	vsub.f32 v61, v4;
	v24 =	vsub.s32 $0x5F3759DF, v57;
	v29 =	vmul.f32 v20, v29  }
0x3b7: {  	v51 =	vmul.f32 v24, v52;
	v59 =	vmul.f32 v13, v14;
	v13 =	vsub.f32 v60, v3  }
0x3b8: {  	v21 =	vadd.f32 v21, v23;
	v55 =	vld.idx.msk [tilespmem:v43+s22+$0x0], $0xffff;
	v63 =	vmul.f32 v15, v15;
	v61 =	vmul.f32 v29, v50  }
0x3b9: {  	v14 =	vsub.f32 v58, v2;
	v60 =	vmul.f32 v24, v51;
	v51 =	vld.idx.msk [tilespmem:v43+s5+$0x0], $0xffff;
	v62 =	vmul.f32 v13, v13  }
0x3ba: {  	v40 =	vadd.f32 v40, v16;
	v20 =	vmul.f32 v59, v35;
	v61 =	vmul.f32 v61, v29  }
0x3bb: {  	v57 =	vld.idx.msk [tilespmem:v43+s7+$0x0], $0xffff;
	v60 =	vsub.f32 $1.500000000e+00, v60;
	v62 =	vadd.f32 v63, v62;
	v63 =	vmul.f32 v14, v14  }
0x3bc: {  	v40 =	vadd.f32 v22, v40;
	v36 =	vmul.f32 v20, v26;
	v35 =	vmul.f32 v20, v33  }
0x3bd: {  	v58 =	vsub.f32 $1.500000000e+00, v61;
	v24 =	vmul.f32 v24, v60;
	v59 =	vadd.f32 v63, v62  }
0x3be: {  	v54 =	vld.idx.msk [tilespmem:v38+s22+$0x0], $0xffff;
	v33 =	vmul.f32 v20, v34;
	v20 =	vsub.f32 v55, v4;
	v6 =	vsub.f32 v51, v3  }
0x3bf: {  	v26 =	vld.idx.msk [tilespmem:v38+s5+$0x0], $0xffff;
	v48 =	vmul.f32 v58, v29;
	v60 =	vmul.f32 v24, v52;
	v51 =	vadd.f32 $9.999999820e-15, v59  }
0x3c0: {  	v34 =	vld.idx.msk [tilespmem:v45+s9+$0x0], $0xffff;
	v16 =	vsub.f32 v57, v2;
	v62 =	vmul.f32 v20, v20;
	v61 =	vmul.f32 v6, v6  }
0x3c1: {  	v50 =	vmul.f32 v48, v50;
	v45 =	vmul.f32 v60, v24;
	v63 =	vshrl.u32 v51, $0x1  }
0x3c2: {  	v56 =	vmul.f32 $5.000000000e-01, v51;
	v60 =	vmul.f32 v16, v16;
	v29 =	vadd.f32 v62, v61;
	v61 =	vld.idx.msk [tilespmem:v38+s7+$0x0], $0xffff  }
0x3c3: {  	v50 =	vmul.f32 v50, v48;
	v62 =	vsub.f32 $1.500000000e+00, v45;
	v45 =	vsub.s32 $0x5F3759DF, v63  }
0x3c4: {  	v26 =	vsub.f32 v26, v3;
	v55 =	vmul.f32 v45, v56;
	v53 =	vadd.f32 v60, v29  }
0x3c5: {  	v58 =	vmul.f32 $2.302585120e+00, v34;
	v29 =	vsub.f32 v54, v4;
	v63 =	vsub.f32 $1.500000000e+00, v50  }
0x3c6: {  	v54 =	vmul.f32 v26, v26;
	v60 =	vmul.f32 v45, v55;
	v53 =	vadd.f32 $9.999999820e-15, v53  }
0x3c7: {  	v59 =	vmul.f32 v62, v24;
	v55 =	vmul.f32 v29, v29;
	v24 =	vsub.f32 v61, v2  }
0x3c8: {  	v34 =	vmul.f32 v63, v48;
	v48 =	vsub.f32 $1.500000000e+00, v60;
	v50 =	vshrl.u32 v53, $0x1  }
0x3c9: {  	v57 =	vld.idx.msk [tilespmem:v41+s8+$0x0], $0xffff;
	v60 =	vmul.f32 $5.000000000e-01, v53;
	v54 =	vadd.f32 v55, v54;
	v61 =	vmul.f32 v24, v24  }
0x3ca: {  	v32 =	vadd.f32 v32, v40;
	v45 =	vmul.f32 v45, v48;
	v48 =	vsub.s32 $0x5F3759DF, v50  }
0x3cb: {  	v58 =	vmul.f32 $1.442695020e+00, v58;
	v62 =	vmul.f32 v48, v60;
	v54 =	vadd.f32 v61, v54  }
0x3cc: {  	vm5 =	vlt.f32 v46, $0.0e+00;
	v63 =	vmul.f32 v34, v49;
	v50 =	vmul.f32 v59, v52  }
0x3cd: {  	(erf) = vpow2.f32 v58;
	v52 =	vmul.f32 v48, v62;
	v54 =	vadd.f32 $9.999999820e-15, v54  }
0x3ce: {  	v39 =	vsub.f32 v63, v57;
	v61 =	vmul.f32 v45, v56;
	v50 =	vmul.f32 v50, v59  }
0x3cf: {  	v52 =	vsub.f32 $1.500000000e+00, v52;
	v62 =	vshrl.u32 v54, $0x1;
	v57 =	vmul.f32 $5.000000000e-01, v54  }
0x3d0: {  	v49 =	vmul.f32 v61, v45;
	v50 =	vsub.f32 $1.500000000e+00, v50;
	v55 =	vsub.s32 $0x5F3759DF, v62  }
0x3d1: {  	v63 =	vand.u32 $0x7FFFFFFF, v39;
	v48 =	vmul.f32 v48, v52;
	v61 =	vmul.f32 v55, v57  }
0x3d2: {  	v41 =	vld.idx.msk [tilespmem:v41+s9+$0x0], $0xffff;
	v58 =	vadd.f32 $9.999999820e-15, v63;
	v49 =	vsub.f32 $1.500000000e+00, v49;
	v50 =	vmul.f32 v50, v59  }
0x3d3: {  	vm6 =	vgt.f32 v46, $0.0e+00;
	v62 =	vmul.f32 v48, v60;
	v63 =	vmul.f32 v55, v61  }
0x3d4: {  	v59 =	vmul.f32 $5.000000000e-01, v58;
	v45 =	vmul.f32 v49, v45;
	v61 =	vshrl.u32 v58, $0x1  }
0x3d5: {  	v52 =	vsub.s32 $0x5F3759DF, v61;
	v42 =	vmul.f32 v62, v48;
	v49 =	vsub.f32 $1.500000000e+00, v63  }
0x3d6: {  	v17 =	vadd.f32 v17, v32;
	v56 =	vmul.f32 v45, v56;
	v62 =	vmul.f32 v52, v59  }
0x3d7: {  	v41 =	vmul.f32 $2.302585120e+00, v41;
	v42 =	vsub.f32 $1.500000000e+00, v42;
	v49 =	vmul.f32 v55, v49  }
0x3d8: {  	vm0 =	vmor vm6, vm5;
	v56 =	vmul.f32 v56, v45;
	v22 =	vmul.f32 v52, v62  }
0x3d9: {  	v17 =	vadd.f32 v27, v17;
	v42 =	vmul.f32 v42, v48;
	v48 =	vmul.f32 v49, v57  }
0x3da: {  	v25 =	vadd.f32 v36, v25;
	v41 =	vmul.f32 $1.442695020e+00, v41;
	v55 =	vsub.f32 $1.500000000e+00, v56  }
0x3db: {  	v56 =	vand.u32 $0x80000000, v46;
	v61 =	vsub.f32 $1.500000000e+00, v22;
	v48 =	vmul.f32 v48, v49  }
0x3dc: {  	v63 =	vor.u32 v56, v1;
	v22 =	vmul.f32 v55, v45;
	v45 =	vld.idx.msk [tilespmem:v37+s8+$0x0], $0xffff;
	v62 =	vmul.f32 v42, v60  }
0x3dd: {  	v47 =	vmul.f32 v50, v47;
	v50 =	vmul.f32 v52, v61;
	v48 =	vsub.f32 $1.500000000e+00, v48  }
0x3de: {  	v21 =	vadd.f32 v35, v21;
	v55 =	vld.idx.msk [tilespmem:v43+s8+$0x0], $0xffff;
	v51 =	vmul.f32 v22, v51;
	v60 =	vmul.f32 v62, v42  }
0x3df: {  	v46 =	vsel vm0, v63, v46;
	v37 =	vld.idx.msk [tilespmem:v37+s9+$0x0], $0xffff;
	v63 =	vpop (erf);
	v62 =	vmul.f32 v50, v59;
	v48 =	vmul.f32 v48, v49  }
0x3e0: {  	v43 =	vld.idx.msk [tilespmem:v43+s9+$0x0], $0xffff;
	(erf) = vpow2.f32 v41;
	v61 =	vmul.f32 v46, v63;
	v63 =	vsub.f32 $1.500000000e+00, v60  }
0x3e1: {  	v45 =	vsub.f32 v51, v45;
	v46 =	vmul.f32 v62, v50;
	v57 =	vmul.f32 v48, v57  }
0x3e2: {  	v17 =	vadd.f32 v33, v17;
	v19 =	vmul.f32 v47, v61;
	v18 =	vmul.f32 v63, v42  }
0x3e3: {  	v56 =	vand.u32 $0x7FFFFFFF, v45;
	v60 =	vsub.f32 $1.500000000e+00, v46;
	v42 =	vmul.f32 v57, v48  }
0x3e4: {  	v37 =	vmul.f32 $2.302585120e+00, v37;
	v46 =	vadd.f32 $9.999999820e-15, v56;
	v61 =	vmul.f32 v18, v53  }
0x3e5: {  	v43 =	vmul.f32 $2.302585120e+00, v43;
	v49 =	vmul.f32 v60, v50;
	v42 =	vsub.f32 $1.500000000e+00, v42  }
0x3e6: {  	v52 =	vld.idx.msk [tilespmem:v38+s8+$0x0], $0xffff;
	v62 =	vshrl.u32 v46, $0x1;
	v50 =	vmul.f32 $5.000000000e-01, v46;
	v40 =	vsub.f32 v61, v55  }
0x3e7: {  	v44 =	vmul.f32 v19, v44;
	v51 =	vsub.s32 $0x5F3759DF, v62;
	v19 =	vmul.f32 v42, v48  }
0x3e8: {  	v63 =	vmul.f32 v49, v59;
	v57 =	vmul.f32 v51, v50;
	v59 =	vand.u32 $0x7FFFFFFF, v40  }
0x3e9: {  	v37 =	vmul.f32 $1.442695020e+00, v37;
	v42 =	vadd.f32 $9.999999820e-15, v59;
	v62 =	vmul.f32 v19, v54  }
0x3ea: {  	vm7 =	vlt.f32 v39, $0.0e+00;
	v60 =	vmul.f32 v63, v49;
	v61 =	vmul.f32 v51, v57  }
0x3eb: {  	v63 =	vshrl.u32 v42, $0x1;
	v53 =	vmul.f32 $5.000000000e-01, v42;
	v47 =	vsub.f32 v62, v52  }
0x3ec: {  	v41 =	vsub.f32 $1.500000000e+00, v60;
	v31 =	vsub.f32 $1.500000000e+00, v61;
	v48 =	vsub.s32 $0x5F3759DF, v63  }
0x3ed: {  	(erf) = vpow2.f32 v37;
	v56 =	vmul.f32 v48, v53;
	v57 =	vand.u32 $0x7FFFFFFF, v47  }
0x3ee: {  	v55 =	vmul.f32 v41, v49;
	v31 =	vmul.f32 v51, v31;
	v49 =	vadd.f32 $9.999999820e-15, v57  }
0x3ef: {  	vm8 =	vgt.f32 v39, $0.0e+00;
	v7 =	vmul.f32 v44, v7;
	v41 =	vmul.f32 v48, v56  }
0x3f0: {  	v51 =	vmul.f32 v31, v50;
	v59 =	vshrl.u32 v49, $0x1;
	v54 =	vmul.f32 $5.000000000e-01, v49  }
0x3f1: {  	v8 =	vmul.f32 v44, v8;
	v41 =	vsub.f32 $1.500000000e+00, v41;
	v52 =	vsub.s32 $0x5F3759DF, v59  }
0x3f2: {  	vm0 =	vmor vm8, vm7;
	v51 =	vmul.f32 v51, v31;
	v61 =	vmul.f32 v52, v54  }
0x3f3: {  	vm9 =	vlt.f32 v45, $0.0e+00;
	v9 =	vmul.f32 v44, v9;
	v41 =	vmul.f32 v48, v41  }
0x3f4: {  	v60 =	vand.u32 $0x80000000, v39;
	v51 =	vsub.f32 $1.500000000e+00, v51;
	v48 =	vmul.f32 v52, v61  }
0x3f5: {  	v30 =	vmul.f32 v55, v58;
	v55 =	vor.u32 v60, v1;
	v63 =	vmul.f32 v41, v53  }
0x3f6: {  	v62 =	vpop (erf);
	v39 =	vsel vm0, v55, v39;
	v31 =	vmul.f32 v51, v31;
	v51 =	vld.idx.msk [tilespmem:v38+s9+$0x0], $0xffff;
	v60 =	vsub.f32 $1.500000000e+00, v48  }
0x3f7: {  	vm10 =	vgt.f32 v45, $0.0e+00;
	v58 =	vmul.f32 v39, v62;
	v59 =	vmul.f32 v63, v41  }
0x3f8: {  	vm11 =	vlt.f32 v40, $0.0e+00;
	v48 =	vmul.f32 $1.442695020e+00, v43;
	v62 =	vmul.f32 v52, v60  }
0x3f9: {  	v30 =	vmul.f32 v30, v58;
	v61 =	vmul.f32 v31, v50;
	v37 =	vsub.f32 $1.500000000e+00, v59  }
0x3fa: {  	vm12 =	vgt.f32 v40, $0.0e+00;
	(erf) = vpow2.f32 v48;
	v52 =	vmul.f32 v62, v54  }
0x3fb: {  	vm13 =	vlt.f32 v47, $0.0e+00;
	v50 =	vmul.f32 v37, v41;
	v37 =	vmul.f32 $2.302585120e+00, v51  }
0x3fc: {  	vm14 =	vgt.f32 v47, $0.0e+00;
	v63 =	vmul.f32 v61, v31;
	v38 =	vmul.f32 v52, v62  }
0x3fd: {  	vm0 =	vmor vm10, vm9;
	v53 =	vmul.f32 v50, v53;
	v37 =	vmul.f32 $1.442695020e+00, v37  }
0x3fe: {  	v55 =	vand.u32 $0x80000000, v45;
	v30 =	vmul.f32 v30, v34;
	v38 =	vsub.f32 $1.500000000e+00, v38  }
0x3ff: {  	v56 =	vpop (erf);
	v23 =	vsub.f32 $1.500000000e+00, v63;
	v28 =	vmul.f32 v53, v50;
	(erf) = vpow2.f32 v37  }
0x400: {  	v57 =	vand.u32 $0x80000000, v40;
	v12 =	vmul.f32 v30, v12;
	v32 =	vmul.f32 v38, v62  }
0x401: {  	v60 =	vld.idx.msk [tilespmem:v5+s4+$0x0], $0xffff;
	v23 =	vmul.f32 v23, v31;
	v31 =	vor.u32 v55, v1;
	v28 =	vsub.f32 $1.500000000e+00, v28  }
0x402: {  	v31 =	vsel vm0, v31, v45;
	vm0 =	vmor vm12, vm11;
	v58 =	vmul.f32 v32, v54  }
0x403: {  	v23 =	vmul.f32 v23, v46;
	v27 =	vmul.f32 v28, v50;
	v28 =	vor.u32 v57, v1  }
0x404: {  	v31 =	vmul.f32 v31, v56;
	v59 =	vpop (erf);
	v28 =	vsel vm0, v28, v40;
	v61 =	vmul.f32 v58, v32  }
0x405: {  	v34 =	vand.u32 $0x80000000, v47;
	v27 =	vmul.f32 v27, v42;
	v28 =	vmul.f32 v28, v59  }
0x406: {  	v33 =	vmul.f32 $-2.302585120e+00, v60;
	v23 =	vmul.f32 v23, v31;
	v62 =	vsub.f32 $1.500000000e+00, v61  }
0x407: {  	vm0 =	vmor vm14, vm13;
	v63 =	vmul.f32 v27, v28;
	v28 =	vor.u32 v34, v1  }
0x408: {  	v27 =	vmul.f32 $1.442695020e+00, v33;
	v28 =	vsel vm0, v28, v47;
	v35 =	vpop (erf);
	v32 =	vmul.f32 v62, v32  }
0x409: {  	v8 =	vadd.f32 v8, v21;
	v22 =	vmul.f32 v23, v22;
	v36 =	vmul.f32 v28, v35  }
0x40a: {  	v7 =	vadd.f32 v7, v25;
	(erf) = vpow2.f32 v27;
	v21 =	vmul.f32 v32, v49  }
0x40b: {  	v9 =	vadd.f32 v9, v17;
	v10 =	vmul.f32 v30, v10;
	v37 =	vmul.f32 v22, v15  }
0x40c: {  	v8 =	vadd.f32 v12, v8;
	v38 =	vmul.f32 v63, v18;
	v39 =	vmul.f32 v21, v36  }
0x40d: {  	v11 =	vmul.f32 v30, v11;
	v7 =	vadd.f32 v10, v7;
	v40 =	vmul.u32 $0x3, v5  }
0x40e: {  	v8 =	vadd.f32 v37, v8;
	v43 =	vmul.f32 v38, v20;
	v41 =	vmul.f32 v39, v19  }
0x40f: {  	v9 =	vadd.f32 v11, v9;
	v44 =	vmul.f32 v22, v13;
	v45 =	vmul.f32 v22, v14  }
0x410: {  	v42 =	vadd.s32 $0x1, v40;
	v8 =	vadd.f32 v43, v8;
	v46 =	vmul.f32 v41, v29  }
0x411: {  	v7 =	vadd.f32 v44, v7;
	v6 =	vmul.f32 v38, v6  }
0x412: {  	v9 =	vadd.f32 v45, v9;
	v47 =	vadd.s32 $0x2, v40;
	v8 =	vadd.f32 v46, v8  }
0x413: {  	v48 =	vmul.f32 v38, v16;
	v6 =	vadd.f32 v6, v7;
	v49 =	vmul.f32 v41, v26;
	v50 =	vpop (erf)  }
0x414: {  	v8 =	vmul.f32 v8, v50  }
0x415: {  	v51 =	vld.idx.msk [tilespmem:v42+s3+$0x0], $0xffff;
	v7 =	vadd.f32 v48, v9;
	v52 =	vmul.f32 v41, v24;
	v6 =	vadd.f32 v49, v6  }
0x416: {  	v53 =	vld.idx.msk [tilespmem:v40+s3+$0x0], $0xffff;
	v8 =	vadd.f32 $-9.800000190e+00, v8  }
0x417: {  	v7 =	vadd.f32 v52, v7;
	v6 =	vmul.f32 v6, v50  }
0x418: {  	v54 =	vld.idx.msk [tilespmem:v47+s3+$0x0], $0xffff;
	v8 =	vmul.f32 $9.999999770e-03, v8  }
0x419: {  	v7 =	vmul.f32 v7, v50;
	v6 =	vmul.f32 $9.999999770e-03, v6  }
0x41a: {  	v8 =	vadd.f32 v8, v51  }
0x41b: {  	v5 =	vmul.u32 $0x6, v5;
	v7 =	vmul.f32 $9.999999770e-03, v7;
	v6 =	vadd.f32 v6, v53  }
0x41c: {  	v55 =	vmul.f32 $9.999999770e-03, v8  }
0x41d: {  	v57 =	vor.u32 $0x1, v5;
	v7 =	vadd.f32 v7, v54;
	v56 =	vmul.f32 $9.999999770e-03, v6  }
0x41e: {  	v58 =	vadd.s32 $0x2, v5;
	v4 =	vadd.f32 v55, v4  }
0x41f: {  	v60 =	vadd.s32 $0x3, v5;
	v59 =	vmul.f32 $9.999999770e-03, v7;
	v3 =	vadd.f32 v56, v3  }
0x420: {  	v62 =	vadd.s32 $0x4, v5;
	v61 =	vsub.f32 $0.0e+00, v8;
	vm15 =	vlt.f32 v4, $-2.000000000e+00  }
0x421: {  	p1 =	sne.s32 s14, $0xF0;
	v2 =	vadd.f32 v59, v2;
	[tilespmem:v5+s11+$0x0] =	vst.idx.msk $0xffff, v3;
	v3 =	vadd.s32 $0x5, v5;
	v4 =	vsel vm15, $0xC0000000, v4  }
.Ltmp7:
0x422: {  	v63 =	vmul.f32 $1.000000010e-01, v61;
	[tilespmem:v57+s11+$0x0] =	vst.idx.msk $0xffff, v4;
	(pc) =	sbr.rel @p1 .LBB2_8-.Ltmp7, $4  }
0x423: {  	[tilespmem:v58+s11+$0x0] =	vst.idx.msk $0xffff, v2  }
0x424: {  	v2 =	vsel vm15, v63, v8;
	[tilespmem:v60+s11+$0x0] =	vst.idx.msk $0xffff, v6  }
0x425: {  	[tilespmem:v62+s11+$0x0] =	vst.idx.msk $0xffff, v2  }
0x426: {  	s14 =	sadd.s32 $0x10, s14;
	[tilespmem:v3+s11+$0x0] =	vst.idx.msk $0xffff, v7  }
.Ltmp8:
0x427: {  	(pc) =	sbr.rel .LBB2_10-.Ltmp8, $4  }
0x428: {  	s10 =	smul.u32 $0xC0, s13  }
0x429: {  	s23 =	rddreg [dreg:$0x2]  }
0x42a: {  	s25 =	simm.s32 $0x0;
	s10 =	sadd.s32 s23, s10  }
0x42b: {  	[hbm4b:s10+s25] =	stream.linear.scatter [tilespmem:s11], [sflag:$0x8], $0x600, $0x38;
	[tilespmem:$0x13BD0] =	vst v63  }
.LBB2_12:
0x42c: {  	_ =	sfence.sel $0x180000  }
0x42d: {  	[bflag:$0x0] =	sbarrier.arrive $0xFFFF  }
0x42e: {  	_ =	strace $0x90000047  }
0x42f: {  	s0 =	stileid.u32;
	[bflag:$0x2] =	sbarrier.arrive $0xFFFF  }
0x430: {  	p0 =	sne.s32 s0, $0x0;
	s0 =	rddreg [dreg:$0x6]  }
0x431: {  	s0 =	sadd.s32 @!p0 $0x100000, s0  }
0x432: {  	[sflag:s0] =	ssyncadd.tile.s32 @!p0 $0x1;
	_ =	shalt  }
.Lfunc_end2:
_tile_overlayer_lowered:
.L_overlay_start_2:
0x433: {  	(tag) =	ssettag $0x2  }
0x434: {  	s0 =	rddreg [dreg:$0x0];
	s2 =	stileid.u32  }
0x435: {  	s1 =	rddreg [dreg:$0x1];
	p0 =	sne.s32 s2, $0x0  }
0x436: {  	s3 =	rddreg [dreg:$0x2];
	[bflag:$0x3] =	sbarrier.arrive $0xFFFF;
	s2 =	simm.s32 @!p0 $0x1C09  }
0x437: {  	[timem:s3], [sflag:s2] =	dma.local @!p0 [hbm:s0], s1  }
0x438: {  	s0 =	simm.s32 @!p0 $0x9  }
0x439: {  	_ =	swait.ge @!p0 [sflag:s0], s1  }
0x43a: {  	s1 =	ssub.s32 @!p0 $0x0, s1;
	[sflag:s0] =	ssyncset.done @!p0 $0x0  }
0x43b: {  	[sflag:s0] =	ssyncadd.s32 @!p0 s1  }
0x43c: {  	[bflag:$0x3] =	sbarrier.arrive $0xFFFF  }
0x43d: {  	_ =	shalt  }

</sc_bundles>
